<compile_context>
chip_gen: v7x
topology: tpu7x:2x2x1
jax: 0.10.2.dev20260603
libtpu: 0.0.44.dev20260713+nightly
codegen_flags: <defaults>
</compile_context>

<pallas_src>
import jax
import jax.numpy as jnp
from jax import lax
from jax.experimental import pallas as pl
from jax.experimental.pallas import tpu as pltpu
from jax.experimental.pallas import tpu_sc as plsc

C = 100000
D = 64
B = 16384
LW = 1.0

NC = 2
NS = 16
NW = NC * NS
FPT = D // NW
CH = 2048
NK = B // CH
SPT = B // NS
HSLICE = 6256
HPAD = NS * HSLICE


def _body(ft_hbm, y_hbm, ct_hbm, out_hbm,
          hist_sh, warr_sh,
          row_v, zb_v, ones_v, sidx_v, yb0_v, yb1_v, fb0_v, fb1_v,
          wb0_v, wb1_v, w_v, obuf_v, sem, sema, sem0, sem1):
    c = lax.axis_index("c")
    s = lax.axis_index("s")
    wid = c * NS + s
    f0 = c * (NS * FPT) + s * FPT
    ybufs, fbufs, wbufs = (yb0_v, yb1_v), (fb0_v, fb1_v), (wb0_v, wb1_v)
    sems = (sem0, sem1)

    cp_row = pltpu.async_copy(ct_hbm.at[f0, pl.ds(0, C)], row_v, sem)
    cp_hidx = pltpu.async_copy(y_hbm.at[pl.ds(s * SPT, SPT)], sidx_v, sema)

    @plsc.parallel_loop(0, HSLICE, 16, unroll=8)
    def zfill(i):
        zb_v[pl.ds(i, 16)] = jnp.zeros((16,), jnp.float32)

    @plsc.parallel_loop(0, SPT, 16, unroll=8)
    def ofill(i):
        ones_v[pl.ds(i, 16)] = jnp.ones((16,), jnp.float32)

    pltpu.sync_copy(zb_v, hist_sh.at[pl.ds(s * HSLICE, HSLICE)])
    plsc.subcore_barrier()

    cp_hidx.wait()
    pltpu.sync_copy(ones_v, hist_sh.at[sidx_v], add=True)
    cp_row.wait()
    plsc.subcore_barrier()

    pltpu.sync_copy(hist_sh.at[sidx_v], fb0_v.at[pl.ds(0, SPT)])

    def wfill(j, _):
        for t in range(4):
            off = j * 64 + t * 16
            cw = fb0_v[pl.ds(off, 16)]
            w_v[pl.ds(off, 16)] = 1.0 / (cw + 1.0)
        return 0
    lax.fori_loop(0, SPT // 64, wfill, 0)
    pltpu.sync_copy(w_v, warr_sh.at[pl.ds(s * SPT, SPT)])
    plsc.subcore_barrier()

    acc = jnp.zeros((16,), jnp.float32)
    for fi in range(FPT):
        f = f0 + fi
        if fi > 0:
            pltpu.sync_copy(ct_hbm.at[f, pl.ds(0, C)], row_v)
        pend = {}
        pend[0] = (
            pltpu.async_copy(y_hbm.at[pl.ds(0, CH)], ybufs[0], sems[0]),
            pltpu.async_copy(ft_hbm.at[f, pl.ds(0, CH)], fbufs[0], sems[0]),
        )
        for k in range(NK):
            b = k % 2
            if k + 1 < NK:
                pend[1 - b] = (
                    pltpu.async_copy(
                        y_hbm.at[pl.ds((k + 1) * CH, CH)], ybufs[1 - b],
                        sems[1 - b]),
                    pltpu.async_copy(
                        ft_hbm.at[f, pl.ds((k + 1) * CH, CH)], fbufs[1 - b],
                        sems[1 - b]),
                )
            pltpu.sync_copy(warr_sh.at[pl.ds(k * CH, CH)], wbufs[b])
            for cp in pend[b]:
                cp.wait()
            yb, fb, wb = ybufs[b], fbufs[b], wbufs[b]

            @plsc.parallel_loop(0, CH, 16, unroll=16, carry=acc)
            def gbody(i, a, yb=yb, fb=fb, wb=wb):
                idx = yb[pl.ds(i, 16)]
                v = plsc.load_gather(row_v, [idx])
                fv = fb[pl.ds(i, 16)]
                wv = wb[pl.ds(i, 16)]
                d = v - fv
                return a + d * d * wv
            acc = gbody
    obuf_v[...] = acc
    pltpu.sync_copy(obuf_v, out_hbm.at[wid])


_mesh = plsc.VectorSubcoreMesh(core_axis_name="c", subcore_axis_name="s")

_sc_call = pl.kernel(
    _body,
    out_type=jax.ShapeDtypeStruct((NW, 16), jnp.float32),
    mesh=_mesh,
    scratch_types=[
        pltpu.VMEM_SHARED((HPAD,), jnp.float32),
        pltpu.VMEM_SHARED((B,), jnp.float32),
        pltpu.VMEM((C,), jnp.float32),
        pltpu.VMEM((HSLICE,), jnp.float32),
        pltpu.VMEM((SPT,), jnp.float32),
        pltpu.VMEM((SPT,), jnp.int32),
        pltpu.VMEM((CH,), jnp.int32),
        pltpu.VMEM((CH,), jnp.int32),
        pltpu.VMEM((CH,), jnp.float32),
        pltpu.VMEM((CH,), jnp.float32),
        pltpu.VMEM((CH,), jnp.float32),
        pltpu.VMEM((CH,), jnp.float32),
        pltpu.VMEM((SPT,), jnp.float32),
        pltpu.VMEM((16,), jnp.float32),
        pltpu.SemaphoreType.DMA,
        pltpu.SemaphoreType.DMA,
        pltpu.SemaphoreType.DMA,
        pltpu.SemaphoreType.DMA,
    ],
    compiler_params=pltpu.CompilerParams(needs_layout_passes=False),
)


@jax.jit
def kernel(feat, y, centers):
    partials = _sc_call(feat.T, y, centers.T)
    return LW * 1.0 / jnp.sum(partials)

# --- scband reference (transcript-rebuilt; emitter-appended) ---
"""Pipeline reference for scband-center-loss-48713519071783 (READ-ONLY COPY).

The authoritative reference and input builder live on the scoring server;
editing this copy changes nothing except your own understanding.
"""

import jax, jax.numpy as jnp
import numpy as np

NUM_CLASSES = 100000
FEAT_DIM = 64
LOSS_WEIGHT = 1.0
BATCH = 16384

def setup_inputs(seed: int = 0) -> dict:
    key = jax.random.key(seed)
    k1, k2, k3 = jax.random.split(key, 3)
    feat = jax.random.normal(k1, (BATCH, FEAT_DIM), dtype=jnp.float32)
    y = jax.random.randint(k2, (BATCH,), 0, NUM_CLASSES, dtype=jnp.int64 if jax.config.read('jax_enable_x64') else jnp.int32).astype(jnp.int32)
    centers = jax.random.normal(k3, (NUM_CLASSES, FEAT_DIM), dtype=jnp.float32)
    return {"feat": feat, "y": y, "centers": centers}

def reference(feat, y, centers):
    # torch.histc(y.float(), bins=C, min=0, max=C) with integer labels in [0, C)
    # is equivalent to bincount with length C.
    hist = jnp.bincount(y, length=NUM_CLASSES).astype(jnp.float32) + 1.0
    centers_count = jnp.take(hist, y, axis=0)
    centers_pred = jnp.take(centers, y, axis=0)
    diff = feat - centers_pred
    loss = LOSS_WEIGHT * 1.0 / jnp.sum(jnp.sum(diff ** 2, axis=1) / centers_count)
    return loss

if __name__ == "__main__":
    import jax
    _d = setup_inputs()
    print(jax.jit(kernel)(*tuple(_d.values())))

</pallas_src>

<mosaic_0001>
#map = affine_map<(d0, d1) -> (0, 0)>
#map1 = affine_map<(d0, d1) -> (0)>
module attributes {stable_mosaic.version = 14 : i64} {
  func.func @_body(%arg0: i32, %arg1: i32, %arg2: memref<64x16384xf32, #tpu.memory_space<hbm>>, %arg3: memref<16384xi32, #tpu.memory_space<hbm>>, %arg4: memref<64x100000xf32, #tpu.memory_space<hbm>>, %arg5: memref<32x16xf32, #tpu.memory_space<hbm>>, %arg6: memref<100096xf32, #tpu.memory_space<vmem_shared>>, %arg7: memref<16384xf32, #tpu.memory_space<vmem_shared>>, %arg8: memref<100000xf32, #tpu.memory_space<vmem>>, %arg9: memref<6256xf32, #tpu.memory_space<vmem>>, %arg10: memref<1024xf32, #tpu.memory_space<vmem>>, %arg11: memref<1024xi32, #tpu.memory_space<vmem>>, %arg12: memref<2048xi32, #tpu.memory_space<vmem>>, %arg13: memref<2048xi32, #tpu.memory_space<vmem>>, %arg14: memref<2048xf32, #tpu.memory_space<vmem>>, %arg15: memref<2048xf32, #tpu.memory_space<vmem>>, %arg16: memref<2048xf32, #tpu.memory_space<vmem>>, %arg17: memref<2048xf32, #tpu.memory_space<vmem>>, %arg18: memref<1024xf32, #tpu.memory_space<vmem>>, %arg19: memref<16xf32, #tpu.memory_space<vmem>>, %arg20: memref<!tpu.dma_semaphore, #tpu.memory_space<semaphore_mem>>, %arg21: memref<!tpu.dma_semaphore, #tpu.memory_space<semaphore_mem>>, %arg22: memref<!tpu.dma_semaphore, #tpu.memory_space<semaphore_mem>>, %arg23: memref<!tpu.dma_semaphore, #tpu.memory_space<semaphore_mem>>) attributes {dimension_semantics = [#tpu.dimension_semantics<core_parallel>, #tpu.dimension_semantics<subcore_parallel>], iteration_bounds = array<i64: 2, 16>, scalar_prefetch = 0 : i64, scratch_operands = 18 : i64, tpu.core_type = #tpu.core_type<sc_vector_subcore>, window_params = [{transform_indices = #map}, {transform_indices = #map1}, {transform_indices = #map}, {transform_indices = #map}]} {
    %mul3A = arith.constant 16 : i32
    %mul3A_0 = arith.muli %arg0, %mul3A : i32
    %add3A = arith.addi %mul3A_0, %arg1 : i32
    %mul3A_1 = arith.constant 32 : i32
    %mul3A_2 = arith.muli %arg0, %mul3A_1 : i32
    %mul3A_3 = arith.constant 2 : i32
    %mul3A_4 = arith.muli %arg1, %mul3A_3 : i32
    %add3A_5 = arith.addi %mul3A_2, %mul3A_4 : i32
    %dma_start3A = arith.constant 0 : i32
    %dma_start3A_6 = tpu.memref_slice %arg4[%add3A_5, %dma_start3A] : memref<64x100000xf32, #tpu.memory_space<hbm>> -> memref<1x100000xf32, #tpu.memory_space<hbm>>
    %dma_start3A_7 = tpu.memref_squeeze %dma_start3A_6 : memref<1x100000xf32, #tpu.memory_space<hbm>> -> memref<100000xf32, #tpu.memory_space<hbm>>
    %dma_start3A_8 = arith.constant 0 : i32
    %dma_start3A_9 = tpu.memref_slice %arg4[%add3A_5, %dma_start3A_8] : memref<64x100000xf32, #tpu.memory_space<hbm>> -> memref<1x100000xf32, #tpu.memory_space<hbm>>
    %dma_start3A_10 = tpu.memref_squeeze %dma_start3A_9 : memref<1x100000xf32, #tpu.memory_space<hbm>> -> memref<100000xf32, #tpu.memory_space<hbm>>
    tpu.enqueue_dma source(%dma_start3A_10 : memref<100000xf32, #tpu.memory_space<hbm>>) target(%arg8 : memref<100000xf32, #tpu.memory_space<vmem>>) target_semaphore(%arg20 : memref<!tpu.dma_semaphore, #tpu.memory_space<semaphore_mem>>)
    %mul3A_11 = arith.constant 1024 : i32
    %mul3A_12 = arith.muli %arg1, %mul3A_11 : i32
    %dma_start3A_13 = tpu.memref_slice %arg3[%mul3A_12] : memref<16384xi32, #tpu.memory_space<hbm>> -> memref<1024xi32, #tpu.memory_space<hbm>>
    %dma_start3A_14 = tpu.memref_slice %arg3[%mul3A_12] : memref<16384xi32, #tpu.memory_space<hbm>> -> memref<1024xi32, #tpu.memory_space<hbm>>
    tpu.enqueue_dma source(%dma_start3A_14 : memref<1024xi32, #tpu.memory_space<hbm>>) target(%arg11 : memref<1024xi32, #tpu.memory_space<vmem>>) target_semaphore(%arg21 : memref<!tpu.dma_semaphore, #tpu.memory_space<semaphore_mem>>)
    %parallel_loop3A = arith.constant 0 : i32
    %parallel_loop3A_15 = arith.constant 6256 : i32
    %parallel_loop3A_16 = arith.constant 16 : i32
    scf.for %parallel_loop3A_429 = %parallel_loop3A to %parallel_loop3A_15 step %parallel_loop3A_16  : i32 {
      %parallel_loop3A_430 = arith.constant 0.000000e+00 : f32
      %parallel_loop3A_431 = vector.broadcast %parallel_loop3A_430 : f32 to vector<16xf32>
      %parallel_loop3A_432 = arith.index_cast %parallel_loop3A_429 : i32 to index
      %parallel_loop3A_433 = tpu.vector_load %arg9[%parallel_loop3A_432] {strides = array<i32>} : memref<6256xf32, #tpu.memory_space<vmem>>, vector<16xf32>,
      tpu.vector_store %arg9[%parallel_loop3A_432], %parallel_loop3A_431 {strides = array<i32>} : memref<6256xf32, #tpu.memory_space<vmem>>, vector<16xf32>,
    } {sc.loop_unroll_factor = 8 : i64, sc.parallel_access}
    %parallel_loop3A_17 = arith.constant 0 : i32
    %parallel_loop3A_18 = arith.constant 1024 : i32
    %parallel_loop3A_19 = arith.constant 16 : i32
    scf.for %parallel_loop3A_429 = %parallel_loop3A_17 to %parallel_loop3A_18 step %parallel_loop3A_19  : i32 {
      %parallel_loop3A_430 = arith.constant 1.000000e+00 : f32
      %parallel_loop3A_431 = vector.broadcast %parallel_loop3A_430 : f32 to vector<16xf32>
      %parallel_loop3A_432 = arith.index_cast %parallel_loop3A_429 : i32 to index
      %parallel_loop3A_433 = tpu.vector_load %arg10[%parallel_loop3A_432] {strides = array<i32>} : memref<1024xf32, #tpu.memory_space<vmem>>, vector<16xf32>,
      tpu.vector_store %arg10[%parallel_loop3A_432], %parallel_loop3A_431 {strides = array<i32>} : memref<1024xf32, #tpu.memory_space<vmem>>, vector<16xf32>,
    } {sc.loop_unroll_factor = 8 : i64, sc.parallel_access}
    %mul3A_20 = arith.constant 6256 : i32
    %mul3A_21 = arith.muli %arg1, %mul3A_20 : i32
    "tpu.region"() ({
      %run_scoped3A = tpu.sem_alloc : memref<!tpu.dma_semaphore, #tpu.memory_space<semaphore_mem>>
      %dma_start3A_429 = tpu.memref_slice %arg6[%mul3A_21] : memref<100096xf32, #tpu.memory_space<vmem_shared>> -> memref<6256xf32, #tpu.memory_space<vmem_shared>>
      %dma_start3A_430 = tpu.memref_slice %arg6[%mul3A_21] : memref<100096xf32, #tpu.memory_space<vmem_shared>> -> memref<6256xf32, #tpu.memory_space<vmem_shared>>
      tpu.enqueue_dma source(%arg9 : memref<6256xf32, #tpu.memory_space<vmem>>) target(%dma_start3A_430 : memref<6256xf32, #tpu.memory_space<vmem_shared>>) target_semaphore(%run_scoped3A : memref<!tpu.dma_semaphore, #tpu.memory_space<semaphore_mem>>)
      %dma_wait3A_431 = tpu.memref_slice %arg6[%mul3A_21] : memref<100096xf32, #tpu.memory_space<vmem_shared>> -> memref<6256xf32, #tpu.memory_space<vmem_shared>>
      %dma_wait3A_432 = tpu.memref_slice %arg6[%mul3A_21] : memref<100096xf32, #tpu.memory_space<vmem_shared>> -> memref<6256xf32, #tpu.memory_space<vmem_shared>>
      tpu.wait_dma2 semaphore(%run_scoped3A : memref<!tpu.dma_semaphore, #tpu.memory_space<semaphore_mem>>) src(%arg9 : memref<6256xf32, #tpu.memory_space<vmem>>) dst(%dma_wait3A_432 : memref<6256xf32, #tpu.memory_space<vmem_shared>>)
      tpu.yield
    }) : () -> ()
    %barrier3A = arith.constant 0 : index
    tpu.barrier barrier_id(%barrier3A)
    %dma_wait3A = tpu.memref_slice %arg3[%mul3A_12] : memref<16384xi32, #tpu.memory_space<hbm>> -> memref<1024xi32, #tpu.memory_space<hbm>>
    %dma_wait3A_22 = tpu.memref_slice %arg3[%mul3A_12] : memref<16384xi32, #tpu.memory_space<hbm>> -> memref<1024xi32, #tpu.memory_space<hbm>>
    tpu.wait_dma2 semaphore(%arg21 : memref<!tpu.dma_semaphore, #tpu.memory_space<semaphore_mem>>) src(%dma_wait3A_22 : memref<1024xi32, #tpu.memory_space<hbm>>) dst(%arg11 : memref<1024xi32, #tpu.memory_space<vmem>>)
    "tpu.region"() ({
      %run_scoped3A = tpu.sem_alloc : memref<!tpu.dma_semaphore, #tpu.memory_space<semaphore_mem>>
      %dma_start3A_429 = arith.constant 0 : i32
      %dma_start3A_430 = tpu.memref_slice %arg6[%dma_start3A_429] : memref<100096xf32, #tpu.memory_space<vmem_shared>> -> memref<100096xf32, #tpu.memory_space<vmem_shared>>
      tpu.enqueue_indirect_dma source(%arg10 : memref<1024xf32, #tpu.memory_space<vmem>>) target(%dma_start3A_430 : memref<100096xf32, #tpu.memory_space<vmem_shared>>) offsets(%arg11 : memref<1024xi32, #tpu.memory_space<vmem>>) semaphore(%run_scoped3A : memref<!tpu.dma_semaphore, #tpu.memory_space<semaphore_mem>>) {add = true}
      %dma_wait3A_431 = arith.constant 0 : i32
      %dma_wait3A_432 = tpu.memref_slice %arg6[%dma_wait3A_431] : memref<100096xf32, #tpu.memory_space<vmem_shared>> -> memref<100096xf32, #tpu.memory_space<vmem_shared>>
      tpu.wait_indirect_dma semaphore(%run_scoped3A : memref<!tpu.dma_semaphore, #tpu.memory_space<semaphore_mem>>) src(%arg10 : memref<1024xf32, #tpu.memory_space<vmem>>) dst(%dma_wait3A_432 : memref<100096xf32, #tpu.memory_space<vmem_shared>>)
      tpu.yield
    }) : () -> ()
    %dma_wait3A_23 = arith.constant 0 : i32
    %dma_wait3A_24 = tpu.memref_slice %arg4[%add3A_5, %dma_wait3A_23] : memref<64x100000xf32, #tpu.memory_space<hbm>> -> memref<1x100000xf32, #tpu.memory_space<hbm>>
    %dma_wait3A_25 = tpu.memref_squeeze %dma_wait3A_24 : memref<1x100000xf32, #tpu.memory_space<hbm>> -> memref<100000xf32, #tpu.memory_space<hbm>>
    %dma_wait3A_26 = arith.constant 0 : i32
    %dma_wait3A_27 = tpu.memref_slice %arg4[%add3A_5, %dma_wait3A_26] : memref<64x100000xf32, #tpu.memory_space<hbm>> -> memref<1x100000xf32, #tpu.memory_space<hbm>>
    %dma_wait3A_28 = tpu.memref_squeeze %dma_wait3A_27 : memref<1x100000xf32, #tpu.memory_space<hbm>> -> memref<100000xf32, #tpu.memory_space<hbm>>
    tpu.wait_dma2 semaphore(%arg20 : memref<!tpu.dma_semaphore, #tpu.memory_space<semaphore_mem>>) src(%dma_wait3A_28 : memref<100000xf32, #tpu.memory_space<hbm>>) dst(%arg8 : memref<100000xf32, #tpu.memory_space<vmem>>)
    %barrier3A_29 = arith.constant 0 : index
    tpu.barrier barrier_id(%barrier3A_29)
    "tpu.region"() ({
      %run_scoped3A = tpu.sem_alloc : memref<!tpu.dma_semaphore, #tpu.memory_space<semaphore_mem>>
      %dma_start3A_429 = arith.constant 0 : i32
      %dma_start3A_430 = tpu.memref_slice %arg14[%dma_start3A_429] : memref<2048xf32, #tpu.memory_space<vmem>> -> memref<1024xf32, #tpu.memory_space<vmem>>
      %dma_start3A_431 = arith.constant 0 : i32
      %dma_start3A_432 = tpu.memref_slice %arg6[%dma_start3A_431] : memref<100096xf32, #tpu.memory_space<vmem_shared>> -> memref<100096xf32, #tpu.memory_space<vmem_shared>>
      tpu.enqueue_indirect_dma source(%dma_start3A_432 : memref<100096xf32, #tpu.memory_space<vmem_shared>>) target(%dma_start3A_430 : memref<1024xf32, #tpu.memory_space<vmem>>) offsets(%arg11 : memref<1024xi32, #tpu.memory_space<vmem>>) semaphore(%run_scoped3A : memref<!tpu.dma_semaphore, #tpu.memory_space<semaphore_mem>>)
      %dma_wait3A_433 = arith.constant 0 : i32
      %dma_wait3A_434 = tpu.memref_slice %arg14[%dma_wait3A_433] : memref<2048xf32, #tpu.memory_space<vmem>> -> memref<1024xf32, #tpu.memory_space<vmem>>
      %dma_wait3A_435 = arith.constant 0 : i32
      %dma_wait3A_436 = tpu.memref_slice %arg6[%dma_wait3A_435] : memref<100096xf32, #tpu.memory_space<vmem_shared>> -> memref<100096xf32, #tpu.memory_space<vmem_shared>>
      tpu.wait_indirect_dma semaphore(%run_scoped3A : memref<!tpu.dma_semaphore, #tpu.memory_space<semaphore_mem>>) src(%dma_wait3A_436 : memref<100096xf32, #tpu.memory_space<vmem_shared>>) dst(%dma_wait3A_434 : memref<1024xf32, #tpu.memory_space<vmem>>)
      tpu.yield
    }) : () -> ()
    %scan3A = arith.constant 0 : i32
    %scan3A_30 = arith.constant 0 : i32
    %scan3A_31 = arith.constant 16 : i32
    %scan3A_32 = arith.addi %scan3A_30, %scan3A_31 : i32
    %scan3A_33 = arith.constant 1 : i32
    %scan3A_34 = scf.for %scan3A_429 = %scan3A_30 to %scan3A_32 step %scan3A_33 iter_args(%scan3A_430 = %scan3A) -> (i32)  : i32 {
      %mul3A_431 = arith.constant 64 : i32
      %mul3A_432 = arith.muli %scan3A_429, %mul3A_431 : i32
      %add3A_433 = arith.constant 0 : i32
      %add3A_434 = arith.addi %mul3A_432, %add3A_433 : i32
      %get3A = arith.index_cast %add3A_434 : i32 to index
      %get3A_435 = tpu.vector_load %arg14[%get3A] {strides = array<i32>} : memref<2048xf32, #tpu.memory_space<vmem>>, vector<16xf32>,
      %add3A_436 = arith.constant 1.000000e+00 : f32
      %add3A_437 = vector.broadcast %add3A_436 : f32 to vector<16xf32>
      %add3A_438 = arith.addf %get3A_435, %add3A_437 : vector<16xf32>
      %div3A = arith.constant 1.000000e+00 : f32
      %div3A_439 = vector.broadcast %div3A : f32 to vector<16xf32>
      %div3A_440 = arith.divf %div3A_439, %add3A_438 : vector<16xf32>
      %swap3A_441 = arith.index_cast %add3A_434 : i32 to index
      %swap3A_442 = tpu.vector_load %arg18[%swap3A_441] {strides = array<i32>} : memref<1024xf32, #tpu.memory_space<vmem>>, vector<16xf32>,
      tpu.vector_store %arg18[%swap3A_441], %div3A_440 {strides = array<i32>} : memref<1024xf32, #tpu.memory_space<vmem>>, vector<16xf32>,
      %mul3A_443 = arith.constant 64 : i32
      %mul3A_444 = arith.muli %scan3A_429, %mul3A_443 : i32
      %add3A_445 = arith.constant 16 : i32
      %add3A_446 = arith.addi %mul3A_444, %add3A_445 : i32
      %get3A_447 = arith.index_cast %add3A_446 : i32 to index
      %get3A_448 = tpu.vector_load %arg14[%get3A_447] {strides = array<i32>} : memref<2048xf32, #tpu.memory_space<vmem>>, vector<16xf32>,
      %add3A_449 = arith.constant 1.000000e+00 : f32
      %add3A_450 = vector.broadcast %add3A_449 : f32 to vector<16xf32>
      %add3A_451 = arith.addf %get3A_448, %add3A_450 : vector<16xf32>
      %div3A_452 = arith.constant 1.000000e+00 : f32
      %div3A_453 = vector.broadcast %div3A_452 : f32 to vector<16xf32>
      %div3A_454 = arith.divf %div3A_453, %add3A_451 : vector<16xf32>
      %swap3A_455 = arith.index_cast %add3A_446 : i32 to index
      %swap3A_456 = tpu.vector_load %arg18[%swap3A_455] {strides = array<i32>} : memref<1024xf32, #tpu.memory_space<vmem>>, vector<16xf32>,
      tpu.vector_store %arg18[%swap3A_455], %div3A_454 {strides = array<i32>} : memref<1024xf32, #tpu.memory_space<vmem>>, vector<16xf32>,
      %mul3A_457 = arith.constant 64 : i32
      %mul3A_458 = arith.muli %scan3A_429, %mul3A_457 : i32
      %add3A_459 = arith.constant 32 : i32
      %add3A_460 = arith.addi %mul3A_458, %add3A_459 : i32
      %get3A_461 = arith.index_cast %add3A_460 : i32 to index
      %get3A_462 = tpu.vector_load %arg14[%get3A_461] {strides = array<i32>} : memref<2048xf32, #tpu.memory_space<vmem>>, vector<16xf32>,
      %add3A_463 = arith.constant 1.000000e+00 : f32
      %add3A_464 = vector.broadcast %add3A_463 : f32 to vector<16xf32>
      %add3A_465 = arith.addf %get3A_462, %add3A_464 : vector<16xf32>
      %div3A_466 = arith.constant 1.000000e+00 : f32
      %div3A_467 = vector.broadcast %div3A_466 : f32 to vector<16xf32>
      %div3A_468 = arith.divf %div3A_467, %add3A_465 : vector<16xf32>
      %swap3A_469 = arith.index_cast %add3A_460 : i32 to index
      %swap3A_470 = tpu.vector_load %arg18[%swap3A_469] {strides = array<i32>} : memref<1024xf32, #tpu.memory_space<vmem>>, vector<16xf32>,
      tpu.vector_store %arg18[%swap3A_469], %div3A_468 {strides = array<i32>} : memref<1024xf32, #tpu.memory_space<vmem>>, vector<16xf32>,
      %mul3A_471 = arith.constant 64 : i32
      %mul3A_472 = arith.muli %scan3A_429, %mul3A_471 : i32
      %add3A_473 = arith.constant 48 : i32
      %add3A_474 = arith.addi %mul3A_472, %add3A_473 : i32
      %get3A_475 = arith.index_cast %add3A_474 : i32 to index
      %get3A_476 = tpu.vector_load %arg14[%get3A_475] {strides = array<i32>} : memref<2048xf32, #tpu.memory_space<vmem>>, vector<16xf32>,
      %add3A_477 = arith.constant 1.000000e+00 : f32
      %add3A_478 = vector.broadcast %add3A_477 : f32 to vector<16xf32>
      %add3A_479 = arith.addf %get3A_476, %add3A_478 : vector<16xf32>
      %div3A_480 = arith.constant 1.000000e+00 : f32
      %div3A_481 = vector.broadcast %div3A_480 : f32 to vector<16xf32>
      %div3A_482 = arith.divf %div3A_481, %add3A_479 : vector<16xf32>
      %swap3A_483 = arith.index_cast %add3A_474 : i32 to index
      %swap3A_484 = tpu.vector_load %arg18[%swap3A_483] {strides = array<i32>} : memref<1024xf32, #tpu.memory_space<vmem>>, vector<16xf32>,
      tpu.vector_store %arg18[%swap3A_483], %div3A_482 {strides = array<i32>} : memref<1024xf32, #tpu.memory_space<vmem>>, vector<16xf32>,
      %scan3A_485 = arith.constant 0 : i32
      scf.yield %scan3A_485 : i32
    }
    %scan3A_35 = arith.constant 16 : i32
    %mul3A_36 = arith.constant 1024 : i32
    %mul3A_37 = arith.muli %arg1, %mul3A_36 : i32
    "tpu.region"() ({
      %run_scoped3A = tpu.sem_alloc : memref<!tpu.dma_semaphore, #tpu.memory_space<semaphore_mem>>
      %dma_start3A_429 = tpu.memref_slice %arg7[%mul3A_37] : memref<16384xf32, #tpu.memory_space<vmem_shared>> -> memref<1024xf32, #tpu.memory_space<vmem_shared>>
      %dma_start3A_430 = tpu.memref_slice %arg7[%mul3A_37] : memref<16384xf32, #tpu.memory_space<vmem_shared>> -> memref<1024xf32, #tpu.memory_space<vmem_shared>>
      tpu.enqueue_dma source(%arg18 : memref<1024xf32, #tpu.memory_space<vmem>>) target(%dma_start3A_430 : memref<1024xf32, #tpu.memory_space<vmem_shared>>) target_semaphore(%run_scoped3A : memref<!tpu.dma_semaphore, #tpu.memory_space<semaphore_mem>>)
      %dma_wait3A_431 = tpu.memref_slice %arg7[%mul3A_37] : memref<16384xf32, #tpu.memory_space<vmem_shared>> -> memref<1024xf32, #tpu.memory_space<vmem_shared>>
      %dma_wait3A_432 = tpu.memref_slice %arg7[%mul3A_37] : memref<16384xf32, #tpu.memory_space<vmem_shared>> -> memref<1024xf32, #tpu.memory_space<vmem_shared>>
      tpu.wait_dma2 semaphore(%run_scoped3A : memref<!tpu.dma_semaphore, #tpu.memory_space<semaphore_mem>>) src(%arg18 : memref<1024xf32, #tpu.memory_space<vmem>>) dst(%dma_wait3A_432 : memref<1024xf32, #tpu.memory_space<vmem_shared>>)
      tpu.yield
    }) : () -> ()
    %barrier3A_38 = arith.constant 0 : index
    tpu.barrier barrier_id(%barrier3A_38)
    %broadcast_in_dim3A = arith.constant 0.000000e+00 : f32
    %broadcast_in_dim3A_39 = vector.broadcast %broadcast_in_dim3A : f32 to vector<16xf32>
    %add3A_40 = arith.constant 0 : i32
    %add3A_41 = arith.addi %add3A_5, %add3A_40 : i32
    %dma_start3A_42 = arith.constant 0 : i32
    %dma_start3A_43 = tpu.memref_slice %arg3[%dma_start3A_42] : memref<16384xi32, #tpu.memory_space<hbm>> -> memref<2048xi32, #tpu.memory_space<hbm>>
    %dma_start3A_44 = arith.constant 0 : i32
    %dma_start3A_45 = tpu.memref_slice %arg3[%dma_start3A_44] : memref<16384xi32, #tpu.memory_space<hbm>> -> memref<2048xi32, #tpu.memory_space<hbm>>
    tpu.enqueue_dma source(%dma_start3A_45 : memref<2048xi32, #tpu.memory_space<hbm>>) target(%arg12 : memref<2048xi32, #tpu.memory_space<vmem>>) target_semaphore(%arg22 : memref<!tpu.dma_semaphore, #tpu.memory_space<semaphore_mem>>)
    %dma_start3A_46 = arith.constant 0 : i32
    %dma_start3A_47 = tpu.memref_slice %arg2[%add3A_41, %dma_start3A_46] : memref<64x16384xf32, #tpu.memory_space<hbm>> -> memref<1x2048xf32, #tpu.memory_space<hbm>>
    %dma_start3A_48 = tpu.memref_squeeze %dma_start3A_47 : memref<1x2048xf32, #tpu.memory_space<hbm>> -> memref<2048xf32, #tpu.memory_space<hbm>>
    %dma_start3A_49 = arith.constant 0 : i32
    %dma_start3A_50 = tpu.memref_slice %arg2[%add3A_41, %dma_start3A_49] : memref<64x16384xf32, #tpu.memory_space<hbm>> -> memref<1x2048xf32, #tpu.memory_space<hbm>>
    %dma_start3A_51 = tpu.memref_squeeze %dma_start3A_50 : memref<1x2048xf32, #tpu.memory_space<hbm>> -> memref<2048xf32, #tpu.memory_space<hbm>>
    tpu.enqueue_dma source(%dma_start3A_51 : memref<2048xf32, #tpu.memory_space<hbm>>) target(%arg14 : memref<2048xf32, #tpu.memory_space<vmem>>) target_semaphore(%arg22 : memref<!tpu.dma_semaphore, #tpu.memory_space<semaphore_mem>>)
    %dma_start3A_52 = arith.constant 2048 : i32
    %dma_start3A_53 = tpu.memref_slice %arg3[%dma_start3A_52] : memref<16384xi32, #tpu.memory_space<hbm>> -> memref<2048xi32, #tpu.memory_space<hbm>>
    %dma_start3A_54 = arith.constant 2048 : i32
    %dma_start3A_55 = tpu.memref_slice %arg3[%dma_start3A_54] : memref<16384xi32, #tpu.memory_space<hbm>> -> memref<2048xi32, #tpu.memory_space<hbm>>
    tpu.enqueue_dma source(%dma_start3A_55 : memref<2048xi32, #tpu.memory_space<hbm>>) target(%arg13 : memref<2048xi32, #tpu.memory_space<vmem>>) target_semaphore(%arg23 : memref<!tpu.dma_semaphore, #tpu.memory_space<semaphore_mem>>)
    %dma_start3A_56 = arith.constant 2048 : i32
    %dma_start3A_57 = tpu.memref_slice %arg2[%add3A_41, %dma_start3A_56] : memref<64x16384xf32, #tpu.memory_space<hbm>> -> memref<1x2048xf32, #tpu.memory_space<hbm>>
    %dma_start3A_58 = tpu.memref_squeeze %dma_start3A_57 : memref<1x2048xf32, #tpu.memory_space<hbm>> -> memref<2048xf32, #tpu.memory_space<hbm>>
    %dma_start3A_59 = arith.constant 2048 : i32
    %dma_start3A_60 = tpu.memref_slice %arg2[%add3A_41, %dma_start3A_59] : memref<64x16384xf32, #tpu.memory_space<hbm>> -> memref<1x2048xf32, #tpu.memory_space<hbm>>
    %dma_start3A_61 = tpu.memref_squeeze %dma_start3A_60 : memref<1x2048xf32, #tpu.memory_space<hbm>> -> memref<2048xf32, #tpu.memory_space<hbm>>
    tpu.enqueue_dma source(%dma_start3A_61 : memref<2048xf32, #tpu.memory_space<hbm>>) target(%arg15 : memref<2048xf32, #tpu.memory_space<vmem>>) target_semaphore(%arg23 : memref<!tpu.dma_semaphore, #tpu.memory_space<semaphore_mem>>)
    "tpu.region"() ({
      %run_scoped3A = tpu.sem_alloc : memref<!tpu.dma_semaphore, #tpu.memory_space<semaphore_mem>>
      %dma_start3A_429 = arith.constant 0 : i32
      %dma_start3A_430 = tpu.memref_slice %arg7[%dma_start3A_429] : memref<16384xf32, #tpu.memory_space<vmem_shared>> -> memref<2048xf32, #tpu.memory_space<vmem_shared>>
      %dma_start3A_431 = arith.constant 0 : i32
      %dma_start3A_432 = tpu.memref_slice %arg7[%dma_start3A_431] : memref<16384xf32, #tpu.memory_space<vmem_shared>> -> memref<2048xf32, #tpu.memory_space<vmem_shared>>
      tpu.enqueue_dma source(%dma_start3A_432 : memref<2048xf32, #tpu.memory_space<vmem_shared>>) target(%arg16 : memref<2048xf32, #tpu.memory_space<vmem>>) target_semaphore(%run_scoped3A : memref<!tpu.dma_semaphore, #tpu.memory_space<semaphore_mem>>)
      %dma_wait3A_433 = arith.constant 0 : i32
      %dma_wait3A_434 = tpu.memref_slice %arg7[%dma_wait3A_433] : memref<16384xf32, #tpu.memory_space<vmem_shared>> -> memref<2048xf32, #tpu.memory_space<vmem_shared>>
      %dma_wait3A_435 = arith.constant 0 : i32
      %dma_wait3A_436 = tpu.memref_slice %arg7[%dma_wait3A_435] : memref<16384xf32, #tpu.memory_space<vmem_shared>> -> memref<2048xf32, #tpu.memory_space<vmem_shared>>
      tpu.wait_dma2 semaphore(%run_scoped3A : memref<!tpu.dma_semaphore, #tpu.memory_space<semaphore_mem>>) src(%dma_wait3A_436 : memref<2048xf32, #tpu.memory_space<vmem_shared>>) dst(%arg16 : memref<2048xf32, #tpu.memory_space<vmem>>)
      tpu.yield
    }) : () -> ()
    %dma_wait3A_62 = arith.constant 0 : i32
    %dma_wait3A_63 = tpu.memref_slice %arg3[%dma_wait3A_62] : memref<16384xi32, #tpu.memory_space<hbm>> -> memref<2048xi32, #tpu.memory_space<hbm>>
    %dma_wait3A_64 = arith.constant 0 : i32
    %dma_wait3A_65 = tpu.memref_slice %arg3[%dma_wait3A_64] : memref<16384xi32, #tpu.memory_space<hbm>> -> memref<2048xi32, #tpu.memory_space<hbm>>
    tpu.wait_dma2 semaphore(%arg22 : memref<!tpu.dma_semaphore, #tpu.memory_space<semaphore_mem>>) src(%dma_wait3A_65 : memref<2048xi32, #tpu.memory_space<hbm>>) dst(%arg12 : memref<2048xi32, #tpu.memory_space<vmem>>)
    %dma_wait3A_66 = arith.constant 0 : i32
    %dma_wait3A_67 = tpu.memref_slice %arg2[%add3A_41, %dma_wait3A_66] : memref<64x16384xf32, #tpu.memory_space<hbm>> -> memref<1x2048xf32, #tpu.memory_space<hbm>>
    %dma_wait3A_68 = tpu.memref_squeeze %dma_wait3A_67 : memref<1x2048xf32, #tpu.memory_space<hbm>> -> memref<2048xf32, #tpu.memory_space<hbm>>
    %dma_wait3A_69 = arith.constant 0 : i32
    %dma_wait3A_70 = tpu.memref_slice %arg2[%add3A_41, %dma_wait3A_69] : memref<64x16384xf32, #tpu.memory_space<hbm>> -> memref<1x2048xf32, #tpu.memory_space<hbm>>
    %dma_wait3A_71 = tpu.memref_squeeze %dma_wait3A_70 : memref<1x2048xf32, #tpu.memory_space<hbm>> -> memref<2048xf32, #tpu.memory_space<hbm>>
    tpu.wait_dma2 semaphore(%arg22 : memref<!tpu.dma_semaphore, #tpu.memory_space<semaphore_mem>>) src(%dma_wait3A_71 : memref<2048xf32, #tpu.memory_space<hbm>>) dst(%arg14 : memref<2048xf32, #tpu.memory_space<vmem>>)
    %parallel_loop3A_72 = arith.constant 0 : i32
    %parallel_loop3A_73 = arith.constant 2048 : i32
    %parallel_loop3A_74 = arith.constant 16 : i32
    %parallel_loop3A_75 = scf.for %parallel_loop3A_429 = %parallel_loop3A_72 to %parallel_loop3A_73 step %parallel_loop3A_74 iter_args(%parallel_loop3A_430 = %broadcast_in_dim3A_39) -> (vector<16xf32>)  : i32 {
      %parallel_loop3A_431 = arith.index_cast %parallel_loop3A_429 : i32 to index
      %parallel_loop3A_432 = tpu.vector_load %arg12[%parallel_loop3A_431] {strides = array<i32>} : memref<2048xi32, #tpu.memory_space<vmem>>, vector<16xi32>,
      %parallel_loop3A_433 = tpu.vector_load_idx %arg8[%parallel_loop3A_432] : memref<100000xf32, #tpu.memory_space<vmem>>[vector<16xi32>], vector<16xf32>,
      %parallel_loop3A_434 = arith.index_cast %parallel_loop3A_429 : i32 to index
      %parallel_loop3A_435 = tpu.vector_load %arg14[%parallel_loop3A_434] {strides = array<i32>} : memref<2048xf32, #tpu.memory_space<vmem>>, vector<16xf32>,
      %parallel_loop3A_436 = arith.index_cast %parallel_loop3A_429 : i32 to index
      %parallel_loop3A_437 = tpu.vector_load %arg16[%parallel_loop3A_436] {strides = array<i32>} : memref<2048xf32, #tpu.memory_space<vmem>>, vector<16xf32>,
      %parallel_loop3A_438 = arith.subf %parallel_loop3A_433, %parallel_loop3A_435 : vector<16xf32>
      %parallel_loop3A_439 = arith.mulf %parallel_loop3A_438, %parallel_loop3A_438 : vector<16xf32>
      %parallel_loop3A_440 = arith.mulf %parallel_loop3A_439, %parallel_loop3A_437 : vector<16xf32>
      %parallel_loop3A_441 = arith.addf %parallel_loop3A_430, %parallel_loop3A_440 : vector<16xf32>
      scf.yield %parallel_loop3A_441 : vector<16xf32>
    } {sc.loop_unroll_factor = 16 : i64, sc.parallel_access}
    %dma_start3A_76 = arith.constant 4096 : i32
    %dma_start3A_77 = tpu.memref_slice %arg3[%dma_start3A_76] : memref<16384xi32, #tpu.memory_space<hbm>> -> memref<2048xi32, #tpu.memory_space<hbm>>
    %dma_start3A_78 = arith.constant 4096 : i32
    %dma_start3A_79 = tpu.memref_slice %arg3[%dma_start3A_78] : memref<16384xi32, #tpu.memory_space<hbm>> -> memref<2048xi32, #tpu.memory_space<hbm>>
    tpu.enqueue_dma source(%dma_start3A_79 : memref<2048xi32, #tpu.memory_space<hbm>>) target(%arg12 : memref<2048xi32, #tpu.memory_space<vmem>>) target_semaphore(%arg22 : memref<!tpu.dma_semaphore, #tpu.memory_space<semaphore_mem>>)
    %dma_start3A_80 = arith.constant 4096 : i32
    %dma_start3A_81 = tpu.memref_slice %arg2[%add3A_41, %dma_start3A_80] : memref<64x16384xf32, #tpu.memory_space<hbm>> -> memref<1x2048xf32, #tpu.memory_space<hbm>>
    %dma_start3A_82 = tpu.memref_squeeze %dma_start3A_81 : memref<1x2048xf32, #tpu.memory_space<hbm>> -> memref<2048xf32, #tpu.memory_space<hbm>>
    %dma_start3A_83 = arith.constant 4096 : i32
    %dma_start3A_84 = tpu.memref_slice %arg2[%add3A_41, %dma_start3A_83] : memref<64x16384xf32, #tpu.memory_space<hbm>> -> memref<1x2048xf32, #tpu.memory_space<hbm>>
    %dma_start3A_85 = tpu.memref_squeeze %dma_start3A_84 : memref<1x2048xf32, #tpu.memory_space<hbm>> -> memref<2048xf32, #tpu.memory_space<hbm>>
    tpu.enqueue_dma source(%dma_start3A_85 : memref<2048xf32, #tpu.memory_space<hbm>>) target(%arg14 : memref<2048xf32, #tpu.memory_space<vmem>>) target_semaphore(%arg22 : memref<!tpu.dma_semaphore, #tpu.memory_space<semaphore_mem>>)
    "tpu.region"() ({
      %run_scoped3A = tpu.sem_alloc : memref<!tpu.dma_semaphore, #tpu.memory_space<semaphore_mem>>
      %dma_start3A_429 = arith.constant 2048 : i32
      %dma_start3A_430 = tpu.memref_slice %arg7[%dma_start3A_429] : memref<16384xf32, #tpu.memory_space<vmem_shared>> -> memref<2048xf32, #tpu.memory_space<vmem_shared>>
      %dma_start3A_431 = arith.constant 2048 : i32
      %dma_start3A_432 = tpu.memref_slice %arg7[%dma_start3A_431] : memref<16384xf32, #tpu.memory_space<vmem_shared>> -> memref<2048xf32, #tpu.memory_space<vmem_shared>>
      tpu.enqueue_dma source(%dma_start3A_432 : memref<2048xf32, #tpu.memory_space<vmem_shared>>) target(%arg17 : memref<2048xf32, #tpu.memory_space<vmem>>) target_semaphore(%run_scoped3A : memref<!tpu.dma_semaphore, #tpu.memory_space<semaphore_mem>>)
      %dma_wait3A_433 = arith.constant 2048 : i32
      %dma_wait3A_434 = tpu.memref_slice %arg7[%dma_wait3A_433] : memref<16384xf32, #tpu.memory_space<vmem_shared>> -> memref<2048xf32, #tpu.memory_space<vmem_shared>>
      %dma_wait3A_435 = arith.constant 2048 : i32
      %dma_wait3A_436 = tpu.memref_slice %arg7[%dma_wait3A_435] : memref<16384xf32, #tpu.memory_space<vmem_shared>> -> memref<2048xf32, #tpu.memory_space<vmem_shared>>
      tpu.wait_dma2 semaphore(%run_scoped3A : memref<!tpu.dma_semaphore, #tpu.memory_space<semaphore_mem>>) src(%dma_wait3A_436 : memref<2048xf32, #tpu.memory_space<vmem_shared>>) dst(%arg17 : memref<2048xf32, #tpu.memory_space<vmem>>)
      tpu.yield
    }) : () -> ()
    %dma_wait3A_86 = arith.constant 2048 : i32
    %dma_wait3A_87 = tpu.memref_slice %arg3[%dma_wait3A_86] : memref<16384xi32, #tpu.memory_space<hbm>> -> memref<2048xi32, #tpu.memory_space<hbm>>
    %dma_wait3A_88 = arith.constant 2048 : i32
    %dma_wait3A_89 = tpu.memref_slice %arg3[%dma_wait3A_88] : memref<16384xi32, #tpu.memory_space<hbm>> -> memref<2048xi32, #tpu.memory_space<hbm>>
    tpu.wait_dma2 semaphore(%arg23 : memref<!tpu.dma_semaphore, #tpu.memory_space<semaphore_mem>>) src(%dma_wait3A_89 : memref<2048xi32, #tpu.memory_space<hbm>>) dst(%arg13 : memref<2048xi32, #tpu.memory_space<vmem>>)
    %dma_wait3A_90 = arith.constant 2048 : i32
    %dma_wait3A_91 = tpu.memref_slice %arg2[%add3A_41, %dma_wait3A_90] : memref<64x16384xf32, #tpu.memory_space<hbm>> -> memref<1x2048xf32, #tpu.memory_space<hbm>>
    %dma_wait3A_92 = tpu.memref_squeeze %dma_wait3A_91 : memref<1x2048xf32, #tpu.memory_space<hbm>> -> memref<2048xf32, #tpu.memory_space<hbm>>
    %dma_wait3A_93 = arith.constant 2048 : i32
    %dma_wait3A_94 = tpu.memref_slice %arg2[%add3A_41, %dma_wait3A_93] : memref<64x16384xf32, #tpu.memory_space<hbm>> -> memref<1x2048xf32, #tpu.memory_space<hbm>>
    %dma_wait3A_95 = tpu.memref_squeeze %dma_wait3A_94 : memref<1x2048xf32, #tpu.memory_space<hbm>> -> memref<2048xf32, #tpu.memory_space<hbm>>
    tpu.wait_dma2 semaphore(%arg23 : memref<!tpu.dma_semaphore, #tpu.memory_space<semaphore_mem>>) src(%dma_wait3A_95 : memref<2048xf32, #tpu.memory_space<hbm>>) dst(%arg15 : memref<2048xf32, #tpu.memory_space<vmem>>)
    %parallel_loop3A_96 = arith.constant 0 : i32
    %parallel_loop3A_97 = arith.constant 2048 : i32
    %parallel_loop3A_98 = arith.constant 16 : i32
    %parallel_loop3A_99 = scf.for %parallel_loop3A_429 = %parallel_loop3A_96 to %parallel_loop3A_97 step %parallel_loop3A_98 iter_args(%parallel_loop3A_430 = %parallel_loop3A_75) -> (vector<16xf32>)  : i32 {
      %parallel_loop3A_431 = arith.index_cast %parallel_loop3A_429 : i32 to index
      %parallel_loop3A_432 = tpu.vector_load %arg13[%parallel_loop3A_431] {strides = array<i32>} : memref<2048xi32, #tpu.memory_space<vmem>>, vector<16xi32>,
      %parallel_loop3A_433 = tpu.vector_load_idx %arg8[%parallel_loop3A_432] : memref<100000xf32, #tpu.memory_space<vmem>>[vector<16xi32>], vector<16xf32>,
      %parallel_loop3A_434 = arith.index_cast %parallel_loop3A_429 : i32 to index
      %parallel_loop3A_435 = tpu.vector_load %arg15[%parallel_loop3A_434] {strides = array<i32>} : memref<2048xf32, #tpu.memory_space<vmem>>, vector<16xf32>,
      %parallel_loop3A_436 = arith.index_cast %parallel_loop3A_429 : i32 to index
      %parallel_loop3A_437 = tpu.vector_load %arg17[%parallel_loop3A_436] {strides = array<i32>} : memref<2048xf32, #tpu.memory_space<vmem>>, vector<16xf32>,
      %parallel_loop3A_438 = arith.subf %parallel_loop3A_433, %parallel_loop3A_435 : vector<16xf32>
      %parallel_loop3A_439 = arith.mulf %parallel_loop3A_438, %parallel_loop3A_438 : vector<16xf32>
      %parallel_loop3A_440 = arith.mulf %parallel_loop3A_439, %parallel_loop3A_437 : vector<16xf32>
      %parallel_loop3A_441 = arith.addf %parallel_loop3A_430, %parallel_loop3A_440 : vector<16xf32>
      scf.yield %parallel_loop3A_441 : vector<16xf32>
    } {sc.loop_unroll_factor = 16 : i64, sc.parallel_access}
    %dma_start3A_100 = arith.constant 6144 : i32
    %dma_start3A_101 = tpu.memref_slice %arg3[%dma_start3A_100] : memref<16384xi32, #tpu.memory_space<hbm>> -> memref<2048xi32, #tpu.memory_space<hbm>>
    %dma_start3A_102 = arith.constant 6144 : i32
    %dma_start3A_103 = tpu.memref_slice %arg3[%dma_start3A_102] : memref<16384xi32, #tpu.memory_space<hbm>> -> memref<2048xi32, #tpu.memory_space<hbm>>
    tpu.enqueue_dma source(%dma_start3A_103 : memref<2048xi32, #tpu.memory_space<hbm>>) target(%arg13 : memref<2048xi32, #tpu.memory_space<vmem>>) target_semaphore(%arg23 : memref<!tpu.dma_semaphore, #tpu.memory_space<semaphore_mem>>)
    %dma_start3A_104 = arith.constant 6144 : i32
    %dma_start3A_105 = tpu.memref_slice %arg2[%add3A_41, %dma_start3A_104] : memref<64x16384xf32, #tpu.memory_space<hbm>> -> memref<1x2048xf32, #tpu.memory_space<hbm>>
    %dma_start3A_106 = tpu.memref_squeeze %dma_start3A_105 : memref<1x2048xf32, #tpu.memory_space<hbm>> -> memref<2048xf32, #tpu.memory_space<hbm>>
    %dma_start3A_107 = arith.constant 6144 : i32
    %dma_start3A_108 = tpu.memref_slice %arg2[%add3A_41, %dma_start3A_107] : memref<64x16384xf32, #tpu.memory_space<hbm>> -> memref<1x2048xf32, #tpu.memory_space<hbm>>
    %dma_start3A_109 = tpu.memref_squeeze %dma_start3A_108 : memref<1x2048xf32, #tpu.memory_space<hbm>> -> memref<2048xf32, #tpu.memory_space<hbm>>
    tpu.enqueue_dma source(%dma_start3A_109 : memref<2048xf32, #tpu.memory_space<hbm>>) target(%arg15 : memref<2048xf32, #tpu.memory_space<vmem>>) target_semaphore(%arg23 : memref<!tpu.dma_semaphore, #tpu.memory_space<semaphore_mem>>)
    "tpu.region"() ({
      %run_scoped3A = tpu.sem_alloc : memref<!tpu.dma_semaphore, #tpu.memory_space<semaphore_mem>>
      %dma_start3A_429 = arith.constant 4096 : i32
      %dma_start3A_430 = tpu.memref_slice %arg7[%dma_start3A_429] : memref<16384xf32, #tpu.memory_space<vmem_shared>> -> memref<2048xf32, #tpu.memory_space<vmem_shared>>
      %dma_start3A_431 = arith.constant 4096 : i32
      %dma_start3A_432 = tpu.memref_slice %arg7[%dma_start3A_431] : memref<16384xf32, #tpu.memory_space<vmem_shared>> -> memref<2048xf32, #tpu.memory_space<vmem_shared>>
      tpu.enqueue_dma source(%dma_start3A_432 : memref<2048xf32, #tpu.memory_space<vmem_shared>>) target(%arg16 : memref<2048xf32, #tpu.memory_space<vmem>>) target_semaphore(%run_scoped3A : memref<!tpu.dma_semaphore, #tpu.memory_space<semaphore_mem>>)
      %dma_wait3A_433 = arith.constant 4096 : i32
      %dma_wait3A_434 = tpu.memref_slice %arg7[%dma_wait3A_433] : memref<16384xf32, #tpu.memory_space<vmem_shared>> -> memref<2048xf32, #tpu.memory_space<vmem_shared>>
      %dma_wait3A_435 = arith.constant 4096 : i32
      %dma_wait3A_436 = tpu.memref_slice %arg7[%dma_wait3A_435] : memref<16384xf32, #tpu.memory_space<vmem_shared>> -> memref<2048xf32, #tpu.memory_space<vmem_shared>>
      tpu.wait_dma2 semaphore(%run_scoped3A : memref<!tpu.dma_semaphore, #tpu.memory_space<semaphore_mem>>) src(%dma_wait3A_436 : memref<2048xf32, #tpu.memory_space<vmem_shared>>) dst(%arg16 : memref<2048xf32, #tpu.memory_space<vmem>>)
      tpu.yield
    }) : () -> ()
    %dma_wait3A_110 = arith.constant 4096 : i32
    %dma_wait3A_111 = tpu.memref_slice %arg3[%dma_wait3A_110] : memref<16384xi32, #tpu.memory_space<hbm>> -> memref<2048xi32, #tpu.memory_space<hbm>>
    %dma_wait3A_112 = arith.constant 4096 : i32
    %dma_wait3A_113 = tpu.memref_slice %arg3[%dma_wait3A_112] : memref<16384xi32, #tpu.memory_space<hbm>> -> memref<2048xi32, #tpu.memory_space<hbm>>
    tpu.wait_dma2 semaphore(%arg22 : memref<!tpu.dma_semaphore, #tpu.memory_space<semaphore_mem>>) src(%dma_wait3A_113 : memref<2048xi32, #tpu.memory_space<hbm>>) dst(%arg12 : memref<2048xi32, #tpu.memory_space<vmem>>)
    %dma_wait3A_114 = arith.constant 4096 : i32
    %dma_wait3A_115 = tpu.memref_slice %arg2[%add3A_41, %dma_wait3A_114] : memref<64x16384xf32, #tpu.memory_space<hbm>> -> memref<1x2048xf32, #tpu.memory_space<hbm>>
    %dma_wait3A_116 = tpu.memref_squeeze %dma_wait3A_115 : memref<1x2048xf32, #tpu.memory_space<hbm>> -> memref<2048xf32, #tpu.memory_space<hbm>>
    %dma_wait3A_117 = arith.constant 4096 : i32
    %dma_wait3A_118 = tpu.memref_slice %arg2[%add3A_41, %dma_wait3A_117] : memref<64x16384xf32, #tpu.memory_space<hbm>> -> memref<1x2048xf32, #tpu.memory_space<hbm>>
    %dma_wait3A_119 = tpu.memref_squeeze %dma_wait3A_118 : memref<1x2048xf32, #tpu.memory_space<hbm>> -> memref<2048xf32, #tpu.memory_space<hbm>>
    tpu.wait_dma2 semaphore(%arg22 : memref<!tpu.dma_semaphore, #tpu.memory_space<semaphore_mem>>) src(%dma_wait3A_119 : memref<2048xf32, #tpu.memory_space<hbm>>) dst(%arg14 : memref<2048xf32, #tpu.memory_space<vmem>>)
    %parallel_loop3A_120 = arith.constant 0 : i32
    %parallel_loop3A_121 = arith.constant 2048 : i32
    %parallel_loop3A_122 = arith.constant 16 : i32
    %parallel_loop3A_123 = scf.for %parallel_loop3A_429 = %parallel_loop3A_120 to %parallel_loop3A_121 step %parallel_loop3A_122 iter_args(%parallel_loop3A_430 = %parallel_loop3A_99) -> (vector<16xf32>)  : i32 {
      %parallel_loop3A_431 = arith.index_cast %parallel_loop3A_429 : i32 to index
      %parallel_loop3A_432 = tpu.vector_load %arg12[%parallel_loop3A_431] {strides = array<i32>} : memref<2048xi32, #tpu.memory_space<vmem>>, vector<16xi32>,
      %parallel_loop3A_433 = tpu.vector_load_idx %arg8[%parallel_loop3A_432] : memref<100000xf32, #tpu.memory_space<vmem>>[vector<16xi32>], vector<16xf32>,
      %parallel_loop3A_434 = arith.index_cast %parallel_loop3A_429 : i32 to index
      %parallel_loop3A_435 = tpu.vector_load %arg14[%parallel_loop3A_434] {strides = array<i32>} : memref<2048xf32, #tpu.memory_space<vmem>>, vector<16xf32>,
      %parallel_loop3A_436 = arith.index_cast %parallel_loop3A_429 : i32 to index
      %parallel_loop3A_437 = tpu.vector_load %arg16[%parallel_loop3A_436] {strides = array<i32>} : memref<2048xf32, #tpu.memory_space<vmem>>, vector<16xf32>,
      %parallel_loop3A_438 = arith.subf %parallel_loop3A_433, %parallel_loop3A_435 : vector<16xf32>
      %parallel_loop3A_439 = arith.mulf %parallel_loop3A_438, %parallel_loop3A_438 : vector<16xf32>
      %parallel_loop3A_440 = arith.mulf %parallel_loop3A_439, %parallel_loop3A_437 : vector<16xf32>
      %parallel_loop3A_441 = arith.addf %parallel_loop3A_430, %parallel_loop3A_440 : vector<16xf32>
      scf.yield %parallel_loop3A_441 : vector<16xf32>
    } {sc.loop_unroll_factor = 16 : i64, sc.parallel_access}
    %dma_start3A_124 = arith.constant 8192 : i32
    %dma_start3A_125 = tpu.memref_slice %arg3[%dma_start3A_124] : memref<16384xi32, #tpu.memory_space<hbm>> -> memref<2048xi32, #tpu.memory_space<hbm>>
    %dma_start3A_126 = arith.constant 8192 : i32
    %dma_start3A_127 = tpu.memref_slice %arg3[%dma_start3A_126] : memref<16384xi32, #tpu.memory_space<hbm>> -> memref<2048xi32, #tpu.memory_space<hbm>>
    tpu.enqueue_dma source(%dma_start3A_127 : memref<2048xi32, #tpu.memory_space<hbm>>) target(%arg12 : memref<2048xi32, #tpu.memory_space<vmem>>) target_semaphore(%arg22 : memref<!tpu.dma_semaphore, #tpu.memory_space<semaphore_mem>>)
    %dma_start3A_128 = arith.constant 8192 : i32
    %dma_start3A_129 = tpu.memref_slice %arg2[%add3A_41, %dma_start3A_128] : memref<64x16384xf32, #tpu.memory_space<hbm>> -> memref<1x2048xf32, #tpu.memory_space<hbm>>
    %dma_start3A_130 = tpu.memref_squeeze %dma_start3A_129 : memref<1x2048xf32, #tpu.memory_space<hbm>> -> memref<2048xf32, #tpu.memory_space<hbm>>
    %dma_start3A_131 = arith.constant 8192 : i32
    %dma_start3A_132 = tpu.memref_slice %arg2[%add3A_41, %dma_start3A_131] : memref<64x16384xf32, #tpu.memory_space<hbm>> -> memref<1x2048xf32, #tpu.memory_space<hbm>>
    %dma_start3A_133 = tpu.memref_squeeze %dma_start3A_132 : memref<1x2048xf32, #tpu.memory_space<hbm>> -> memref<2048xf32, #tpu.memory_space<hbm>>
    tpu.enqueue_dma source(%dma_start3A_133 : memref<2048xf32, #tpu.memory_space<hbm>>) target(%arg14 : memref<2048xf32, #tpu.memory_space<vmem>>) target_semaphore(%arg22 : memref<!tpu.dma_semaphore, #tpu.memory_space<semaphore_mem>>)
    "tpu.region"() ({
      %run_scoped3A = tpu.sem_alloc : memref<!tpu.dma_semaphore, #tpu.memory_space<semaphore_mem>>
      %dma_start3A_429 = arith.constant 6144 : i32
      %dma_start3A_430 = tpu.memref_slice %arg7[%dma_start3A_429] : memref<16384xf32, #tpu.memory_space<vmem_shared>> -> memref<2048xf32, #tpu.memory_space<vmem_shared>>
      %dma_start3A_431 = arith.constant 6144 : i32
      %dma_start3A_432 = tpu.memref_slice %arg7[%dma_start3A_431] : memref<16384xf32, #tpu.memory_space<vmem_shared>> -> memref<2048xf32, #tpu.memory_space<vmem_shared>>
      tpu.enqueue_dma source(%dma_start3A_432 : memref<2048xf32, #tpu.memory_space<vmem_shared>>) target(%arg17 : memref<2048xf32, #tpu.memory_space<vmem>>) target_semaphore(%run_scoped3A : memref<!tpu.dma_semaphore, #tpu.memory_space<semaphore_mem>>)
      %dma_wait3A_433 = arith.constant 6144 : i32
      %dma_wait3A_434 = tpu.memref_slice %arg7[%dma_wait3A_433] : memref<16384xf32, #tpu.memory_space<vmem_shared>> -> memref<2048xf32, #tpu.memory_space<vmem_shared>>
      %dma_wait3A_435 = arith.constant 6144 : i32
      %dma_wait3A_436 = tpu.memref_slice %arg7[%dma_wait3A_435] : memref<16384xf32, #tpu.memory_space<vmem_shared>> -> memref<2048xf32, #tpu.memory_space<vmem_shared>>
      tpu.wait_dma2 semaphore(%run_scoped3A : memref<!tpu.dma_semaphore, #tpu.memory_space<semaphore_mem>>) src(%dma_wait3A_436 : memref<2048xf32, #tpu.memory_space<vmem_shared>>) dst(%arg17 : memref<2048xf32, #tpu.memory_space<vmem>>)
      tpu.yield
    }) : () -> ()
    %dma_wait3A_134 = arith.constant 6144 : i32
    %dma_wait3A_135 = tpu.memref_slice %arg3[%dma_wait3A_134] : memref<16384xi32, #tpu.memory_space<hbm>> -> memref<2048xi32, #tpu.memory_space<hbm>>
    %dma_wait3A_136 = arith.constant 6144 : i32
    %dma_wait3A_137 = tpu.memref_slice %arg3[%dma_wait3A_136] : memref<16384xi32, #tpu.memory_space<hbm>> -> memref<2048xi32, #tpu.memory_space<hbm>>
    tpu.wait_dma2 semaphore(%arg23 : memref<!tpu.dma_semaphore, #tpu.memory_space<semaphore_mem>>) src(%dma_wait3A_137 : memref<2048xi32, #tpu.memory_space<hbm>>) dst(%arg13 : memref<2048xi32, #tpu.memory_space<vmem>>)
    %dma_wait3A_138 = arith.constant 6144 : i32
    %dma_wait3A_139 = tpu.memref_slice %arg2[%add3A_41, %dma_wait3A_138] : memref<64x16384xf32, #tpu.memory_space<hbm>> -> memref<1x2048xf32, #tpu.memory_space<hbm>>
    %dma_wait3A_140 = tpu.memref_squeeze %dma_wait3A_139 : memref<1x2048xf32, #tpu.memory_space<hbm>> -> memref<2048xf32, #tpu.memory_space<hbm>>
    %dma_wait3A_141 = arith.constant 6144 : i32
    %dma_wait3A_142 = tpu.memref_slice %arg2[%add3A_41, %dma_wait3A_141] : memref<64x16384xf32, #tpu.memory_space<hbm>> -> memref<1x2048xf32, #tpu.memory_space<hbm>>
    %dma_wait3A_143 = tpu.memref_squeeze %dma_wait3A_142 : memref<1x2048xf32, #tpu.memory_space<hbm>> -> memref<2048xf32, #tpu.memory_space<hbm>>
    tpu.wait_dma2 semaphore(%arg23 : memref<!tpu.dma_semaphore, #tpu.memory_space<semaphore_mem>>) src(%dma_wait3A_143 : memref<2048xf32, #tpu.memory_space<hbm>>) dst(%arg15 : memref<2048xf32, #tpu.memory_space<vmem>>)
    %parallel_loop3A_144 = arith.constant 0 : i32
    %parallel_loop3A_145 = arith.constant 2048 : i32
    %parallel_loop3A_146 = arith.constant 16 : i32
    %parallel_loop3A_147 = scf.for %parallel_loop3A_429 = %parallel_loop3A_144 to %parallel_loop3A_145 step %parallel_loop3A_146 iter_args(%parallel_loop3A_430 = %parallel_loop3A_123) -> (vector<16xf32>)  : i32 {
      %parallel_loop3A_431 = arith.index_cast %parallel_loop3A_429 : i32 to index
      %parallel_loop3A_432 = tpu.vector_load %arg13[%parallel_loop3A_431] {strides = array<i32>} : memref<2048xi32, #tpu.memory_space<vmem>>, vector<16xi32>,
      %parallel_loop3A_433 = tpu.vector_load_idx %arg8[%parallel_loop3A_432] : memref<100000xf32, #tpu.memory_space<vmem>>[vector<16xi32>], vector<16xf32>,
      %parallel_loop3A_434 = arith.index_cast %parallel_loop3A_429 : i32 to index
      %parallel_loop3A_435 = tpu.vector_load %arg15[%parallel_loop3A_434] {strides = array<i32>} : memref<2048xf32, #tpu.memory_space<vmem>>, vector<16xf32>,
      %parallel_loop3A_436 = arith.index_cast %parallel_loop3A_429 : i32 to index
      %parallel_loop3A_437 = tpu.vector_load %arg17[%parallel_loop3A_436] {strides = array<i32>} : memref<2048xf32, #tpu.memory_space<vmem>>, vector<16xf32>,
      %parallel_loop3A_438 = arith.subf %parallel_loop3A_433, %parallel_loop3A_435 : vector<16xf32>
      %parallel_loop3A_439 = arith.mulf %parallel_loop3A_438, %parallel_loop3A_438 : vector<16xf32>
      %parallel_loop3A_440 = arith.mulf %parallel_loop3A_439, %parallel_loop3A_437 : vector<16xf32>
      %parallel_loop3A_441 = arith.addf %parallel_loop3A_430, %parallel_loop3A_440 : vector<16xf32>
      scf.yield %parallel_loop3A_441 : vector<16xf32>
    } {sc.loop_unroll_factor = 16 : i64, sc.parallel_access}
    %dma_start3A_148 = arith.constant 10240 : i32
    %dma_start3A_149 = tpu.memref_slice %arg3[%dma_start3A_148] : memref<16384xi32, #tpu.memory_space<hbm>> -> memref<2048xi32, #tpu.memory_space<hbm>>
    %dma_start3A_150 = arith.constant 10240 : i32
    %dma_start3A_151 = tpu.memref_slice %arg3[%dma_start3A_150] : memref<16384xi32, #tpu.memory_space<hbm>> -> memref<2048xi32, #tpu.memory_space<hbm>>
    tpu.enqueue_dma source(%dma_start3A_151 : memref<2048xi32, #tpu.memory_space<hbm>>) target(%arg13 : memref<2048xi32, #tpu.memory_space<vmem>>) target_semaphore(%arg23 : memref<!tpu.dma_semaphore, #tpu.memory_space<semaphore_mem>>)
    %dma_start3A_152 = arith.constant 10240 : i32
    %dma_start3A_153 = tpu.memref_slice %arg2[%add3A_41, %dma_start3A_152] : memref<64x16384xf32, #tpu.memory_space<hbm>> -> memref<1x2048xf32, #tpu.memory_space<hbm>>
    %dma_start3A_154 = tpu.memref_squeeze %dma_start3A_153 : memref<1x2048xf32, #tpu.memory_space<hbm>> -> memref<2048xf32, #tpu.memory_space<hbm>>
    %dma_start3A_155 = arith.constant 10240 : i32
    %dma_start3A_156 = tpu.memref_slice %arg2[%add3A_41, %dma_start3A_155] : memref<64x16384xf32, #tpu.memory_space<hbm>> -> memref<1x2048xf32, #tpu.memory_space<hbm>>
    %dma_start3A_157 = tpu.memref_squeeze %dma_start3A_156 : memref<1x2048xf32, #tpu.memory_space<hbm>> -> memref<2048xf32, #tpu.memory_space<hbm>>
    tpu.enqueue_dma source(%dma_start3A_157 : memref<2048xf32, #tpu.memory_space<hbm>>) target(%arg15 : memref<2048xf32, #tpu.memory_space<vmem>>) target_semaphore(%arg23 : memref<!tpu.dma_semaphore, #tpu.memory_space<semaphore_mem>>)
    "tpu.region"() ({
      %run_scoped3A = tpu.sem_alloc : memref<!tpu.dma_semaphore, #tpu.memory_space<semaphore_mem>>
      %dma_start3A_429 = arith.constant 8192 : i32
      %dma_start3A_430 = tpu.memref_slice %arg7[%dma_start3A_429] : memref<16384xf32, #tpu.memory_space<vmem_shared>> -> memref<2048xf32, #tpu.memory_space<vmem_shared>>
      %dma_start3A_431 = arith.constant 8192 : i32
      %dma_start3A_432 = tpu.memref_slice %arg7[%dma_start3A_431] : memref<16384xf32, #tpu.memory_space<vmem_shared>> -> memref<2048xf32, #tpu.memory_space<vmem_shared>>
      tpu.enqueue_dma source(%dma_start3A_432 : memref<2048xf32, #tpu.memory_space<vmem_shared>>) target(%arg16 : memref<2048xf32, #tpu.memory_space<vmem>>) target_semaphore(%run_scoped3A : memref<!tpu.dma_semaphore, #tpu.memory_space<semaphore_mem>>)
      %dma_wait3A_433 = arith.constant 8192 : i32
      %dma_wait3A_434 = tpu.memref_slice %arg7[%dma_wait3A_433] : memref<16384xf32, #tpu.memory_space<vmem_shared>> -> memref<2048xf32, #tpu.memory_space<vmem_shared>>
      %dma_wait3A_435 = arith.constant 8192 : i32
      %dma_wait3A_436 = tpu.memref_slice %arg7[%dma_wait3A_435] : memref<16384xf32, #tpu.memory_space<vmem_shared>> -> memref<2048xf32, #tpu.memory_space<vmem_shared>>
      tpu.wait_dma2 semaphore(%run_scoped3A : memref<!tpu.dma_semaphore, #tpu.memory_space<semaphore_mem>>) src(%dma_wait3A_436 : memref<2048xf32, #tpu.memory_space<vmem_shared>>) dst(%arg16 : memref<2048xf32, #tpu.memory_space<vmem>>)
      tpu.yield
    }) : () -> ()
    %dma_wait3A_158 = arith.constant 8192 : i32
    %dma_wait3A_159 = tpu.memref_slice %arg3[%dma_wait3A_158] : memref<16384xi32, #tpu.memory_space<hbm>> -> memref<2048xi32, #tpu.memory_space<hbm>>
    %dma_wait3A_160 = arith.constant 8192 : i32
    %dma_wait3A_161 = tpu.memref_slice %arg3[%dma_wait3A_160] : memref<16384xi32, #tpu.memory_space<hbm>> -> memref<2048xi32, #tpu.memory_space<hbm>>
    tpu.wait_dma2 semaphore(%arg22 : memref<!tpu.dma_semaphore, #tpu.memory_space<semaphore_mem>>) src(%dma_wait3A_161 : memref<2048xi32, #tpu.memory_space<hbm>>) dst(%arg12 : memref<2048xi32, #tpu.memory_space<vmem>>)
    %dma_wait3A_162 = arith.constant 8192 : i32
    %dma_wait3A_163 = tpu.memref_slice %arg2[%add3A_41, %dma_wait3A_162] : memref<64x16384xf32, #tpu.memory_space<hbm>> -> memref<1x2048xf32, #tpu.memory_space<hbm>>
    %dma_wait3A_164 = tpu.memref_squeeze %dma_wait3A_163 : memref<1x2048xf32, #tpu.memory_space<hbm>> -> memref<2048xf32, #tpu.memory_space<hbm>>
    %dma_wait3A_165 = arith.constant 8192 : i32
    %dma_wait3A_166 = tpu.memref_slice %arg2[%add3A_41, %dma_wait3A_165] : memref<64x16384xf32, #tpu.memory_space<hbm>> -> memref<1x2048xf32, #tpu.memory_space<hbm>>
    %dma_wait3A_167 = tpu.memref_squeeze %dma_wait3A_166 : memref<1x2048xf32, #tpu.memory_space<hbm>> -> memref<2048xf32, #tpu.memory_space<hbm>>
    tpu.wait_dma2 semaphore(%arg22 : memref<!tpu.dma_semaphore, #tpu.memory_space<semaphore_mem>>) src(%dma_wait3A_167 : memref<2048xf32, #tpu.memory_space<hbm>>) dst(%arg14 : memref<2048xf32, #tpu.memory_space<vmem>>)
    %parallel_loop3A_168 = arith.constant 0 : i32
    %parallel_loop3A_169 = arith.constant 2048 : i32
    %parallel_loop3A_170 = arith.constant 16 : i32
    %parallel_loop3A_171 = scf.for %parallel_loop3A_429 = %parallel_loop3A_168 to %parallel_loop3A_169 step %parallel_loop3A_170 iter_args(%parallel_loop3A_430 = %parallel_loop3A_147) -> (vector<16xf32>)  : i32 {
      %parallel_loop3A_431 = arith.index_cast %parallel_loop3A_429 : i32 to index
      %parallel_loop3A_432 = tpu.vector_load %arg12[%parallel_loop3A_431] {strides = array<i32>} : memref<2048xi32, #tpu.memory_space<vmem>>, vector<16xi32>,
      %parallel_loop3A_433 = tpu.vector_load_idx %arg8[%parallel_loop3A_432] : memref<100000xf32, #tpu.memory_space<vmem>>[vector<16xi32>], vector<16xf32>,
      %parallel_loop3A_434 = arith.index_cast %parallel_loop3A_429 : i32 to index
      %parallel_loop3A_435 = tpu.vector_load %arg14[%parallel_loop3A_434] {strides = array<i32>} : memref<2048xf32, #tpu.memory_space<vmem>>, vector<16xf32>,
      %parallel_loop3A_436 = arith.index_cast %parallel_loop3A_429 : i32 to index
      %parallel_loop3A_437 = tpu.vector_load %arg16[%parallel_loop3A_436] {strides = array<i32>} : memref<2048xf32, #tpu.memory_space<vmem>>, vector<16xf32>,
      %parallel_loop3A_438 = arith.subf %parallel_loop3A_433, %parallel_loop3A_435 : vector<16xf32>
      %parallel_loop3A_439 = arith.mulf %parallel_loop3A_438, %parallel_loop3A_438 : vector<16xf32>
      %parallel_loop3A_440 = arith.mulf %parallel_loop3A_439, %parallel_loop3A_437 : vector<16xf32>
      %parallel_loop3A_441 = arith.addf %parallel_loop3A_430, %parallel_loop3A_440 : vector<16xf32>
      scf.yield %parallel_loop3A_441 : vector<16xf32>
    } {sc.loop_unroll_factor = 16 : i64, sc.parallel_access}
    %dma_start3A_172 = arith.constant 12288 : i32
    %dma_start3A_173 = tpu.memref_slice %arg3[%dma_start3A_172] : memref<16384xi32, #tpu.memory_space<hbm>> -> memref<2048xi32, #tpu.memory_space<hbm>>
    %dma_start3A_174 = arith.constant 12288 : i32
    %dma_start3A_175 = tpu.memref_slice %arg3[%dma_start3A_174] : memref<16384xi32, #tpu.memory_space<hbm>> -> memref<2048xi32, #tpu.memory_space<hbm>>
    tpu.enqueue_dma source(%dma_start3A_175 : memref<2048xi32, #tpu.memory_space<hbm>>) target(%arg12 : memref<2048xi32, #tpu.memory_space<vmem>>) target_semaphore(%arg22 : memref<!tpu.dma_semaphore, #tpu.memory_space<semaphore_mem>>)
    %dma_start3A_176 = arith.constant 12288 : i32
    %dma_start3A_177 = tpu.memref_slice %arg2[%add3A_41, %dma_start3A_176] : memref<64x16384xf32, #tpu.memory_space<hbm>> -> memref<1x2048xf32, #tpu.memory_space<hbm>>
    %dma_start3A_178 = tpu.memref_squeeze %dma_start3A_177 : memref<1x2048xf32, #tpu.memory_space<hbm>> -> memref<2048xf32, #tpu.memory_space<hbm>>
    %dma_start3A_179 = arith.constant 12288 : i32
    %dma_start3A_180 = tpu.memref_slice %arg2[%add3A_41, %dma_start3A_179] : memref<64x16384xf32, #tpu.memory_space<hbm>> -> memref<1x2048xf32, #tpu.memory_space<hbm>>
    %dma_start3A_181 = tpu.memref_squeeze %dma_start3A_180 : memref<1x2048xf32, #tpu.memory_space<hbm>> -> memref<2048xf32, #tpu.memory_space<hbm>>
    tpu.enqueue_dma source(%dma_start3A_181 : memref<2048xf32, #tpu.memory_space<hbm>>) target(%arg14 : memref<2048xf32, #tpu.memory_space<vmem>>) target_semaphore(%arg22 : memref<!tpu.dma_semaphore, #tpu.memory_space<semaphore_mem>>)
    "tpu.region"() ({
      %run_scoped3A = tpu.sem_alloc : memref<!tpu.dma_semaphore, #tpu.memory_space<semaphore_mem>>
      %dma_start3A_429 = arith.constant 10240 : i32
      %dma_start3A_430 = tpu.memref_slice %arg7[%dma_start3A_429] : memref<16384xf32, #tpu.memory_space<vmem_shared>> -> memref<2048xf32, #tpu.memory_space<vmem_shared>>
      %dma_start3A_431 = arith.constant 10240 : i32
      %dma_start3A_432 = tpu.memref_slice %arg7[%dma_start3A_431] : memref<16384xf32, #tpu.memory_space<vmem_shared>> -> memref<2048xf32, #tpu.memory_space<vmem_shared>>
      tpu.enqueue_dma source(%dma_start3A_432 : memref<2048xf32, #tpu.memory_space<vmem_shared>>) target(%arg17 : memref<2048xf32, #tpu.memory_space<vmem>>) target_semaphore(%run_scoped3A : memref<!tpu.dma_semaphore, #tpu.memory_space<semaphore_mem>>)
      %dma_wait3A_433 = arith.constant 10240 : i32
      %dma_wait3A_434 = tpu.memref_slice %arg7[%dma_wait3A_433] : memref<16384xf32, #tpu.memory_space<vmem_shared>> -> memref<2048xf32, #tpu.memory_space<vmem_shared>>
      %dma_wait3A_435 = arith.constant 10240 : i32
      %dma_wait3A_436 = tpu.memref_slice %arg7[%dma_wait3A_435] : memref<16384xf32, #tpu.memory_space<vmem_shared>> -> memref<2048xf32, #tpu.memory_space<vmem_shared>>
      tpu.wait_dma2 semaphore(%run_scoped3A : memref<!tpu.dma_semaphore, #tpu.memory_space<semaphore_mem>>) src(%dma_wait3A_436 : memref<2048xf32, #tpu.memory_space<vmem_shared>>) dst(%arg17 : memref<2048xf32, #tpu.memory_space<vmem>>)
      tpu.yield
    }) : () -> ()
    %dma_wait3A_182 = arith.constant 10240 : i32
    %dma_wait3A_183 = tpu.memref_slice %arg3[%dma_wait3A_182] : memref<16384xi32, #tpu.memory_space<hbm>> -> memref<2048xi32, #tpu.memory_space<hbm>>
    %dma_wait3A_184 = arith.constant 10240 : i32
    %dma_wait3A_185 = tpu.memref_slice %arg3[%dma_wait3A_184] : memref<16384xi32, #tpu.memory_space<hbm>> -> memref<2048xi32, #tpu.memory_space<hbm>>
    tpu.wait_dma2 semaphore(%arg23 : memref<!tpu.dma_semaphore, #tpu.memory_space<semaphore_mem>>) src(%dma_wait3A_185 : memref<2048xi32, #tpu.memory_space<hbm>>) dst(%arg13 : memref<2048xi32, #tpu.memory_space<vmem>>)
    %dma_wait3A_186 = arith.constant 10240 : i32
    %dma_wait3A_187 = tpu.memref_slice %arg2[%add3A_41, %dma_wait3A_186] : memref<64x16384xf32, #tpu.memory_space<hbm>> -> memref<1x2048xf32, #tpu.memory_space<hbm>>
    %dma_wait3A_188 = tpu.memref_squeeze %dma_wait3A_187 : memref<1x2048xf32, #tpu.memory_space<hbm>> -> memref<2048xf32, #tpu.memory_space<hbm>>
    %dma_wait3A_189 = arith.constant 10240 : i32
    %dma_wait3A_190 = tpu.memref_slice %arg2[%add3A_41, %dma_wait3A_189] : memref<64x16384xf32, #tpu.memory_space<hbm>> -> memref<1x2048xf32, #tpu.memory_space<hbm>>
    %dma_wait3A_191 = tpu.memref_squeeze %dma_wait3A_190 : memref<1x2048xf32, #tpu.memory_space<hbm>> -> memref<2048xf32, #tpu.memory_space<hbm>>
    tpu.wait_dma2 semaphore(%arg23 : memref<!tpu.dma_semaphore, #tpu.memory_space<semaphore_mem>>) src(%dma_wait3A_191 : memref<2048xf32, #tpu.memory_space<hbm>>) dst(%arg15 : memref<2048xf32, #tpu.memory_space<vmem>>)
    %parallel_loop3A_192 = arith.constant 0 : i32
    %parallel_loop3A_193 = arith.constant 2048 : i32
    %parallel_loop3A_194 = arith.constant 16 : i32
    %parallel_loop3A_195 = scf.for %parallel_loop3A_429 = %parallel_loop3A_192 to %parallel_loop3A_193 step %parallel_loop3A_194 iter_args(%parallel_loop3A_430 = %parallel_loop3A_171) -> (vector<16xf32>)  : i32 {
      %parallel_loop3A_431 = arith.index_cast %parallel_loop3A_429 : i32 to index
      %parallel_loop3A_432 = tpu.vector_load %arg13[%parallel_loop3A_431] {strides = array<i32>} : memref<2048xi32, #tpu.memory_space<vmem>>, vector<16xi32>,
      %parallel_loop3A_433 = tpu.vector_load_idx %arg8[%parallel_loop3A_432] : memref<100000xf32, #tpu.memory_space<vmem>>[vector<16xi32>], vector<16xf32>,
      %parallel_loop3A_434 = arith.index_cast %parallel_loop3A_429 : i32 to index
      %parallel_loop3A_435 = tpu.vector_load %arg15[%parallel_loop3A_434] {strides = array<i32>} : memref<2048xf32, #tpu.memory_space<vmem>>, vector<16xf32>,
      %parallel_loop3A_436 = arith.index_cast %parallel_loop3A_429 : i32 to index
      %parallel_loop3A_437 = tpu.vector_load %arg17[%parallel_loop3A_436] {strides = array<i32>} : memref<2048xf32, #tpu.memory_space<vmem>>, vector<16xf32>,
      %parallel_loop3A_438 = arith.subf %parallel_loop3A_433, %parallel_loop3A_435 : vector<16xf32>
      %parallel_loop3A_439 = arith.mulf %parallel_loop3A_438, %parallel_loop3A_438 : vector<16xf32>
      %parallel_loop3A_440 = arith.mulf %parallel_loop3A_439, %parallel_loop3A_437 : vector<16xf32>
      %parallel_loop3A_441 = arith.addf %parallel_loop3A_430, %parallel_loop3A_440 : vector<16xf32>
      scf.yield %parallel_loop3A_441 : vector<16xf32>
    } {sc.loop_unroll_factor = 16 : i64, sc.parallel_access}
    %dma_start3A_196 = arith.constant 14336 : i32
    %dma_start3A_197 = tpu.memref_slice %arg3[%dma_start3A_196] : memref<16384xi32, #tpu.memory_space<hbm>> -> memref<2048xi32, #tpu.memory_space<hbm>>
    %dma_start3A_198 = arith.constant 14336 : i32
    %dma_start3A_199 = tpu.memref_slice %arg3[%dma_start3A_198] : memref<16384xi32, #tpu.memory_space<hbm>> -> memref<2048xi32, #tpu.memory_space<hbm>>
    tpu.enqueue_dma source(%dma_start3A_199 : memref<2048xi32, #tpu.memory_space<hbm>>) target(%arg13 : memref<2048xi32, #tpu.memory_space<vmem>>) target_semaphore(%arg23 : memref<!tpu.dma_semaphore, #tpu.memory_space<semaphore_mem>>)
    %dma_start3A_200 = arith.constant 14336 : i32
    %dma_start3A_201 = tpu.memref_slice %arg2[%add3A_41, %dma_start3A_200] : memref<64x16384xf32, #tpu.memory_space<hbm>> -> memref<1x2048xf32, #tpu.memory_space<hbm>>
    %dma_start3A_202 = tpu.memref_squeeze %dma_start3A_201 : memref<1x2048xf32, #tpu.memory_space<hbm>> -> memref<2048xf32, #tpu.memory_space<hbm>>
    %dma_start3A_203 = arith.constant 14336 : i32
    %dma_start3A_204 = tpu.memref_slice %arg2[%add3A_41, %dma_start3A_203] : memref<64x16384xf32, #tpu.memory_space<hbm>> -> memref<1x2048xf32, #tpu.memory_space<hbm>>
    %dma_start3A_205 = tpu.memref_squeeze %dma_start3A_204 : memref<1x2048xf32, #tpu.memory_space<hbm>> -> memref<2048xf32, #tpu.memory_space<hbm>>
    tpu.enqueue_dma source(%dma_start3A_205 : memref<2048xf32, #tpu.memory_space<hbm>>) target(%arg15 : memref<2048xf32, #tpu.memory_space<vmem>>) target_semaphore(%arg23 : memref<!tpu.dma_semaphore, #tpu.memory_space<semaphore_mem>>)
    "tpu.region"() ({
      %run_scoped3A = tpu.sem_alloc : memref<!tpu.dma_semaphore, #tpu.memory_space<semaphore_mem>>
      %dma_start3A_429 = arith.constant 12288 : i32
      %dma_start3A_430 = tpu.memref_slice %arg7[%dma_start3A_429] : memref<16384xf32, #tpu.memory_space<vmem_shared>> -> memref<2048xf32, #tpu.memory_space<vmem_shared>>
      %dma_start3A_431 = arith.constant 12288 : i32
      %dma_start3A_432 = tpu.memref_slice %arg7[%dma_start3A_431] : memref<16384xf32, #tpu.memory_space<vmem_shared>> -> memref<2048xf32, #tpu.memory_space<vmem_shared>>
      tpu.enqueue_dma source(%dma_start3A_432 : memref<2048xf32, #tpu.memory_space<vmem_shared>>) target(%arg16 : memref<2048xf32, #tpu.memory_space<vmem>>) target_semaphore(%run_scoped3A : memref<!tpu.dma_semaphore, #tpu.memory_space<semaphore_mem>>)
      %dma_wait3A_433 = arith.constant 12288 : i32
      %dma_wait3A_434 = tpu.memref_slice %arg7[%dma_wait3A_433] : memref<16384xf32, #tpu.memory_space<vmem_shared>> -> memref<2048xf32, #tpu.memory_space<vmem_shared>>
      %dma_wait3A_435 = arith.constant 12288 : i32
      %dma_wait3A_436 = tpu.memref_slice %arg7[%dma_wait3A_435] : memref<16384xf32, #tpu.memory_space<vmem_shared>> -> memref<2048xf32, #tpu.memory_space<vmem_shared>>
      tpu.wait_dma2 semaphore(%run_scoped3A : memref<!tpu.dma_semaphore, #tpu.memory_space<semaphore_mem>>) src(%dma_wait3A_436 : memref<2048xf32, #tpu.memory_space<vmem_shared>>) dst(%arg16 : memref<2048xf32, #tpu.memory_space<vmem>>)
      tpu.yield
    }) : () -> ()
    %dma_wait3A_206 = arith.constant 12288 : i32
    %dma_wait3A_207 = tpu.memref_slice %arg3[%dma_wait3A_206] : memref<16384xi32, #tpu.memory_space<hbm>> -> memref<2048xi32, #tpu.memory_space<hbm>>
    %dma_wait3A_208 = arith.constant 12288 : i32
    %dma_wait3A_209 = tpu.memref_slice %arg3[%dma_wait3A_208] : memref<16384xi32, #tpu.memory_space<hbm>> -> memref<2048xi32, #tpu.memory_space<hbm>>
    tpu.wait_dma2 semaphore(%arg22 : memref<!tpu.dma_semaphore, #tpu.memory_space<semaphore_mem>>) src(%dma_wait3A_209 : memref<2048xi32, #tpu.memory_space<hbm>>) dst(%arg12 : memref<2048xi32, #tpu.memory_space<vmem>>)
    %dma_wait3A_210 = arith.constant 12288 : i32
    %dma_wait3A_211 = tpu.memref_slice %arg2[%add3A_41, %dma_wait3A_210] : memref<64x16384xf32, #tpu.memory_space<hbm>> -> memref<1x2048xf32, #tpu.memory_space<hbm>>
    %dma_wait3A_212 = tpu.memref_squeeze %dma_wait3A_211 : memref<1x2048xf32, #tpu.memory_space<hbm>> -> memref<2048xf32, #tpu.memory_space<hbm>>
    %dma_wait3A_213 = arith.constant 12288 : i32
    %dma_wait3A_214 = tpu.memref_slice %arg2[%add3A_41, %dma_wait3A_213] : memref<64x16384xf32, #tpu.memory_space<hbm>> -> memref<1x2048xf32, #tpu.memory_space<hbm>>
    %dma_wait3A_215 = tpu.memref_squeeze %dma_wait3A_214 : memref<1x2048xf32, #tpu.memory_space<hbm>> -> memref<2048xf32, #tpu.memory_space<hbm>>
    tpu.wait_dma2 semaphore(%arg22 : memref<!tpu.dma_semaphore, #tpu.memory_space<semaphore_mem>>) src(%dma_wait3A_215 : memref<2048xf32, #tpu.memory_space<hbm>>) dst(%arg14 : memref<2048xf32, #tpu.memory_space<vmem>>)
    %parallel_loop3A_216 = arith.constant 0 : i32
    %parallel_loop3A_217 = arith.constant 2048 : i32
    %parallel_loop3A_218 = arith.constant 16 : i32
    %parallel_loop3A_219 = scf.for %parallel_loop3A_429 = %parallel_loop3A_216 to %parallel_loop3A_217 step %parallel_loop3A_218 iter_args(%parallel_loop3A_430 = %parallel_loop3A_195) -> (vector<16xf32>)  : i32 {
      %parallel_loop3A_431 = arith.index_cast %parallel_loop3A_429 : i32 to index
      %parallel_loop3A_432 = tpu.vector_load %arg12[%parallel_loop3A_431] {strides = array<i32>} : memref<2048xi32, #tpu.memory_space<vmem>>, vector<16xi32>,
      %parallel_loop3A_433 = tpu.vector_load_idx %arg8[%parallel_loop3A_432] : memref<100000xf32, #tpu.memory_space<vmem>>[vector<16xi32>], vector<16xf32>,
      %parallel_loop3A_434 = arith.index_cast %parallel_loop3A_429 : i32 to index
      %parallel_loop3A_435 = tpu.vector_load %arg14[%parallel_loop3A_434] {strides = array<i32>} : memref<2048xf32, #tpu.memory_space<vmem>>, vector<16xf32>,
      %parallel_loop3A_436 = arith.index_cast %parallel_loop3A_429 : i32 to index
      %parallel_loop3A_437 = tpu.vector_load %arg16[%parallel_loop3A_436] {strides = array<i32>} : memref<2048xf32, #tpu.memory_space<vmem>>, vector<16xf32>,
      %parallel_loop3A_438 = arith.subf %parallel_loop3A_433, %parallel_loop3A_435 : vector<16xf32>
      %parallel_loop3A_439 = arith.mulf %parallel_loop3A_438, %parallel_loop3A_438 : vector<16xf32>
      %parallel_loop3A_440 = arith.mulf %parallel_loop3A_439, %parallel_loop3A_437 : vector<16xf32>
      %parallel_loop3A_441 = arith.addf %parallel_loop3A_430, %parallel_loop3A_440 : vector<16xf32>
      scf.yield %parallel_loop3A_441 : vector<16xf32>
    } {sc.loop_unroll_factor = 16 : i64, sc.parallel_access}
    "tpu.region"() ({
      %run_scoped3A = tpu.sem_alloc : memref<!tpu.dma_semaphore, #tpu.memory_space<semaphore_mem>>
      %dma_start3A_429 = arith.constant 14336 : i32
      %dma_start3A_430 = tpu.memref_slice %arg7[%dma_start3A_429] : memref<16384xf32, #tpu.memory_space<vmem_shared>> -> memref<2048xf32, #tpu.memory_space<vmem_shared>>
      %dma_start3A_431 = arith.constant 14336 : i32
      %dma_start3A_432 = tpu.memref_slice %arg7[%dma_start3A_431] : memref<16384xf32, #tpu.memory_space<vmem_shared>> -> memref<2048xf32, #tpu.memory_space<vmem_shared>>
      tpu.enqueue_dma source(%dma_start3A_432 : memref<2048xf32, #tpu.memory_space<vmem_shared>>) target(%arg17 : memref<2048xf32, #tpu.memory_space<vmem>>) target_semaphore(%run_scoped3A : memref<!tpu.dma_semaphore, #tpu.memory_space<semaphore_mem>>)
      %dma_wait3A_433 = arith.constant 14336 : i32
      %dma_wait3A_434 = tpu.memref_slice %arg7[%dma_wait3A_433] : memref<16384xf32, #tpu.memory_space<vmem_shared>> -> memref<2048xf32, #tpu.memory_space<vmem_shared>>
      %dma_wait3A_435 = arith.constant 14336 : i32
      %dma_wait3A_436 = tpu.memref_slice %arg7[%dma_wait3A_435] : memref<16384xf32, #tpu.memory_space<vmem_shared>> -> memref<2048xf32, #tpu.memory_space<vmem_shared>>
      tpu.wait_dma2 semaphore(%run_scoped3A : memref<!tpu.dma_semaphore, #tpu.memory_space<semaphore_mem>>) src(%dma_wait3A_436 : memref<2048xf32, #tpu.memory_space<vmem_shared>>) dst(%arg17 : memref<2048xf32, #tpu.memory_space<vmem>>)
      tpu.yield
    }) : () -> ()
    %dma_wait3A_220 = arith.constant 14336 : i32
    %dma_wait3A_221 = tpu.memref_slice %arg3[%dma_wait3A_220] : memref<16384xi32, #tpu.memory_space<hbm>> -> memref<2048xi32, #tpu.memory_space<hbm>>
    %dma_wait3A_222 = arith.constant 14336 : i32
    %dma_wait3A_223 = tpu.memref_slice %arg3[%dma_wait3A_222] : memref<16384xi32, #tpu.memory_space<hbm>> -> memref<2048xi32, #tpu.memory_space<hbm>>
    tpu.wait_dma2 semaphore(%arg23 : memref<!tpu.dma_semaphore, #tpu.memory_space<semaphore_mem>>) src(%dma_wait3A_223 : memref<2048xi32, #tpu.memory_space<hbm>>) dst(%arg13 : memref<2048xi32, #tpu.memory_space<vmem>>)
    %dma_wait3A_224 = arith.constant 14336 : i32
    %dma_wait3A_225 = tpu.memref_slice %arg2[%add3A_41, %dma_wait3A_224] : memref<64x16384xf32, #tpu.memory_space<hbm>> -> memref<1x2048xf32, #tpu.memory_space<hbm>>
    %dma_wait3A_226 = tpu.memref_squeeze %dma_wait3A_225 : memref<1x2048xf32, #tpu.memory_space<hbm>> -> memref<2048xf32, #tpu.memory_space<hbm>>
    %dma_wait3A_227 = arith.constant 14336 : i32
    %dma_wait3A_228 = tpu.memref_slice %arg2[%add3A_41, %dma_wait3A_227] : memref<64x16384xf32, #tpu.memory_space<hbm>> -> memref<1x2048xf32, #tpu.memory_space<hbm>>
    %dma_wait3A_229 = tpu.memref_squeeze %dma_wait3A_228 : memref<1x2048xf32, #tpu.memory_space<hbm>> -> memref<2048xf32, #tpu.memory_space<hbm>>
    tpu.wait_dma2 semaphore(%arg23 : memref<!tpu.dma_semaphore, #tpu.memory_space<semaphore_mem>>) src(%dma_wait3A_229 : memref<2048xf32, #tpu.memory_space<hbm>>) dst(%arg15 : memref<2048xf32, #tpu.memory_space<vmem>>)
    %parallel_loop3A_230 = arith.constant 0 : i32
    %parallel_loop3A_231 = arith.constant 2048 : i32
    %parallel_loop3A_232 = arith.constant 16 : i32
    %parallel_loop3A_233 = scf.for %parallel_loop3A_429 = %parallel_loop3A_230 to %parallel_loop3A_231 step %parallel_loop3A_232 iter_args(%parallel_loop3A_430 = %parallel_loop3A_219) -> (vector<16xf32>)  : i32 {
      %parallel_loop3A_431 = arith.index_cast %parallel_loop3A_429 : i32 to index
      %parallel_loop3A_432 = tpu.vector_load %arg13[%parallel_loop3A_431] {strides = array<i32>} : memref<2048xi32, #tpu.memory_space<vmem>>, vector<16xi32>,
      %parallel_loop3A_433 = tpu.vector_load_idx %arg8[%parallel_loop3A_432] : memref<100000xf32, #tpu.memory_space<vmem>>[vector<16xi32>], vector<16xf32>,
      %parallel_loop3A_434 = arith.index_cast %parallel_loop3A_429 : i32 to index
      %parallel_loop3A_435 = tpu.vector_load %arg15[%parallel_loop3A_434] {strides = array<i32>} : memref<2048xf32, #tpu.memory_space<vmem>>, vector<16xf32>,
      %parallel_loop3A_436 = arith.index_cast %parallel_loop3A_429 : i32 to index
      %parallel_loop3A_437 = tpu.vector_load %arg17[%parallel_loop3A_436] {strides = array<i32>} : memref<2048xf32, #tpu.memory_space<vmem>>, vector<16xf32>,
      %parallel_loop3A_438 = arith.subf %parallel_loop3A_433, %parallel_loop3A_435 : vector<16xf32>
      %parallel_loop3A_439 = arith.mulf %parallel_loop3A_438, %parallel_loop3A_438 : vector<16xf32>
      %parallel_loop3A_440 = arith.mulf %parallel_loop3A_439, %parallel_loop3A_437 : vector<16xf32>
      %parallel_loop3A_441 = arith.addf %parallel_loop3A_430, %parallel_loop3A_440 : vector<16xf32>
      scf.yield %parallel_loop3A_441 : vector<16xf32>
    } {sc.loop_unroll_factor = 16 : i64, sc.parallel_access}
    %add3A_234 = arith.constant 1 : i32
    %add3A_235 = arith.addi %add3A_5, %add3A_234 : i32
    "tpu.region"() ({
      %run_scoped3A = tpu.sem_alloc : memref<!tpu.dma_semaphore, #tpu.memory_space<semaphore_mem>>
      %dma_start3A_429 = arith.constant 0 : i32
      %dma_start3A_430 = tpu.memref_slice %arg4[%add3A_235, %dma_start3A_429] : memref<64x100000xf32, #tpu.memory_space<hbm>> -> memref<1x100000xf32, #tpu.memory_space<hbm>>
      %dma_start3A_431 = tpu.memref_squeeze %dma_start3A_430 : memref<1x100000xf32, #tpu.memory_space<hbm>> -> memref<100000xf32, #tpu.memory_space<hbm>>
      %dma_start3A_432 = arith.constant 0 : i32
      %dma_start3A_433 = tpu.memref_slice %arg4[%add3A_235, %dma_start3A_432] : memref<64x100000xf32, #tpu.memory_space<hbm>> -> memref<1x100000xf32, #tpu.memory_space<hbm>>
      %dma_start3A_434 = tpu.memref_squeeze %dma_start3A_433 : memref<1x100000xf32, #tpu.memory_space<hbm>> -> memref<100000xf32, #tpu.memory_space<hbm>>
      tpu.enqueue_dma source(%dma_start3A_434 : memref<100000xf32, #tpu.memory_space<hbm>>) target(%arg8 : memref<100000xf32, #tpu.memory_space<vmem>>) target_semaphore(%run_scoped3A : memref<!tpu.dma_semaphore, #tpu.memory_space<semaphore_mem>>)
      %dma_wait3A_435 = arith.constant 0 : i32
      %dma_wait3A_436 = tpu.memref_slice %arg4[%add3A_235, %dma_wait3A_435] : memref<64x100000xf32, #tpu.memory_space<hbm>> -> memref<1x100000xf32, #tpu.memory_space<hbm>>
      %dma_wait3A_437 = tpu.memref_squeeze %dma_wait3A_436 : memref<1x100000xf32, #tpu.memory_space<hbm>> -> memref<100000xf32, #tpu.memory_space<hbm>>
      %dma_wait3A_438 = arith.constant 0 : i32
      %dma_wait3A_439 = tpu.memref_slice %arg4[%add3A_235, %dma_wait3A_438] : memref<64x100000xf32, #tpu.memory_space<hbm>> -> memref<1x100000xf32, #tpu.memory_space<hbm>>
      %dma_wait3A_440 = tpu.memref_squeeze %dma_wait3A_439 : memref<1x100000xf32, #tpu.memory_space<hbm>> -> memref<100000xf32, #tpu.memory_space<hbm>>
      tpu.wait_dma2 semaphore(%run_scoped3A : memref<!tpu.dma_semaphore, #tpu.memory_space<semaphore_mem>>) src(%dma_wait3A_440 : memref<100000xf32, #tpu.memory_space<hbm>>) dst(%arg8 : memref<100000xf32, #tpu.memory_space<vmem>>)
      tpu.yield
    }) : () -> ()
    %dma_start3A_236 = arith.constant 0 : i32
    %dma_start3A_237 = tpu.memref_slice %arg3[%dma_start3A_236] : memref<16384xi32, #tpu.memory_space<hbm>> -> memref<2048xi32, #tpu.memory_space<hbm>>
    %dma_start3A_238 = arith.constant 0 : i32
    %dma_start3A_239 = tpu.memref_slice %arg3[%dma_start3A_238] : memref<16384xi32, #tpu.memory_space<hbm>> -> memref<2048xi32, #tpu.memory_space<hbm>>
    tpu.enqueue_dma source(%dma_start3A_239 : memref<2048xi32, #tpu.memory_space<hbm>>) target(%arg12 : memref<2048xi32, #tpu.memory_space<vmem>>) target_semaphore(%arg22 : memref<!tpu.dma_semaphore, #tpu.memory_space<semaphore_mem>>)
    %dma_start3A_240 = arith.constant 0 : i32
    %dma_start3A_241 = tpu.memref_slice %arg2[%add3A_235, %dma_start3A_240] : memref<64x16384xf32, #tpu.memory_space<hbm>> -> memref<1x2048xf32, #tpu.memory_space<hbm>>
    %dma_start3A_242 = tpu.memref_squeeze %dma_start3A_241 : memref<1x2048xf32, #tpu.memory_space<hbm>> -> memref<2048xf32, #tpu.memory_space<hbm>>
    %dma_start3A_243 = arith.constant 0 : i32
    %dma_start3A_244 = tpu.memref_slice %arg2[%add3A_235, %dma_start3A_243] : memref<64x16384xf32, #tpu.memory_space<hbm>> -> memref<1x2048xf32, #tpu.memory_space<hbm>>
    %dma_start3A_245 = tpu.memref_squeeze %dma_start3A_244 : memref<1x2048xf32, #tpu.memory_space<hbm>> -> memref<2048xf32, #tpu.memory_space<hbm>>
    tpu.enqueue_dma source(%dma_start3A_245 : memref<2048xf32, #tpu.memory_space<hbm>>) target(%arg14 : memref<2048xf32, #tpu.memory_space<vmem>>) target_semaphore(%arg22 : memref<!tpu.dma_semaphore, #tpu.memory_space<semaphore_mem>>)
    %dma_start3A_246 = arith.constant 2048 : i32
    %dma_start3A_247 = tpu.memref_slice %arg3[%dma_start3A_246] : memref<16384xi32, #tpu.memory_space<hbm>> -> memref<2048xi32, #tpu.memory_space<hbm>>
    %dma_start3A_248 = arith.constant 2048 : i32
    %dma_start3A_249 = tpu.memref_slice %arg3[%dma_start3A_248] : memref<16384xi32, #tpu.memory_space<hbm>> -> memref<2048xi32, #tpu.memory_space<hbm>>
    tpu.enqueue_dma source(%dma_start3A_249 : memref<2048xi32, #tpu.memory_space<hbm>>) target(%arg13 : memref<2048xi32, #tpu.memory_space<vmem>>) target_semaphore(%arg23 : memref<!tpu.dma_semaphore, #tpu.memory_space<semaphore_mem>>)
    %dma_start3A_250 = arith.constant 2048 : i32
    %dma_start3A_251 = tpu.memref_slice %arg2[%add3A_235, %dma_start3A_250] : memref<64x16384xf32, #tpu.memory_space<hbm>> -> memref<1x2048xf32, #tpu.memory_space<hbm>>
    %dma_start3A_252 = tpu.memref_squeeze %dma_start3A_251 : memref<1x2048xf32, #tpu.memory_space<hbm>> -> memref<2048xf32, #tpu.memory_space<hbm>>
    %dma_start3A_253 = arith.constant 2048 : i32
    %dma_start3A_254 = tpu.memref_slice %arg2[%add3A_235, %dma_start3A_253] : memref<64x16384xf32, #tpu.memory_space<hbm>> -> memref<1x2048xf32, #tpu.memory_space<hbm>>
    %dma_start3A_255 = tpu.memref_squeeze %dma_start3A_254 : memref<1x2048xf32, #tpu.memory_space<hbm>> -> memref<2048xf32, #tpu.memory_space<hbm>>
    tpu.enqueue_dma source(%dma_start3A_255 : memref<2048xf32, #tpu.memory_space<hbm>>) target(%arg15 : memref<2048xf32, #tpu.memory_space<vmem>>) target_semaphore(%arg23 : memref<!tpu.dma_semaphore, #tpu.memory_space<semaphore_mem>>)
    "tpu.region"() ({
      %run_scoped3A = tpu.sem_alloc : memref<!tpu.dma_semaphore, #tpu.memory_space<semaphore_mem>>
      %dma_start3A_429 = arith.constant 0 : i32
      %dma_start3A_430 = tpu.memref_slice %arg7[%dma_start3A_429] : memref<16384xf32, #tpu.memory_space<vmem_shared>> -> memref<2048xf32, #tpu.memory_space<vmem_shared>>
      %dma_start3A_431 = arith.constant 0 : i32
      %dma_start3A_432 = tpu.memref_slice %arg7[%dma_start3A_431] : memref<16384xf32, #tpu.memory_space<vmem_shared>> -> memref<2048xf32, #tpu.memory_space<vmem_shared>>
      tpu.enqueue_dma source(%dma_start3A_432 : memref<2048xf32, #tpu.memory_space<vmem_shared>>) target(%arg16 : memref<2048xf32, #tpu.memory_space<vmem>>) target_semaphore(%run_scoped3A : memref<!tpu.dma_semaphore, #tpu.memory_space<semaphore_mem>>)
      %dma_wait3A_433 = arith.constant 0 : i32
      %dma_wait3A_434 = tpu.memref_slice %arg7[%dma_wait3A_433] : memref<16384xf32, #tpu.memory_space<vmem_shared>> -> memref<2048xf32, #tpu.memory_space<vmem_shared>>
      %dma_wait3A_435 = arith.constant 0 : i32
      %dma_wait3A_436 = tpu.memref_slice %arg7[%dma_wait3A_435] : memref<16384xf32, #tpu.memory_space<vmem_shared>> -> memref<2048xf32, #tpu.memory_space<vmem_shared>>
      tpu.wait_dma2 semaphore(%run_scoped3A : memref<!tpu.dma_semaphore, #tpu.memory_space<semaphore_mem>>) src(%dma_wait3A_436 : memref<2048xf32, #tpu.memory_space<vmem_shared>>) dst(%arg16 : memref<2048xf32, #tpu.memory_space<vmem>>)
      tpu.yield
    }) : () -> ()
    %dma_wait3A_256 = arith.constant 0 : i32
    %dma_wait3A_257 = tpu.memref_slice %arg3[%dma_wait3A_256] : memref<16384xi32, #tpu.memory_space<hbm>> -> memref<2048xi32, #tpu.memory_space<hbm>>
    %dma_wait3A_258 = arith.constant 0 : i32
    %dma_wait3A_259 = tpu.memref_slice %arg3[%dma_wait3A_258] : memref<16384xi32, #tpu.memory_space<hbm>> -> memref<2048xi32, #tpu.memory_space<hbm>>
    tpu.wait_dma2 semaphore(%arg22 : memref<!tpu.dma_semaphore, #tpu.memory_space<semaphore_mem>>) src(%dma_wait3A_259 : memref<2048xi32, #tpu.memory_space<hbm>>) dst(%arg12 : memref<2048xi32, #tpu.memory_space<vmem>>)
    %dma_wait3A_260 = arith.constant 0 : i32
    %dma_wait3A_261 = tpu.memref_slice %arg2[%add3A_235, %dma_wait3A_260] : memref<64x16384xf32, #tpu.memory_space<hbm>> -> memref<1x2048xf32, #tpu.memory_space<hbm>>
    %dma_wait3A_262 = tpu.memref_squeeze %dma_wait3A_261 : memref<1x2048xf32, #tpu.memory_space<hbm>> -> memref<2048xf32, #tpu.memory_space<hbm>>
    %dma_wait3A_263 = arith.constant 0 : i32
    %dma_wait3A_264 = tpu.memref_slice %arg2[%add3A_235, %dma_wait3A_263] : memref<64x16384xf32, #tpu.memory_space<hbm>> -> memref<1x2048xf32, #tpu.memory_space<hbm>>
    %dma_wait3A_265 = tpu.memref_squeeze %dma_wait3A_264 : memref<1x2048xf32, #tpu.memory_space<hbm>> -> memref<2048xf32, #tpu.memory_space<hbm>>
    tpu.wait_dma2 semaphore(%arg22 : memref<!tpu.dma_semaphore, #tpu.memory_space<semaphore_mem>>) src(%dma_wait3A_265 : memref<2048xf32, #tpu.memory_space<hbm>>) dst(%arg14 : memref<2048xf32, #tpu.memory_space<vmem>>)
    %parallel_loop3A_266 = arith.constant 0 : i32
    %parallel_loop3A_267 = arith.constant 2048 : i32
    %parallel_loop3A_268 = arith.constant 16 : i32
    %parallel_loop3A_269 = scf.for %parallel_loop3A_429 = %parallel_loop3A_266 to %parallel_loop3A_267 step %parallel_loop3A_268 iter_args(%parallel_loop3A_430 = %parallel_loop3A_233) -> (vector<16xf32>)  : i32 {
      %parallel_loop3A_431 = arith.index_cast %parallel_loop3A_429 : i32 to index
      %parallel_loop3A_432 = tpu.vector_load %arg12[%parallel_loop3A_431] {strides = array<i32>} : memref<2048xi32, #tpu.memory_space<vmem>>, vector<16xi32>,
      %parallel_loop3A_433 = tpu.vector_load_idx %arg8[%parallel_loop3A_432] : memref<100000xf32, #tpu.memory_space<vmem>>[vector<16xi32>], vector<16xf32>,
      %parallel_loop3A_434 = arith.index_cast %parallel_loop3A_429 : i32 to index
      %parallel_loop3A_435 = tpu.vector_load %arg14[%parallel_loop3A_434] {strides = array<i32>} : memref<2048xf32, #tpu.memory_space<vmem>>, vector<16xf32>,
      %parallel_loop3A_436 = arith.index_cast %parallel_loop3A_429 : i32 to index
      %parallel_loop3A_437 = tpu.vector_load %arg16[%parallel_loop3A_436] {strides = array<i32>} : memref<2048xf32, #tpu.memory_space<vmem>>, vector<16xf32>,
      %parallel_loop3A_438 = arith.subf %parallel_loop3A_433, %parallel_loop3A_435 : vector<16xf32>
      %parallel_loop3A_439 = arith.mulf %parallel_loop3A_438, %parallel_loop3A_438 : vector<16xf32>
      %parallel_loop3A_440 = arith.mulf %parallel_loop3A_439, %parallel_loop3A_437 : vector<16xf32>
      %parallel_loop3A_441 = arith.addf %parallel_loop3A_430, %parallel_loop3A_440 : vector<16xf32>
      scf.yield %parallel_loop3A_441 : vector<16xf32>
    } {sc.loop_unroll_factor = 16 : i64, sc.parallel_access}
    %dma_start3A_270 = arith.constant 4096 : i32
    %dma_start3A_271 = tpu.memref_slice %arg3[%dma_start3A_270] : memref<16384xi32, #tpu.memory_space<hbm>> -> memref<2048xi32, #tpu.memory_space<hbm>>
    %dma_start3A_272 = arith.constant 4096 : i32
    %dma_start3A_273 = tpu.memref_slice %arg3[%dma_start3A_272] : memref<16384xi32, #tpu.memory_space<hbm>> -> memref<2048xi32, #tpu.memory_space<hbm>>
    tpu.enqueue_dma source(%dma_start3A_273 : memref<2048xi32, #tpu.memory_space<hbm>>) target(%arg12 : memref<2048xi32, #tpu.memory_space<vmem>>) target_semaphore(%arg22 : memref<!tpu.dma_semaphore, #tpu.memory_space<semaphore_mem>>)
    %dma_start3A_274 = arith.constant 4096 : i32
    %dma_start3A_275 = tpu.memref_slice %arg2[%add3A_235, %dma_start3A_274] : memref<64x16384xf32, #tpu.memory_space<hbm>> -> memref<1x2048xf32, #tpu.memory_space<hbm>>
    %dma_start3A_276 = tpu.memref_squeeze %dma_start3A_275 : memref<1x2048xf32, #tpu.memory_space<hbm>> -> memref<2048xf32, #tpu.memory_space<hbm>>
    %dma_start3A_277 = arith.constant 4096 : i32
    %dma_start3A_278 = tpu.memref_slice %arg2[%add3A_235, %dma_start3A_277] : memref<64x16384xf32, #tpu.memory_space<hbm>> -> memref<1x2048xf32, #tpu.memory_space<hbm>>
    %dma_start3A_279 = tpu.memref_squeeze %dma_start3A_278 : memref<1x2048xf32, #tpu.memory_space<hbm>> -> memref<2048xf32, #tpu.memory_space<hbm>>
    tpu.enqueue_dma source(%dma_start3A_279 : memref<2048xf32, #tpu.memory_space<hbm>>) target(%arg14 : memref<2048xf32, #tpu.memory_space<vmem>>) target_semaphore(%arg22 : memref<!tpu.dma_semaphore, #tpu.memory_space<semaphore_mem>>)
    "tpu.region"() ({
      %run_scoped3A = tpu.sem_alloc : memref<!tpu.dma_semaphore, #tpu.memory_space<semaphore_mem>>
      %dma_start3A_429 = arith.constant 2048 : i32
      %dma_start3A_430 = tpu.memref_slice %arg7[%dma_start3A_429] : memref<16384xf32, #tpu.memory_space<vmem_shared>> -> memref<2048xf32, #tpu.memory_space<vmem_shared>>
      %dma_start3A_431 = arith.constant 2048 : i32
      %dma_start3A_432 = tpu.memref_slice %arg7[%dma_start3A_431] : memref<16384xf32, #tpu.memory_space<vmem_shared>> -> memref<2048xf32, #tpu.memory_space<vmem_shared>>
      tpu.enqueue_dma source(%dma_start3A_432 : memref<2048xf32, #tpu.memory_space<vmem_shared>>) target(%arg17 : memref<2048xf32, #tpu.memory_space<vmem>>) target_semaphore(%run_scoped3A : memref<!tpu.dma_semaphore, #tpu.memory_space<semaphore_mem>>)
      %dma_wait3A_433 = arith.constant 2048 : i32
      %dma_wait3A_434 = tpu.memref_slice %arg7[%dma_wait3A_433] : memref<16384xf32, #tpu.memory_space<vmem_shared>> -> memref<2048xf32, #tpu.memory_space<vmem_shared>>
      %dma_wait3A_435 = arith.constant 2048 : i32
      %dma_wait3A_436 = tpu.memref_slice %arg7[%dma_wait3A_435] : memref<16384xf32, #tpu.memory_space<vmem_shared>> -> memref<2048xf32, #tpu.memory_space<vmem_shared>>
      tpu.wait_dma2 semaphore(%run_scoped3A : memref<!tpu.dma_semaphore, #tpu.memory_space<semaphore_mem>>) src(%dma_wait3A_436 : memref<2048xf32, #tpu.memory_space<vmem_shared>>) dst(%arg17 : memref<2048xf32, #tpu.memory_space<vmem>>)
      tpu.yield
    }) : () -> ()
    %dma_wait3A_280 = arith.constant 2048 : i32
    %dma_wait3A_281 = tpu.memref_slice %arg3[%dma_wait3A_280] : memref<16384xi32, #tpu.memory_space<hbm>> -> memref<2048xi32, #tpu.memory_space<hbm>>
    %dma_wait3A_282 = arith.constant 2048 : i32
    %dma_wait3A_283 = tpu.memref_slice %arg3[%dma_wait3A_282] : memref<16384xi32, #tpu.memory_space<hbm>> -> memref<2048xi32, #tpu.memory_space<hbm>>
    tpu.wait_dma2 semaphore(%arg23 : memref<!tpu.dma_semaphore, #tpu.memory_space<semaphore_mem>>) src(%dma_wait3A_283 : memref<2048xi32, #tpu.memory_space<hbm>>) dst(%arg13 : memref<2048xi32, #tpu.memory_space<vmem>>)
    %dma_wait3A_284 = arith.constant 2048 : i32
    %dma_wait3A_285 = tpu.memref_slice %arg2[%add3A_235, %dma_wait3A_284] : memref<64x16384xf32, #tpu.memory_space<hbm>> -> memref<1x2048xf32, #tpu.memory_space<hbm>>
    %dma_wait3A_286 = tpu.memref_squeeze %dma_wait3A_285 : memref<1x2048xf32, #tpu.memory_space<hbm>> -> memref<2048xf32, #tpu.memory_space<hbm>>
    %dma_wait3A_287 = arith.constant 2048 : i32
    %dma_wait3A_288 = tpu.memref_slice %arg2[%add3A_235, %dma_wait3A_287] : memref<64x16384xf32, #tpu.memory_space<hbm>> -> memref<1x2048xf32, #tpu.memory_space<hbm>>
    %dma_wait3A_289 = tpu.memref_squeeze %dma_wait3A_288 : memref<1x2048xf32, #tpu.memory_space<hbm>> -> memref<2048xf32, #tpu.memory_space<hbm>>
    tpu.wait_dma2 semaphore(%arg23 : memref<!tpu.dma_semaphore, #tpu.memory_space<semaphore_mem>>) src(%dma_wait3A_289 : memref<2048xf32, #tpu.memory_space<hbm>>) dst(%arg15 : memref<2048xf32, #tpu.memory_space<vmem>>)
    %parallel_loop3A_290 = arith.constant 0 : i32
    %parallel_loop3A_291 = arith.constant 2048 : i32
    %parallel_loop3A_292 = arith.constant 16 : i32
    %parallel_loop3A_293 = scf.for %parallel_loop3A_429 = %parallel_loop3A_290 to %parallel_loop3A_291 step %parallel_loop3A_292 iter_args(%parallel_loop3A_430 = %parallel_loop3A_269) -> (vector<16xf32>)  : i32 {
      %parallel_loop3A_431 = arith.index_cast %parallel_loop3A_429 : i32 to index
      %parallel_loop3A_432 = tpu.vector_load %arg13[%parallel_loop3A_431] {strides = array<i32>} : memref<2048xi32, #tpu.memory_space<vmem>>, vector<16xi32>,
      %parallel_loop3A_433 = tpu.vector_load_idx %arg8[%parallel_loop3A_432] : memref<100000xf32, #tpu.memory_space<vmem>>[vector<16xi32>], vector<16xf32>,
      %parallel_loop3A_434 = arith.index_cast %parallel_loop3A_429 : i32 to index
      %parallel_loop3A_435 = tpu.vector_load %arg15[%parallel_loop3A_434] {strides = array<i32>} : memref<2048xf32, #tpu.memory_space<vmem>>, vector<16xf32>,
      %parallel_loop3A_436 = arith.index_cast %parallel_loop3A_429 : i32 to index
      %parallel_loop3A_437 = tpu.vector_load %arg17[%parallel_loop3A_436] {strides = array<i32>} : memref<2048xf32, #tpu.memory_space<vmem>>, vector<16xf32>,
      %parallel_loop3A_438 = arith.subf %parallel_loop3A_433, %parallel_loop3A_435 : vector<16xf32>
      %parallel_loop3A_439 = arith.mulf %parallel_loop3A_438, %parallel_loop3A_438 : vector<16xf32>
      %parallel_loop3A_440 = arith.mulf %parallel_loop3A_439, %parallel_loop3A_437 : vector<16xf32>
      %parallel_loop3A_441 = arith.addf %parallel_loop3A_430, %parallel_loop3A_440 : vector<16xf32>
      scf.yield %parallel_loop3A_441 : vector<16xf32>
    } {sc.loop_unroll_factor = 16 : i64, sc.parallel_access}
    %dma_start3A_294 = arith.constant 6144 : i32
    %dma_start3A_295 = tpu.memref_slice %arg3[%dma_start3A_294] : memref<16384xi32, #tpu.memory_space<hbm>> -> memref<2048xi32, #tpu.memory_space<hbm>>
    %dma_start3A_296 = arith.constant 6144 : i32
    %dma_start3A_297 = tpu.memref_slice %arg3[%dma_start3A_296] : memref<16384xi32, #tpu.memory_space<hbm>> -> memref<2048xi32, #tpu.memory_space<hbm>>
    tpu.enqueue_dma source(%dma_start3A_297 : memref<2048xi32, #tpu.memory_space<hbm>>) target(%arg13 : memref<2048xi32, #tpu.memory_space<vmem>>) target_semaphore(%arg23 : memref<!tpu.dma_semaphore, #tpu.memory_space<semaphore_mem>>)
    %dma_start3A_298 = arith.constant 6144 : i32
    %dma_start3A_299 = tpu.memref_slice %arg2[%add3A_235, %dma_start3A_298] : memref<64x16384xf32, #tpu.memory_space<hbm>> -> memref<1x2048xf32, #tpu.memory_space<hbm>>
    %dma_start3A_300 = tpu.memref_squeeze %dma_start3A_299 : memref<1x2048xf32, #tpu.memory_space<hbm>> -> memref<2048xf32, #tpu.memory_space<hbm>>
    %dma_start3A_301 = arith.constant 6144 : i32
    %dma_start3A_302 = tpu.memref_slice %arg2[%add3A_235, %dma_start3A_301] : memref<64x16384xf32, #tpu.memory_space<hbm>> -> memref<1x2048xf32, #tpu.memory_space<hbm>>
    %dma_start3A_303 = tpu.memref_squeeze %dma_start3A_302 : memref<1x2048xf32, #tpu.memory_space<hbm>> -> memref<2048xf32, #tpu.memory_space<hbm>>
    tpu.enqueue_dma source(%dma_start3A_303 : memref<2048xf32, #tpu.memory_space<hbm>>) target(%arg15 : memref<2048xf32, #tpu.memory_space<vmem>>) target_semaphore(%arg23 : memref<!tpu.dma_semaphore, #tpu.memory_space<semaphore_mem>>)
    "tpu.region"() ({
      %run_scoped3A = tpu.sem_alloc : memref<!tpu.dma_semaphore, #tpu.memory_space<semaphore_mem>>
      %dma_start3A_429 = arith.constant 4096 : i32
      %dma_start3A_430 = tpu.memref_slice %arg7[%dma_start3A_429] : memref<16384xf32, #tpu.memory_space<vmem_shared>> -> memref<2048xf32, #tpu.memory_space<vmem_shared>>
      %dma_start3A_431 = arith.constant 4096 : i32
      %dma_start3A_432 = tpu.memref_slice %arg7[%dma_start3A_431] : memref<16384xf32, #tpu.memory_space<vmem_shared>> -> memref<2048xf32, #tpu.memory_space<vmem_shared>>
      tpu.enqueue_dma source(%dma_start3A_432 : memref<2048xf32, #tpu.memory_space<vmem_shared>>) target(%arg16 : memref<2048xf32, #tpu.memory_space<vmem>>) target_semaphore(%run_scoped3A : memref<!tpu.dma_semaphore, #tpu.memory_space<semaphore_mem>>)
      %dma_wait3A_433 = arith.constant 4096 : i32
      %dma_wait3A_434 = tpu.memref_slice %arg7[%dma_wait3A_433] : memref<16384xf32, #tpu.memory_space<vmem_shared>> -> memref<2048xf32, #tpu.memory_space<vmem_shared>>
      %dma_wait3A_435 = arith.constant 4096 : i32
      %dma_wait3A_436 = tpu.memref_slice %arg7[%dma_wait3A_435] : memref<16384xf32, #tpu.memory_space<vmem_shared>> -> memref<2048xf32, #tpu.memory_space<vmem_shared>>
      tpu.wait_dma2 semaphore(%run_scoped3A : memref<!tpu.dma_semaphore, #tpu.memory_space<semaphore_mem>>) src(%dma_wait3A_436 : memref<2048xf32, #tpu.memory_space<vmem_shared>>) dst(%arg16 : memref<2048xf32, #tpu.memory_space<vmem>>)
      tpu.yield
    }) : () -> ()
    %dma_wait3A_304 = arith.constant 4096 : i32
    %dma_wait3A_305 = tpu.memref_slice %arg3[%dma_wait3A_304] : memref<16384xi32, #tpu.memory_space<hbm>> -> memref<2048xi32, #tpu.memory_space<hbm>>
    %dma_wait3A_306 = arith.constant 4096 : i32
    %dma_wait3A_307 = tpu.memref_slice %arg3[%dma_wait3A_306] : memref<16384xi32, #tpu.memory_space<hbm>> -> memref<2048xi32, #tpu.memory_space<hbm>>
    tpu.wait_dma2 semaphore(%arg22 : memref<!tpu.dma_semaphore, #tpu.memory_space<semaphore_mem>>) src(%dma_wait3A_307 : memref<2048xi32, #tpu.memory_space<hbm>>) dst(%arg12 : memref<2048xi32, #tpu.memory_space<vmem>>)
    %dma_wait3A_308 = arith.constant 4096 : i32
    %dma_wait3A_309 = tpu.memref_slice %arg2[%add3A_235, %dma_wait3A_308] : memref<64x16384xf32, #tpu.memory_space<hbm>> -> memref<1x2048xf32, #tpu.memory_space<hbm>>
    %dma_wait3A_310 = tpu.memref_squeeze %dma_wait3A_309 : memref<1x2048xf32, #tpu.memory_space<hbm>> -> memref<2048xf32, #tpu.memory_space<hbm>>
    %dma_wait3A_311 = arith.constant 4096 : i32
    %dma_wait3A_312 = tpu.memref_slice %arg2[%add3A_235, %dma_wait3A_311] : memref<64x16384xf32, #tpu.memory_space<hbm>> -> memref<1x2048xf32, #tpu.memory_space<hbm>>
    %dma_wait3A_313 = tpu.memref_squeeze %dma_wait3A_312 : memref<1x2048xf32, #tpu.memory_space<hbm>> -> memref<2048xf32, #tpu.memory_space<hbm>>
    tpu.wait_dma2 semaphore(%arg22 : memref<!tpu.dma_semaphore, #tpu.memory_space<semaphore_mem>>) src(%dma_wait3A_313 : memref<2048xf32, #tpu.memory_space<hbm>>) dst(%arg14 : memref<2048xf32, #tpu.memory_space<vmem>>)
    %parallel_loop3A_314 = arith.constant 0 : i32
    %parallel_loop3A_315 = arith.constant 2048 : i32
    %parallel_loop3A_316 = arith.constant 16 : i32
    %parallel_loop3A_317 = scf.for %parallel_loop3A_429 = %parallel_loop3A_314 to %parallel_loop3A_315 step %parallel_loop3A_316 iter_args(%parallel_loop3A_430 = %parallel_loop3A_293) -> (vector<16xf32>)  : i32 {
      %parallel_loop3A_431 = arith.index_cast %parallel_loop3A_429 : i32 to index
      %parallel_loop3A_432 = tpu.vector_load %arg12[%parallel_loop3A_431] {strides = array<i32>} : memref<2048xi32, #tpu.memory_space<vmem>>, vector<16xi32>,
      %parallel_loop3A_433 = tpu.vector_load_idx %arg8[%parallel_loop3A_432] : memref<100000xf32, #tpu.memory_space<vmem>>[vector<16xi32>], vector<16xf32>,
      %parallel_loop3A_434 = arith.index_cast %parallel_loop3A_429 : i32 to index
      %parallel_loop3A_435 = tpu.vector_load %arg14[%parallel_loop3A_434] {strides = array<i32>} : memref<2048xf32, #tpu.memory_space<vmem>>, vector<16xf32>,
      %parallel_loop3A_436 = arith.index_cast %parallel_loop3A_429 : i32 to index
      %parallel_loop3A_437 = tpu.vector_load %arg16[%parallel_loop3A_436] {strides = array<i32>} : memref<2048xf32, #tpu.memory_space<vmem>>, vector<16xf32>,
      %parallel_loop3A_438 = arith.subf %parallel_loop3A_433, %parallel_loop3A_435 : vector<16xf32>
      %parallel_loop3A_439 = arith.mulf %parallel_loop3A_438, %parallel_loop3A_438 : vector<16xf32>
      %parallel_loop3A_440 = arith.mulf %parallel_loop3A_439, %parallel_loop3A_437 : vector<16xf32>
      %parallel_loop3A_441 = arith.addf %parallel_loop3A_430, %parallel_loop3A_440 : vector<16xf32>
      scf.yield %parallel_loop3A_441 : vector<16xf32>
    } {sc.loop_unroll_factor = 16 : i64, sc.parallel_access}
    %dma_start3A_318 = arith.constant 8192 : i32
    %dma_start3A_319 = tpu.memref_slice %arg3[%dma_start3A_318] : memref<16384xi32, #tpu.memory_space<hbm>> -> memref<2048xi32, #tpu.memory_space<hbm>>
    %dma_start3A_320 = arith.constant 8192 : i32
    %dma_start3A_321 = tpu.memref_slice %arg3[%dma_start3A_320] : memref<16384xi32, #tpu.memory_space<hbm>> -> memref<2048xi32, #tpu.memory_space<hbm>>
    tpu.enqueue_dma source(%dma_start3A_321 : memref<2048xi32, #tpu.memory_space<hbm>>) target(%arg12 : memref<2048xi32, #tpu.memory_space<vmem>>) target_semaphore(%arg22 : memref<!tpu.dma_semaphore, #tpu.memory_space<semaphore_mem>>)
    %dma_start3A_322 = arith.constant 8192 : i32
    %dma_start3A_323 = tpu.memref_slice %arg2[%add3A_235, %dma_start3A_322] : memref<64x16384xf32, #tpu.memory_space<hbm>> -> memref<1x2048xf32, #tpu.memory_space<hbm>>
    %dma_start3A_324 = tpu.memref_squeeze %dma_start3A_323 : memref<1x2048xf32, #tpu.memory_space<hbm>> -> memref<2048xf32, #tpu.memory_space<hbm>>
    %dma_start3A_325 = arith.constant 8192 : i32
    %dma_start3A_326 = tpu.memref_slice %arg2[%add3A_235, %dma_start3A_325] : memref<64x16384xf32, #tpu.memory_space<hbm>> -> memref<1x2048xf32, #tpu.memory_space<hbm>>
    %dma_start3A_327 = tpu.memref_squeeze %dma_start3A_326 : memref<1x2048xf32, #tpu.memory_space<hbm>> -> memref<2048xf32, #tpu.memory_space<hbm>>
    tpu.enqueue_dma source(%dma_start3A_327 : memref<2048xf32, #tpu.memory_space<hbm>>) target(%arg14 : memref<2048xf32, #tpu.memory_space<vmem>>) target_semaphore(%arg22 : memref<!tpu.dma_semaphore, #tpu.memory_space<semaphore_mem>>)
    "tpu.region"() ({
      %run_scoped3A = tpu.sem_alloc : memref<!tpu.dma_semaphore, #tpu.memory_space<semaphore_mem>>
      %dma_start3A_429 = arith.constant 6144 : i32
      %dma_start3A_430 = tpu.memref_slice %arg7[%dma_start3A_429] : memref<16384xf32, #tpu.memory_space<vmem_shared>> -> memref<2048xf32, #tpu.memory_space<vmem_shared>>
      %dma_start3A_431 = arith.constant 6144 : i32
      %dma_start3A_432 = tpu.memref_slice %arg7[%dma_start3A_431] : memref<16384xf32, #tpu.memory_space<vmem_shared>> -> memref<2048xf32, #tpu.memory_space<vmem_shared>>
      tpu.enqueue_dma source(%dma_start3A_432 : memref<2048xf32, #tpu.memory_space<vmem_shared>>) target(%arg17 : memref<2048xf32, #tpu.memory_space<vmem>>) target_semaphore(%run_scoped3A : memref<!tpu.dma_semaphore, #tpu.memory_space<semaphore_mem>>)
      %dma_wait3A_433 = arith.constant 6144 : i32
      %dma_wait3A_434 = tpu.memref_slice %arg7[%dma_wait3A_433] : memref<16384xf32, #tpu.memory_space<vmem_shared>> -> memref<2048xf32, #tpu.memory_space<vmem_shared>>
      %dma_wait3A_435 = arith.constant 6144 : i32
      %dma_wait3A_436 = tpu.memref_slice %arg7[%dma_wait3A_435] : memref<16384xf32, #tpu.memory_space<vmem_shared>> -> memref<2048xf32, #tpu.memory_space<vmem_shared>>
      tpu.wait_dma2 semaphore(%run_scoped3A : memref<!tpu.dma_semaphore, #tpu.memory_space<semaphore_mem>>) src(%dma_wait3A_436 : memref<2048xf32, #tpu.memory_space<vmem_shared>>) dst(%arg17 : memref<2048xf32, #tpu.memory_space<vmem>>)
      tpu.yield
    }) : () -> ()
    %dma_wait3A_328 = arith.constant 6144 : i32
    %dma_wait3A_329 = tpu.memref_slice %arg3[%dma_wait3A_328] : memref<16384xi32, #tpu.memory_space<hbm>> -> memref<2048xi32, #tpu.memory_space<hbm>>
    %dma_wait3A_330 = arith.constant 6144 : i32
    %dma_wait3A_331 = tpu.memref_slice %arg3[%dma_wait3A_330] : memref<16384xi32, #tpu.memory_space<hbm>> -> memref<2048xi32, #tpu.memory_space<hbm>>
    tpu.wait_dma2 semaphore(%arg23 : memref<!tpu.dma_semaphore, #tpu.memory_space<semaphore_mem>>) src(%dma_wait3A_331 : memref<2048xi32, #tpu.memory_space<hbm>>) dst(%arg13 : memref<2048xi32, #tpu.memory_space<vmem>>)
    %dma_wait3A_332 = arith.constant 6144 : i32
    %dma_wait3A_333 = tpu.memref_slice %arg2[%add3A_235, %dma_wait3A_332] : memref<64x16384xf32, #tpu.memory_space<hbm>> -> memref<1x2048xf32, #tpu.memory_space<hbm>>
    %dma_wait3A_334 = tpu.memref_squeeze %dma_wait3A_333 : memref<1x2048xf32, #tpu.memory_space<hbm>> -> memref<2048xf32, #tpu.memory_space<hbm>>
    %dma_wait3A_335 = arith.constant 6144 : i32
    %dma_wait3A_336 = tpu.memref_slice %arg2[%add3A_235, %dma_wait3A_335] : memref<64x16384xf32, #tpu.memory_space<hbm>> -> memref<1x2048xf32, #tpu.memory_space<hbm>>
    %dma_wait3A_337 = tpu.memref_squeeze %dma_wait3A_336 : memref<1x2048xf32, #tpu.memory_space<hbm>> -> memref<2048xf32, #tpu.memory_space<hbm>>
    tpu.wait_dma2 semaphore(%arg23 : memref<!tpu.dma_semaphore, #tpu.memory_space<semaphore_mem>>) src(%dma_wait3A_337 : memref<2048xf32, #tpu.memory_space<hbm>>) dst(%arg15 : memref<2048xf32, #tpu.memory_space<vmem>>)
    %parallel_loop3A_338 = arith.constant 0 : i32
    %parallel_loop3A_339 = arith.constant 2048 : i32
    %parallel_loop3A_340 = arith.constant 16 : i32
    %parallel_loop3A_341 = scf.for %parallel_loop3A_429 = %parallel_loop3A_338 to %parallel_loop3A_339 step %parallel_loop3A_340 iter_args(%parallel_loop3A_430 = %parallel_loop3A_317) -> (vector<16xf32>)  : i32 {
      %parallel_loop3A_431 = arith.index_cast %parallel_loop3A_429 : i32 to index
      %parallel_loop3A_432 = tpu.vector_load %arg13[%parallel_loop3A_431] {strides = array<i32>} : memref<2048xi32, #tpu.memory_space<vmem>>, vector<16xi32>,
      %parallel_loop3A_433 = tpu.vector_load_idx %arg8[%parallel_loop3A_432] : memref<100000xf32, #tpu.memory_space<vmem>>[vector<16xi32>], vector<16xf32>,
      %parallel_loop3A_434 = arith.index_cast %parallel_loop3A_429 : i32 to index
      %parallel_loop3A_435 = tpu.vector_load %arg15[%parallel_loop3A_434] {strides = array<i32>} : memref<2048xf32, #tpu.memory_space<vmem>>, vector<16xf32>,
      %parallel_loop3A_436 = arith.index_cast %parallel_loop3A_429 : i32 to index
      %parallel_loop3A_437 = tpu.vector_load %arg17[%parallel_loop3A_436] {strides = array<i32>} : memref<2048xf32, #tpu.memory_space<vmem>>, vector<16xf32>,
      %parallel_loop3A_438 = arith.subf %parallel_loop3A_433, %parallel_loop3A_435 : vector<16xf32>
      %parallel_loop3A_439 = arith.mulf %parallel_loop3A_438, %parallel_loop3A_438 : vector<16xf32>
      %parallel_loop3A_440 = arith.mulf %parallel_loop3A_439, %parallel_loop3A_437 : vector<16xf32>
      %parallel_loop3A_441 = arith.addf %parallel_loop3A_430, %parallel_loop3A_440 : vector<16xf32>
      scf.yield %parallel_loop3A_441 : vector<16xf32>
    } {sc.loop_unroll_factor = 16 : i64, sc.parallel_access}
    %dma_start3A_342 = arith.constant 10240 : i32
    %dma_start3A_343 = tpu.memref_slice %arg3[%dma_start3A_342] : memref<16384xi32, #tpu.memory_space<hbm>> -> memref<2048xi32, #tpu.memory_space<hbm>>
    %dma_start3A_344 = arith.constant 10240 : i32
    %dma_start3A_345 = tpu.memref_slice %arg3[%dma_start3A_344] : memref<16384xi32, #tpu.memory_space<hbm>> -> memref<2048xi32, #tpu.memory_space<hbm>>
    tpu.enqueue_dma source(%dma_start3A_345 : memref<2048xi32, #tpu.memory_space<hbm>>) target(%arg13 : memref<2048xi32, #tpu.memory_space<vmem>>) target_semaphore(%arg23 : memref<!tpu.dma_semaphore, #tpu.memory_space<semaphore_mem>>)
    %dma_start3A_346 = arith.constant 10240 : i32
    %dma_start3A_347 = tpu.memref_slice %arg2[%add3A_235, %dma_start3A_346] : memref<64x16384xf32, #tpu.memory_space<hbm>> -> memref<1x2048xf32, #tpu.memory_space<hbm>>
    %dma_start3A_348 = tpu.memref_squeeze %dma_start3A_347 : memref<1x2048xf32, #tpu.memory_space<hbm>> -> memref<2048xf32, #tpu.memory_space<hbm>>
    %dma_start3A_349 = arith.constant 10240 : i32
    %dma_start3A_350 = tpu.memref_slice %arg2[%add3A_235, %dma_start3A_349] : memref<64x16384xf32, #tpu.memory_space<hbm>> -> memref<1x2048xf32, #tpu.memory_space<hbm>>
    %dma_start3A_351 = tpu.memref_squeeze %dma_start3A_350 : memref<1x2048xf32, #tpu.memory_space<hbm>> -> memref<2048xf32, #tpu.memory_space<hbm>>
    tpu.enqueue_dma source(%dma_start3A_351 : memref<2048xf32, #tpu.memory_space<hbm>>) target(%arg15 : memref<2048xf32, #tpu.memory_space<vmem>>) target_semaphore(%arg23 : memref<!tpu.dma_semaphore, #tpu.memory_space<semaphore_mem>>)
    "tpu.region"() ({
      %run_scoped3A = tpu.sem_alloc : memref<!tpu.dma_semaphore, #tpu.memory_space<semaphore_mem>>
      %dma_start3A_429 = arith.constant 8192 : i32
      %dma_start3A_430 = tpu.memref_slice %arg7[%dma_start3A_429] : memref<16384xf32, #tpu.memory_space<vmem_shared>> -> memref<2048xf32, #tpu.memory_space<vmem_shared>>
      %dma_start3A_431 = arith.constant 8192 : i32
      %dma_start3A_432 = tpu.memref_slice %arg7[%dma_start3A_431] : memref<16384xf32, #tpu.memory_space<vmem_shared>> -> memref<2048xf32, #tpu.memory_space<vmem_shared>>
      tpu.enqueue_dma source(%dma_start3A_432 : memref<2048xf32, #tpu.memory_space<vmem_shared>>) target(%arg16 : memref<2048xf32, #tpu.memory_space<vmem>>) target_semaphore(%run_scoped3A : memref<!tpu.dma_semaphore, #tpu.memory_space<semaphore_mem>>)
      %dma_wait3A_433 = arith.constant 8192 : i32
      %dma_wait3A_434 = tpu.memref_slice %arg7[%dma_wait3A_433] : memref<16384xf32, #tpu.memory_space<vmem_shared>> -> memref<2048xf32, #tpu.memory_space<vmem_shared>>
      %dma_wait3A_435 = arith.constant 8192 : i32
      %dma_wait3A_436 = tpu.memref_slice %arg7[%dma_wait3A_435] : memref<16384xf32, #tpu.memory_space<vmem_shared>> -> memref<2048xf32, #tpu.memory_space<vmem_shared>>
      tpu.wait_dma2 semaphore(%run_scoped3A : memref<!tpu.dma_semaphore, #tpu.memory_space<semaphore_mem>>) src(%dma_wait3A_436 : memref<2048xf32, #tpu.memory_space<vmem_shared>>) dst(%arg16 : memref<2048xf32, #tpu.memory_space<vmem>>)
      tpu.yield
    }) : () -> ()
    %dma_wait3A_352 = arith.constant 8192 : i32
    %dma_wait3A_353 = tpu.memref_slice %arg3[%dma_wait3A_352] : memref<16384xi32, #tpu.memory_space<hbm>> -> memref<2048xi32, #tpu.memory_space<hbm>>
    %dma_wait3A_354 = arith.constant 8192 : i32
    %dma_wait3A_355 = tpu.memref_slice %arg3[%dma_wait3A_354] : memref<16384xi32, #tpu.memory_space<hbm>> -> memref<2048xi32, #tpu.memory_space<hbm>>
    tpu.wait_dma2 semaphore(%arg22 : memref<!tpu.dma_semaphore, #tpu.memory_space<semaphore_mem>>) src(%dma_wait3A_355 : memref<2048xi32, #tpu.memory_space<hbm>>) dst(%arg12 : memref<2048xi32, #tpu.memory_space<vmem>>)
    %dma_wait3A_356 = arith.constant 8192 : i32
    %dma_wait3A_357 = tpu.memref_slice %arg2[%add3A_235, %dma_wait3A_356] : memref<64x16384xf32, #tpu.memory_space<hbm>> -> memref<1x2048xf32, #tpu.memory_space<hbm>>
    %dma_wait3A_358 = tpu.memref_squeeze %dma_wait3A_357 : memref<1x2048xf32, #tpu.memory_space<hbm>> -> memref<2048xf32, #tpu.memory_space<hbm>>
    %dma_wait3A_359 = arith.constant 8192 : i32
    %dma_wait3A_360 = tpu.memref_slice %arg2[%add3A_235, %dma_wait3A_359] : memref<64x16384xf32, #tpu.memory_space<hbm>> -> memref<1x2048xf32, #tpu.memory_space<hbm>>
    %dma_wait3A_361 = tpu.memref_squeeze %dma_wait3A_360 : memref<1x2048xf32, #tpu.memory_space<hbm>> -> memref<2048xf32, #tpu.memory_space<hbm>>
    tpu.wait_dma2 semaphore(%arg22 : memref<!tpu.dma_semaphore, #tpu.memory_space<semaphore_mem>>) src(%dma_wait3A_361 : memref<2048xf32, #tpu.memory_space<hbm>>) dst(%arg14 : memref<2048xf32, #tpu.memory_space<vmem>>)
    %parallel_loop3A_362 = arith.constant 0 : i32
    %parallel_loop3A_363 = arith.constant 2048 : i32
    %parallel_loop3A_364 = arith.constant 16 : i32
    %parallel_loop3A_365 = scf.for %parallel_loop3A_429 = %parallel_loop3A_362 to %parallel_loop3A_363 step %parallel_loop3A_364 iter_args(%parallel_loop3A_430 = %parallel_loop3A_341) -> (vector<16xf32>)  : i32 {
      %parallel_loop3A_431 = arith.index_cast %parallel_loop3A_429 : i32 to index
      %parallel_loop3A_432 = tpu.vector_load %arg12[%parallel_loop3A_431] {strides = array<i32>} : memref<2048xi32, #tpu.memory_space<vmem>>, vector<16xi32>,
      %parallel_loop3A_433 = tpu.vector_load_idx %arg8[%parallel_loop3A_432] : memref<100000xf32, #tpu.memory_space<vmem>>[vector<16xi32>], vector<16xf32>,
      %parallel_loop3A_434 = arith.index_cast %parallel_loop3A_429 : i32 to index
      %parallel_loop3A_435 = tpu.vector_load %arg14[%parallel_loop3A_434] {strides = array<i32>} : memref<2048xf32, #tpu.memory_space<vmem>>, vector<16xf32>,
      %parallel_loop3A_436 = arith.index_cast %parallel_loop3A_429 : i32 to index
      %parallel_loop3A_437 = tpu.vector_load %arg16[%parallel_loop3A_436] {strides = array<i32>} : memref<2048xf32, #tpu.memory_space<vmem>>, vector<16xf32>,
      %parallel_loop3A_438 = arith.subf %parallel_loop3A_433, %parallel_loop3A_435 : vector<16xf32>
      %parallel_loop3A_439 = arith.mulf %parallel_loop3A_438, %parallel_loop3A_438 : vector<16xf32>
      %parallel_loop3A_440 = arith.mulf %parallel_loop3A_439, %parallel_loop3A_437 : vector<16xf32>
      %parallel_loop3A_441 = arith.addf %parallel_loop3A_430, %parallel_loop3A_440 : vector<16xf32>
      scf.yield %parallel_loop3A_441 : vector<16xf32>
    } {sc.loop_unroll_factor = 16 : i64, sc.parallel_access}
    %dma_start3A_366 = arith.constant 12288 : i32
    %dma_start3A_367 = tpu.memref_slice %arg3[%dma_start3A_366] : memref<16384xi32, #tpu.memory_space<hbm>> -> memref<2048xi32, #tpu.memory_space<hbm>>
    %dma_start3A_368 = arith.constant 12288 : i32
    %dma_start3A_369 = tpu.memref_slice %arg3[%dma_start3A_368] : memref<16384xi32, #tpu.memory_space<hbm>> -> memref<2048xi32, #tpu.memory_space<hbm>>
    tpu.enqueue_dma source(%dma_start3A_369 : memref<2048xi32, #tpu.memory_space<hbm>>) target(%arg12 : memref<2048xi32, #tpu.memory_space<vmem>>) target_semaphore(%arg22 : memref<!tpu.dma_semaphore, #tpu.memory_space<semaphore_mem>>)
    %dma_start3A_370 = arith.constant 12288 : i32
    %dma_start3A_371 = tpu.memref_slice %arg2[%add3A_235, %dma_start3A_370] : memref<64x16384xf32, #tpu.memory_space<hbm>> -> memref<1x2048xf32, #tpu.memory_space<hbm>>
    %dma_start3A_372 = tpu.memref_squeeze %dma_start3A_371 : memref<1x2048xf32, #tpu.memory_space<hbm>> -> memref<2048xf32, #tpu.memory_space<hbm>>
    %dma_start3A_373 = arith.constant 12288 : i32
    %dma_start3A_374 = tpu.memref_slice %arg2[%add3A_235, %dma_start3A_373] : memref<64x16384xf32, #tpu.memory_space<hbm>> -> memref<1x2048xf32, #tpu.memory_space<hbm>>
    %dma_start3A_375 = tpu.memref_squeeze %dma_start3A_374 : memref<1x2048xf32, #tpu.memory_space<hbm>> -> memref<2048xf32, #tpu.memory_space<hbm>>
    tpu.enqueue_dma source(%dma_start3A_375 : memref<2048xf32, #tpu.memory_space<hbm>>) target(%arg14 : memref<2048xf32, #tpu.memory_space<vmem>>) target_semaphore(%arg22 : memref<!tpu.dma_semaphore, #tpu.memory_space<semaphore_mem>>)
    "tpu.region"() ({
      %run_scoped3A = tpu.sem_alloc : memref<!tpu.dma_semaphore, #tpu.memory_space<semaphore_mem>>
      %dma_start3A_429 = arith.constant 10240 : i32
      %dma_start3A_430 = tpu.memref_slice %arg7[%dma_start3A_429] : memref<16384xf32, #tpu.memory_space<vmem_shared>> -> memref<2048xf32, #tpu.memory_space<vmem_shared>>
      %dma_start3A_431 = arith.constant 10240 : i32
      %dma_start3A_432 = tpu.memref_slice %arg7[%dma_start3A_431] : memref<16384xf32, #tpu.memory_space<vmem_shared>> -> memref<2048xf32, #tpu.memory_space<vmem_shared>>
      tpu.enqueue_dma source(%dma_start3A_432 : memref<2048xf32, #tpu.memory_space<vmem_shared>>) target(%arg17 : memref<2048xf32, #tpu.memory_space<vmem>>) target_semaphore(%run_scoped3A : memref<!tpu.dma_semaphore, #tpu.memory_space<semaphore_mem>>)
      %dma_wait3A_433 = arith.constant 10240 : i32
      %dma_wait3A_434 = tpu.memref_slice %arg7[%dma_wait3A_433] : memref<16384xf32, #tpu.memory_space<vmem_shared>> -> memref<2048xf32, #tpu.memory_space<vmem_shared>>
      %dma_wait3A_435 = arith.constant 10240 : i32
      %dma_wait3A_436 = tpu.memref_slice %arg7[%dma_wait3A_435] : memref<16384xf32, #tpu.memory_space<vmem_shared>> -> memref<2048xf32, #tpu.memory_space<vmem_shared>>
      tpu.wait_dma2 semaphore(%run_scoped3A : memref<!tpu.dma_semaphore, #tpu.memory_space<semaphore_mem>>) src(%dma_wait3A_436 : memref<2048xf32, #tpu.memory_space<vmem_shared>>) dst(%arg17 : memref<2048xf32, #tpu.memory_space<vmem>>)
      tpu.yield
    }) : () -> ()
    %dma_wait3A_376 = arith.constant 10240 : i32
    %dma_wait3A_377 = tpu.memref_slice %arg3[%dma_wait3A_376] : memref<16384xi32, #tpu.memory_space<hbm>> -> memref<2048xi32, #tpu.memory_space<hbm>>
    %dma_wait3A_378 = arith.constant 10240 : i32
    %dma_wait3A_379 = tpu.memref_slice %arg3[%dma_wait3A_378] : memref<16384xi32, #tpu.memory_space<hbm>> -> memref<2048xi32, #tpu.memory_space<hbm>>
    tpu.wait_dma2 semaphore(%arg23 : memref<!tpu.dma_semaphore, #tpu.memory_space<semaphore_mem>>) src(%dma_wait3A_379 : memref<2048xi32, #tpu.memory_space<hbm>>) dst(%arg13 : memref<2048xi32, #tpu.memory_space<vmem>>)
    %dma_wait3A_380 = arith.constant 10240 : i32
    %dma_wait3A_381 = tpu.memref_slice %arg2[%add3A_235, %dma_wait3A_380] : memref<64x16384xf32, #tpu.memory_space<hbm>> -> memref<1x2048xf32, #tpu.memory_space<hbm>>
    %dma_wait3A_382 = tpu.memref_squeeze %dma_wait3A_381 : memref<1x2048xf32, #tpu.memory_space<hbm>> -> memref<2048xf32, #tpu.memory_space<hbm>>
    %dma_wait3A_383 = arith.constant 10240 : i32
    %dma_wait3A_384 = tpu.memref_slice %arg2[%add3A_235, %dma_wait3A_383] : memref<64x16384xf32, #tpu.memory_space<hbm>> -> memref<1x2048xf32, #tpu.memory_space<hbm>>
    %dma_wait3A_385 = tpu.memref_squeeze %dma_wait3A_384 : memref<1x2048xf32, #tpu.memory_space<hbm>> -> memref<2048xf32, #tpu.memory_space<hbm>>
    tpu.wait_dma2 semaphore(%arg23 : memref<!tpu.dma_semaphore, #tpu.memory_space<semaphore_mem>>) src(%dma_wait3A_385 : memref<2048xf32, #tpu.memory_space<hbm>>) dst(%arg15 : memref<2048xf32, #tpu.memory_space<vmem>>)
    %parallel_loop3A_386 = arith.constant 0 : i32
    %parallel_loop3A_387 = arith.constant 2048 : i32
    %parallel_loop3A_388 = arith.constant 16 : i32
    %parallel_loop3A_389 = scf.for %parallel_loop3A_429 = %parallel_loop3A_386 to %parallel_loop3A_387 step %parallel_loop3A_388 iter_args(%parallel_loop3A_430 = %parallel_loop3A_365) -> (vector<16xf32>)  : i32 {
      %parallel_loop3A_431 = arith.index_cast %parallel_loop3A_429 : i32 to index
      %parallel_loop3A_432 = tpu.vector_load %arg13[%parallel_loop3A_431] {strides = array<i32>} : memref<2048xi32, #tpu.memory_space<vmem>>, vector<16xi32>,
      %parallel_loop3A_433 = tpu.vector_load_idx %arg8[%parallel_loop3A_432] : memref<100000xf32, #tpu.memory_space<vmem>>[vector<16xi32>], vector<16xf32>,
      %parallel_loop3A_434 = arith.index_cast %parallel_loop3A_429 : i32 to index
      %parallel_loop3A_435 = tpu.vector_load %arg15[%parallel_loop3A_434] {strides = array<i32>} : memref<2048xf32, #tpu.memory_space<vmem>>, vector<16xf32>,
      %parallel_loop3A_436 = arith.index_cast %parallel_loop3A_429 : i32 to index
      %parallel_loop3A_437 = tpu.vector_load %arg17[%parallel_loop3A_436] {strides = array<i32>} : memref<2048xf32, #tpu.memory_space<vmem>>, vector<16xf32>,
      %parallel_loop3A_438 = arith.subf %parallel_loop3A_433, %parallel_loop3A_435 : vector<16xf32>
      %parallel_loop3A_439 = arith.mulf %parallel_loop3A_438, %parallel_loop3A_438 : vector<16xf32>
      %parallel_loop3A_440 = arith.mulf %parallel_loop3A_439, %parallel_loop3A_437 : vector<16xf32>
      %parallel_loop3A_441 = arith.addf %parallel_loop3A_430, %parallel_loop3A_440 : vector<16xf32>
      scf.yield %parallel_loop3A_441 : vector<16xf32>
    } {sc.loop_unroll_factor = 16 : i64, sc.parallel_access}
    %dma_start3A_390 = arith.constant 14336 : i32
    %dma_start3A_391 = tpu.memref_slice %arg3[%dma_start3A_390] : memref<16384xi32, #tpu.memory_space<hbm>> -> memref<2048xi32, #tpu.memory_space<hbm>>
    %dma_start3A_392 = arith.constant 14336 : i32
    %dma_start3A_393 = tpu.memref_slice %arg3[%dma_start3A_392] : memref<16384xi32, #tpu.memory_space<hbm>> -> memref<2048xi32, #tpu.memory_space<hbm>>
    tpu.enqueue_dma source(%dma_start3A_393 : memref<2048xi32, #tpu.memory_space<hbm>>) target(%arg13 : memref<2048xi32, #tpu.memory_space<vmem>>) target_semaphore(%arg23 : memref<!tpu.dma_semaphore, #tpu.memory_space<semaphore_mem>>)
    %dma_start3A_394 = arith.constant 14336 : i32
    %dma_start3A_395 = tpu.memref_slice %arg2[%add3A_235, %dma_start3A_394] : memref<64x16384xf32, #tpu.memory_space<hbm>> -> memref<1x2048xf32, #tpu.memory_space<hbm>>
    %dma_start3A_396 = tpu.memref_squeeze %dma_start3A_395 : memref<1x2048xf32, #tpu.memory_space<hbm>> -> memref<2048xf32, #tpu.memory_space<hbm>>
    %dma_start3A_397 = arith.constant 14336 : i32
    %dma_start3A_398 = tpu.memref_slice %arg2[%add3A_235, %dma_start3A_397] : memref<64x16384xf32, #tpu.memory_space<hbm>> -> memref<1x2048xf32, #tpu.memory_space<hbm>>
    %dma_start3A_399 = tpu.memref_squeeze %dma_start3A_398 : memref<1x2048xf32, #tpu.memory_space<hbm>> -> memref<2048xf32, #tpu.memory_space<hbm>>
    tpu.enqueue_dma source(%dma_start3A_399 : memref<2048xf32, #tpu.memory_space<hbm>>) target(%arg15 : memref<2048xf32, #tpu.memory_space<vmem>>) target_semaphore(%arg23 : memref<!tpu.dma_semaphore, #tpu.memory_space<semaphore_mem>>)
    "tpu.region"() ({
      %run_scoped3A = tpu.sem_alloc : memref<!tpu.dma_semaphore, #tpu.memory_space<semaphore_mem>>
      %dma_start3A_429 = arith.constant 12288 : i32
      %dma_start3A_430 = tpu.memref_slice %arg7[%dma_start3A_429] : memref<16384xf32, #tpu.memory_space<vmem_shared>> -> memref<2048xf32, #tpu.memory_space<vmem_shared>>
      %dma_start3A_431 = arith.constant 12288 : i32
      %dma_start3A_432 = tpu.memref_slice %arg7[%dma_start3A_431] : memref<16384xf32, #tpu.memory_space<vmem_shared>> -> memref<2048xf32, #tpu.memory_space<vmem_shared>>
      tpu.enqueue_dma source(%dma_start3A_432 : memref<2048xf32, #tpu.memory_space<vmem_shared>>) target(%arg16 : memref<2048xf32, #tpu.memory_space<vmem>>) target_semaphore(%run_scoped3A : memref<!tpu.dma_semaphore, #tpu.memory_space<semaphore_mem>>)
      %dma_wait3A_433 = arith.constant 12288 : i32
      %dma_wait3A_434 = tpu.memref_slice %arg7[%dma_wait3A_433] : memref<16384xf32, #tpu.memory_space<vmem_shared>> -> memref<2048xf32, #tpu.memory_space<vmem_shared>>
      %dma_wait3A_435 = arith.constant 12288 : i32
      %dma_wait3A_436 = tpu.memref_slice %arg7[%dma_wait3A_435] : memref<16384xf32, #tpu.memory_space<vmem_shared>> -> memref<2048xf32, #tpu.memory_space<vmem_shared>>
      tpu.wait_dma2 semaphore(%run_scoped3A : memref<!tpu.dma_semaphore, #tpu.memory_space<semaphore_mem>>) src(%dma_wait3A_436 : memref<2048xf32, #tpu.memory_space<vmem_shared>>) dst(%arg16 : memref<2048xf32, #tpu.memory_space<vmem>>)
      tpu.yield
    }) : () -> ()
    %dma_wait3A_400 = arith.constant 12288 : i32
    %dma_wait3A_401 = tpu.memref_slice %arg3[%dma_wait3A_400] : memref<16384xi32, #tpu.memory_space<hbm>> -> memref<2048xi32, #tpu.memory_space<hbm>>
    %dma_wait3A_402 = arith.constant 12288 : i32
    %dma_wait3A_403 = tpu.memref_slice %arg3[%dma_wait3A_402] : memref<16384xi32, #tpu.memory_space<hbm>> -> memref<2048xi32, #tpu.memory_space<hbm>>
    tpu.wait_dma2 semaphore(%arg22 : memref<!tpu.dma_semaphore, #tpu.memory_space<semaphore_mem>>) src(%dma_wait3A_403 : memref<2048xi32, #tpu.memory_space<hbm>>) dst(%arg12 : memref<2048xi32, #tpu.memory_space<vmem>>)
    %dma_wait3A_404 = arith.constant 12288 : i32
    %dma_wait3A_405 = tpu.memref_slice %arg2[%add3A_235, %dma_wait3A_404] : memref<64x16384xf32, #tpu.memory_space<hbm>> -> memref<1x2048xf32, #tpu.memory_space<hbm>>
    %dma_wait3A_406 = tpu.memref_squeeze %dma_wait3A_405 : memref<1x2048xf32, #tpu.memory_space<hbm>> -> memref<2048xf32, #tpu.memory_space<hbm>>
    %dma_wait3A_407 = arith.constant 12288 : i32
    %dma_wait3A_408 = tpu.memref_slice %arg2[%add3A_235, %dma_wait3A_407] : memref<64x16384xf32, #tpu.memory_space<hbm>> -> memref<1x2048xf32, #tpu.memory_space<hbm>>
    %dma_wait3A_409 = tpu.memref_squeeze %dma_wait3A_408 : memref<1x2048xf32, #tpu.memory_space<hbm>> -> memref<2048xf32, #tpu.memory_space<hbm>>
    tpu.wait_dma2 semaphore(%arg22 : memref<!tpu.dma_semaphore, #tpu.memory_space<semaphore_mem>>) src(%dma_wait3A_409 : memref<2048xf32, #tpu.memory_space<hbm>>) dst(%arg14 : memref<2048xf32, #tpu.memory_space<vmem>>)
    %parallel_loop3A_410 = arith.constant 0 : i32
    %parallel_loop3A_411 = arith.constant 2048 : i32
    %parallel_loop3A_412 = arith.constant 16 : i32
    %parallel_loop3A_413 = scf.for %parallel_loop3A_429 = %parallel_loop3A_410 to %parallel_loop3A_411 step %parallel_loop3A_412 iter_args(%parallel_loop3A_430 = %parallel_loop3A_389) -> (vector<16xf32>)  : i32 {
      %parallel_loop3A_431 = arith.index_cast %parallel_loop3A_429 : i32 to index
      %parallel_loop3A_432 = tpu.vector_load %arg12[%parallel_loop3A_431] {strides = array<i32>} : memref<2048xi32, #tpu.memory_space<vmem>>, vector<16xi32>,
      %parallel_loop3A_433 = tpu.vector_load_idx %arg8[%parallel_loop3A_432] : memref<100000xf32, #tpu.memory_space<vmem>>[vector<16xi32>], vector<16xf32>,
      %parallel_loop3A_434 = arith.index_cast %parallel_loop3A_429 : i32 to index
      %parallel_loop3A_435 = tpu.vector_load %arg14[%parallel_loop3A_434] {strides = array<i32>} : memref<2048xf32, #tpu.memory_space<vmem>>, vector<16xf32>,
      %parallel_loop3A_436 = arith.index_cast %parallel_loop3A_429 : i32 to index
      %parallel_loop3A_437 = tpu.vector_load %arg16[%parallel_loop3A_436] {strides = array<i32>} : memref<2048xf32, #tpu.memory_space<vmem>>, vector<16xf32>,
      %parallel_loop3A_438 = arith.subf %parallel_loop3A_433, %parallel_loop3A_435 : vector<16xf32>
      %parallel_loop3A_439 = arith.mulf %parallel_loop3A_438, %parallel_loop3A_438 : vector<16xf32>
      %parallel_loop3A_440 = arith.mulf %parallel_loop3A_439, %parallel_loop3A_437 : vector<16xf32>
      %parallel_loop3A_441 = arith.addf %parallel_loop3A_430, %parallel_loop3A_440 : vector<16xf32>
      scf.yield %parallel_loop3A_441 : vector<16xf32>
    } {sc.loop_unroll_factor = 16 : i64, sc.parallel_access}
    "tpu.region"() ({
      %run_scoped3A = tpu.sem_alloc : memref<!tpu.dma_semaphore, #tpu.memory_space<semaphore_mem>>
      %dma_start3A_429 = arith.constant 14336 : i32
      %dma_start3A_430 = tpu.memref_slice %arg7[%dma_start3A_429] : memref<16384xf32, #tpu.memory_space<vmem_shared>> -> memref<2048xf32, #tpu.memory_space<vmem_shared>>
      %dma_start3A_431 = arith.constant 14336 : i32
      %dma_start3A_432 = tpu.memref_slice %arg7[%dma_start3A_431] : memref<16384xf32, #tpu.memory_space<vmem_shared>> -> memref<2048xf32, #tpu.memory_space<vmem_shared>>
      tpu.enqueue_dma source(%dma_start3A_432 : memref<2048xf32, #tpu.memory_space<vmem_shared>>) target(%arg17 : memref<2048xf32, #tpu.memory_space<vmem>>) target_semaphore(%run_scoped3A : memref<!tpu.dma_semaphore, #tpu.memory_space<semaphore_mem>>)
      %dma_wait3A_433 = arith.constant 14336 : i32
      %dma_wait3A_434 = tpu.memref_slice %arg7[%dma_wait3A_433] : memref<16384xf32, #tpu.memory_space<vmem_shared>> -> memref<2048xf32, #tpu.memory_space<vmem_shared>>
      %dma_wait3A_435 = arith.constant 14336 : i32
      %dma_wait3A_436 = tpu.memref_slice %arg7[%dma_wait3A_435] : memref<16384xf32, #tpu.memory_space<vmem_shared>> -> memref<2048xf32, #tpu.memory_space<vmem_shared>>
      tpu.wait_dma2 semaphore(%run_scoped3A : memref<!tpu.dma_semaphore, #tpu.memory_space<semaphore_mem>>) src(%dma_wait3A_436 : memref<2048xf32, #tpu.memory_space<vmem_shared>>) dst(%arg17 : memref<2048xf32, #tpu.memory_space<vmem>>)
      tpu.yield
    }) : () -> ()
    %dma_wait3A_414 = arith.constant 14336 : i32
    %dma_wait3A_415 = tpu.memref_slice %arg3[%dma_wait3A_414] : memref<16384xi32, #tpu.memory_space<hbm>> -> memref<2048xi32, #tpu.memory_space<hbm>>
    %dma_wait3A_416 = arith.constant 14336 : i32
    %dma_wait3A_417 = tpu.memref_slice %arg3[%dma_wait3A_416] : memref<16384xi32, #tpu.memory_space<hbm>> -> memref<2048xi32, #tpu.memory_space<hbm>>
    tpu.wait_dma2 semaphore(%arg23 : memref<!tpu.dma_semaphore, #tpu.memory_space<semaphore_mem>>) src(%dma_wait3A_417 : memref<2048xi32, #tpu.memory_space<hbm>>) dst(%arg13 : memref<2048xi32, #tpu.memory_space<vmem>>)
    %dma_wait3A_418 = arith.constant 14336 : i32
    %dma_wait3A_419 = tpu.memref_slice %arg2[%add3A_235, %dma_wait3A_418] : memref<64x16384xf32, #tpu.memory_space<hbm>> -> memref<1x2048xf32, #tpu.memory_space<hbm>>
    %dma_wait3A_420 = tpu.memref_squeeze %dma_wait3A_419 : memref<1x2048xf32, #tpu.memory_space<hbm>> -> memref<2048xf32, #tpu.memory_space<hbm>>
    %dma_wait3A_421 = arith.constant 14336 : i32
    %dma_wait3A_422 = tpu.memref_slice %arg2[%add3A_235, %dma_wait3A_421] : memref<64x16384xf32, #tpu.memory_space<hbm>> -> memref<1x2048xf32, #tpu.memory_space<hbm>>
    %dma_wait3A_423 = tpu.memref_squeeze %dma_wait3A_422 : memref<1x2048xf32, #tpu.memory_space<hbm>> -> memref<2048xf32, #tpu.memory_space<hbm>>
    tpu.wait_dma2 semaphore(%arg23 : memref<!tpu.dma_semaphore, #tpu.memory_space<semaphore_mem>>) src(%dma_wait3A_423 : memref<2048xf32, #tpu.memory_space<hbm>>) dst(%arg15 : memref<2048xf32, #tpu.memory_space<vmem>>)
    %parallel_loop3A_424 = arith.constant 0 : i32
    %parallel_loop3A_425 = arith.constant 2048 : i32
    %parallel_loop3A_426 = arith.constant 16 : i32
    %parallel_loop3A_427 = scf.for %parallel_loop3A_429 = %parallel_loop3A_424 to %parallel_loop3A_425 step %parallel_loop3A_426 iter_args(%parallel_loop3A_430 = %parallel_loop3A_413) -> (vector<16xf32>)  : i32 {
      %parallel_loop3A_431 = arith.index_cast %parallel_loop3A_429 : i32 to index
      %parallel_loop3A_432 = tpu.vector_load %arg13[%parallel_loop3A_431] {strides = array<i32>} : memref<2048xi32, #tpu.memory_space<vmem>>, vector<16xi32>,
      %parallel_loop3A_433 = tpu.vector_load_idx %arg8[%parallel_loop3A_432] : memref<100000xf32, #tpu.memory_space<vmem>>[vector<16xi32>], vector<16xf32>,
      %parallel_loop3A_434 = arith.index_cast %parallel_loop3A_429 : i32 to index
      %parallel_loop3A_435 = tpu.vector_load %arg15[%parallel_loop3A_434] {strides = array<i32>} : memref<2048xf32, #tpu.memory_space<vmem>>, vector<16xf32>,
      %parallel_loop3A_436 = arith.index_cast %parallel_loop3A_429 : i32 to index
      %parallel_loop3A_437 = tpu.vector_load %arg17[%parallel_loop3A_436] {strides = array<i32>} : memref<2048xf32, #tpu.memory_space<vmem>>, vector<16xf32>,
      %parallel_loop3A_438 = arith.subf %parallel_loop3A_433, %parallel_loop3A_435 : vector<16xf32>
      %parallel_loop3A_439 = arith.mulf %parallel_loop3A_438, %parallel_loop3A_438 : vector<16xf32>
      %parallel_loop3A_440 = arith.mulf %parallel_loop3A_439, %parallel_loop3A_437 : vector<16xf32>
      %parallel_loop3A_441 = arith.addf %parallel_loop3A_430, %parallel_loop3A_440 : vector<16xf32>
      scf.yield %parallel_loop3A_441 : vector<16xf32>
    } {sc.loop_unroll_factor = 16 : i64, sc.parallel_access}
    %swap3A = arith.constant 0 : index
    %swap3A_428 = tpu.vector_load %arg19[%swap3A] {strides = array<i32>} : memref<16xf32, #tpu.memory_space<vmem>>, vector<16xf32>,
    tpu.vector_store %arg19[%swap3A], %parallel_loop3A_427 {strides = array<i32>} : memref<16xf32, #tpu.memory_space<vmem>>, vector<16xf32>,
    "tpu.region"() ({
      %run_scoped3A = tpu.sem_alloc : memref<!tpu.dma_semaphore, #tpu.memory_space<semaphore_mem>>
      %dma_start3A_429 = arith.constant 0 : i32
      %dma_start3A_430 = tpu.memref_slice %arg5[%add3A, %dma_start3A_429] : memref<32x16xf32, #tpu.memory_space<hbm>> -> memref<1x16xf32, #tpu.memory_space<hbm>>
      %dma_start3A_431 = tpu.memref_squeeze %dma_start3A_430 : memref<1x16xf32, #tpu.memory_space<hbm>> -> memref<16xf32, #tpu.memory_space<hbm>>
      %dma_start3A_432 = arith.constant 0 : i32
      %dma_start3A_433 = tpu.memref_slice %arg5[%add3A, %dma_start3A_432] : memref<32x16xf32, #tpu.memory_space<hbm>> -> memref<1x16xf32, #tpu.memory_space<hbm>>
      %dma_start3A_434 = tpu.memref_squeeze %dma_start3A_433 : memref<1x16xf32, #tpu.memory_space<hbm>> -> memref<16xf32, #tpu.memory_space<hbm>>
      tpu.enqueue_dma source(%arg19 : memref<16xf32, #tpu.memory_space<vmem>>) target(%dma_start3A_434 : memref<16xf32, #tpu.memory_space<hbm>>) target_semaphore(%run_scoped3A : memref<!tpu.dma_semaphore, #tpu.memory_space<semaphore_mem>>)
      %dma_wait3A_435 = arith.constant 0 : i32
      %dma_wait3A_436 = tpu.memref_slice %arg5[%add3A, %dma_wait3A_435] : memref<32x16xf32, #tpu.memory_space<hbm>> -> memref<1x16xf32, #tpu.memory_space<hbm>>
      %dma_wait3A_437 = tpu.memref_squeeze %dma_wait3A_436 : memref<1x16xf32, #tpu.memory_space<hbm>> -> memref<16xf32, #tpu.memory_space<hbm>>
      %dma_wait3A_438 = arith.constant 0 : i32
      %dma_wait3A_439 = tpu.memref_slice %arg5[%add3A, %dma_wait3A_438] : memref<32x16xf32, #tpu.memory_space<hbm>> -> memref<1x16xf32, #tpu.memory_space<hbm>>
      %dma_wait3A_440 = tpu.memref_squeeze %dma_wait3A_439 : memref<1x16xf32, #tpu.memory_space<hbm>> -> memref<16xf32, #tpu.memory_space<hbm>>
      tpu.wait_dma2 semaphore(%run_scoped3A : memref<!tpu.dma_semaphore, #tpu.memory_space<semaphore_mem>>) src(%arg19 : memref<16xf32, #tpu.memory_space<vmem>>) dst(%dma_wait3A_440 : memref<16xf32, #tpu.memory_space<hbm>>)
      tpu.yield
    }) : () -> ()
    return
  }
}

</mosaic_0001>

<sc_bundles>
// kernel: kernel.3.cloned.1.call-start
scs
__scs_entry_jumppad:
0x0: {  	(pc) =	sbr.rel $0x88, $3  }
0x1: {  	(tag) =	ssettag $0x0;
	lr =	simm.s32 $0x1  }
0x2: {  	[smem:$0x3F9E] =	sst lr;
	_ =	strace $0xD0000000  }
0x3: {  	_ = 	snop  }
0x4: {  	_ = 	snop  }
0x5: {  	_ = 	snop  }
0x6: {  	_ = 	snop  }
0x7: {  	_ = 	snop  }
__scs_overlays_trampoline_lowered:
0x8: {  	[smem:$0x3FAD] =	sst s0  }
0x9: {  	[smem:$0x3FAE] =	sst s1  }
0xa: {  	[smem:$0x3FAF] =	sst s2  }
0xb: {  	[smem:$0x3FB0] =	sst s3  }
0xc: {  	[smem:$0x3FB1] =	sst s4  }
0xd: {  	[smem:$0x3FB2] =	sst s5  }
0xe: {  	[smem:$0x3FB3] =	sst s6  }
0xf: {  	[smem:$0x3FB4] =	sst s7  }
0x10: {  	[smem:$0x3FB5] =	sst s8  }
0x11: {  	[smem:$0x3FB6] =	sst s9;
	s0 =	simm.s32 @!p0 $0x0  }
0x12: {  	s1 =	sld [smem:$0x3F9C];
	s0 =	simm.s32 @p0 $0x1  }
0x13: {  	[smem:$0x3FB7] =	sst s0;
	s0 =	simm.s32 @!p1 $0x0  }
0x14: {  	s2 =	sld [smem:$0x3F9B];
	s0 =	simm.s32 @p1 $0x1  }
0x15: {  	[smem:$0x3FB8] =	sst s0;
	s0 =	simm.s32 @!p2 $0x0  }
0x16: {  	s3 =	sld [smem:$0x3FDB];
	s0 =	simm.s32 @p2 $0x1  }
0x17: {  	s4 =	simm.s32 $0x1BF5;
	[smem:$0x3FBA] =	sst s0  }
0x18: {  	s0 =	sld [smem:$0x3F9D];
	_ =	swait.ge [sflag:s4], $0x0  }
0x19: {  	s7 =	sld [smem:$0x3F9E]  }
0x1a: {  	s8 =	sadd.s32 $0xFFFFE003, lr  }
0x1b: {  	s9 =	sadd.s32 $0xFFFFFEF7, lr;
	s5 =	simm.s32 $0xFFFFFFFF;
	p2 =	slt.u32 s8, $0xFFFFF086  }
0x1c: {  	p1 =	slt.u32 s9, $0xF7A;
	s5 =	simm.s32 @!p2 $0x0  }
0x1d: {  	s5 =	simm.s32 @p1 $0x1;
	p0 =	seq.s32 s7, s2  }
0x1e: {  	s7 =	smul.u32 @!p0 $0xF7A, s2;
	p2 =	seq.s32 @!p0 s5, $0x0  }
0x1f: {  	s9 =	smul.u32 $0xF7A, s1;
	s8 =	simm.s32 @!p0 $0x1BF5;
	p2 =	por !p2, p0  }
0x20: {  	[sflag:s8] =	ssyncset.s32 @!p0 $0xFFFFF086;
	s6 =	sadd.s32 @!p0 s3, s7;
	s7 =	simm.s32 @!p0 $0x108  }
0x21: {  	s3 =	sadd.s32 s3, s9;
	s6 =	sadd.s32 @!p0 $0x88, s6;
	s7 =	simm.s32 @p2 $0x1082  }
0x22: {  	[simem:s7], [sflag:s8] =	dma.local @!p0 [hbm:s6], $0xF7A  }
0x23: {  	s9 =	sor.u32 $0xD0000000, s2;
	s6 =	simm.s32 $0x108;
	_ =	swait.ge @!p0 [sflag:s8], $0x0  }
0x24: {  	s3 =	sadd.s32 $0x88, s3;
	s6 =	simm.s32 @!p1 $0x1082;
	[sflag:s4] =	ssyncset.s32 $0xFFFFF086  }
0x25: {  	[simem:s6], [sflag:s4] =	dma.local [hbm:s3], $0xF7A  }
0x26: {  	[smem:$0x3F9E] =	sst s1;
	(tag) =	ssettag s2;
	_ =	strace s9  }
0x27: {  	s1 =	sld [smem:$0x3FAE]  }
0x28: {  	s2 =	sld [smem:$0x3FAF]  }
0x29: {  	s4 =	sld [smem:$0x3FB1]  }
0x2a: {  	p0 =	seq.s32 s5, $0x0;
	s5 =	sld [smem:$0x3FB2]  }
0x2b: {  	s6 =	sld [smem:$0x3FB3]  }
0x2c: {  	s7 =	sld [smem:$0x3FB4]  }
0x2d: {  	s3 =	simm.s32 $0x108;
	s8 =	sld [smem:$0x3FB5]  }
0x2e: {  	s3 =	simm.s32 @!p0 $0x1082;
	s9 =	sld [smem:$0x3FB6]  }
0x2f: {  	lr =	sadd.s32 s0, s3;
	s0 =	sld [smem:$0x3FAD]  }
0x30: {  	s3 =	sld [smem:$0x3FB0]  }
0x31: {  	[smem:$0x3FB9] =	sst s10  }
0x32: {  	s10 =	sld [smem:$0x3FB7];
	_ =	sdelay $0x3  }
0x33: {  	p0 =	seq.s32 s10, $0x1;
	s10 =	sld [smem:$0x3FB9];
	_ =	sdelay $0x3  }
0x34: {  	[smem:$0x3FB9] =	sst s10  }
0x35: {  	s10 =	sld [smem:$0x3FB8];
	_ =	sdelay $0x3  }
0x36: {  	p1 =	seq.s32 s10, $0x1;
	s10 =	sld [smem:$0x3FB9];
	_ =	sdelay $0x3  }
0x37: {  	[smem:$0x3FB9] =	sst s10  }
0x38: {  	s10 =	sld [smem:$0x3FBA]  }
0x39: {  	_ = 	snop;
	(pc) =	sbr.ind lr, $3  }
0x3a: {  	_ = 	snop  }
0x3b: {  	_ = 	snop  }
0x3c: {  	p2 =	seq.s32 s10, $0x1;
	s10 =	sld [smem:$0x3FB9]  }
0x3d: {  	_ =	shalt  }
0x3e: {  	_ =	shalt  }
0x3f: {  	_ =	shalt  }
0x40: {  	_ =	shalt  }
0x41: {  	_ =	shalt  }
0x42: {  	_ =	shalt  }
0x43: {  	_ =	shalt  }
0x44: {  	_ =	shalt  }
0x45: {  	_ =	shalt  }
0x46: {  	_ =	shalt  }
0x47: {  	_ =	shalt  }
0x48: {  	_ =	shalt  }
0x49: {  	_ =	shalt  }
0x4a: {  	_ =	shalt  }
0x4b: {  	_ =	shalt  }
0x4c: {  	_ =	shalt  }
0x4d: {  	_ =	shalt  }
0x4e: {  	_ =	shalt  }
0x4f: {  	_ =	shalt  }
0x50: {  	_ =	shalt  }
0x51: {  	_ =	shalt  }
0x52: {  	_ =	shalt  }
0x53: {  	_ =	shalt  }
0x54: {  	_ =	shalt  }
0x55: {  	_ =	shalt  }
0x56: {  	_ =	shalt  }
0x57: {  	_ =	shalt  }
0x58: {  	_ =	shalt  }
0x59: {  	_ =	shalt  }
0x5a: {  	_ =	shalt  }
0x5b: {  	_ =	shalt  }
0x5c: {  	_ =	shalt  }
0x5d: {  	_ =	shalt  }
0x5e: {  	_ =	shalt  }
0x5f: {  	_ =	shalt  }
0x60: {  	_ =	shalt  }
0x61: {  	_ =	shalt  }
0x62: {  	_ =	shalt  }
0x63: {  	_ =	shalt  }
0x64: {  	_ =	shalt  }
0x65: {  	_ =	shalt  }
0x66: {  	_ =	shalt  }
0x67: {  	_ =	shalt  }
0x68: {  	_ =	shalt  }
0x69: {  	_ =	shalt  }
0x6a: {  	_ =	shalt  }
0x6b: {  	_ =	shalt  }
0x6c: {  	_ =	shalt  }
0x6d: {  	_ =	shalt  }
0x6e: {  	_ =	shalt  }
0x6f: {  	_ =	shalt  }
0x70: {  	_ =	shalt  }
0x71: {  	_ =	shalt  }
0x72: {  	_ =	shalt  }
0x73: {  	_ =	shalt  }
0x74: {  	_ =	shalt  }
0x75: {  	_ =	shalt  }
0x76: {  	_ =	shalt  }
0x77: {  	_ =	shalt  }
0x78: {  	_ =	shalt  }
0x79: {  	_ =	shalt  }
0x7a: {  	_ =	shalt  }
0x7b: {  	_ =	shalt  }
0x7c: {  	_ =	shalt  }
0x7d: {  	_ =	shalt  }
0x7e: {  	_ =	shalt  }
0x7f: {  	_ =	shalt  }
0x80: {  	_ =	shalt  }
0x81: {  	_ =	shalt  }
0x82: {  	_ =	shalt  }
0x83: {  	_ =	shalt  }
0x84: {  	_ =	shalt  }
0x85: {  	_ =	shalt  }
0x86: {  	_ =	shalt  }
0x87: {  	_ =	shalt  }
.Lfunc_end0:
.L_simem_size_0:
called_computation_lowered:
.L_overlay_start_0:
0x88: {  	s2 =	sld [smem:$0x3FD9]  }
0x89: {  	s3 =	sld [smem:$0x3FFE];
	_ =	sdelay $0x1  }
0x8a: {  	s1 =	srdreg.scid  }
0x8b: {  	s0 =	sand.u32 $0x1, s1  }
0x8c: {  	s17 =	sshll.u32 s0, $0xA;
	s2 =	sadd.s32 s3, s2  }
0x8d: {  	s2 =	sadd.s32 s2, s17  }
0x8e: {  	[smem:$0x3FC5] =	sst s2  }
0x8f: {  	_ = 	snop  }
0x90: {  	s2 =	sld [smem:$0x3FC9]  }
0x91: {  	s18 =	sld [smem:$0x3FC8]  }
0x92: {  	s4 =	sld [smem:$0x3FC7];
	(tm) =	ssettm $0x1  }
0x93: {  	s5 =	sld [smem:$0x3FFB];
	_ =	sdelay $0x3  }
0x94: {  	_ =	strace s5  }
0x95: {  	s5 =	sld [smem:$0x3FFC];
	_ =	sdelay $0x3  }
0x96: {  	_ =	strace s5  }
0x97: {  	s5 =	sld [smem:$0x3FFD];
	_ =	sdelay $0x3  }
0x98: {  	_ =	strace s5  }
0x99: {  	_ =	strace $0x8FFFFFFF  }
0x9a: {  	s19 =	sld [smem:$0x3FDB];
	_ =	sdelay $0x1  }
0x9b: {  	s6 =	simm.s32 $_scs_section_size  }
0x9c: {  	s7 =	simm.s32 $_size__tile_overlayer_lowered;
	s8 =	simm.s32 $_tile_overlayer_lowered  }
0x9d: {  	s22 =	simm.s32 $0x1BFF;
	s21 =	sshll.u32 s8, $0x1;
	s5 =	sadd.s32 s6, s19  }
0x9e: {  	s9 =	simm.s32 $0x0;
	s20 =	sshll.u32 s7, $0x1;
	s7 =	sadd.s32 s21, s5  }
0x9f: {  	[timem:s9], [sflag:s22] =	dma.local [hbm:s7], s20  }
0xa0: {  	_ =	swait.ge [sflag:s22], s20  }
0xa1: {  	s6 =	ssub.s32 $0x0, s20;
	[sflag:s22] =	ssyncset.done $0x0  }
0xa2: {  	[sflag:s22] =	ssyncadd.s32 s6;
	_ =	sdelay $0x1  }
0xa3: {  	s23 =	simm.s32 $0x1B8B  }
0xa4: {  	_ =	swait.ge [sflag:s23], $0x1  }
0xa5: {  	[sflag:s23] =	ssyncset.done $0x0  }
0xa6: {  	s25 =	simm.s32 $0x1B8E;
	s24 =	sld [smem:$0x3FFE];
	[sflag:s23] =	ssyncadd.s32 $0xFFFFFFFF  }
0xa7: {  	s26 =	simm.s32 $execute0_lowered;
	[smem:$0x3FD2] =	sst s25  }
0xa8: {  	s7 =	sshll.u32 s26, $0x1;
	_ =	strace $0x80000046;
	[dreg:$0x1] =	wrdreg $0xFFFFFFFF  }
0xa9: {  	s28 =	simm.s32 $_size_execute0_lowered;
	s5 =	sadd.s32 s5, s7;
	[dreg:$0x0] =	wrdreg $0x0  }
0xaa: {  	s7 =	sshll.u32 s28, $0x1;
	[dreg:$0x2] =	wrdreg s5  }
0xab: {  	[dreg:$0x3] =	wrdreg s7  }
0xac: {  	[dreg:$0x4] =	wrdreg $0xC0  }
0xad: {  	_ =	task [dreg:s9], $0x5FFFF  }
0xae: {  	[dreg:$0x1] =	wrdreg $0xFFFFFFFF  }
0xaf: {  	[dreg:$0x0] =	wrdreg $0x60  }
0xb0: {  	[dreg:$0x2] =	wrdreg s2  }
0xb1: {  	[dreg:$0x3] =	wrdreg s18  }
0xb2: {  	[dreg:$0x4] =	wrdreg s4  }
0xb3: {  	[dreg:$0x5] =	wrdreg s24  }
0xb4: {  	[dreg:$0x6] =	wrdreg $0x0  }
0xb5: {  	[dreg:$0x7] =	wrdreg $0x18700  }
0xb6: {  	[dreg:$0x8] =	wrdreg $0x9  }
0xb7: {  	_ =	task.clear_ibuf [dreg:s9], $0x9FFFF;
	_ =	strace $0x90000046  }
0xb8: {  	s29 =	simm.s32 $0x9;
	_ =	strace $0x80000048  }
0xb9: {  	_ =	swait.ge [sflag:s29], $0x1  }
0xba: {  	[sflag:s29] =	ssyncadd.s32 $0xFFFFFFFF  }
0xbb: {  	_ =	strace $0x90000048  }
0xbc: {  	_ =	sfence  }
0xbd: {  	s30 =	sld [smem:$0x0];
	_ =	sdelay $0x2  }
0xbe: {  	s31 =	sshll.u32 s1, $0xD;
	s1 =	sshrl.u32 s1, $0x2  }
0xbf: {  	s3 =	sand.u32 $0x4000, s31;
	s1 =	sadd.s32 s1, s30  }
0xc0: {  	s0 =	sor.u32 s3, s0;
	s1 =	sshll.u32 s1, $0x11  }
0xc1: {  	s0 =	sor.u32 s1, s0  }
0xc2: {  	s0 =	sadd.s32 $0x8F2B, s0  }
0xc3: {  	[sflag:s0] =	ssyncadd.remote.s32 $0x1  }
0xc4: {  	_ =	sfence.sel $0xFFFF  }
0xc5: {  	[dreg:$0x0] =	wrdreg $0xFFFFFFFF;
	(pc) =	sbr.abs _section_cstart, $3  }
0xc6: {  	[dreg:$0x1] =	wrdreg $0xFFFFFFFF  }
0xc7: {  	_ =	task.clear_ibuf [dreg:s9], $0x2FFFF;
	_ =	strace $0x9FFFFFFF  }
0xc8: {  	(tm) =	ssettm $0x7FFFFFFF  }
0xc9: {  	_ =	shalt  }
tec
execute0_lowered:
.L_overlay_start_1:
0x0: {  	(tag) =	ssettag $0x1  }
0x1: {  	s0 =	rddreg [dreg:$0x0]  }
0x2: {  	s31 =	rddreg [dreg:$0x1]  }
0x3: {  	s2 =	rddreg [dreg:$0x2]  }
0x4: {  	s1 =	srdreg.scid;
	s5 =	rddreg [dreg:$0x3]  }
0x5: {  	s16 =	stileid.u32;
	s17 =	rddreg [dreg:$0x4];
	s28 =	simm.s32 $0x3  }
0x6: {  	s29 =	simm.s32 $0x1EBF0;
	s1 =	sand.u32 $0x1, s1;
	s4 =	sshll.u32 s16, $0x1  }
0x7: {  	s6 =	sshll.u32 s16, $0x8;
	s18 =	sadd.s32 $0x800, s0;
	s3 =	sshll.u32 s1, $0x5  }
0x8: {  	s19 =	sadd.s32 $0x1000, s0;
	s21 =	sadd.s32 $0x1800, s0;
	s3 =	sor.u32 s4, s3  }
0x9: {  	s22 =	sadd.s32 $0x2000, s0;
	s23 =	sadd.s32 $0x2800, s0;
	s4 =	sshrl.u32 s3, $0x3  }
0xa: {  	s6 =	sand.u32 $0x300, s6;
	s7 =	smul.u32 $0xC3800, s4;
	s4 =	sshll.u32 s4, $0x11  }
0xb: {  	s24 =	sadd.s32 $0x3000, s0;
	s25 =	sadd.s32 $0x3800, s0;
	s11 =	sor.u32 s6, s4  }
0xc: {  	s8 =	ssub.s32 $0x2, s1;
	s3 =	simm.s32 $0x0;
	s11 =	sshrl.u32 s11, $0x3  }
0xd: {  	s10 =	sshrl.u32 s8, $0x1;
	[smem:$0x7FF] =	sst s3;
	s15 =	sadd.s32 s0, s11  }
0xe: {  	s8 =	ssub.s32 s8, s10;
	s12 =	sadd.s32 s11, s18;
	[dreg:$0x8] =	wrdreg s15  }
0xf: {  	s9 =	sor.u32 s6, s7;
	s20 =	sadd.s32 s11, s19;
	[dreg:$0x9] =	wrdreg s12  }
0x10: {  	s6 =	sor.u32 $0x80, s6;
	s13 =	sadd.s32 s11, s21;
	[dreg:$0xa] =	wrdreg s20  }
0x11: {  	s9 =	sshrl.u32 s9, $0x3;
	s14 =	sadd.s32 s11, s22;
	[dreg:$0xb] =	wrdreg s13  }
0x12: {  	s7 =	sor.u32 s6, s7;
	s26 =	sadd.s32 s11, s24;
	[dreg:$0xc] =	wrdreg s14  }
0x13: {  	s4 =	sor.u32 s6, s4;
	s30 =	sadd.s32 s11, s25;
	[dreg:$0xf] =	wrdreg s26  }
0x14: {  	s6 =	sadd.s32 $0x500, s31;
	s9 =	sadd.s32 s2, s9;
	[dreg:$0x10] =	wrdreg s30  }
0x15: {  	s15 =	sadd.s32 s11, s23;
	s7 =	sshrl.u32 s7, $0x3;
	[dreg:$0x7] =	wrdreg s9  }
0x16: {  	s4 =	sshrl.u32 s4, $0x3;
	s14 =	sshll.u32 s1, $0xB;
	[dreg:$0xd] =	wrdreg s15  }
0x17: {  	s2 =	sadd.s32 s2, s7;
	s10 =	sadd.s32 s4, s21;
	s21 =	rddreg [dreg:$0x5]  }
0x18: {  	s20 =	sshll.u32 s16, $0xA;
	s0 =	sadd.s32 s0, s4;
	[dreg:$0xe] =	wrdreg s2  }
0x19: {  	s26 =	sadd.s32 $0x300, s31;
	s7 =	sadd.s32 s4, s18;
	[dreg:$0x11] =	wrdreg s0  }
0x1a: {  	s9 =	sadd.s32 s4, s19;
	s11 =	sadd.s32 s4, s22;
	[dreg:$0x12] =	wrdreg s7  }
0x1b: {  	s12 =	sadd.s32 s4, s23;
	s13 =	sadd.s32 s4, s24;
	[dreg:$0x13] =	wrdreg s9  }
0x1c: {  	s15 =	sshll.u32 s16, $0x7;
	s18 =	smul.u32 $0x61C0, s16;
	[dreg:$0x14] =	wrdreg s10  }
0x1d: {  	s22 =	smax.u32 s8, $0x1;
	s23 =	sadd.s32 $0x100, s31;
	[dreg:$0x15] =	wrdreg s11  }
0x1e: {  	s24 =	sadd.s32 $0x200, s31;
	s8 =	sadd.s32 $0x600, s31;
	[dreg:$0x16] =	wrdreg s12  }
0x1f: {  	[dreg:$0x17] =	wrdreg s13;
	s0 =	sor.u32 s15, s14;
	s2 =	sadd.s32 s4, s25  }
0x20: {  	s1 =	sadd.s32 s31, s15;
	s25 =	sadd.s32 $0x800, s21;
	s0 =	sshrl.u32 s0, $0x3  }
0x21: {  	s30 =	sadd.s32 $0x1000, s21;
	[dreg:$0x18] =	wrdreg s2;
	s0 =	sadd.s32 s5, s0  }
0x22: {  	s4 =	sadd.s32 $0x400, s31;
	s19 =	sshrl.u32 s18, $0x2;
	[dreg:$0x19] =	wrdreg s0  }
0x23: {  	s0 =	sadd.s32 s19, s17;
	_ =	strace $0x80000047;
	[dreg:$0x1a] =	wrdreg s1  }
0x24: {  	s7 =	sadd.s32 $0x2000, s21;
	s9 =	sadd.s32 $0x2800, s21;
	[dreg:$0x1b] =	wrdreg s0  }
0x25: {  	s10 =	sadd.s32 $0x700, s31;
	s11 =	sadd.s32 $0x3000, s21;
	[dreg:$0x1d] =	wrdreg s22  }
0x26: {  	s12 =	sadd.s32 $0x3800, s21;
	s13 =	simm.s32 $0x80;
	[dreg:$0x1e] =	wrdreg s23  }
0x27: {  	s14 =	simm.s32 $0x400;
	s15 =	simm.s32 $0x1C70;
	[dreg:$0x1f] =	wrdreg s24  }
0x28: {  	s2 =	simm.s32 $0x1BFF0;
	s5 =	sadd.s32 $0x1800, s21;
	[smem:$0x7FB] =	sst s25  }
0x29: {  	s17 =	simm.s32 $0x5;
	s0 =	sadd.s32 s20, s21;
	[smem:$0x7FC] =	sst s26  }
0x2a: {  	[smem:$0x7FD] =	sst s30;
	s20 =	simm.s32 $0x1D3F0;
	s23 =	simm.s32 $0x1C3F0  }
0x2b: {  	s24 =	simm.s32 $0x1CBF0;
	s25 =	simm.s32 $0x1DBF0;
	s26 =	simm.s32 $0x1E3F0  }
0x2c: {  	v0 =	vimm.f32 $0.0e+00;
	v1 =	vimm.f32 $1.000000000e+00;
	s1 =	simm.s32 $0x4;
	s22 =	simm.s32 $0x0;
	[dreg:$0x1c] =	wrdreg s0  }
.LBB2_1:
0x2d: {  	s16 =	rddreg [dreg:$0x7]  }
0x2e: {  	[tilespmem:s15], [sflag:$0x1] =	stream.strided.gather [hbm4b:s16+s13], $0x18700, s14, s13, $0x38;
	[tilespmem:$0x1F870] =	vst v63  }
0x2f: {  	s0 =	smov.u32 s21;
	s21 =	rddreg [dreg:$0x1a];
	s18 =	simm.s32 $0x1A3B0  }
0x30: {  	[tilespmem:s2], [sflag:$0x2] =	stream.linear.gather [hbm4b:s21+s3], $0x400, $0x38;
	[tilespmem:$0x1F870] =	vst v63  }
0x31: {  	[tilespmem:s18+$0xFFFFFFC0] =	vst v0  }
0x32: {  	[tilespmem:s18+$0x30] =	vst v0  }
0x33: {  	[tilespmem:s18+$0x20] =	vst v0  }
0x34: {  	[tilespmem:s18+$0x10] =	vst v0  }
0x35: {  	[tilespmem:s18+$0x0] =	vst v0  }
0x36: {  	[tilespmem:s18+$0xFFFFFFF0] =	vst v0  }
0x37: {  	s30 =	simm.s32 $0x0;
	s16 =	simm.s32 $0x1BB70;
	[tilespmem:s18+$0xFFFFFFE0] =	vst v0  }
.LBB2_2:
0x38: {  	s30 =	sadd.s32 $0x80, s30;
	[tilespmem:s18+$0xFFFFFFD0] =	vst v0;
	s18 =	sadd.s32 $0x80, s18;
	s19 =	simm.s32 $0x17F0  }
0x39: {  	[tilespmem:s18+$0xFFFFFFC0] =	vst v0;
	p0 =	slt.u32 s30, $0x1780  }
0x3a: {  	[tilespmem:s18+$0x30] =	vst v0  }
.Ltmp0:
0x3b: {  	[tilespmem:s18+$0x20] =	vst v0;
	(pc) =	sbr.rel @p0 .LBB2_2-.Ltmp0, $4  }
0x3c: {  	[tilespmem:s18+$0x10] =	vst v0  }
0x3d: {  	[tilespmem:s18+$0x0] =	vst v0  }
0x3e: {  	[tilespmem:s18+$0xFFFFFFF0] =	vst v0  }
0x3f: {  	[tilespmem:s18+$0xFFFFFFE0] =	vst v0  }
0x40: {  	s21 =	smov.u32 s31;
	[tilespmem:s18+$0xFFFFFFD0] =	vst v0  }
.LBB2_4:
0x41: {  	s19 =	sadd.s32 $0x10, s19  }
0x42: {  	p0 =	slt.u32 s19, $0x1860  }
.Ltmp1:
0x43: {  	_ = 	snop;
	(pc) =	sbr.rel @p0 .LBB2_4-.Ltmp1, $2  }
0x44: {  	_ =	sdelay $0x2  }
0x45: {  	[tilespmem:s16+$0x0] =	vst v0;
	s16 =	sadd.s32 $0x10, s16;
	s30 =	simm.s32 $0xFFFFFF80;
	s18 =	simm.s32 $0x1BC30  }
0x46: {  	[tilespmem:s18+$0xFFFFFFC0] =	vst v1  }
0x47: {  	[tilespmem:s18+$0x30] =	vst v1  }
0x48: {  	[tilespmem:s18+$0x20] =	vst v1  }
0x49: {  	[tilespmem:s18+$0x10] =	vst v1  }
0x4a: {  	[tilespmem:s18+$0x0] =	vst v1  }
0x4b: {  	[tilespmem:s18+$0xFFFFFFF0] =	vst v1  }
0x4c: {  	s16 =	sadd.s32 $0x80, s30;
	[tilespmem:s18+$0xFFFFFFE0] =	vst v1  }
.LBB2_6:
0x4d: {  	s16 =	sadd.s32 $0x80, s16;
	[tilespmem:s18+$0xFFFFFFD0] =	vst v1;
	s18 =	sadd.s32 $0x80, s18  }
0x4e: {  	[tilespmem:s18+$0xFFFFFFC0] =	vst v1;
	p0 =	slt.u32 s16, $0x380  }
0x4f: {  	[tilespmem:s18+$0x30] =	vst v1  }
.Ltmp2:
0x50: {  	[tilespmem:s18+$0x20] =	vst v1;
	(pc) =	sbr.rel @p0 .LBB2_6-.Ltmp2, $4  }
0x51: {  	[tilespmem:s18+$0x10] =	vst v1  }
0x52: {  	[tilespmem:s18+$0x0] =	vst v1  }
0x53: {  	[tilespmem:s18+$0xFFFFFFF0] =	vst v1  }
0x54: {  	[tilespmem:s18+$0xFFFFFFE0] =	vst v1  }
0x55: {  	[tilespmem:s18+$0xFFFFFFD0] =	vst v1  }
0x56: {  	s2 =	simm.s32 $0x1A370;
	s16 =	rddreg [dreg:$0x1b]  }
0x57: {  	[spmem:s16] =	stream.linear.scatter [tilespmem:s2], [sflag:$0x5], $0x1870, $0x38;
	[tilespmem:$0x1F870] =	vst v63  }
0x58: {  	_ =	swait.ge [sflag:s17], $0x1870  }
0x59: {  	[sflag:s17] =	ssyncset.done $0x0  }
0x5a: {  	[sflag:s17] =	ssyncadd.s32 $0xFFFFE790  }
0x5b: {  	s18 =	simm.s32 $0x2;
	[bflag:$0x0] =	sbarrier.arrive $0xFFFF  }
0x5c: {  	_ =	swait.ge [sflag:s18], $0x400  }
0x5d: {  	[sflag:s18] =	ssyncset.done $0x0  }
0x5e: {  	[sflag:s18] =	ssyncadd.s32 $0xFFFFFC00  }
0x5f: {  	s19 =	simm.s32 $0x1BBF0;
	s18 =	simm.s32 $0x1BFF0;
	s16 =	rddreg [dreg:$0x4]  }
0x60: {  	[spmem:s16] =	stream.indirect.scatter.add.f32 [tilespmem:s19], [sflag:$0x5], $0x1, s18, s14, $0xb8;
	[tilespmem:$0x1F870] =	vst v63  }
0x61: {  	_ =	swait.ge [sflag:s17], $0x400  }
0x62: {  	[sflag:s17] =	ssyncset.done $0x0  }
0x63: {  	s31 =	simm.s32 $0x1;
	[sflag:s17] =	ssyncadd.s32 $0xFFFFFC00  }
0x64: {  	_ =	swait.ge [sflag:s31], $0x18700  }
0x65: {  	[sflag:s31] =	ssyncset.done $0x0  }
0x66: {  	[sflag:s31] =	ssyncadd.s32 $0xFFFE7900  }
0x67: {  	[bflag:$0x0] =	sbarrier.arrive $0xFFFF  }
0x68: {  	[tilespmem:s20], [sflag:$0x5] =	stream.indirect.gather [spmem:s16], $0x1, s18, s14, $0xb8;
	[tilespmem:$0x1F870] =	vst v63  }
0x69: {  	_ =	swait.ge [sflag:s17], $0x400  }
0x6a: {  	[sflag:s17] =	ssyncset.done $0x0  }
0x6b: {  	s18 =	simm.s32 $0x0;
	[sflag:s17] =	ssyncadd.s32 $0xFFFFFC00  }
0x6c: {  	v2 =	vld [tilespmem:s18+$0x1D420];
	_ =	sdelay $0x1  }
0x6d: {  	v3 =	vld [tilespmem:s18+$0x1D3F0]  }
0x6e: {  	v4 =	vld [tilespmem:s18+$0x1D400]  }
0x6f: {  	s16 =	simm.s32 $0x40;
	v5 =	vld [tilespmem:s18+$0x1D410]  }
0x70: {  	v6 =	vld [tilespmem:s16+$0x1D420];
	v2 =	vadd.f32 $1.000000000e+00, v2  }
0x71: {  	v7 =	vld [tilespmem:s16+$0x1D3F0]  }
0x72: {  	(erf) = vrcp.f32 v2;
	v2 =	vadd.f32 $1.000000000e+00, v3;
	v3 =	vld [tilespmem:s16+$0x1D400]  }
0x73: {  	v8 =	vld [tilespmem:s16+$0x1D410];
	v4 =	vadd.f32 $1.000000000e+00, v4  }
0x74: {  	(erf) = vrcp.f32 v2;
	v2 =	vadd.f32 $1.000000000e+00, v5  }
0x75: {  	(erf) = vrcp.f32 v4;
	v4 =	vadd.f32 $1.000000000e+00, v6  }
0x76: {  	v5 =	vadd.f32 $1.000000000e+00, v7;
	(erf) = vrcp.f32 v2  }
0x77: {  	v6 =	vadd.f32 $1.000000000e+00, v3;
	(erf) = vrcp.f32 v4  }
0x78: {  	s19 =	simm.s32 $0x80;
	v7 =	vadd.f32 $1.000000000e+00, v8;
	(erf) = vrcp.f32 v5  }
0x79: {  	v2 =	vld [tilespmem:s19+$0x1D420];
	(erf) = vrcp.f32 v6  }
0x7a: {  	v3 =	vld [tilespmem:s19+$0x1D3F0];
	(erf) = vrcp.f32 v7  }
0x7b: {  	v4 =	vld [tilespmem:s19+$0x1D400]  }
0x7c: {  	v5 =	vld [tilespmem:s19+$0x1D410]  }
0x7d: {  	s30 =	simm.s32 $0x300;
	s2 =	simm.s32 $0x1BFF0;
	v6 =	vpop (erf)  }
.LBB2_8:
0x7e: {  	s31 =	sshra.s32 s30, $0x2;
	p0 =	sne.s32 s30, $0xF00;
	s30 =	sadd.s32 $0x100, s30;
	v7 =	vadd.f32 $1.000000000e+00, v2;
	[tilespmem:s18+$0x1F420] =	vst v6;
	v6 =	vpop (erf)  }
.Ltmp3:
0x7f: {  	v2 =	vld [tilespmem:s31+$0x1D420];
	v8 =	vadd.f32 $1.000000000e+00, v3;
	[tilespmem:s18+$0x1F3F0] =	vst v6;
	v6 =	vpop (erf);
	(pc) =	sbr.rel @p0 .LBB2_8-.Ltmp3, $4  }
0x80: {  	v3 =	vld [tilespmem:s31+$0x1D3F0];
	v9 =	vadd.f32 $1.000000000e+00, v4;
	(erf) = vrcp.f32 v7;
	[tilespmem:s18+$0x1F400] =	vst v6;
	v6 =	vpop (erf)  }
0x81: {  	v4 =	vld [tilespmem:s31+$0x1D400];
	v7 =	vadd.f32 $1.000000000e+00, v5;
	(erf) = vrcp.f32 v8;
	[tilespmem:s18+$0x1F410] =	vst v6;
	s18 =	smov.u32 s16;
	s16 =	smov.u32 s19;
	s19 =	smov.u32 s31  }
0x82: {  	v5 =	vld [tilespmem:s19+$0x1D410];
	(erf) = vrcp.f32 v9  }
0x83: {  	(erf) = vrcp.f32 v7;
	v6 =	vpop (erf)  }
0x84: {  	_ = 	snop  }
0x85: {  	v2 =	vadd.f32 $1.000000000e+00, v2;
	v3 =	vadd.f32 $1.000000000e+00, v3;
	_ =	sdelay $0x1  }
0x86: {  	v4 =	vadd.f32 $1.000000000e+00, v4;
	(erf) = vrcp.f32 v2;
	v2 =	vadd.f32 $1.000000000e+00, v5  }
0x87: {  	(erf) = vrcp.f32 v3  }
0x88: {  	[tilespmem:s18+$0x1F420] =	vst v6;
	v3 =	vpop (erf);
	(erf) = vrcp.f32 v4  }
0x89: {  	[tilespmem:s18+$0x1F3F0] =	vst v3;
	v3 =	vpop (erf);
	(erf) = vrcp.f32 v2  }
0x8a: {  	v2 =	vpop (erf);
	[tilespmem:s18+$0x1F400] =	vst v3  }
0x8b: {  	[tilespmem:s18+$0x1F410] =	vst v2;
	v2 =	vpop (erf)  }
0x8c: {  	[tilespmem:s16+$0x1F420] =	vst v2;
	v2 =	vpop (erf)  }
0x8d: {  	[tilespmem:s16+$0x1F3F0] =	vst v2;
	v2 =	vpop (erf)  }
0x8e: {  	[tilespmem:s16+$0x1F400] =	vst v2;
	v2 =	vpop (erf)  }
0x8f: {  	[tilespmem:s16+$0x1F410] =	vst v2;
	v2 =	vpop (erf)  }
0x90: {  	[tilespmem:s19+$0x1F420] =	vst v2;
	v2 =	vpop (erf)  }
0x91: {  	[tilespmem:s19+$0x1F3F0] =	vst v2;
	v2 =	vpop (erf)  }
0x92: {  	[tilespmem:s19+$0x1F400] =	vst v2;
	v2 =	vpop (erf)  }
0x93: {  	s18 =	rddreg [dreg:$0x1c];
	[tilespmem:s19+$0x1F410] =	vst v2;
	s19 =	simm.s32 $0x1F3F0  }
0x94: {  	[spmem:s18] =	stream.linear.scatter [tilespmem:s19], [sflag:$0x5], $0x400, $0x38;
	[tilespmem:$0x1F870] =	vst v63  }
0x95: {  	_ =	swait.ge [sflag:s17], $0x400  }
0x96: {  	[sflag:s17] =	ssyncset.done $0x0  }
0x97: {  	[sflag:s17] =	ssyncadd.s32 $0xFFFFFC00  }
0x98: {  	[bflag:$0x0] =	sbarrier.arrive $0xFFFF  }
0x99: {  	[tilespmem:s23], [sflag:$0x3] =	stream.linear.gather [hbm4b:s21+s3], $0x800, $0x38;
	[tilespmem:$0x1F870] =	vst v63  }
0x9a: {  	s18 =	rddreg [dreg:$0x8]  }
0x9b: {  	[tilespmem:s20], [sflag:$0x3] =	stream.strided.gather [hbm4b:s18+s13], $0x800, s14, s13, $0x38;
	[tilespmem:$0x1F870] =	vst v63  }
0x9c: {  	s19 =	rddreg [dreg:$0x1e]  }
0x9d: {  	[tilespmem:s24], [sflag:$0x4] =	stream.linear.gather [hbm4b:s19+s3], $0x800, $0x38;
	[tilespmem:$0x1F870] =	vst v63  }
0x9e: {  	s31 =	smov.u32 s21;
	s21 =	rddreg [dreg:$0x9]  }
0x9f: {  	[tilespmem:s25], [sflag:$0x4] =	stream.strided.gather [hbm4b:s21+s13], $0x800, s14, s13, $0x38;
	[tilespmem:$0x1F870] =	vst v63  }
0xa0: {  	_ = 	snop  }
0xa1: {  	[tilespmem:s26], [sflag:$0x5] =	stream.linear.gather [spmem:s0], $0x800, $0x38;
	[tilespmem:$0x1F870] =	vst v63  }
0xa2: {  	_ =	swait.ge [sflag:s17], $0x800  }
0xa3: {  	[sflag:s17] =	ssyncset.done $0x0  }
0xa4: {  	[sflag:s17] =	ssyncadd.s32 $0xFFFFF800  }
0xa5: {  	_ =	swait.ge [sflag:s28], $0x800  }
0xa6: {  	[sflag:s28] =	ssyncset.done $0x0  }
0xa7: {  	[sflag:s28] =	ssyncadd.s32 $0xFFFFF800  }
0xa8: {  	_ =	swait.ge [sflag:s28], $0x800  }
0xa9: {  	[sflag:s28] =	ssyncset.done $0x0  }
0xaa: {  	s30 =	simm.s32 $0x1E470;
	[sflag:s28] =	ssyncadd.s32 $0xFFFFF800  }
0xab: {  	v3 =	vld [tilespmem:s30+$0x40]  }
0xac: {  	v2 =	vld [tilespmem:s30+$0x30]  }
0xad: {  	v4 =	vld [tilespmem:s30+$0x20]  }
0xae: {  	s16 =	simm.s32 $0x1C470;
	v5 =	vld [tilespmem:s30+$0x10]  }
0xaf: {  	v6 =	vld [tilespmem:s16+$0x70]  }
0xb0: {  	v7 =	vld [tilespmem:s30+$0x0]  }
0xb1: {  	v8 =	vld [tilespmem:s16+$0x60]  }
0xb2: {  	v9 =	vld [tilespmem:s30+$0xFFFFFFF0]  }
0xb3: {  	v10 =	vld [tilespmem:s16+$0x50]  }
0xb4: {  	v12 =	vld [tilespmem:s16+$0x40]  }
0xb5: {  	v13 =	vld [tilespmem:s30+$0xFFFFFFD0]  }
0xb6: {  	v14 =	vld [tilespmem:s16+$0x30]  }
0xb7: {  	v15 =	vld [tilespmem:s30+$0xFFFFFFC0]  }
0xb8: {  	v16 =	vld [tilespmem:s16+$0x20]  }
0xb9: {  	v17 =	vld [tilespmem:s30+$0xFFFFFFB0]  }
0xba: {  	v18 =	vld [tilespmem:s16+$0x10]  }
0xbb: {  	v19 =	vld [tilespmem:s30+$0xFFFFFFA0]  }
0xbc: {  	v20 =	vld [tilespmem:s16+$0x0]  }
0xbd: {  	v21 =	vld [tilespmem:s30+$0xFFFFFF90]  }
0xbe: {  	v22 =	vld [tilespmem:s16+$0xFFFFFFF0]  }
0xbf: {  	v23 =	vld [tilespmem:s30+$0xFFFFFF80]  }
0xc0: {  	s18 =	simm.s32 $0x1D470;
	v24 =	vld [tilespmem:s16+$0xFFFFFF80]  }
0xc1: {  	v25 =	vld [tilespmem:s18+$0xFFFFFFA0]  }
0xc2: {  	v26 =	vld [tilespmem:s16+$0xFFFFFF90]  }
0xc3: {  	v27 =	vld [tilespmem:s16+$0xFFFFFFE0]  }
0xc4: {  	v28 =	vld [tilespmem:s16+$0xFFFFFFA0]  }
0xc5: {  	v29 =	vld [tilespmem:s16+$0xFFFFFFB0]  }
0xc6: {  	v30 =	vld [tilespmem:s16+$0xFFFFFFD0]  }
0xc7: {  	v31 =	vld [tilespmem:s16+$0xFFFFFFC0]  }
0xc8: {  	v32 =	vld [tilespmem:s18+$0xFFFFFF80]  }
0xc9: {  	v24 =	vld.idx.msk [tilespmem:v24+s15+$0x0], $0xffff  }
0xca: {  	v33 =	vld [tilespmem:s18+$0xFFFFFF90]  }
0xcb: {  	v26 =	vld.idx.msk [tilespmem:v26+s15+$0x0], $0xffff  }
0xcc: {  	v45 =	vld [tilespmem:s18+$0xFFFFFFB0]  }
0xcd: {  	v28 =	vld.idx.msk [tilespmem:v28+s15+$0x0], $0xffff  }
0xce: {  	v29 =	vld.idx.msk [tilespmem:v29+s15+$0x0], $0xffff;
	v24 =	vsub.f32 v24, v32  }
0xcf: {  	v46 =	vld [tilespmem:s18+$0xFFFFFFC0]  }
0xd0: {  	v31 =	vld.idx.msk [tilespmem:v31+s15+$0x0], $0xffff;
	v26 =	vsub.f32 v26, v33;
	v24 =	vmul.f32 v24, v24  }
0xd1: {  	v48 =	vld [tilespmem:s18+$0xFFFFFFD0]  }
0xd2: {  	v30 =	vld.idx.msk [tilespmem:v30+s15+$0x0], $0xffff;
	v25 =	vsub.f32 v28, v25;
	v47 =	vmul.f32 v26, v26;
	v23 =	vmul.f32 v24, v23  }
0xd3: {  	v49 =	vimm.f32 $0.0e+00;
	v51 =	vld [tilespmem:s18+$0xFFFFFFE0];
	v29 =	vsub.f32 v29, v45  }
0xd4: {  	v27 =	vld.idx.msk [tilespmem:v27+s15+$0x0], $0xffff;
	v50 =	vmul.f32 v25, v25;
	v21 =	vmul.f32 v47, v21;
	v23 =	vadd.f32 v23, v49  }
0xd5: {  	v54 =	vld [tilespmem:s18+$0xFFFFFFF0];
	v52 =	vsub.f32 v31, v46  }
0xd6: {  	v22 =	vld.idx.msk [tilespmem:v22+s15+$0x0], $0xffff;
	v53 =	vmul.f32 v29, v29;
	v19 =	vmul.f32 v50, v19;
	v21 =	vadd.f32 v21, v23  }
0xd7: {  	v56 =	vld [tilespmem:s18+$0x0];
	v26 =	vsub.f32 v30, v48  }
0xd8: {  	v20 =	vld.idx.msk [tilespmem:v20+s15+$0x0], $0xffff;
	v55 =	vmul.f32 v52, v52;
	v17 =	vmul.f32 v53, v17;
	v19 =	vadd.f32 v19, v21  }
0xd9: {  	v11 =	vld [tilespmem:s30+$0xFFFFFFE0];
	v25 =	vsub.f32 v27, v51  }
0xda: {  	v58 =	vld [tilespmem:s18+$0x10];
	v15 =	vmul.f32 v55, v15;
	v57 =	vmul.f32 v26, v26;
	v17 =	vadd.f32 v17, v19  }
0xdb: {  	v60 =	vld [tilespmem:s18+$0x20];
	v22 =	vsub.f32 v22, v54  }
0xdc: {  	v18 =	vld.idx.msk [tilespmem:v18+s15+$0x0], $0xffff;
	v59 =	vmul.f32 v25, v25;
	v13 =	vmul.f32 v57, v13;
	v15 =	vadd.f32 v15, v17  }
0xdd: {  	v61 =	vld [tilespmem:s18+$0x30];
	v20 =	vsub.f32 v20, v56  }
0xde: {  	v16 =	vld.idx.msk [tilespmem:v16+s15+$0x0], $0xffff;
	v11 =	vmul.f32 v59, v11;
	v13 =	vadd.f32 v13, v15;
	v15 =	vmul.f32 v22, v22  }
0xdf: {  	v14 =	vld.idx.msk [tilespmem:v14+s15+$0x0], $0xffff  }
0xe0: {  	v12 =	vld.idx.msk [tilespmem:v12+s15+$0x0], $0xffff;
	v11 =	vadd.f32 v11, v13;
	v9 =	vmul.f32 v15, v9;
	v13 =	vmul.f32 v20, v20  }
0xe1: {  	v18 =	vsub.f32 v18, v58;
	v15 =	vld [tilespmem:s18+$0x40]  }
0xe2: {  	v10 =	vld.idx.msk [tilespmem:v10+s15+$0x0], $0xffff;
	v9 =	vadd.f32 v9, v11;
	v7 =	vmul.f32 v13, v7  }
0xe3: {  	v16 =	vsub.f32 v16, v60;
	v11 =	vmul.f32 v18, v18;
	v13 =	vld [tilespmem:s18+$0x50]  }
0xe4: {  	v63 =	vld [tilespmem:s18+$0x60];
	v7 =	vadd.f32 v7, v9  }
0xe5: {  	v62 =	vld.idx.msk [tilespmem:v8+s15+$0x0], $0xffff;
	v8 =	vmul.f32 v11, v5;
	v9 =	vmul.f32 v16, v16;
	v11 =	vsub.f32 v14, v61  }
0xe6: {  	v5 =	vld.idx.msk [tilespmem:v6+s15+$0x0], $0xffff;
	v14 =	vsub.f32 v12, v15  }
0xe7: {  	v7 =	vadd.f32 v8, v7;
	v9 =	vmul.f32 v9, v4;
	v4 =	vld [tilespmem:s18+$0x70];
	v12 =	vmul.f32 v11, v11  }
0xe8: {  	v6 =	vld [tilespmem:s30+$0x50];
	v8 =	vsub.f32 v10, v13  }
0xe9: {  	v13 =	vmul.f32 v14, v14;
	v11 =	vadd.f32 v9, v7;
	v9 =	vld [tilespmem:s30+$0x70];
	v12 =	vmul.f32 v12, v2  }
0xea: {  	s19 =	simm.s32 $0x0;
	s21 =	smov.u32 s0;
	v10 =	vsub.f32 v62, v63;
	v7 =	vld [tilespmem:s30+$0x60];
	s30 =	simm.s32 $0x1E570  }
.LBB2_10:
0xeb: {  	v11 =	vadd.f32 v12, v11;
	v12 =	vmul.f32 v13, v3;
	v3 =	vld [tilespmem:s30+$0x40];
	v8 =	vmul.f32 v8, v8  }
0xec: {  	v2 =	vld [tilespmem:s30+$0x30];
	v13 =	vsub.f32 v5, v4  }
0xed: {  	v10 =	vmul.f32 v10, v10;
	v4 =	vld [tilespmem:s30+$0x20];
	v11 =	vadd.f32 v12, v11;
	v8 =	vmul.f32 v8, v6  }
0xee: {  	s16 =	sadd.s32 $0x100, s16;
	v6 =	vld [tilespmem:s30+$0x10]  }
0xef: {  	v12 =	vmul.f32 v13, v13;
	v5 =	vld [tilespmem:s16+$0x70];
	v11 =	vadd.f32 v8, v11;
	v10 =	vmul.f32 v10, v7  }
0xf0: {  	v8 =	vld [tilespmem:s30+$0x0]  }
0xf1: {  	v12 =	vmul.f32 v12, v9;
	v7 =	vld [tilespmem:s16+$0x60];
	v11 =	vadd.f32 v10, v11  }
0xf2: {  	v10 =	vld [tilespmem:s30+$0xFFFFFFF0]  }
0xf3: {  	v9 =	vld [tilespmem:s16+$0x50];
	v11 =	vadd.f32 v12, v11  }
0xf4: {  	v12 =	vld [tilespmem:s30+$0xFFFFFFE0]  }
0xf5: {  	v13 =	vld [tilespmem:s16+$0x40]  }
0xf6: {  	v14 =	vld [tilespmem:s30+$0xFFFFFFD0]  }
0xf7: {  	v15 =	vld [tilespmem:s16+$0x30]  }
0xf8: {  	v16 =	vld [tilespmem:s30+$0xFFFFFFC0]  }
0xf9: {  	v17 =	vld [tilespmem:s16+$0x20]  }
0xfa: {  	v18 =	vld [tilespmem:s30+$0xFFFFFFB0]  }
0xfb: {  	v19 =	vld [tilespmem:s16+$0x10]  }
0xfc: {  	v20 =	vld [tilespmem:s30+$0xFFFFFFA0]  }
0xfd: {  	v21 =	vld [tilespmem:s16+$0x0]  }
0xfe: {  	v22 =	vld [tilespmem:s30+$0xFFFFFF90]  }
0xff: {  	v23 =	vld [tilespmem:s16+$0xFFFFFFF0]  }
0x100: {  	v24 =	vld [tilespmem:s30+$0xFFFFFF80]  }
0x101: {  	s19 =	sadd.s32 $0x100, s19;
	s18 =	sadd.s32 $0x100, s18;
	v25 =	vld [tilespmem:s16+$0xFFFFFF80]  }
0x102: {  	p0 =	slt.u32 s19, $0x700;
	v26 =	vld [tilespmem:s18+$0xFFFFFFA0]  }
0x103: {  	v27 =	vld [tilespmem:s16+$0xFFFFFF90]  }
0x104: {  	v28 =	vld [tilespmem:s16+$0xFFFFFFE0]  }
0x105: {  	v29 =	vld [tilespmem:s16+$0xFFFFFFA0]  }
0x106: {  	v30 =	vld [tilespmem:s16+$0xFFFFFFB0]  }
0x107: {  	v31 =	vld [tilespmem:s16+$0xFFFFFFD0]  }
0x108: {  	v32 =	vld [tilespmem:s16+$0xFFFFFFC0]  }
0x109: {  	v25 =	vld.idx.msk [tilespmem:v25+s15+$0x0], $0xffff  }
0x10a: {  	v33 =	vld [tilespmem:s18+$0xFFFFFF80]  }
0x10b: {  	v27 =	vld.idx.msk [tilespmem:v27+s15+$0x0], $0xffff  }
0x10c: {  	v34 =	vld [tilespmem:s18+$0xFFFFFF90]  }
0x10d: {  	v29 =	vld.idx.msk [tilespmem:v29+s15+$0x0], $0xffff  }
0x10e: {  	v30 =	vld.idx.msk [tilespmem:v30+s15+$0x0], $0xffff  }
0x10f: {  	v25 =	vsub.f32 v25, v33;
	v33 =	vld [tilespmem:s18+$0xFFFFFFB0]  }
0x110: {  	v32 =	vld.idx.msk [tilespmem:v32+s15+$0x0], $0xffff  }
0x111: {  	v25 =	vmul.f32 v25, v25;
	v27 =	vsub.f32 v27, v34;
	v34 =	vld [tilespmem:s18+$0xFFFFFFC0]  }
0x112: {  	v31 =	vld.idx.msk [tilespmem:v31+s15+$0x0], $0xffff  }
0x113: {  	v26 =	vsub.f32 v29, v26;
	v24 =	vmul.f32 v25, v24;
	v25 =	vmul.f32 v27, v27;
	v27 =	vld [tilespmem:s18+$0xFFFFFFD0]  }
0x114: {  	v29 =	vsub.f32 v30, v33;
	v28 =	vld.idx.msk [tilespmem:v28+s15+$0x0], $0xffff  }
0x115: {  	v11 =	vadd.f32 v24, v11;
	v22 =	vmul.f32 v25, v22;
	v24 =	vmul.f32 v26, v26;
	v25 =	vld [tilespmem:s18+$0xFFFFFFE0]  }
0x116: {  	v26 =	vsub.f32 v32, v34;
	v23 =	vld.idx.msk [tilespmem:v23+s15+$0x0], $0xffff  }
0x117: {  	v11 =	vadd.f32 v22, v11;
	v20 =	vmul.f32 v24, v20;
	v22 =	vmul.f32 v29, v29;
	v24 =	vld [tilespmem:s18+$0xFFFFFFF0]  }
0x118: {  	v27 =	vsub.f32 v31, v27;
	v21 =	vld.idx.msk [tilespmem:v21+s15+$0x0], $0xffff  }
0x119: {  	v11 =	vadd.f32 v20, v11;
	v18 =	vmul.f32 v22, v18;
	v20 =	vmul.f32 v26, v26;
	v22 =	vld [tilespmem:s18+$0x0]  }
0x11a: {  	v25 =	vsub.f32 v28, v25;
	v19 =	vld.idx.msk [tilespmem:v19+s15+$0x0], $0xffff  }
0x11b: {  	v11 =	vadd.f32 v18, v11;
	v16 =	vmul.f32 v20, v16;
	v18 =	vmul.f32 v27, v27;
	v20 =	vld [tilespmem:s18+$0x10]  }
0x11c: {  	v23 =	vsub.f32 v23, v24;
	v17 =	vld.idx.msk [tilespmem:v17+s15+$0x0], $0xffff  }
0x11d: {  	v11 =	vadd.f32 v16, v11;
	v14 =	vmul.f32 v18, v14;
	v16 =	vmul.f32 v25, v25;
	v18 =	vld [tilespmem:s18+$0x20]  }
0x11e: {  	v21 =	vsub.f32 v21, v22;
	v15 =	vld.idx.msk [tilespmem:v15+s15+$0x0], $0xffff  }
0x11f: {  	v11 =	vadd.f32 v14, v11;
	v12 =	vmul.f32 v16, v12;
	v14 =	vmul.f32 v23, v23;
	v16 =	vld [tilespmem:s18+$0x30]  }
0x120: {  	v19 =	vsub.f32 v19, v20;
	v13 =	vld.idx.msk [tilespmem:v13+s15+$0x0], $0xffff  }
0x121: {  	v11 =	vadd.f32 v12, v11;
	v10 =	vmul.f32 v14, v10;
	v12 =	vmul.f32 v21, v21;
	v14 =	vld [tilespmem:s18+$0x40]  }
0x122: {  	v17 =	vsub.f32 v17, v18;
	v9 =	vld.idx.msk [tilespmem:v9+s15+$0x0], $0xffff  }
0x123: {  	v10 =	vadd.f32 v10, v11;
	v8 =	vmul.f32 v12, v8;
	v11 =	vmul.f32 v19, v19;
	v12 =	vld [tilespmem:s18+$0x50]  }
0x124: {  	v15 =	vsub.f32 v15, v16;
	v16 =	vld.idx.msk [tilespmem:v7+s15+$0x0], $0xffff  }
0x125: {  	v7 =	vadd.f32 v8, v10;
	v6 =	vmul.f32 v11, v6;
	v8 =	vmul.f32 v17, v17;
	v10 =	vld [tilespmem:s18+$0x60]  }
.Ltmp4:
0x126: {  	v13 =	vsub.f32 v13, v14;
	v5 =	vld.idx.msk [tilespmem:v5+s15+$0x0], $0xffff;
	(pc) =	sbr.rel @p0 .LBB2_10-.Ltmp4, $4  }
0x127: {  	v14 =	vmul.f32 v15, v15;
	v7 =	vadd.f32 v6, v7;
	v11 =	vmul.f32 v8, v4;
	v4 =	vld [tilespmem:s18+$0x70]  }
0x128: {  	v6 =	vld [tilespmem:s30+$0x50];
	v8 =	vsub.f32 v9, v12  }
0x129: {  	v12 =	vmul.f32 v14, v2;
	v13 =	vmul.f32 v13, v13;
	v11 =	vadd.f32 v11, v7;
	v9 =	vld [tilespmem:s30+$0x70]  }
0x12a: {  	v7 =	vld [tilespmem:s30+$0x60];
	v10 =	vsub.f32 v16, v10;
	s30 =	sadd.s32 $0x100, s30  }
0x12b: {  	s0 =	rddreg [dreg:$0x1f]  }
0x12c: {  	s16 =	rddreg [dreg:$0xa]  }
0x12d: {  	[tilespmem:s23], [sflag:$0x3] =	stream.linear.gather [hbm4b:s0+s3], $0x800, $0x38;
	[tilespmem:$0x1F870] =	vst v63  }
0x12e: {  	s19 =	sld [smem:$0x7FB]  }
0x12f: {  	[tilespmem:s20], [sflag:$0x3] =	stream.strided.gather [hbm4b:s16+s13], $0x800, s14, s13, $0x38;
	[tilespmem:$0x1F870] =	vst v63  }
0x130: {  	_ = 	snop  }
0x131: {  	[tilespmem:s29], [sflag:$0x5] =	stream.linear.gather [spmem:s19], $0x800, $0x38;
	[tilespmem:$0x1F870] =	vst v63  }
0x132: {  	_ =	swait.ge [sflag:s17], $0x800  }
0x133: {  	[sflag:s17] =	ssyncset.done $0x0  }
0x134: {  	[sflag:s17] =	ssyncadd.s32 $0xFFFFF800  }
0x135: {  	_ =	swait.ge [sflag:s1], $0x800  }
0x136: {  	[sflag:s1] =	ssyncset.done $0x0  }
0x137: {  	[sflag:s1] =	ssyncadd.s32 $0xFFFFF800  }
0x138: {  	_ =	swait.ge [sflag:s1], $0x800  }
0x139: {  	[sflag:s1] =	ssyncset.done $0x0  }
0x13a: {  	s30 =	simm.s32 $0x1EC70;
	[sflag:s1] =	ssyncadd.s32 $0xFFFFF800  }
0x13b: {  	v2 =	vld [tilespmem:s30+$0x40]  }
0x13c: {  	v14 =	vld [tilespmem:s30+$0x30]  }
0x13d: {  	v15 =	vld [tilespmem:s30+$0x20]  }
0x13e: {  	s16 =	simm.s32 $0x1CC70;
	v16 =	vld [tilespmem:s30+$0x10]  }
0x13f: {  	v17 =	vld [tilespmem:s16+$0x70]  }
0x140: {  	v18 =	vld [tilespmem:s30+$0x0]  }
0x141: {  	v19 =	vld [tilespmem:s16+$0x60]  }
0x142: {  	v20 =	vld [tilespmem:s30+$0xFFFFFFF0]  }
0x143: {  	v21 =	vld [tilespmem:s16+$0x50]  }
0x144: {  	v22 =	vld [tilespmem:s30+$0xFFFFFFE0]  }
0x145: {  	v23 =	vld [tilespmem:s16+$0x40]  }
0x146: {  	v24 =	vld [tilespmem:s30+$0xFFFFFFD0]  }
0x147: {  	v25 =	vld [tilespmem:s16+$0x30]  }
0x148: {  	v26 =	vld [tilespmem:s30+$0xFFFFFFC0]  }
0x149: {  	v27 =	vld [tilespmem:s16+$0x20]  }
0x14a: {  	v28 =	vld [tilespmem:s30+$0xFFFFFFB0]  }
0x14b: {  	v29 =	vld [tilespmem:s16+$0x10]  }
0x14c: {  	v30 =	vld [tilespmem:s30+$0xFFFFFFA0]  }
0x14d: {  	v31 =	vld [tilespmem:s16+$0x0]  }
0x14e: {  	v32 =	vld [tilespmem:s30+$0xFFFFFF90]  }
0x14f: {  	v33 =	vld [tilespmem:s16+$0xFFFFFFF0]  }
0x150: {  	v34 =	vld [tilespmem:s30+$0xFFFFFF80]  }
0x151: {  	s18 =	simm.s32 $0x1DC70;
	v35 =	vld [tilespmem:s16+$0xFFFFFF80]  }
0x152: {  	v36 =	vld [tilespmem:s18+$0xFFFFFFA0]  }
0x153: {  	v37 =	vld [tilespmem:s16+$0xFFFFFF90]  }
0x154: {  	v38 =	vld [tilespmem:s16+$0xFFFFFFE0]  }
0x155: {  	v39 =	vld [tilespmem:s16+$0xFFFFFFA0]  }
0x156: {  	v40 =	vld [tilespmem:s16+$0xFFFFFFB0]  }
0x157: {  	v41 =	vld [tilespmem:s16+$0xFFFFFFD0]  }
0x158: {  	v42 =	vld [tilespmem:s16+$0xFFFFFFC0]  }
0x159: {  	v11 =	vadd.f32 v12, v11;
	v8 =	vmul.f32 v8, v8;
	v12 =	vld [tilespmem:s18+$0xFFFFFF80]  }
0x15a: {  	v3 =	vmul.f32 v13, v3;
	v35 =	vld.idx.msk [tilespmem:v35+s15+$0x0], $0xffff  }
0x15b: {  	v6 =	vmul.f32 v8, v6;
	v8 =	vmul.f32 v10, v10;
	v10 =	vld [tilespmem:s18+$0xFFFFFF90]  }
0x15c: {  	v4 =	vsub.f32 v5, v4;
	v3 =	vadd.f32 v3, v11;
	v5 =	vld.idx.msk [tilespmem:v37+s15+$0x0], $0xffff  }
0x15d: {  	v11 =	vld.idx.msk [tilespmem:v39+s15+$0x0], $0xffff  }
0x15e: {  	v4 =	vmul.f32 v4, v4;
	v3 =	vadd.f32 v6, v3;
	v6 =	vmul.f32 v8, v7;
	v7 =	vld.idx.msk [tilespmem:v40+s15+$0x0], $0xffff  }
0x15f: {  	v8 =	vsub.f32 v35, v12;
	v12 =	vld [tilespmem:s18+$0xFFFFFFB0]  }
0x160: {  	v4 =	vmul.f32 v4, v9;
	v3 =	vadd.f32 v6, v3;
	v9 =	vld [tilespmem:s18+$0xFFFFFFC0]  }
0x161: {  	v6 =	vld.idx.msk [tilespmem:v42+s15+$0x0], $0xffff;
	v5 =	vsub.f32 v5, v10;
	v8 =	vmul.f32 v8, v8  }
0x162: {  	v3 =	vadd.f32 v4, v3;
	v4 =	vld.idx.msk [tilespmem:v41+s15+$0x0], $0xffff  }
0x163: {  	v10 =	vsub.f32 v11, v36;
	v11 =	vld [tilespmem:s18+$0xFFFFFFD0];
	v5 =	vmul.f32 v5, v5;
	v8 =	vmul.f32 v8, v34  }
0x164: {  	v7 =	vsub.f32 v7, v12;
	v12 =	vld.idx.msk [tilespmem:v38+s15+$0x0], $0xffff  }
0x165: {  	v5 =	vmul.f32 v5, v32;
	v3 =	vadd.f32 v8, v3;
	v8 =	vmul.f32 v10, v10;
	v10 =	vld [tilespmem:s18+$0xFFFFFFE0]  }
0x166: {  	v6 =	vsub.f32 v6, v9;
	v9 =	vld.idx.msk [tilespmem:v33+s15+$0x0], $0xffff  }
0x167: {  	v7 =	vmul.f32 v7, v7;
	v3 =	vadd.f32 v5, v3;
	v5 =	vmul.f32 v8, v30;
	v8 =	vld [tilespmem:s18+$0xFFFFFFF0]  }
0x168: {  	v4 =	vsub.f32 v4, v11;
	v11 =	vld.idx.msk [tilespmem:v31+s15+$0x0], $0xffff  }
0x169: {  	v6 =	vmul.f32 v6, v6;
	v3 =	vadd.f32 v5, v3;
	v5 =	vmul.f32 v7, v28;
	v7 =	vld [tilespmem:s18+$0x0]  }
0x16a: {  	v10 =	vsub.f32 v12, v10;
	v12 =	vld.idx.msk [tilespmem:v29+s15+$0x0], $0xffff  }
0x16b: {  	v4 =	vmul.f32 v4, v4;
	v3 =	vadd.f32 v5, v3;
	v5 =	vmul.f32 v6, v26;
	v6 =	vld [tilespmem:s18+$0x10]  }
0x16c: {  	v8 =	vsub.f32 v9, v8;
	v9 =	vld.idx.msk [tilespmem:v27+s15+$0x0], $0xffff  }
0x16d: {  	v4 =	vmul.f32 v4, v24;
	v3 =	vadd.f32 v5, v3;
	v5 =	vmul.f32 v10, v10;
	v10 =	vld [tilespmem:s18+$0x20]  }
0x16e: {  	v13 =	vld [tilespmem:s18+$0x50];
	v7 =	vsub.f32 v11, v7  }
0x16f: {  	v11 =	vld.idx.msk [tilespmem:v25+s15+$0x0], $0xffff;
	v3 =	vadd.f32 v4, v3;
	v4 =	vmul.f32 v5, v22;
	v5 =	vmul.f32 v8, v8  }
0x170: {  	v8 =	vld [tilespmem:s18+$0x30];
	v6 =	vsub.f32 v12, v6  }
0x171: {  	v12 =	vld.idx.msk [tilespmem:v23+s15+$0x0], $0xffff;
	v3 =	vadd.f32 v4, v3;
	v4 =	vmul.f32 v5, v20;
	v5 =	vmul.f32 v7, v7  }
0x172: {  	v7 =	vld [tilespmem:s18+$0x40];
	v9 =	vsub.f32 v9, v10  }
0x173: {  	v10 =	vld.idx.msk [tilespmem:v21+s15+$0x0], $0xffff;
	v3 =	vadd.f32 v4, v3;
	v4 =	vmul.f32 v5, v18;
	v5 =	vmul.f32 v6, v6  }
0x174: {  	v63 =	vld [tilespmem:s18+$0x60];
	v6 =	vmul.f32 v9, v9  }
0x175: {  	v62 =	vld.idx.msk [tilespmem:v19+s15+$0x0], $0xffff;
	v8 =	vsub.f32 v11, v8;
	v3 =	vadd.f32 v4, v3;
	v4 =	vmul.f32 v5, v16  }
0x176: {  	v5 =	vld.idx.msk [tilespmem:v17+s15+$0x0], $0xffff;
	v9 =	vmul.f32 v6, v15  }
0x177: {  	v7 =	vsub.f32 v12, v7;
	v12 =	vmul.f32 v8, v8;
	v3 =	vadd.f32 v4, v3;
	v4 =	vld [tilespmem:s18+$0x70]  }
0x178: {  	v6 =	vld [tilespmem:s30+$0x50];
	v8 =	vsub.f32 v10, v13  }
0x179: {  	v12 =	vmul.f32 v12, v14;
	v13 =	vmul.f32 v7, v7;
	v7 =	vld [tilespmem:s30+$0x60];
	v11 =	vadd.f32 v9, v3  }
0x17a: {  	s19 =	simm.s32 $0x0;
	v10 =	vsub.f32 v62, v63;
	v9 =	vld [tilespmem:s30+$0x70];
	s30 =	simm.s32 $0x1ED70  }
.LBB2_12:
0x17b: {  	v11 =	vadd.f32 v12, v11;
	v12 =	vmul.f32 v13, v2;
	v2 =	vld [tilespmem:s30+$0x40];
	v8 =	vmul.f32 v8, v8  }
0x17c: {  	v3 =	vld [tilespmem:s30+$0x30];
	v13 =	vsub.f32 v5, v4  }
0x17d: {  	v10 =	vmul.f32 v10, v10;
	v4 =	vld [tilespmem:s30+$0x20];
	v11 =	vadd.f32 v12, v11;
	v8 =	vmul.f32 v8, v6  }
0x17e: {  	s16 =	sadd.s32 $0x100, s16;
	v6 =	vld [tilespmem:s30+$0x10]  }
0x17f: {  	v12 =	vmul.f32 v13, v13;
	v5 =	vld [tilespmem:s16+$0x70];
	v11 =	vadd.f32 v8, v11;
	v10 =	vmul.f32 v10, v7  }
0x180: {  	v8 =	vld [tilespmem:s30+$0x0]  }
0x181: {  	v12 =	vmul.f32 v12, v9;
	v7 =	vld [tilespmem:s16+$0x60];
	v11 =	vadd.f32 v10, v11  }
0x182: {  	v10 =	vld [tilespmem:s30+$0xFFFFFFF0]  }
0x183: {  	v9 =	vld [tilespmem:s16+$0x50];
	v11 =	vadd.f32 v12, v11  }
0x184: {  	v12 =	vld [tilespmem:s30+$0xFFFFFFE0]  }
0x185: {  	v13 =	vld [tilespmem:s16+$0x40]  }
0x186: {  	v14 =	vld [tilespmem:s30+$0xFFFFFFD0]  }
0x187: {  	v15 =	vld [tilespmem:s16+$0x30]  }
0x188: {  	v16 =	vld [tilespmem:s30+$0xFFFFFFC0]  }
0x189: {  	v17 =	vld [tilespmem:s16+$0x20]  }
0x18a: {  	v18 =	vld [tilespmem:s30+$0xFFFFFFB0]  }
0x18b: {  	v19 =	vld [tilespmem:s16+$0x10]  }
0x18c: {  	v20 =	vld [tilespmem:s30+$0xFFFFFFA0]  }
0x18d: {  	v21 =	vld [tilespmem:s16+$0x0]  }
0x18e: {  	v22 =	vld [tilespmem:s30+$0xFFFFFF90]  }
0x18f: {  	v23 =	vld [tilespmem:s16+$0xFFFFFFF0]  }
0x190: {  	v24 =	vld [tilespmem:s30+$0xFFFFFF80]  }
0x191: {  	s19 =	sadd.s32 $0x100, s19;
	s18 =	sadd.s32 $0x100, s18;
	v25 =	vld [tilespmem:s16+$0xFFFFFF80]  }
0x192: {  	p0 =	slt.u32 s19, $0x700;
	v26 =	vld [tilespmem:s18+$0xFFFFFFA0]  }
0x193: {  	v27 =	vld [tilespmem:s16+$0xFFFFFF90]  }
0x194: {  	v28 =	vld [tilespmem:s16+$0xFFFFFFE0]  }
0x195: {  	v29 =	vld [tilespmem:s16+$0xFFFFFFA0]  }
0x196: {  	v30 =	vld [tilespmem:s16+$0xFFFFFFB0]  }
0x197: {  	v31 =	vld [tilespmem:s16+$0xFFFFFFD0]  }
0x198: {  	v32 =	vld [tilespmem:s16+$0xFFFFFFC0]  }
0x199: {  	v25 =	vld.idx.msk [tilespmem:v25+s15+$0x0], $0xffff  }
0x19a: {  	v33 =	vld [tilespmem:s18+$0xFFFFFF80]  }
0x19b: {  	v27 =	vld.idx.msk [tilespmem:v27+s15+$0x0], $0xffff  }
0x19c: {  	v34 =	vld [tilespmem:s18+$0xFFFFFF90]  }
0x19d: {  	v29 =	vld.idx.msk [tilespmem:v29+s15+$0x0], $0xffff  }
0x19e: {  	v30 =	vld.idx.msk [tilespmem:v30+s15+$0x0], $0xffff  }
0x19f: {  	v25 =	vsub.f32 v25, v33;
	v33 =	vld [tilespmem:s18+$0xFFFFFFB0]  }
0x1a0: {  	v32 =	vld.idx.msk [tilespmem:v32+s15+$0x0], $0xffff  }
0x1a1: {  	v25 =	vmul.f32 v25, v25;
	v27 =	vsub.f32 v27, v34;
	v34 =	vld [tilespmem:s18+$0xFFFFFFC0]  }
0x1a2: {  	v31 =	vld.idx.msk [tilespmem:v31+s15+$0x0], $0xffff  }
0x1a3: {  	v26 =	vsub.f32 v29, v26;
	v24 =	vmul.f32 v25, v24;
	v25 =	vmul.f32 v27, v27;
	v27 =	vld [tilespmem:s18+$0xFFFFFFD0]  }
0x1a4: {  	v29 =	vsub.f32 v30, v33;
	v28 =	vld.idx.msk [tilespmem:v28+s15+$0x0], $0xffff  }
0x1a5: {  	v11 =	vadd.f32 v24, v11;
	v22 =	vmul.f32 v25, v22;
	v24 =	vmul.f32 v26, v26;
	v25 =	vld [tilespmem:s18+$0xFFFFFFE0]  }
0x1a6: {  	v26 =	vsub.f32 v32, v34;
	v23 =	vld.idx.msk [tilespmem:v23+s15+$0x0], $0xffff  }
0x1a7: {  	v11 =	vadd.f32 v22, v11;
	v20 =	vmul.f32 v24, v20;
	v22 =	vmul.f32 v29, v29;
	v24 =	vld [tilespmem:s18+$0xFFFFFFF0]  }
0x1a8: {  	v27 =	vsub.f32 v31, v27;
	v21 =	vld.idx.msk [tilespmem:v21+s15+$0x0], $0xffff  }
0x1a9: {  	v11 =	vadd.f32 v20, v11;
	v18 =	vmul.f32 v22, v18;
	v20 =	vmul.f32 v26, v26;
	v22 =	vld [tilespmem:s18+$0x0]  }
0x1aa: {  	v25 =	vsub.f32 v28, v25;
	v19 =	vld.idx.msk [tilespmem:v19+s15+$0x0], $0xffff  }
0x1ab: {  	v11 =	vadd.f32 v18, v11;
	v16 =	vmul.f32 v20, v16;
	v18 =	vmul.f32 v27, v27;
	v20 =	vld [tilespmem:s18+$0x10]  }
0x1ac: {  	v23 =	vsub.f32 v23, v24;
	v17 =	vld.idx.msk [tilespmem:v17+s15+$0x0], $0xffff  }
0x1ad: {  	v11 =	vadd.f32 v16, v11;
	v14 =	vmul.f32 v18, v14;
	v16 =	vmul.f32 v25, v25;
	v18 =	vld [tilespmem:s18+$0x20]  }
0x1ae: {  	v21 =	vsub.f32 v21, v22;
	v15 =	vld.idx.msk [tilespmem:v15+s15+$0x0], $0xffff  }
0x1af: {  	v11 =	vadd.f32 v14, v11;
	v12 =	vmul.f32 v16, v12;
	v14 =	vmul.f32 v23, v23;
	v16 =	vld [tilespmem:s18+$0x30]  }
0x1b0: {  	v19 =	vsub.f32 v19, v20;
	v13 =	vld.idx.msk [tilespmem:v13+s15+$0x0], $0xffff  }
0x1b1: {  	v11 =	vadd.f32 v12, v11;
	v10 =	vmul.f32 v14, v10;
	v12 =	vmul.f32 v21, v21;
	v14 =	vld [tilespmem:s18+$0x40]  }
0x1b2: {  	v17 =	vsub.f32 v17, v18;
	v9 =	vld.idx.msk [tilespmem:v9+s15+$0x0], $0xffff  }
0x1b3: {  	v10 =	vadd.f32 v10, v11;
	v8 =	vmul.f32 v12, v8;
	v11 =	vmul.f32 v19, v19;
	v12 =	vld [tilespmem:s18+$0x50]  }
0x1b4: {  	v15 =	vsub.f32 v15, v16;
	v16 =	vld.idx.msk [tilespmem:v7+s15+$0x0], $0xffff  }
0x1b5: {  	v7 =	vadd.f32 v8, v10;
	v6 =	vmul.f32 v11, v6;
	v8 =	vmul.f32 v17, v17;
	v10 =	vld [tilespmem:s18+$0x60]  }
.Ltmp5:
0x1b6: {  	v13 =	vsub.f32 v13, v14;
	v5 =	vld.idx.msk [tilespmem:v5+s15+$0x0], $0xffff;
	(pc) =	sbr.rel @p0 .LBB2_12-.Ltmp5, $4  }
0x1b7: {  	v14 =	vmul.f32 v15, v15;
	v7 =	vadd.f32 v6, v7;
	v11 =	vmul.f32 v8, v4;
	v4 =	vld [tilespmem:s18+$0x70]  }
0x1b8: {  	v6 =	vld [tilespmem:s30+$0x50];
	v8 =	vsub.f32 v9, v12  }
0x1b9: {  	v12 =	vmul.f32 v14, v3;
	v13 =	vmul.f32 v13, v13;
	v11 =	vadd.f32 v11, v7;
	v9 =	vld [tilespmem:s30+$0x70]  }
0x1ba: {  	v7 =	vld [tilespmem:s30+$0x60];
	v10 =	vsub.f32 v16, v10;
	s30 =	sadd.s32 $0x100, s30  }
0x1bb: {  	s0 =	sld [smem:$0x7FC];
	_ =	sdelay $0x1  }
0x1bc: {  	s16 =	rddreg [dreg:$0xb]  }
0x1bd: {  	[tilespmem:s24], [sflag:$0x4] =	stream.linear.gather [hbm4b:s0+s3], $0x800, $0x38;
	[tilespmem:$0x1F870] =	vst v63  }
0x1be: {  	s19 =	sld [smem:$0x7FD]  }
0x1bf: {  	[tilespmem:s25], [sflag:$0x4] =	stream.strided.gather [hbm4b:s16+s13], $0x800, s14, s13, $0x38;
	[tilespmem:$0x1F870] =	vst v63  }
0x1c0: {  	_ = 	snop  }
0x1c1: {  	[tilespmem:s26], [sflag:$0x5] =	stream.linear.gather [spmem:s19], $0x800, $0x38;
	[tilespmem:$0x1F870] =	vst v63  }
0x1c2: {  	_ =	swait.ge [sflag:s17], $0x800  }
0x1c3: {  	[sflag:s17] =	ssyncset.done $0x0  }
0x1c4: {  	[sflag:s17] =	ssyncadd.s32 $0xFFFFF800  }
0x1c5: {  	_ =	swait.ge [sflag:s28], $0x800  }
0x1c6: {  	[sflag:s28] =	ssyncset.done $0x0  }
0x1c7: {  	[sflag:s28] =	ssyncadd.s32 $0xFFFFF800  }
0x1c8: {  	_ =	swait.ge [sflag:s28], $0x800  }
0x1c9: {  	[sflag:s28] =	ssyncset.done $0x0  }
0x1ca: {  	s30 =	simm.s32 $0x1E470;
	[sflag:s28] =	ssyncadd.s32 $0xFFFFF800  }
0x1cb: {  	v3 =	vld [tilespmem:s30+$0x40]  }
0x1cc: {  	v14 =	vld [tilespmem:s30+$0x30]  }
0x1cd: {  	v15 =	vld [tilespmem:s30+$0x20]  }
0x1ce: {  	s16 =	simm.s32 $0x1C470;
	v16 =	vld [tilespmem:s30+$0x10]  }
0x1cf: {  	v17 =	vld [tilespmem:s16+$0x70]  }
0x1d0: {  	v18 =	vld [tilespmem:s30+$0x0]  }
0x1d1: {  	v19 =	vld [tilespmem:s16+$0x60]  }
0x1d2: {  	v20 =	vld [tilespmem:s30+$0xFFFFFFF0]  }
0x1d3: {  	v21 =	vld [tilespmem:s16+$0x50]  }
0x1d4: {  	v22 =	vld [tilespmem:s30+$0xFFFFFFE0]  }
0x1d5: {  	v23 =	vld [tilespmem:s16+$0x40]  }
0x1d6: {  	v24 =	vld [tilespmem:s30+$0xFFFFFFD0]  }
0x1d7: {  	v25 =	vld [tilespmem:s16+$0x30]  }
0x1d8: {  	v26 =	vld [tilespmem:s30+$0xFFFFFFC0]  }
0x1d9: {  	v27 =	vld [tilespmem:s16+$0x20]  }
0x1da: {  	v28 =	vld [tilespmem:s30+$0xFFFFFFB0]  }
0x1db: {  	v29 =	vld [tilespmem:s16+$0x10]  }
0x1dc: {  	v30 =	vld [tilespmem:s30+$0xFFFFFFA0]  }
0x1dd: {  	v31 =	vld [tilespmem:s16+$0x0]  }
0x1de: {  	v32 =	vld [tilespmem:s30+$0xFFFFFF90]  }
0x1df: {  	v33 =	vld [tilespmem:s16+$0xFFFFFFF0]  }
0x1e0: {  	v34 =	vld [tilespmem:s30+$0xFFFFFF80]  }
0x1e1: {  	s18 =	simm.s32 $0x1D470;
	v35 =	vld [tilespmem:s16+$0xFFFFFF80]  }
0x1e2: {  	v36 =	vld [tilespmem:s18+$0xFFFFFFA0]  }
0x1e3: {  	v37 =	vld [tilespmem:s16+$0xFFFFFF90]  }
0x1e4: {  	v38 =	vld [tilespmem:s16+$0xFFFFFFE0]  }
0x1e5: {  	v39 =	vld [tilespmem:s16+$0xFFFFFFA0]  }
0x1e6: {  	v40 =	vld [tilespmem:s16+$0xFFFFFFB0]  }
0x1e7: {  	v41 =	vld [tilespmem:s16+$0xFFFFFFD0]  }
0x1e8: {  	v42 =	vld [tilespmem:s16+$0xFFFFFFC0]  }
0x1e9: {  	v11 =	vadd.f32 v12, v11;
	v8 =	vmul.f32 v8, v8;
	v12 =	vld [tilespmem:s18+$0xFFFFFF80]  }
0x1ea: {  	v2 =	vmul.f32 v13, v2;
	v35 =	vld.idx.msk [tilespmem:v35+s15+$0x0], $0xffff  }
0x1eb: {  	v6 =	vmul.f32 v8, v6;
	v8 =	vmul.f32 v10, v10;
	v10 =	vld [tilespmem:s18+$0xFFFFFF90]  }
0x1ec: {  	v4 =	vsub.f32 v5, v4;
	v2 =	vadd.f32 v2, v11;
	v5 =	vld.idx.msk [tilespmem:v37+s15+$0x0], $0xffff  }
0x1ed: {  	v11 =	vld.idx.msk [tilespmem:v39+s15+$0x0], $0xffff  }
0x1ee: {  	v4 =	vmul.f32 v4, v4;
	v2 =	vadd.f32 v6, v2;
	v6 =	vmul.f32 v8, v7;
	v7 =	vld.idx.msk [tilespmem:v40+s15+$0x0], $0xffff  }
0x1ef: {  	v8 =	vsub.f32 v35, v12;
	v12 =	vld [tilespmem:s18+$0xFFFFFFB0]  }
0x1f0: {  	v4 =	vmul.f32 v4, v9;
	v2 =	vadd.f32 v6, v2;
	v9 =	vld [tilespmem:s18+$0xFFFFFFC0]  }
0x1f1: {  	v6 =	vld.idx.msk [tilespmem:v42+s15+$0x0], $0xffff;
	v5 =	vsub.f32 v5, v10;
	v8 =	vmul.f32 v8, v8  }
0x1f2: {  	v2 =	vadd.f32 v4, v2;
	v4 =	vld.idx.msk [tilespmem:v41+s15+$0x0], $0xffff  }
0x1f3: {  	v10 =	vsub.f32 v11, v36;
	v11 =	vld [tilespmem:s18+$0xFFFFFFD0];
	v5 =	vmul.f32 v5, v5;
	v8 =	vmul.f32 v8, v34  }
0x1f4: {  	v7 =	vsub.f32 v7, v12;
	v12 =	vld.idx.msk [tilespmem:v38+s15+$0x0], $0xffff  }
0x1f5: {  	v5 =	vmul.f32 v5, v32;
	v2 =	vadd.f32 v8, v2;
	v8 =	vmul.f32 v10, v10;
	v10 =	vld [tilespmem:s18+$0xFFFFFFE0]  }
0x1f6: {  	v6 =	vsub.f32 v6, v9;
	v9 =	vld.idx.msk [tilespmem:v33+s15+$0x0], $0xffff  }
0x1f7: {  	v7 =	vmul.f32 v7, v7;
	v2 =	vadd.f32 v5, v2;
	v5 =	vmul.f32 v8, v30;
	v8 =	vld [tilespmem:s18+$0xFFFFFFF0]  }
0x1f8: {  	v4 =	vsub.f32 v4, v11;
	v11 =	vld.idx.msk [tilespmem:v31+s15+$0x0], $0xffff  }
0x1f9: {  	v6 =	vmul.f32 v6, v6;
	v2 =	vadd.f32 v5, v2;
	v5 =	vmul.f32 v7, v28;
	v7 =	vld [tilespmem:s18+$0x0]  }
0x1fa: {  	v10 =	vsub.f32 v12, v10;
	v12 =	vld.idx.msk [tilespmem:v29+s15+$0x0], $0xffff  }
0x1fb: {  	v4 =	vmul.f32 v4, v4;
	v2 =	vadd.f32 v5, v2;
	v5 =	vmul.f32 v6, v26;
	v6 =	vld [tilespmem:s18+$0x10]  }
0x1fc: {  	v8 =	vsub.f32 v9, v8;
	v9 =	vld.idx.msk [tilespmem:v27+s15+$0x0], $0xffff  }
0x1fd: {  	v4 =	vmul.f32 v4, v24;
	v2 =	vadd.f32 v5, v2;
	v5 =	vmul.f32 v10, v10;
	v10 =	vld [tilespmem:s18+$0x20]  }
0x1fe: {  	v13 =	vld [tilespmem:s18+$0x50];
	v7 =	vsub.f32 v11, v7  }
0x1ff: {  	v11 =	vld.idx.msk [tilespmem:v25+s15+$0x0], $0xffff;
	v2 =	vadd.f32 v4, v2;
	v4 =	vmul.f32 v5, v22;
	v5 =	vmul.f32 v8, v8  }
0x200: {  	v8 =	vld [tilespmem:s18+$0x30];
	v6 =	vsub.f32 v12, v6  }
0x201: {  	v12 =	vld.idx.msk [tilespmem:v23+s15+$0x0], $0xffff;
	v2 =	vadd.f32 v4, v2;
	v4 =	vmul.f32 v5, v20;
	v5 =	vmul.f32 v7, v7  }
0x202: {  	v7 =	vld [tilespmem:s18+$0x40];
	v9 =	vsub.f32 v9, v10  }
0x203: {  	v10 =	vld.idx.msk [tilespmem:v21+s15+$0x0], $0xffff;
	v2 =	vadd.f32 v4, v2;
	v4 =	vmul.f32 v5, v18;
	v5 =	vmul.f32 v6, v6  }
0x204: {  	v63 =	vld [tilespmem:s18+$0x60];
	v6 =	vmul.f32 v9, v9  }
0x205: {  	v62 =	vld.idx.msk [tilespmem:v19+s15+$0x0], $0xffff;
	v8 =	vsub.f32 v11, v8;
	v2 =	vadd.f32 v4, v2;
	v4 =	vmul.f32 v5, v16  }
0x206: {  	v5 =	vld.idx.msk [tilespmem:v17+s15+$0x0], $0xffff;
	v9 =	vmul.f32 v6, v15  }
0x207: {  	v7 =	vsub.f32 v12, v7;
	v12 =	vmul.f32 v8, v8;
	v2 =	vadd.f32 v4, v2;
	v4 =	vld [tilespmem:s18+$0x70]  }
0x208: {  	v6 =	vld [tilespmem:s30+$0x50];
	v8 =	vsub.f32 v10, v13  }
0x209: {  	v12 =	vmul.f32 v12, v14;
	v13 =	vmul.f32 v7, v7;
	v7 =	vld [tilespmem:s30+$0x60];
	v11 =	vadd.f32 v9, v2  }
0x20a: {  	s19 =	simm.s32 $0x0;
	v10 =	vsub.f32 v62, v63;
	v9 =	vld [tilespmem:s30+$0x70];
	s30 =	simm.s32 $0x1E570  }
.LBB2_14:
0x20b: {  	v11 =	vadd.f32 v12, v11;
	v12 =	vmul.f32 v13, v3;
	v3 =	vld [tilespmem:s30+$0x40];
	v8 =	vmul.f32 v8, v8  }
0x20c: {  	v2 =	vld [tilespmem:s30+$0x30];
	v13 =	vsub.f32 v5, v4  }
0x20d: {  	v10 =	vmul.f32 v10, v10;
	v4 =	vld [tilespmem:s30+$0x20];
	v11 =	vadd.f32 v12, v11;
	v8 =	vmul.f32 v8, v6  }
0x20e: {  	s16 =	sadd.s32 $0x100, s16;
	v6 =	vld [tilespmem:s30+$0x10]  }
0x20f: {  	v12 =	vmul.f32 v13, v13;
	v5 =	vld [tilespmem:s16+$0x70];
	v11 =	vadd.f32 v8, v11;
	v10 =	vmul.f32 v10, v7  }
0x210: {  	v8 =	vld [tilespmem:s30+$0x0]  }
0x211: {  	v12 =	vmul.f32 v12, v9;
	v7 =	vld [tilespmem:s16+$0x60];
	v11 =	vadd.f32 v10, v11  }
0x212: {  	v10 =	vld [tilespmem:s30+$0xFFFFFFF0]  }
0x213: {  	v9 =	vld [tilespmem:s16+$0x50];
	v11 =	vadd.f32 v12, v11  }
0x214: {  	v12 =	vld [tilespmem:s30+$0xFFFFFFE0]  }
0x215: {  	v13 =	vld [tilespmem:s16+$0x40]  }
0x216: {  	v14 =	vld [tilespmem:s30+$0xFFFFFFD0]  }
0x217: {  	v15 =	vld [tilespmem:s16+$0x30]  }
0x218: {  	v16 =	vld [tilespmem:s30+$0xFFFFFFC0]  }
0x219: {  	v17 =	vld [tilespmem:s16+$0x20]  }
0x21a: {  	v18 =	vld [tilespmem:s30+$0xFFFFFFB0]  }
0x21b: {  	v19 =	vld [tilespmem:s16+$0x10]  }
0x21c: {  	v20 =	vld [tilespmem:s30+$0xFFFFFFA0]  }
0x21d: {  	v21 =	vld [tilespmem:s16+$0x0]  }
0x21e: {  	v22 =	vld [tilespmem:s30+$0xFFFFFF90]  }
0x21f: {  	v23 =	vld [tilespmem:s16+$0xFFFFFFF0]  }
0x220: {  	v24 =	vld [tilespmem:s30+$0xFFFFFF80]  }
0x221: {  	s19 =	sadd.s32 $0x100, s19;
	s18 =	sadd.s32 $0x100, s18;
	v25 =	vld [tilespmem:s16+$0xFFFFFF80]  }
0x222: {  	p0 =	slt.u32 s19, $0x700;
	v26 =	vld [tilespmem:s18+$0xFFFFFFA0]  }
0x223: {  	v27 =	vld [tilespmem:s16+$0xFFFFFF90]  }
0x224: {  	v28 =	vld [tilespmem:s16+$0xFFFFFFE0]  }
0x225: {  	v29 =	vld [tilespmem:s16+$0xFFFFFFA0]  }
0x226: {  	v30 =	vld [tilespmem:s16+$0xFFFFFFB0]  }
0x227: {  	v31 =	vld [tilespmem:s16+$0xFFFFFFD0]  }
0x228: {  	v32 =	vld [tilespmem:s16+$0xFFFFFFC0]  }
0x229: {  	v25 =	vld.idx.msk [tilespmem:v25+s15+$0x0], $0xffff  }
0x22a: {  	v33 =	vld [tilespmem:s18+$0xFFFFFF80]  }
0x22b: {  	v27 =	vld.idx.msk [tilespmem:v27+s15+$0x0], $0xffff  }
0x22c: {  	v34 =	vld [tilespmem:s18+$0xFFFFFF90]  }
0x22d: {  	v29 =	vld.idx.msk [tilespmem:v29+s15+$0x0], $0xffff  }
0x22e: {  	v30 =	vld.idx.msk [tilespmem:v30+s15+$0x0], $0xffff  }
0x22f: {  	v25 =	vsub.f32 v25, v33;
	v33 =	vld [tilespmem:s18+$0xFFFFFFB0]  }
0x230: {  	v32 =	vld.idx.msk [tilespmem:v32+s15+$0x0], $0xffff  }
0x231: {  	v25 =	vmul.f32 v25, v25;
	v27 =	vsub.f32 v27, v34;
	v34 =	vld [tilespmem:s18+$0xFFFFFFC0]  }
0x232: {  	v31 =	vld.idx.msk [tilespmem:v31+s15+$0x0], $0xffff  }
0x233: {  	v26 =	vsub.f32 v29, v26;
	v24 =	vmul.f32 v25, v24;
	v25 =	vmul.f32 v27, v27;
	v27 =	vld [tilespmem:s18+$0xFFFFFFD0]  }
0x234: {  	v29 =	vsub.f32 v30, v33;
	v28 =	vld.idx.msk [tilespmem:v28+s15+$0x0], $0xffff  }
0x235: {  	v11 =	vadd.f32 v24, v11;
	v22 =	vmul.f32 v25, v22;
	v24 =	vmul.f32 v26, v26;
	v25 =	vld [tilespmem:s18+$0xFFFFFFE0]  }
0x236: {  	v26 =	vsub.f32 v32, v34;
	v23 =	vld.idx.msk [tilespmem:v23+s15+$0x0], $0xffff  }
0x237: {  	v11 =	vadd.f32 v22, v11;
	v20 =	vmul.f32 v24, v20;
	v22 =	vmul.f32 v29, v29;
	v24 =	vld [tilespmem:s18+$0xFFFFFFF0]  }
0x238: {  	v27 =	vsub.f32 v31, v27;
	v21 =	vld.idx.msk [tilespmem:v21+s15+$0x0], $0xffff  }
0x239: {  	v11 =	vadd.f32 v20, v11;
	v18 =	vmul.f32 v22, v18;
	v20 =	vmul.f32 v26, v26;
	v22 =	vld [tilespmem:s18+$0x0]  }
0x23a: {  	v25 =	vsub.f32 v28, v25;
	v19 =	vld.idx.msk [tilespmem:v19+s15+$0x0], $0xffff  }
0x23b: {  	v11 =	vadd.f32 v18, v11;
	v16 =	vmul.f32 v20, v16;
	v18 =	vmul.f32 v27, v27;
	v20 =	vld [tilespmem:s18+$0x10]  }
0x23c: {  	v23 =	vsub.f32 v23, v24;
	v17 =	vld.idx.msk [tilespmem:v17+s15+$0x0], $0xffff  }
0x23d: {  	v11 =	vadd.f32 v16, v11;
	v14 =	vmul.f32 v18, v14;
	v16 =	vmul.f32 v25, v25;
	v18 =	vld [tilespmem:s18+$0x20]  }
0x23e: {  	v21 =	vsub.f32 v21, v22;
	v15 =	vld.idx.msk [tilespmem:v15+s15+$0x0], $0xffff  }
0x23f: {  	v11 =	vadd.f32 v14, v11;
	v12 =	vmul.f32 v16, v12;
	v14 =	vmul.f32 v23, v23;
	v16 =	vld [tilespmem:s18+$0x30]  }
0x240: {  	v19 =	vsub.f32 v19, v20;
	v13 =	vld.idx.msk [tilespmem:v13+s15+$0x0], $0xffff  }
0x241: {  	v11 =	vadd.f32 v12, v11;
	v10 =	vmul.f32 v14, v10;
	v12 =	vmul.f32 v21, v21;
	v14 =	vld [tilespmem:s18+$0x40]  }
0x242: {  	v17 =	vsub.f32 v17, v18;
	v9 =	vld.idx.msk [tilespmem:v9+s15+$0x0], $0xffff  }
0x243: {  	v10 =	vadd.f32 v10, v11;
	v8 =	vmul.f32 v12, v8;
	v11 =	vmul.f32 v19, v19;
	v12 =	vld [tilespmem:s18+$0x50]  }
0x244: {  	v15 =	vsub.f32 v15, v16;
	v16 =	vld.idx.msk [tilespmem:v7+s15+$0x0], $0xffff  }
0x245: {  	v7 =	vadd.f32 v8, v10;
	v6 =	vmul.f32 v11, v6;
	v8 =	vmul.f32 v17, v17;
	v10 =	vld [tilespmem:s18+$0x60]  }
.Ltmp6:
0x246: {  	v13 =	vsub.f32 v13, v14;
	v5 =	vld.idx.msk [tilespmem:v5+s15+$0x0], $0xffff;
	(pc) =	sbr.rel @p0 .LBB2_14-.Ltmp6, $4  }
0x247: {  	v14 =	vmul.f32 v15, v15;
	v7 =	vadd.f32 v6, v7;
	v11 =	vmul.f32 v8, v4;
	v4 =	vld [tilespmem:s18+$0x70]  }
0x248: {  	v6 =	vld [tilespmem:s30+$0x50];
	v8 =	vsub.f32 v9, v12  }
0x249: {  	v12 =	vmul.f32 v14, v2;
	v13 =	vmul.f32 v13, v13;
	v11 =	vadd.f32 v11, v7;
	v9 =	vld [tilespmem:s30+$0x70]  }
0x24a: {  	v7 =	vld [tilespmem:s30+$0x60];
	v10 =	vsub.f32 v16, v10;
	s30 =	sadd.s32 $0x100, s30  }
0x24b: {  	[tilespmem:s23], [sflag:$0x3] =	stream.linear.gather [hbm4b:s4+s3], $0x800, $0x38;
	[tilespmem:$0x1F870] =	vst v63  }
0x24c: {  	s16 =	rddreg [dreg:$0xc]  }
0x24d: {  	[tilespmem:s20], [sflag:$0x3] =	stream.strided.gather [hbm4b:s16+s13], $0x800, s14, s13, $0x38;
	[tilespmem:$0x1F870] =	vst v63  }
0x24e: {  	_ = 	snop  }
0x24f: {  	[tilespmem:s29], [sflag:$0x5] =	stream.linear.gather [spmem:s5], $0x800, $0x38;
	[tilespmem:$0x1F870] =	vst v63  }
0x250: {  	_ =	swait.ge [sflag:s17], $0x800  }
0x251: {  	[sflag:s17] =	ssyncset.done $0x0  }
0x252: {  	[sflag:s17] =	ssyncadd.s32 $0xFFFFF800  }
0x253: {  	_ =	swait.ge [sflag:s1], $0x800  }
0x254: {  	[sflag:s1] =	ssyncset.done $0x0  }
0x255: {  	[sflag:s1] =	ssyncadd.s32 $0xFFFFF800  }
0x256: {  	_ =	swait.ge [sflag:s1], $0x800  }
0x257: {  	[sflag:s1] =	ssyncset.done $0x0  }
0x258: {  	s30 =	simm.s32 $0x1EC70;
	[sflag:s1] =	ssyncadd.s32 $0xFFFFF800  }
0x259: {  	v2 =	vld [tilespmem:s30+$0x40]  }
0x25a: {  	v14 =	vld [tilespmem:s30+$0x30]  }
0x25b: {  	v15 =	vld [tilespmem:s30+$0x20]  }
0x25c: {  	s16 =	simm.s32 $0x1CC70;
	v16 =	vld [tilespmem:s30+$0x10]  }
0x25d: {  	v17 =	vld [tilespmem:s16+$0x70]  }
0x25e: {  	v18 =	vld [tilespmem:s30+$0x0]  }
0x25f: {  	v19 =	vld [tilespmem:s16+$0x60]  }
0x260: {  	v20 =	vld [tilespmem:s30+$0xFFFFFFF0]  }
0x261: {  	v21 =	vld [tilespmem:s16+$0x50]  }
0x262: {  	v22 =	vld [tilespmem:s30+$0xFFFFFFE0]  }
0x263: {  	v23 =	vld [tilespmem:s16+$0x40]  }
0x264: {  	v24 =	vld [tilespmem:s30+$0xFFFFFFD0]  }
0x265: {  	v25 =	vld [tilespmem:s16+$0x30]  }
0x266: {  	v26 =	vld [tilespmem:s30+$0xFFFFFFC0]  }
0x267: {  	v27 =	vld [tilespmem:s16+$0x20]  }
0x268: {  	v28 =	vld [tilespmem:s30+$0xFFFFFFB0]  }
0x269: {  	v29 =	vld [tilespmem:s16+$0x10]  }
0x26a: {  	v30 =	vld [tilespmem:s30+$0xFFFFFFA0]  }
0x26b: {  	v31 =	vld [tilespmem:s16+$0x0]  }
0x26c: {  	v32 =	vld [tilespmem:s30+$0xFFFFFF90]  }
0x26d: {  	v33 =	vld [tilespmem:s16+$0xFFFFFFF0]  }
0x26e: {  	v34 =	vld [tilespmem:s30+$0xFFFFFF80]  }
0x26f: {  	s18 =	simm.s32 $0x1DC70;
	v35 =	vld [tilespmem:s16+$0xFFFFFF80]  }
0x270: {  	v36 =	vld [tilespmem:s18+$0xFFFFFFA0]  }
0x271: {  	v37 =	vld [tilespmem:s16+$0xFFFFFF90]  }
0x272: {  	v38 =	vld [tilespmem:s16+$0xFFFFFFE0]  }
0x273: {  	v39 =	vld [tilespmem:s16+$0xFFFFFFA0]  }
0x274: {  	v40 =	vld [tilespmem:s16+$0xFFFFFFB0]  }
0x275: {  	v41 =	vld [tilespmem:s16+$0xFFFFFFD0]  }
0x276: {  	v42 =	vld [tilespmem:s16+$0xFFFFFFC0]  }
0x277: {  	v11 =	vadd.f32 v12, v11;
	v8 =	vmul.f32 v8, v8;
	v12 =	vld [tilespmem:s18+$0xFFFFFF80]  }
0x278: {  	v3 =	vmul.f32 v13, v3;
	v35 =	vld.idx.msk [tilespmem:v35+s15+$0x0], $0xffff  }
0x279: {  	v6 =	vmul.f32 v8, v6;
	v8 =	vmul.f32 v10, v10;
	v10 =	vld [tilespmem:s18+$0xFFFFFF90]  }
0x27a: {  	v4 =	vsub.f32 v5, v4;
	v3 =	vadd.f32 v3, v11;
	v5 =	vld.idx.msk [tilespmem:v37+s15+$0x0], $0xffff  }
0x27b: {  	v11 =	vld.idx.msk [tilespmem:v39+s15+$0x0], $0xffff  }
0x27c: {  	v4 =	vmul.f32 v4, v4;
	v3 =	vadd.f32 v6, v3;
	v6 =	vmul.f32 v8, v7;
	v7 =	vld.idx.msk [tilespmem:v40+s15+$0x0], $0xffff  }
0x27d: {  	v8 =	vsub.f32 v35, v12;
	v12 =	vld [tilespmem:s18+$0xFFFFFFB0]  }
0x27e: {  	v4 =	vmul.f32 v4, v9;
	v3 =	vadd.f32 v6, v3;
	v9 =	vld [tilespmem:s18+$0xFFFFFFC0]  }
0x27f: {  	v6 =	vld.idx.msk [tilespmem:v42+s15+$0x0], $0xffff;
	v5 =	vsub.f32 v5, v10;
	v8 =	vmul.f32 v8, v8  }
0x280: {  	v3 =	vadd.f32 v4, v3;
	v4 =	vld.idx.msk [tilespmem:v41+s15+$0x0], $0xffff  }
0x281: {  	v10 =	vsub.f32 v11, v36;
	v11 =	vld [tilespmem:s18+$0xFFFFFFD0];
	v5 =	vmul.f32 v5, v5;
	v8 =	vmul.f32 v8, v34  }
0x282: {  	v7 =	vsub.f32 v7, v12;
	v12 =	vld.idx.msk [tilespmem:v38+s15+$0x0], $0xffff  }
0x283: {  	v5 =	vmul.f32 v5, v32;
	v3 =	vadd.f32 v8, v3;
	v8 =	vmul.f32 v10, v10;
	v10 =	vld [tilespmem:s18+$0xFFFFFFE0]  }
0x284: {  	v6 =	vsub.f32 v6, v9;
	v9 =	vld.idx.msk [tilespmem:v33+s15+$0x0], $0xffff  }
0x285: {  	v7 =	vmul.f32 v7, v7;
	v3 =	vadd.f32 v5, v3;
	v5 =	vmul.f32 v8, v30;
	v8 =	vld [tilespmem:s18+$0xFFFFFFF0]  }
0x286: {  	v4 =	vsub.f32 v4, v11;
	v11 =	vld.idx.msk [tilespmem:v31+s15+$0x0], $0xffff  }
0x287: {  	v6 =	vmul.f32 v6, v6;
	v3 =	vadd.f32 v5, v3;
	v5 =	vmul.f32 v7, v28;
	v7 =	vld [tilespmem:s18+$0x0]  }
0x288: {  	v10 =	vsub.f32 v12, v10;
	v12 =	vld.idx.msk [tilespmem:v29+s15+$0x0], $0xffff  }
0x289: {  	v4 =	vmul.f32 v4, v4;
	v3 =	vadd.f32 v5, v3;
	v5 =	vmul.f32 v6, v26;
	v6 =	vld [tilespmem:s18+$0x10]  }
0x28a: {  	v8 =	vsub.f32 v9, v8;
	v9 =	vld.idx.msk [tilespmem:v27+s15+$0x0], $0xffff  }
0x28b: {  	v4 =	vmul.f32 v4, v24;
	v3 =	vadd.f32 v5, v3;
	v5 =	vmul.f32 v10, v10;
	v10 =	vld [tilespmem:s18+$0x20]  }
0x28c: {  	v13 =	vld [tilespmem:s18+$0x50];
	v7 =	vsub.f32 v11, v7  }
0x28d: {  	v11 =	vld.idx.msk [tilespmem:v25+s15+$0x0], $0xffff;
	v3 =	vadd.f32 v4, v3;
	v4 =	vmul.f32 v5, v22;
	v5 =	vmul.f32 v8, v8  }
0x28e: {  	v8 =	vld [tilespmem:s18+$0x30];
	v6 =	vsub.f32 v12, v6  }
0x28f: {  	v12 =	vld.idx.msk [tilespmem:v23+s15+$0x0], $0xffff;
	v3 =	vadd.f32 v4, v3;
	v4 =	vmul.f32 v5, v20;
	v5 =	vmul.f32 v7, v7  }
0x290: {  	v7 =	vld [tilespmem:s18+$0x40];
	v9 =	vsub.f32 v9, v10  }
0x291: {  	v10 =	vld.idx.msk [tilespmem:v21+s15+$0x0], $0xffff;
	v3 =	vadd.f32 v4, v3;
	v4 =	vmul.f32 v5, v18;
	v5 =	vmul.f32 v6, v6  }
0x292: {  	v63 =	vld [tilespmem:s18+$0x60];
	v6 =	vmul.f32 v9, v9  }
0x293: {  	v62 =	vld.idx.msk [tilespmem:v19+s15+$0x0], $0xffff;
	v8 =	vsub.f32 v11, v8;
	v3 =	vadd.f32 v4, v3;
	v4 =	vmul.f32 v5, v16  }
0x294: {  	v5 =	vld.idx.msk [tilespmem:v17+s15+$0x0], $0xffff;
	v9 =	vmul.f32 v6, v15  }
0x295: {  	v7 =	vsub.f32 v12, v7;
	v12 =	vmul.f32 v8, v8;
	v3 =	vadd.f32 v4, v3;
	v4 =	vld [tilespmem:s18+$0x70]  }
0x296: {  	v6 =	vld [tilespmem:s30+$0x50];
	v8 =	vsub.f32 v10, v13  }
0x297: {  	v12 =	vmul.f32 v12, v14;
	v13 =	vmul.f32 v7, v7;
	v7 =	vld [tilespmem:s30+$0x60];
	v11 =	vadd.f32 v9, v3  }
0x298: {  	s19 =	simm.s32 $0x0;
	v10 =	vsub.f32 v62, v63;
	v9 =	vld [tilespmem:s30+$0x70];
	s30 =	simm.s32 $0x1ED70  }
.LBB2_16:
0x299: {  	v11 =	vadd.f32 v12, v11;
	v12 =	vmul.f32 v13, v2;
	v2 =	vld [tilespmem:s30+$0x40];
	v8 =	vmul.f32 v8, v8  }
0x29a: {  	v3 =	vld [tilespmem:s30+$0x30];
	v13 =	vsub.f32 v5, v4  }
0x29b: {  	v10 =	vmul.f32 v10, v10;
	v4 =	vld [tilespmem:s30+$0x20];
	v11 =	vadd.f32 v12, v11;
	v8 =	vmul.f32 v8, v6  }
0x29c: {  	s16 =	sadd.s32 $0x100, s16;
	v6 =	vld [tilespmem:s30+$0x10]  }
0x29d: {  	v12 =	vmul.f32 v13, v13;
	v5 =	vld [tilespmem:s16+$0x70];
	v11 =	vadd.f32 v8, v11;
	v10 =	vmul.f32 v10, v7  }
0x29e: {  	v8 =	vld [tilespmem:s30+$0x0]  }
0x29f: {  	v12 =	vmul.f32 v12, v9;
	v7 =	vld [tilespmem:s16+$0x60];
	v11 =	vadd.f32 v10, v11  }
0x2a0: {  	v10 =	vld [tilespmem:s30+$0xFFFFFFF0]  }
0x2a1: {  	v9 =	vld [tilespmem:s16+$0x50];
	v11 =	vadd.f32 v12, v11  }
0x2a2: {  	v12 =	vld [tilespmem:s30+$0xFFFFFFE0]  }
0x2a3: {  	v13 =	vld [tilespmem:s16+$0x40]  }
0x2a4: {  	v14 =	vld [tilespmem:s30+$0xFFFFFFD0]  }
0x2a5: {  	v15 =	vld [tilespmem:s16+$0x30]  }
0x2a6: {  	v16 =	vld [tilespmem:s30+$0xFFFFFFC0]  }
0x2a7: {  	v17 =	vld [tilespmem:s16+$0x20]  }
0x2a8: {  	v18 =	vld [tilespmem:s30+$0xFFFFFFB0]  }
0x2a9: {  	v19 =	vld [tilespmem:s16+$0x10]  }
0x2aa: {  	v20 =	vld [tilespmem:s30+$0xFFFFFFA0]  }
0x2ab: {  	v21 =	vld [tilespmem:s16+$0x0]  }
0x2ac: {  	v22 =	vld [tilespmem:s30+$0xFFFFFF90]  }
0x2ad: {  	v23 =	vld [tilespmem:s16+$0xFFFFFFF0]  }
0x2ae: {  	v24 =	vld [tilespmem:s30+$0xFFFFFF80]  }
0x2af: {  	s19 =	sadd.s32 $0x100, s19;
	s18 =	sadd.s32 $0x100, s18;
	v25 =	vld [tilespmem:s16+$0xFFFFFF80]  }
0x2b0: {  	p0 =	slt.u32 s19, $0x700;
	v26 =	vld [tilespmem:s18+$0xFFFFFFA0]  }
0x2b1: {  	v27 =	vld [tilespmem:s16+$0xFFFFFF90]  }
0x2b2: {  	v28 =	vld [tilespmem:s16+$0xFFFFFFE0]  }
0x2b3: {  	v29 =	vld [tilespmem:s16+$0xFFFFFFA0]  }
0x2b4: {  	v30 =	vld [tilespmem:s16+$0xFFFFFFB0]  }
0x2b5: {  	v31 =	vld [tilespmem:s16+$0xFFFFFFD0]  }
0x2b6: {  	v32 =	vld [tilespmem:s16+$0xFFFFFFC0]  }
0x2b7: {  	v25 =	vld.idx.msk [tilespmem:v25+s15+$0x0], $0xffff  }
0x2b8: {  	v33 =	vld [tilespmem:s18+$0xFFFFFF80]  }
0x2b9: {  	v27 =	vld.idx.msk [tilespmem:v27+s15+$0x0], $0xffff  }
0x2ba: {  	v34 =	vld [tilespmem:s18+$0xFFFFFF90]  }
0x2bb: {  	v29 =	vld.idx.msk [tilespmem:v29+s15+$0x0], $0xffff  }
0x2bc: {  	v30 =	vld.idx.msk [tilespmem:v30+s15+$0x0], $0xffff  }
0x2bd: {  	v25 =	vsub.f32 v25, v33;
	v33 =	vld [tilespmem:s18+$0xFFFFFFB0]  }
0x2be: {  	v32 =	vld.idx.msk [tilespmem:v32+s15+$0x0], $0xffff  }
0x2bf: {  	v25 =	vmul.f32 v25, v25;
	v27 =	vsub.f32 v27, v34;
	v34 =	vld [tilespmem:s18+$0xFFFFFFC0]  }
0x2c0: {  	v31 =	vld.idx.msk [tilespmem:v31+s15+$0x0], $0xffff  }
0x2c1: {  	v26 =	vsub.f32 v29, v26;
	v24 =	vmul.f32 v25, v24;
	v25 =	vmul.f32 v27, v27;
	v27 =	vld [tilespmem:s18+$0xFFFFFFD0]  }
0x2c2: {  	v29 =	vsub.f32 v30, v33;
	v28 =	vld.idx.msk [tilespmem:v28+s15+$0x0], $0xffff  }
0x2c3: {  	v11 =	vadd.f32 v24, v11;
	v22 =	vmul.f32 v25, v22;
	v24 =	vmul.f32 v26, v26;
	v25 =	vld [tilespmem:s18+$0xFFFFFFE0]  }
0x2c4: {  	v26 =	vsub.f32 v32, v34;
	v23 =	vld.idx.msk [tilespmem:v23+s15+$0x0], $0xffff  }
0x2c5: {  	v11 =	vadd.f32 v22, v11;
	v20 =	vmul.f32 v24, v20;
	v22 =	vmul.f32 v29, v29;
	v24 =	vld [tilespmem:s18+$0xFFFFFFF0]  }
0x2c6: {  	v27 =	vsub.f32 v31, v27;
	v21 =	vld.idx.msk [tilespmem:v21+s15+$0x0], $0xffff  }
0x2c7: {  	v11 =	vadd.f32 v20, v11;
	v18 =	vmul.f32 v22, v18;
	v20 =	vmul.f32 v26, v26;
	v22 =	vld [tilespmem:s18+$0x0]  }
0x2c8: {  	v25 =	vsub.f32 v28, v25;
	v19 =	vld.idx.msk [tilespmem:v19+s15+$0x0], $0xffff  }
0x2c9: {  	v11 =	vadd.f32 v18, v11;
	v16 =	vmul.f32 v20, v16;
	v18 =	vmul.f32 v27, v27;
	v20 =	vld [tilespmem:s18+$0x10]  }
0x2ca: {  	v23 =	vsub.f32 v23, v24;
	v17 =	vld.idx.msk [tilespmem:v17+s15+$0x0], $0xffff  }
0x2cb: {  	v11 =	vadd.f32 v16, v11;
	v14 =	vmul.f32 v18, v14;
	v16 =	vmul.f32 v25, v25;
	v18 =	vld [tilespmem:s18+$0x20]  }
0x2cc: {  	v21 =	vsub.f32 v21, v22;
	v15 =	vld.idx.msk [tilespmem:v15+s15+$0x0], $0xffff  }
0x2cd: {  	v11 =	vadd.f32 v14, v11;
	v12 =	vmul.f32 v16, v12;
	v14 =	vmul.f32 v23, v23;
	v16 =	vld [tilespmem:s18+$0x30]  }
0x2ce: {  	v19 =	vsub.f32 v19, v20;
	v13 =	vld.idx.msk [tilespmem:v13+s15+$0x0], $0xffff  }
0x2cf: {  	v11 =	vadd.f32 v12, v11;
	v10 =	vmul.f32 v14, v10;
	v12 =	vmul.f32 v21, v21;
	v14 =	vld [tilespmem:s18+$0x40]  }
0x2d0: {  	v17 =	vsub.f32 v17, v18;
	v9 =	vld.idx.msk [tilespmem:v9+s15+$0x0], $0xffff  }
0x2d1: {  	v10 =	vadd.f32 v10, v11;
	v8 =	vmul.f32 v12, v8;
	v11 =	vmul.f32 v19, v19;
	v12 =	vld [tilespmem:s18+$0x50]  }
0x2d2: {  	v15 =	vsub.f32 v15, v16;
	v16 =	vld.idx.msk [tilespmem:v7+s15+$0x0], $0xffff  }
0x2d3: {  	v7 =	vadd.f32 v8, v10;
	v6 =	vmul.f32 v11, v6;
	v8 =	vmul.f32 v17, v17;
	v10 =	vld [tilespmem:s18+$0x60]  }
.Ltmp7:
0x2d4: {  	v13 =	vsub.f32 v13, v14;
	v5 =	vld.idx.msk [tilespmem:v5+s15+$0x0], $0xffff;
	(pc) =	sbr.rel @p0 .LBB2_16-.Ltmp7, $4  }
0x2d5: {  	v14 =	vmul.f32 v15, v15;
	v7 =	vadd.f32 v6, v7;
	v11 =	vmul.f32 v8, v4;
	v4 =	vld [tilespmem:s18+$0x70]  }
0x2d6: {  	v6 =	vld [tilespmem:s30+$0x50];
	v8 =	vsub.f32 v9, v12  }
0x2d7: {  	v12 =	vmul.f32 v14, v3;
	v13 =	vmul.f32 v13, v13;
	v11 =	vadd.f32 v11, v7;
	v9 =	vld [tilespmem:s30+$0x70]  }
0x2d8: {  	v7 =	vld [tilespmem:s30+$0x60];
	v10 =	vsub.f32 v16, v10;
	s30 =	sadd.s32 $0x100, s30  }
0x2d9: {  	[tilespmem:s24], [sflag:$0x4] =	stream.linear.gather [hbm4b:s6+s3], $0x800, $0x38;
	[tilespmem:$0x1F870] =	vst v63  }
0x2da: {  	s16 =	rddreg [dreg:$0xd]  }
0x2db: {  	[tilespmem:s25], [sflag:$0x4] =	stream.strided.gather [hbm4b:s16+s13], $0x800, s14, s13, $0x38;
	[tilespmem:$0x1F870] =	vst v63  }
0x2dc: {  	_ = 	snop  }
0x2dd: {  	[tilespmem:s26], [sflag:$0x5] =	stream.linear.gather [spmem:s7], $0x800, $0x38;
	[tilespmem:$0x1F870] =	vst v63  }
0x2de: {  	_ =	swait.ge [sflag:s17], $0x800  }
0x2df: {  	[sflag:s17] =	ssyncset.done $0x0  }
0x2e0: {  	[sflag:s17] =	ssyncadd.s32 $0xFFFFF800  }
0x2e1: {  	_ =	swait.ge [sflag:s28], $0x800  }
0x2e2: {  	[sflag:s28] =	ssyncset.done $0x0  }
0x2e3: {  	[sflag:s28] =	ssyncadd.s32 $0xFFFFF800  }
0x2e4: {  	_ =	swait.ge [sflag:s28], $0x800  }
0x2e5: {  	[sflag:s28] =	ssyncset.done $0x0  }
0x2e6: {  	s30 =	simm.s32 $0x1E470;
	[sflag:s28] =	ssyncadd.s32 $0xFFFFF800  }
0x2e7: {  	v3 =	vld [tilespmem:s30+$0x40]  }
0x2e8: {  	v14 =	vld [tilespmem:s30+$0x30]  }
0x2e9: {  	v15 =	vld [tilespmem:s30+$0x20]  }
0x2ea: {  	s16 =	simm.s32 $0x1C470;
	v16 =	vld [tilespmem:s30+$0x10]  }
0x2eb: {  	v17 =	vld [tilespmem:s16+$0x70]  }
0x2ec: {  	v18 =	vld [tilespmem:s30+$0x0]  }
0x2ed: {  	v19 =	vld [tilespmem:s16+$0x60]  }
0x2ee: {  	v20 =	vld [tilespmem:s30+$0xFFFFFFF0]  }
0x2ef: {  	v21 =	vld [tilespmem:s16+$0x50]  }
0x2f0: {  	v22 =	vld [tilespmem:s30+$0xFFFFFFE0]  }
0x2f1: {  	v23 =	vld [tilespmem:s16+$0x40]  }
0x2f2: {  	v24 =	vld [tilespmem:s30+$0xFFFFFFD0]  }
0x2f3: {  	v25 =	vld [tilespmem:s16+$0x30]  }
0x2f4: {  	v26 =	vld [tilespmem:s30+$0xFFFFFFC0]  }
0x2f5: {  	v27 =	vld [tilespmem:s16+$0x20]  }
0x2f6: {  	v28 =	vld [tilespmem:s30+$0xFFFFFFB0]  }
0x2f7: {  	v29 =	vld [tilespmem:s16+$0x10]  }
0x2f8: {  	v30 =	vld [tilespmem:s30+$0xFFFFFFA0]  }
0x2f9: {  	v31 =	vld [tilespmem:s16+$0x0]  }
0x2fa: {  	v32 =	vld [tilespmem:s30+$0xFFFFFF90]  }
0x2fb: {  	v33 =	vld [tilespmem:s16+$0xFFFFFFF0]  }
0x2fc: {  	v34 =	vld [tilespmem:s30+$0xFFFFFF80]  }
0x2fd: {  	s18 =	simm.s32 $0x1D470;
	v35 =	vld [tilespmem:s16+$0xFFFFFF80]  }
0x2fe: {  	v36 =	vld [tilespmem:s18+$0xFFFFFFA0]  }
0x2ff: {  	v37 =	vld [tilespmem:s16+$0xFFFFFF90]  }
0x300: {  	v38 =	vld [tilespmem:s16+$0xFFFFFFE0]  }
0x301: {  	v39 =	vld [tilespmem:s16+$0xFFFFFFA0]  }
0x302: {  	v40 =	vld [tilespmem:s16+$0xFFFFFFB0]  }
0x303: {  	v41 =	vld [tilespmem:s16+$0xFFFFFFD0]  }
0x304: {  	v42 =	vld [tilespmem:s16+$0xFFFFFFC0]  }
0x305: {  	v11 =	vadd.f32 v12, v11;
	v8 =	vmul.f32 v8, v8;
	v12 =	vld [tilespmem:s18+$0xFFFFFF80]  }
0x306: {  	v2 =	vmul.f32 v13, v2;
	v35 =	vld.idx.msk [tilespmem:v35+s15+$0x0], $0xffff  }
0x307: {  	v6 =	vmul.f32 v8, v6;
	v8 =	vmul.f32 v10, v10;
	v10 =	vld [tilespmem:s18+$0xFFFFFF90]  }
0x308: {  	v4 =	vsub.f32 v5, v4;
	v2 =	vadd.f32 v2, v11;
	v5 =	vld.idx.msk [tilespmem:v37+s15+$0x0], $0xffff  }
0x309: {  	v11 =	vld.idx.msk [tilespmem:v39+s15+$0x0], $0xffff  }
0x30a: {  	v4 =	vmul.f32 v4, v4;
	v2 =	vadd.f32 v6, v2;
	v6 =	vmul.f32 v8, v7;
	v7 =	vld.idx.msk [tilespmem:v40+s15+$0x0], $0xffff  }
0x30b: {  	v8 =	vsub.f32 v35, v12;
	v12 =	vld [tilespmem:s18+$0xFFFFFFB0]  }
0x30c: {  	v4 =	vmul.f32 v4, v9;
	v2 =	vadd.f32 v6, v2;
	v9 =	vld [tilespmem:s18+$0xFFFFFFC0]  }
0x30d: {  	v6 =	vld.idx.msk [tilespmem:v42+s15+$0x0], $0xffff;
	v5 =	vsub.f32 v5, v10;
	v8 =	vmul.f32 v8, v8  }
0x30e: {  	v2 =	vadd.f32 v4, v2;
	v4 =	vld.idx.msk [tilespmem:v41+s15+$0x0], $0xffff  }
0x30f: {  	v10 =	vsub.f32 v11, v36;
	v11 =	vld [tilespmem:s18+$0xFFFFFFD0];
	v5 =	vmul.f32 v5, v5;
	v8 =	vmul.f32 v8, v34  }
0x310: {  	v7 =	vsub.f32 v7, v12;
	v12 =	vld.idx.msk [tilespmem:v38+s15+$0x0], $0xffff  }
0x311: {  	v5 =	vmul.f32 v5, v32;
	v2 =	vadd.f32 v8, v2;
	v8 =	vmul.f32 v10, v10;
	v10 =	vld [tilespmem:s18+$0xFFFFFFE0]  }
0x312: {  	v6 =	vsub.f32 v6, v9;
	v9 =	vld.idx.msk [tilespmem:v33+s15+$0x0], $0xffff  }
0x313: {  	v7 =	vmul.f32 v7, v7;
	v2 =	vadd.f32 v5, v2;
	v5 =	vmul.f32 v8, v30;
	v8 =	vld [tilespmem:s18+$0xFFFFFFF0]  }
0x314: {  	v4 =	vsub.f32 v4, v11;
	v11 =	vld.idx.msk [tilespmem:v31+s15+$0x0], $0xffff  }
0x315: {  	v6 =	vmul.f32 v6, v6;
	v2 =	vadd.f32 v5, v2;
	v5 =	vmul.f32 v7, v28;
	v7 =	vld [tilespmem:s18+$0x0]  }
0x316: {  	v10 =	vsub.f32 v12, v10;
	v12 =	vld.idx.msk [tilespmem:v29+s15+$0x0], $0xffff  }
0x317: {  	v4 =	vmul.f32 v4, v4;
	v2 =	vadd.f32 v5, v2;
	v5 =	vmul.f32 v6, v26;
	v6 =	vld [tilespmem:s18+$0x10]  }
0x318: {  	v8 =	vsub.f32 v9, v8;
	v9 =	vld.idx.msk [tilespmem:v27+s15+$0x0], $0xffff  }
0x319: {  	v4 =	vmul.f32 v4, v24;
	v2 =	vadd.f32 v5, v2;
	v5 =	vmul.f32 v10, v10;
	v10 =	vld [tilespmem:s18+$0x20]  }
0x31a: {  	v13 =	vld [tilespmem:s18+$0x50];
	v7 =	vsub.f32 v11, v7  }
0x31b: {  	v11 =	vld.idx.msk [tilespmem:v25+s15+$0x0], $0xffff;
	v2 =	vadd.f32 v4, v2;
	v4 =	vmul.f32 v5, v22;
	v5 =	vmul.f32 v8, v8  }
0x31c: {  	v8 =	vld [tilespmem:s18+$0x30];
	v6 =	vsub.f32 v12, v6  }
0x31d: {  	v12 =	vld.idx.msk [tilespmem:v23+s15+$0x0], $0xffff;
	v2 =	vadd.f32 v4, v2;
	v4 =	vmul.f32 v5, v20;
	v5 =	vmul.f32 v7, v7  }
0x31e: {  	v7 =	vld [tilespmem:s18+$0x40];
	v9 =	vsub.f32 v9, v10  }
0x31f: {  	v10 =	vld.idx.msk [tilespmem:v21+s15+$0x0], $0xffff;
	v2 =	vadd.f32 v4, v2;
	v4 =	vmul.f32 v5, v18;
	v5 =	vmul.f32 v6, v6  }
0x320: {  	v63 =	vld [tilespmem:s18+$0x60];
	v6 =	vmul.f32 v9, v9  }
0x321: {  	v62 =	vld.idx.msk [tilespmem:v19+s15+$0x0], $0xffff;
	v8 =	vsub.f32 v11, v8;
	v2 =	vadd.f32 v4, v2;
	v4 =	vmul.f32 v5, v16  }
0x322: {  	v5 =	vld.idx.msk [tilespmem:v17+s15+$0x0], $0xffff;
	v9 =	vmul.f32 v6, v15  }
0x323: {  	v7 =	vsub.f32 v12, v7;
	v12 =	vmul.f32 v8, v8;
	v2 =	vadd.f32 v4, v2;
	v4 =	vld [tilespmem:s18+$0x70]  }
0x324: {  	v6 =	vld [tilespmem:s30+$0x50];
	v8 =	vsub.f32 v10, v13  }
0x325: {  	v12 =	vmul.f32 v12, v14;
	v13 =	vmul.f32 v7, v7;
	v7 =	vld [tilespmem:s30+$0x60];
	v11 =	vadd.f32 v9, v2  }
0x326: {  	s19 =	simm.s32 $0x0;
	v10 =	vsub.f32 v62, v63;
	v9 =	vld [tilespmem:s30+$0x70];
	s30 =	simm.s32 $0x1E570  }
.LBB2_18:
0x327: {  	v11 =	vadd.f32 v12, v11;
	v12 =	vmul.f32 v13, v3;
	v3 =	vld [tilespmem:s30+$0x40];
	v8 =	vmul.f32 v8, v8  }
0x328: {  	v2 =	vld [tilespmem:s30+$0x30];
	v13 =	vsub.f32 v5, v4  }
0x329: {  	v10 =	vmul.f32 v10, v10;
	v4 =	vld [tilespmem:s30+$0x20];
	v11 =	vadd.f32 v12, v11;
	v8 =	vmul.f32 v8, v6  }
0x32a: {  	s16 =	sadd.s32 $0x100, s16;
	v6 =	vld [tilespmem:s30+$0x10]  }
0x32b: {  	v12 =	vmul.f32 v13, v13;
	v5 =	vld [tilespmem:s16+$0x70];
	v11 =	vadd.f32 v8, v11;
	v10 =	vmul.f32 v10, v7  }
0x32c: {  	v8 =	vld [tilespmem:s30+$0x0]  }
0x32d: {  	v12 =	vmul.f32 v12, v9;
	v7 =	vld [tilespmem:s16+$0x60];
	v11 =	vadd.f32 v10, v11  }
0x32e: {  	v10 =	vld [tilespmem:s30+$0xFFFFFFF0]  }
0x32f: {  	v9 =	vld [tilespmem:s16+$0x50];
	v11 =	vadd.f32 v12, v11  }
0x330: {  	v12 =	vld [tilespmem:s30+$0xFFFFFFE0]  }
0x331: {  	v13 =	vld [tilespmem:s16+$0x40]  }
0x332: {  	v14 =	vld [tilespmem:s30+$0xFFFFFFD0]  }
0x333: {  	v15 =	vld [tilespmem:s16+$0x30]  }
0x334: {  	v16 =	vld [tilespmem:s30+$0xFFFFFFC0]  }
0x335: {  	v17 =	vld [tilespmem:s16+$0x20]  }
0x336: {  	v18 =	vld [tilespmem:s30+$0xFFFFFFB0]  }
0x337: {  	v19 =	vld [tilespmem:s16+$0x10]  }
0x338: {  	v20 =	vld [tilespmem:s30+$0xFFFFFFA0]  }
0x339: {  	v21 =	vld [tilespmem:s16+$0x0]  }
0x33a: {  	v22 =	vld [tilespmem:s30+$0xFFFFFF90]  }
0x33b: {  	v23 =	vld [tilespmem:s16+$0xFFFFFFF0]  }
0x33c: {  	v24 =	vld [tilespmem:s30+$0xFFFFFF80]  }
0x33d: {  	s19 =	sadd.s32 $0x100, s19;
	s18 =	sadd.s32 $0x100, s18;
	v25 =	vld [tilespmem:s16+$0xFFFFFF80]  }
0x33e: {  	p0 =	slt.u32 s19, $0x700;
	v26 =	vld [tilespmem:s18+$0xFFFFFFA0]  }
0x33f: {  	v27 =	vld [tilespmem:s16+$0xFFFFFF90]  }
0x340: {  	v28 =	vld [tilespmem:s16+$0xFFFFFFE0]  }
0x341: {  	v29 =	vld [tilespmem:s16+$0xFFFFFFA0]  }
0x342: {  	v30 =	vld [tilespmem:s16+$0xFFFFFFB0]  }
0x343: {  	v31 =	vld [tilespmem:s16+$0xFFFFFFD0]  }
0x344: {  	v32 =	vld [tilespmem:s16+$0xFFFFFFC0]  }
0x345: {  	v25 =	vld.idx.msk [tilespmem:v25+s15+$0x0], $0xffff  }
0x346: {  	v33 =	vld [tilespmem:s18+$0xFFFFFF80]  }
0x347: {  	v27 =	vld.idx.msk [tilespmem:v27+s15+$0x0], $0xffff  }
0x348: {  	v34 =	vld [tilespmem:s18+$0xFFFFFF90]  }
0x349: {  	v29 =	vld.idx.msk [tilespmem:v29+s15+$0x0], $0xffff  }
0x34a: {  	v30 =	vld.idx.msk [tilespmem:v30+s15+$0x0], $0xffff  }
0x34b: {  	v25 =	vsub.f32 v25, v33;
	v33 =	vld [tilespmem:s18+$0xFFFFFFB0]  }
0x34c: {  	v32 =	vld.idx.msk [tilespmem:v32+s15+$0x0], $0xffff  }
0x34d: {  	v25 =	vmul.f32 v25, v25;
	v27 =	vsub.f32 v27, v34;
	v34 =	vld [tilespmem:s18+$0xFFFFFFC0]  }
0x34e: {  	v31 =	vld.idx.msk [tilespmem:v31+s15+$0x0], $0xffff  }
0x34f: {  	v26 =	vsub.f32 v29, v26;
	v24 =	vmul.f32 v25, v24;
	v25 =	vmul.f32 v27, v27;
	v27 =	vld [tilespmem:s18+$0xFFFFFFD0]  }
0x350: {  	v29 =	vsub.f32 v30, v33;
	v28 =	vld.idx.msk [tilespmem:v28+s15+$0x0], $0xffff  }
0x351: {  	v11 =	vadd.f32 v24, v11;
	v22 =	vmul.f32 v25, v22;
	v24 =	vmul.f32 v26, v26;
	v25 =	vld [tilespmem:s18+$0xFFFFFFE0]  }
0x352: {  	v26 =	vsub.f32 v32, v34;
	v23 =	vld.idx.msk [tilespmem:v23+s15+$0x0], $0xffff  }
0x353: {  	v11 =	vadd.f32 v22, v11;
	v20 =	vmul.f32 v24, v20;
	v22 =	vmul.f32 v29, v29;
	v24 =	vld [tilespmem:s18+$0xFFFFFFF0]  }
0x354: {  	v27 =	vsub.f32 v31, v27;
	v21 =	vld.idx.msk [tilespmem:v21+s15+$0x0], $0xffff  }
0x355: {  	v11 =	vadd.f32 v20, v11;
	v18 =	vmul.f32 v22, v18;
	v20 =	vmul.f32 v26, v26;
	v22 =	vld [tilespmem:s18+$0x0]  }
0x356: {  	v25 =	vsub.f32 v28, v25;
	v19 =	vld.idx.msk [tilespmem:v19+s15+$0x0], $0xffff  }
0x357: {  	v11 =	vadd.f32 v18, v11;
	v16 =	vmul.f32 v20, v16;
	v18 =	vmul.f32 v27, v27;
	v20 =	vld [tilespmem:s18+$0x10]  }
0x358: {  	v23 =	vsub.f32 v23, v24;
	v17 =	vld.idx.msk [tilespmem:v17+s15+$0x0], $0xffff  }
0x359: {  	v11 =	vadd.f32 v16, v11;
	v14 =	vmul.f32 v18, v14;
	v16 =	vmul.f32 v25, v25;
	v18 =	vld [tilespmem:s18+$0x20]  }
0x35a: {  	v21 =	vsub.f32 v21, v22;
	v15 =	vld.idx.msk [tilespmem:v15+s15+$0x0], $0xffff  }
0x35b: {  	v11 =	vadd.f32 v14, v11;
	v12 =	vmul.f32 v16, v12;
	v14 =	vmul.f32 v23, v23;
	v16 =	vld [tilespmem:s18+$0x30]  }
0x35c: {  	v19 =	vsub.f32 v19, v20;
	v13 =	vld.idx.msk [tilespmem:v13+s15+$0x0], $0xffff  }
0x35d: {  	v11 =	vadd.f32 v12, v11;
	v10 =	vmul.f32 v14, v10;
	v12 =	vmul.f32 v21, v21;
	v14 =	vld [tilespmem:s18+$0x40]  }
0x35e: {  	v17 =	vsub.f32 v17, v18;
	v9 =	vld.idx.msk [tilespmem:v9+s15+$0x0], $0xffff  }
0x35f: {  	v10 =	vadd.f32 v10, v11;
	v8 =	vmul.f32 v12, v8;
	v11 =	vmul.f32 v19, v19;
	v12 =	vld [tilespmem:s18+$0x50]  }
0x360: {  	v15 =	vsub.f32 v15, v16;
	v16 =	vld.idx.msk [tilespmem:v7+s15+$0x0], $0xffff  }
0x361: {  	v7 =	vadd.f32 v8, v10;
	v6 =	vmul.f32 v11, v6;
	v8 =	vmul.f32 v17, v17;
	v10 =	vld [tilespmem:s18+$0x60]  }
.Ltmp8:
0x362: {  	v13 =	vsub.f32 v13, v14;
	v5 =	vld.idx.msk [tilespmem:v5+s15+$0x0], $0xffff;
	(pc) =	sbr.rel @p0 .LBB2_18-.Ltmp8, $4  }
0x363: {  	v14 =	vmul.f32 v15, v15;
	v7 =	vadd.f32 v6, v7;
	v11 =	vmul.f32 v8, v4;
	v4 =	vld [tilespmem:s18+$0x70]  }
0x364: {  	v6 =	vld [tilespmem:s30+$0x50];
	v8 =	vsub.f32 v9, v12  }
0x365: {  	v12 =	vmul.f32 v14, v2;
	v13 =	vmul.f32 v13, v13;
	v11 =	vadd.f32 v11, v7;
	v9 =	vld [tilespmem:s30+$0x70]  }
0x366: {  	v7 =	vld [tilespmem:s30+$0x60];
	v10 =	vsub.f32 v16, v10;
	s30 =	sadd.s32 $0x100, s30  }
0x367: {  	[tilespmem:s23], [sflag:$0x3] =	stream.linear.gather [hbm4b:s8+s3], $0x800, $0x38;
	[tilespmem:$0x1F870] =	vst v63  }
0x368: {  	s16 =	rddreg [dreg:$0xf]  }
0x369: {  	[tilespmem:s20], [sflag:$0x3] =	stream.strided.gather [hbm4b:s16+s13], $0x800, s14, s13, $0x38;
	[tilespmem:$0x1F870] =	vst v63  }
0x36a: {  	_ = 	snop  }
0x36b: {  	[tilespmem:s29], [sflag:$0x5] =	stream.linear.gather [spmem:s9], $0x800, $0x38;
	[tilespmem:$0x1F870] =	vst v63  }
0x36c: {  	_ =	swait.ge [sflag:s17], $0x800  }
0x36d: {  	[sflag:s17] =	ssyncset.done $0x0  }
0x36e: {  	[sflag:s17] =	ssyncadd.s32 $0xFFFFF800  }
0x36f: {  	_ =	swait.ge [sflag:s1], $0x800  }
0x370: {  	[sflag:s1] =	ssyncset.done $0x0  }
0x371: {  	[sflag:s1] =	ssyncadd.s32 $0xFFFFF800  }
0x372: {  	_ =	swait.ge [sflag:s1], $0x800  }
0x373: {  	[sflag:s1] =	ssyncset.done $0x0  }
0x374: {  	s30 =	simm.s32 $0x1EC70;
	[sflag:s1] =	ssyncadd.s32 $0xFFFFF800  }
0x375: {  	v2 =	vld [tilespmem:s30+$0x40]  }
0x376: {  	v14 =	vld [tilespmem:s30+$0x30]  }
0x377: {  	v15 =	vld [tilespmem:s30+$0x20]  }
0x378: {  	s16 =	simm.s32 $0x1CC70;
	v16 =	vld [tilespmem:s30+$0x10]  }
0x379: {  	v17 =	vld [tilespmem:s16+$0x70]  }
0x37a: {  	v18 =	vld [tilespmem:s30+$0x0]  }
0x37b: {  	v19 =	vld [tilespmem:s16+$0x60]  }
0x37c: {  	v20 =	vld [tilespmem:s30+$0xFFFFFFF0]  }
0x37d: {  	v21 =	vld [tilespmem:s16+$0x50]  }
0x37e: {  	v22 =	vld [tilespmem:s30+$0xFFFFFFE0]  }
0x37f: {  	v23 =	vld [tilespmem:s16+$0x40]  }
0x380: {  	v24 =	vld [tilespmem:s30+$0xFFFFFFD0]  }
0x381: {  	v25 =	vld [tilespmem:s16+$0x30]  }
0x382: {  	v26 =	vld [tilespmem:s30+$0xFFFFFFC0]  }
0x383: {  	v27 =	vld [tilespmem:s16+$0x20]  }
0x384: {  	v28 =	vld [tilespmem:s30+$0xFFFFFFB0]  }
0x385: {  	v29 =	vld [tilespmem:s16+$0x10]  }
0x386: {  	v30 =	vld [tilespmem:s30+$0xFFFFFFA0]  }
0x387: {  	v31 =	vld [tilespmem:s16+$0x0]  }
0x388: {  	v32 =	vld [tilespmem:s30+$0xFFFFFF90]  }
0x389: {  	v33 =	vld [tilespmem:s16+$0xFFFFFFF0]  }
0x38a: {  	v34 =	vld [tilespmem:s30+$0xFFFFFF80]  }
0x38b: {  	s18 =	simm.s32 $0x1DC70;
	v35 =	vld [tilespmem:s16+$0xFFFFFF80]  }
0x38c: {  	v36 =	vld [tilespmem:s18+$0xFFFFFFA0]  }
0x38d: {  	v37 =	vld [tilespmem:s16+$0xFFFFFF90]  }
0x38e: {  	v38 =	vld [tilespmem:s16+$0xFFFFFFE0]  }
0x38f: {  	v39 =	vld [tilespmem:s16+$0xFFFFFFA0]  }
0x390: {  	v40 =	vld [tilespmem:s16+$0xFFFFFFB0]  }
0x391: {  	v41 =	vld [tilespmem:s16+$0xFFFFFFD0]  }
0x392: {  	v42 =	vld [tilespmem:s16+$0xFFFFFFC0]  }
0x393: {  	v11 =	vadd.f32 v12, v11;
	v8 =	vmul.f32 v8, v8;
	v12 =	vld [tilespmem:s18+$0xFFFFFF80]  }
0x394: {  	v3 =	vmul.f32 v13, v3;
	v35 =	vld.idx.msk [tilespmem:v35+s15+$0x0], $0xffff  }
0x395: {  	v6 =	vmul.f32 v8, v6;
	v8 =	vmul.f32 v10, v10;
	v10 =	vld [tilespmem:s18+$0xFFFFFF90]  }
0x396: {  	v4 =	vsub.f32 v5, v4;
	v3 =	vadd.f32 v3, v11;
	v5 =	vld.idx.msk [tilespmem:v37+s15+$0x0], $0xffff  }
0x397: {  	v11 =	vld.idx.msk [tilespmem:v39+s15+$0x0], $0xffff  }
0x398: {  	v4 =	vmul.f32 v4, v4;
	v3 =	vadd.f32 v6, v3;
	v6 =	vmul.f32 v8, v7;
	v7 =	vld.idx.msk [tilespmem:v40+s15+$0x0], $0xffff  }
0x399: {  	v8 =	vsub.f32 v35, v12;
	v12 =	vld [tilespmem:s18+$0xFFFFFFB0]  }
0x39a: {  	v4 =	vmul.f32 v4, v9;
	v3 =	vadd.f32 v6, v3;
	v9 =	vld [tilespmem:s18+$0xFFFFFFC0]  }
0x39b: {  	v6 =	vld.idx.msk [tilespmem:v42+s15+$0x0], $0xffff;
	v5 =	vsub.f32 v5, v10;
	v8 =	vmul.f32 v8, v8  }
0x39c: {  	v3 =	vadd.f32 v4, v3;
	v4 =	vld.idx.msk [tilespmem:v41+s15+$0x0], $0xffff  }
0x39d: {  	v10 =	vsub.f32 v11, v36;
	v11 =	vld [tilespmem:s18+$0xFFFFFFD0];
	v5 =	vmul.f32 v5, v5;
	v8 =	vmul.f32 v8, v34  }
0x39e: {  	v7 =	vsub.f32 v7, v12;
	v12 =	vld.idx.msk [tilespmem:v38+s15+$0x0], $0xffff  }
0x39f: {  	v5 =	vmul.f32 v5, v32;
	v3 =	vadd.f32 v8, v3;
	v8 =	vmul.f32 v10, v10;
	v10 =	vld [tilespmem:s18+$0xFFFFFFE0]  }
0x3a0: {  	v6 =	vsub.f32 v6, v9;
	v9 =	vld.idx.msk [tilespmem:v33+s15+$0x0], $0xffff  }
0x3a1: {  	v7 =	vmul.f32 v7, v7;
	v3 =	vadd.f32 v5, v3;
	v5 =	vmul.f32 v8, v30;
	v8 =	vld [tilespmem:s18+$0xFFFFFFF0]  }
0x3a2: {  	v4 =	vsub.f32 v4, v11;
	v11 =	vld.idx.msk [tilespmem:v31+s15+$0x0], $0xffff  }
0x3a3: {  	v6 =	vmul.f32 v6, v6;
	v3 =	vadd.f32 v5, v3;
	v5 =	vmul.f32 v7, v28;
	v7 =	vld [tilespmem:s18+$0x0]  }
0x3a4: {  	v10 =	vsub.f32 v12, v10;
	v12 =	vld.idx.msk [tilespmem:v29+s15+$0x0], $0xffff  }
0x3a5: {  	v4 =	vmul.f32 v4, v4;
	v3 =	vadd.f32 v5, v3;
	v5 =	vmul.f32 v6, v26;
	v6 =	vld [tilespmem:s18+$0x10]  }
0x3a6: {  	v8 =	vsub.f32 v9, v8;
	v9 =	vld.idx.msk [tilespmem:v27+s15+$0x0], $0xffff  }
0x3a7: {  	v4 =	vmul.f32 v4, v24;
	v3 =	vadd.f32 v5, v3;
	v5 =	vmul.f32 v10, v10;
	v10 =	vld [tilespmem:s18+$0x20]  }
0x3a8: {  	v13 =	vld [tilespmem:s18+$0x50];
	v7 =	vsub.f32 v11, v7  }
0x3a9: {  	v11 =	vld.idx.msk [tilespmem:v25+s15+$0x0], $0xffff;
	v3 =	vadd.f32 v4, v3;
	v4 =	vmul.f32 v5, v22;
	v5 =	vmul.f32 v8, v8  }
0x3aa: {  	v8 =	vld [tilespmem:s18+$0x30];
	v6 =	vsub.f32 v12, v6  }
0x3ab: {  	v12 =	vld.idx.msk [tilespmem:v23+s15+$0x0], $0xffff;
	v3 =	vadd.f32 v4, v3;
	v4 =	vmul.f32 v5, v20;
	v5 =	vmul.f32 v7, v7  }
0x3ac: {  	v7 =	vld [tilespmem:s18+$0x40];
	v9 =	vsub.f32 v9, v10  }
0x3ad: {  	v10 =	vld.idx.msk [tilespmem:v21+s15+$0x0], $0xffff;
	v3 =	vadd.f32 v4, v3;
	v4 =	vmul.f32 v5, v18;
	v5 =	vmul.f32 v6, v6  }
0x3ae: {  	v63 =	vld [tilespmem:s18+$0x60];
	v6 =	vmul.f32 v9, v9  }
0x3af: {  	v62 =	vld.idx.msk [tilespmem:v19+s15+$0x0], $0xffff;
	v8 =	vsub.f32 v11, v8;
	v3 =	vadd.f32 v4, v3;
	v4 =	vmul.f32 v5, v16  }
0x3b0: {  	v5 =	vld.idx.msk [tilespmem:v17+s15+$0x0], $0xffff;
	v9 =	vmul.f32 v6, v15  }
0x3b1: {  	v7 =	vsub.f32 v12, v7;
	v12 =	vmul.f32 v8, v8;
	v3 =	vadd.f32 v4, v3;
	v4 =	vld [tilespmem:s18+$0x70]  }
0x3b2: {  	v6 =	vld [tilespmem:s30+$0x50];
	v8 =	vsub.f32 v10, v13  }
0x3b3: {  	v12 =	vmul.f32 v12, v14;
	v13 =	vmul.f32 v7, v7;
	v7 =	vld [tilespmem:s30+$0x60];
	v11 =	vadd.f32 v9, v3  }
0x3b4: {  	s19 =	simm.s32 $0x0;
	v10 =	vsub.f32 v62, v63;
	v9 =	vld [tilespmem:s30+$0x70];
	s30 =	simm.s32 $0x1ED70  }
.LBB2_20:
0x3b5: {  	v11 =	vadd.f32 v12, v11;
	v12 =	vmul.f32 v13, v2;
	v2 =	vld [tilespmem:s30+$0x40];
	v8 =	vmul.f32 v8, v8  }
0x3b6: {  	v3 =	vld [tilespmem:s30+$0x30];
	v13 =	vsub.f32 v5, v4  }
0x3b7: {  	v10 =	vmul.f32 v10, v10;
	v4 =	vld [tilespmem:s30+$0x20];
	v11 =	vadd.f32 v12, v11;
	v8 =	vmul.f32 v8, v6  }
0x3b8: {  	s16 =	sadd.s32 $0x100, s16;
	v6 =	vld [tilespmem:s30+$0x10]  }
0x3b9: {  	v12 =	vmul.f32 v13, v13;
	v5 =	vld [tilespmem:s16+$0x70];
	v11 =	vadd.f32 v8, v11;
	v10 =	vmul.f32 v10, v7  }
0x3ba: {  	v8 =	vld [tilespmem:s30+$0x0]  }
0x3bb: {  	v12 =	vmul.f32 v12, v9;
	v7 =	vld [tilespmem:s16+$0x60];
	v11 =	vadd.f32 v10, v11  }
0x3bc: {  	v10 =	vld [tilespmem:s30+$0xFFFFFFF0]  }
0x3bd: {  	v9 =	vld [tilespmem:s16+$0x50];
	v11 =	vadd.f32 v12, v11  }
0x3be: {  	v12 =	vld [tilespmem:s30+$0xFFFFFFE0]  }
0x3bf: {  	v13 =	vld [tilespmem:s16+$0x40]  }
0x3c0: {  	v14 =	vld [tilespmem:s30+$0xFFFFFFD0]  }
0x3c1: {  	v15 =	vld [tilespmem:s16+$0x30]  }
0x3c2: {  	v16 =	vld [tilespmem:s30+$0xFFFFFFC0]  }
0x3c3: {  	v17 =	vld [tilespmem:s16+$0x20]  }
0x3c4: {  	v18 =	vld [tilespmem:s30+$0xFFFFFFB0]  }
0x3c5: {  	v19 =	vld [tilespmem:s16+$0x10]  }
0x3c6: {  	v20 =	vld [tilespmem:s30+$0xFFFFFFA0]  }
0x3c7: {  	v21 =	vld [tilespmem:s16+$0x0]  }
0x3c8: {  	v22 =	vld [tilespmem:s30+$0xFFFFFF90]  }
0x3c9: {  	v23 =	vld [tilespmem:s16+$0xFFFFFFF0]  }
0x3ca: {  	v24 =	vld [tilespmem:s30+$0xFFFFFF80]  }
0x3cb: {  	s19 =	sadd.s32 $0x100, s19;
	s18 =	sadd.s32 $0x100, s18;
	v25 =	vld [tilespmem:s16+$0xFFFFFF80]  }
0x3cc: {  	p0 =	slt.u32 s19, $0x700;
	v26 =	vld [tilespmem:s18+$0xFFFFFFA0]  }
0x3cd: {  	v27 =	vld [tilespmem:s16+$0xFFFFFF90]  }
0x3ce: {  	v28 =	vld [tilespmem:s16+$0xFFFFFFE0]  }
0x3cf: {  	v29 =	vld [tilespmem:s16+$0xFFFFFFA0]  }
0x3d0: {  	v30 =	vld [tilespmem:s16+$0xFFFFFFB0]  }
0x3d1: {  	v31 =	vld [tilespmem:s16+$0xFFFFFFD0]  }
0x3d2: {  	v32 =	vld [tilespmem:s16+$0xFFFFFFC0]  }
0x3d3: {  	v25 =	vld.idx.msk [tilespmem:v25+s15+$0x0], $0xffff  }
0x3d4: {  	v33 =	vld [tilespmem:s18+$0xFFFFFF80]  }
0x3d5: {  	v27 =	vld.idx.msk [tilespmem:v27+s15+$0x0], $0xffff  }
0x3d6: {  	v34 =	vld [tilespmem:s18+$0xFFFFFF90]  }
0x3d7: {  	v29 =	vld.idx.msk [tilespmem:v29+s15+$0x0], $0xffff  }
0x3d8: {  	v30 =	vld.idx.msk [tilespmem:v30+s15+$0x0], $0xffff  }
0x3d9: {  	v25 =	vsub.f32 v25, v33;
	v33 =	vld [tilespmem:s18+$0xFFFFFFB0]  }
0x3da: {  	v32 =	vld.idx.msk [tilespmem:v32+s15+$0x0], $0xffff  }
0x3db: {  	v25 =	vmul.f32 v25, v25;
	v27 =	vsub.f32 v27, v34;
	v34 =	vld [tilespmem:s18+$0xFFFFFFC0]  }
0x3dc: {  	v31 =	vld.idx.msk [tilespmem:v31+s15+$0x0], $0xffff  }
0x3dd: {  	v26 =	vsub.f32 v29, v26;
	v24 =	vmul.f32 v25, v24;
	v25 =	vmul.f32 v27, v27;
	v27 =	vld [tilespmem:s18+$0xFFFFFFD0]  }
0x3de: {  	v29 =	vsub.f32 v30, v33;
	v28 =	vld.idx.msk [tilespmem:v28+s15+$0x0], $0xffff  }
0x3df: {  	v11 =	vadd.f32 v24, v11;
	v22 =	vmul.f32 v25, v22;
	v24 =	vmul.f32 v26, v26;
	v25 =	vld [tilespmem:s18+$0xFFFFFFE0]  }
0x3e0: {  	v26 =	vsub.f32 v32, v34;
	v23 =	vld.idx.msk [tilespmem:v23+s15+$0x0], $0xffff  }
0x3e1: {  	v11 =	vadd.f32 v22, v11;
	v20 =	vmul.f32 v24, v20;
	v22 =	vmul.f32 v29, v29;
	v24 =	vld [tilespmem:s18+$0xFFFFFFF0]  }
0x3e2: {  	v27 =	vsub.f32 v31, v27;
	v21 =	vld.idx.msk [tilespmem:v21+s15+$0x0], $0xffff  }
0x3e3: {  	v11 =	vadd.f32 v20, v11;
	v18 =	vmul.f32 v22, v18;
	v20 =	vmul.f32 v26, v26;
	v22 =	vld [tilespmem:s18+$0x0]  }
0x3e4: {  	v25 =	vsub.f32 v28, v25;
	v19 =	vld.idx.msk [tilespmem:v19+s15+$0x0], $0xffff  }
0x3e5: {  	v11 =	vadd.f32 v18, v11;
	v16 =	vmul.f32 v20, v16;
	v18 =	vmul.f32 v27, v27;
	v20 =	vld [tilespmem:s18+$0x10]  }
0x3e6: {  	v23 =	vsub.f32 v23, v24;
	v17 =	vld.idx.msk [tilespmem:v17+s15+$0x0], $0xffff  }
0x3e7: {  	v11 =	vadd.f32 v16, v11;
	v14 =	vmul.f32 v18, v14;
	v16 =	vmul.f32 v25, v25;
	v18 =	vld [tilespmem:s18+$0x20]  }
0x3e8: {  	v21 =	vsub.f32 v21, v22;
	v15 =	vld.idx.msk [tilespmem:v15+s15+$0x0], $0xffff  }
0x3e9: {  	v11 =	vadd.f32 v14, v11;
	v12 =	vmul.f32 v16, v12;
	v14 =	vmul.f32 v23, v23;
	v16 =	vld [tilespmem:s18+$0x30]  }
0x3ea: {  	v19 =	vsub.f32 v19, v20;
	v13 =	vld.idx.msk [tilespmem:v13+s15+$0x0], $0xffff  }
0x3eb: {  	v11 =	vadd.f32 v12, v11;
	v10 =	vmul.f32 v14, v10;
	v12 =	vmul.f32 v21, v21;
	v14 =	vld [tilespmem:s18+$0x40]  }
0x3ec: {  	v17 =	vsub.f32 v17, v18;
	v9 =	vld.idx.msk [tilespmem:v9+s15+$0x0], $0xffff  }
0x3ed: {  	v10 =	vadd.f32 v10, v11;
	v8 =	vmul.f32 v12, v8;
	v11 =	vmul.f32 v19, v19;
	v12 =	vld [tilespmem:s18+$0x50]  }
0x3ee: {  	v15 =	vsub.f32 v15, v16;
	v16 =	vld.idx.msk [tilespmem:v7+s15+$0x0], $0xffff  }
0x3ef: {  	v7 =	vadd.f32 v8, v10;
	v6 =	vmul.f32 v11, v6;
	v8 =	vmul.f32 v17, v17;
	v10 =	vld [tilespmem:s18+$0x60]  }
.Ltmp9:
0x3f0: {  	v13 =	vsub.f32 v13, v14;
	v5 =	vld.idx.msk [tilespmem:v5+s15+$0x0], $0xffff;
	(pc) =	sbr.rel @p0 .LBB2_20-.Ltmp9, $4  }
0x3f1: {  	v14 =	vmul.f32 v15, v15;
	v7 =	vadd.f32 v6, v7;
	v11 =	vmul.f32 v8, v4;
	v4 =	vld [tilespmem:s18+$0x70]  }
0x3f2: {  	v6 =	vld [tilespmem:s30+$0x50];
	v8 =	vsub.f32 v9, v12  }
0x3f3: {  	v12 =	vmul.f32 v14, v3;
	v13 =	vmul.f32 v13, v13;
	v11 =	vadd.f32 v11, v7;
	v9 =	vld [tilespmem:s30+$0x70]  }
0x3f4: {  	v7 =	vld [tilespmem:s30+$0x60];
	v10 =	vsub.f32 v16, v10;
	s30 =	sadd.s32 $0x100, s30  }
0x3f5: {  	[tilespmem:s24], [sflag:$0x4] =	stream.linear.gather [hbm4b:s10+s3], $0x800, $0x38;
	[tilespmem:$0x1F870] =	vst v63  }
0x3f6: {  	s16 =	rddreg [dreg:$0x10]  }
0x3f7: {  	[tilespmem:s25], [sflag:$0x4] =	stream.strided.gather [hbm4b:s16+s13], $0x800, s14, s13, $0x38;
	[tilespmem:$0x1F870] =	vst v63  }
0x3f8: {  	_ = 	snop  }
0x3f9: {  	[tilespmem:s26], [sflag:$0x5] =	stream.linear.gather [spmem:s11], $0x800, $0x38;
	[tilespmem:$0x1F870] =	vst v63  }
0x3fa: {  	_ =	swait.ge [sflag:s17], $0x800  }
0x3fb: {  	[sflag:s17] =	ssyncset.done $0x0  }
0x3fc: {  	[sflag:s17] =	ssyncadd.s32 $0xFFFFF800  }
0x3fd: {  	_ =	swait.ge [sflag:s28], $0x800  }
0x3fe: {  	[sflag:s28] =	ssyncset.done $0x0  }
0x3ff: {  	[sflag:s28] =	ssyncadd.s32 $0xFFFFF800  }
0x400: {  	_ =	swait.ge [sflag:s28], $0x800  }
0x401: {  	[sflag:s28] =	ssyncset.done $0x0  }
0x402: {  	s30 =	simm.s32 $0x1E470;
	[sflag:s28] =	ssyncadd.s32 $0xFFFFF800  }
0x403: {  	v3 =	vld [tilespmem:s30+$0x40]  }
0x404: {  	v14 =	vld [tilespmem:s30+$0x30]  }
0x405: {  	v15 =	vld [tilespmem:s30+$0x20]  }
0x406: {  	s16 =	simm.s32 $0x1C470;
	v16 =	vld [tilespmem:s30+$0x10]  }
0x407: {  	v17 =	vld [tilespmem:s16+$0x70]  }
0x408: {  	v18 =	vld [tilespmem:s30+$0x0]  }
0x409: {  	v19 =	vld [tilespmem:s16+$0x60]  }
0x40a: {  	v20 =	vld [tilespmem:s30+$0xFFFFFFF0]  }
0x40b: {  	v21 =	vld [tilespmem:s16+$0x50]  }
0x40c: {  	v22 =	vld [tilespmem:s30+$0xFFFFFFE0]  }
0x40d: {  	v23 =	vld [tilespmem:s16+$0x40]  }
0x40e: {  	v24 =	vld [tilespmem:s30+$0xFFFFFFD0]  }
0x40f: {  	v25 =	vld [tilespmem:s16+$0x30]  }
0x410: {  	v26 =	vld [tilespmem:s30+$0xFFFFFFC0]  }
0x411: {  	v27 =	vld [tilespmem:s16+$0x20]  }
0x412: {  	v28 =	vld [tilespmem:s30+$0xFFFFFFB0]  }
0x413: {  	v29 =	vld [tilespmem:s16+$0x10]  }
0x414: {  	v30 =	vld [tilespmem:s30+$0xFFFFFFA0]  }
0x415: {  	v31 =	vld [tilespmem:s16+$0x0]  }
0x416: {  	v32 =	vld [tilespmem:s30+$0xFFFFFF90]  }
0x417: {  	v33 =	vld [tilespmem:s16+$0xFFFFFFF0]  }
0x418: {  	v34 =	vld [tilespmem:s30+$0xFFFFFF80]  }
0x419: {  	s18 =	simm.s32 $0x1D470;
	v35 =	vld [tilespmem:s16+$0xFFFFFF80]  }
0x41a: {  	v36 =	vld [tilespmem:s18+$0xFFFFFFA0]  }
0x41b: {  	v37 =	vld [tilespmem:s16+$0xFFFFFF90]  }
0x41c: {  	v38 =	vld [tilespmem:s16+$0xFFFFFFE0]  }
0x41d: {  	v39 =	vld [tilespmem:s16+$0xFFFFFFA0]  }
0x41e: {  	v40 =	vld [tilespmem:s16+$0xFFFFFFB0]  }
0x41f: {  	v41 =	vld [tilespmem:s16+$0xFFFFFFD0]  }
0x420: {  	v42 =	vld [tilespmem:s16+$0xFFFFFFC0]  }
0x421: {  	v11 =	vadd.f32 v12, v11;
	v8 =	vmul.f32 v8, v8;
	v12 =	vld [tilespmem:s18+$0xFFFFFF80]  }
0x422: {  	v2 =	vmul.f32 v13, v2;
	v35 =	vld.idx.msk [tilespmem:v35+s15+$0x0], $0xffff  }
0x423: {  	v6 =	vmul.f32 v8, v6;
	v8 =	vmul.f32 v10, v10;
	v10 =	vld [tilespmem:s18+$0xFFFFFF90]  }
0x424: {  	v4 =	vsub.f32 v5, v4;
	v2 =	vadd.f32 v2, v11;
	v5 =	vld.idx.msk [tilespmem:v37+s15+$0x0], $0xffff  }
0x425: {  	v11 =	vld.idx.msk [tilespmem:v39+s15+$0x0], $0xffff  }
0x426: {  	v4 =	vmul.f32 v4, v4;
	v2 =	vadd.f32 v6, v2;
	v6 =	vmul.f32 v8, v7;
	v7 =	vld.idx.msk [tilespmem:v40+s15+$0x0], $0xffff  }
0x427: {  	v8 =	vsub.f32 v35, v12;
	v12 =	vld [tilespmem:s18+$0xFFFFFFB0]  }
0x428: {  	v4 =	vmul.f32 v4, v9;
	v2 =	vadd.f32 v6, v2;
	v9 =	vld [tilespmem:s18+$0xFFFFFFC0]  }
0x429: {  	v6 =	vld.idx.msk [tilespmem:v42+s15+$0x0], $0xffff;
	v5 =	vsub.f32 v5, v10;
	v8 =	vmul.f32 v8, v8  }
0x42a: {  	v2 =	vadd.f32 v4, v2;
	v4 =	vld.idx.msk [tilespmem:v41+s15+$0x0], $0xffff  }
0x42b: {  	v10 =	vsub.f32 v11, v36;
	v11 =	vld [tilespmem:s18+$0xFFFFFFD0];
	v5 =	vmul.f32 v5, v5;
	v8 =	vmul.f32 v8, v34  }
0x42c: {  	v7 =	vsub.f32 v7, v12;
	v12 =	vld.idx.msk [tilespmem:v38+s15+$0x0], $0xffff  }
0x42d: {  	v5 =	vmul.f32 v5, v32;
	v2 =	vadd.f32 v8, v2;
	v8 =	vmul.f32 v10, v10;
	v10 =	vld [tilespmem:s18+$0xFFFFFFE0]  }
0x42e: {  	v6 =	vsub.f32 v6, v9;
	v9 =	vld.idx.msk [tilespmem:v33+s15+$0x0], $0xffff  }
0x42f: {  	v7 =	vmul.f32 v7, v7;
	v2 =	vadd.f32 v5, v2;
	v5 =	vmul.f32 v8, v30;
	v8 =	vld [tilespmem:s18+$0xFFFFFFF0]  }
0x430: {  	v4 =	vsub.f32 v4, v11;
	v11 =	vld.idx.msk [tilespmem:v31+s15+$0x0], $0xffff  }
0x431: {  	v6 =	vmul.f32 v6, v6;
	v2 =	vadd.f32 v5, v2;
	v5 =	vmul.f32 v7, v28;
	v7 =	vld [tilespmem:s18+$0x0]  }
0x432: {  	v10 =	vsub.f32 v12, v10;
	v12 =	vld.idx.msk [tilespmem:v29+s15+$0x0], $0xffff  }
0x433: {  	v4 =	vmul.f32 v4, v4;
	v2 =	vadd.f32 v5, v2;
	v5 =	vmul.f32 v6, v26;
	v6 =	vld [tilespmem:s18+$0x10]  }
0x434: {  	v8 =	vsub.f32 v9, v8;
	v9 =	vld.idx.msk [tilespmem:v27+s15+$0x0], $0xffff  }
0x435: {  	v4 =	vmul.f32 v4, v24;
	v2 =	vadd.f32 v5, v2;
	v5 =	vmul.f32 v10, v10;
	v10 =	vld [tilespmem:s18+$0x20]  }
0x436: {  	v13 =	vld [tilespmem:s18+$0x50];
	v7 =	vsub.f32 v11, v7  }
0x437: {  	v11 =	vld.idx.msk [tilespmem:v25+s15+$0x0], $0xffff;
	v2 =	vadd.f32 v4, v2;
	v4 =	vmul.f32 v5, v22;
	v5 =	vmul.f32 v8, v8  }
0x438: {  	v8 =	vld [tilespmem:s18+$0x30];
	v6 =	vsub.f32 v12, v6  }
0x439: {  	v12 =	vld.idx.msk [tilespmem:v23+s15+$0x0], $0xffff;
	v2 =	vadd.f32 v4, v2;
	v4 =	vmul.f32 v5, v20;
	v5 =	vmul.f32 v7, v7  }
0x43a: {  	v7 =	vld [tilespmem:s18+$0x40];
	v9 =	vsub.f32 v9, v10  }
0x43b: {  	v10 =	vld.idx.msk [tilespmem:v21+s15+$0x0], $0xffff;
	v2 =	vadd.f32 v4, v2;
	v4 =	vmul.f32 v5, v18;
	v5 =	vmul.f32 v6, v6  }
0x43c: {  	v63 =	vld [tilespmem:s18+$0x60];
	v6 =	vmul.f32 v9, v9  }
0x43d: {  	v62 =	vld.idx.msk [tilespmem:v19+s15+$0x0], $0xffff;
	v8 =	vsub.f32 v11, v8;
	v2 =	vadd.f32 v4, v2;
	v4 =	vmul.f32 v5, v16  }
0x43e: {  	v5 =	vld.idx.msk [tilespmem:v17+s15+$0x0], $0xffff;
	v9 =	vmul.f32 v6, v15  }
0x43f: {  	v7 =	vsub.f32 v12, v7;
	v12 =	vmul.f32 v8, v8;
	v2 =	vadd.f32 v4, v2;
	v4 =	vld [tilespmem:s18+$0x70]  }
0x440: {  	v6 =	vld [tilespmem:s30+$0x50];
	v8 =	vsub.f32 v10, v13  }
0x441: {  	v12 =	vmul.f32 v12, v14;
	v13 =	vmul.f32 v7, v7;
	v7 =	vld [tilespmem:s30+$0x60];
	v11 =	vadd.f32 v9, v2  }
0x442: {  	s19 =	simm.s32 $0x0;
	v10 =	vsub.f32 v62, v63;
	v9 =	vld [tilespmem:s30+$0x70];
	s30 =	simm.s32 $0x1E570  }
.LBB2_22:
0x443: {  	v11 =	vadd.f32 v12, v11;
	v12 =	vmul.f32 v13, v3;
	v3 =	vld [tilespmem:s30+$0x40];
	v8 =	vmul.f32 v8, v8  }
0x444: {  	v2 =	vld [tilespmem:s30+$0x30];
	v13 =	vsub.f32 v5, v4  }
0x445: {  	v10 =	vmul.f32 v10, v10;
	v4 =	vld [tilespmem:s30+$0x20];
	v11 =	vadd.f32 v12, v11;
	v8 =	vmul.f32 v8, v6  }
0x446: {  	s16 =	sadd.s32 $0x100, s16;
	v6 =	vld [tilespmem:s30+$0x10]  }
0x447: {  	v12 =	vmul.f32 v13, v13;
	v5 =	vld [tilespmem:s16+$0x70];
	v11 =	vadd.f32 v8, v11;
	v10 =	vmul.f32 v10, v7  }
0x448: {  	v8 =	vld [tilespmem:s30+$0x0]  }
0x449: {  	v12 =	vmul.f32 v12, v9;
	v7 =	vld [tilespmem:s16+$0x60];
	v11 =	vadd.f32 v10, v11  }
0x44a: {  	v10 =	vld [tilespmem:s30+$0xFFFFFFF0]  }
0x44b: {  	v9 =	vld [tilespmem:s16+$0x50];
	v11 =	vadd.f32 v12, v11  }
0x44c: {  	v12 =	vld [tilespmem:s30+$0xFFFFFFE0]  }
0x44d: {  	v13 =	vld [tilespmem:s16+$0x40]  }
0x44e: {  	v14 =	vld [tilespmem:s30+$0xFFFFFFD0]  }
0x44f: {  	v15 =	vld [tilespmem:s16+$0x30]  }
0x450: {  	v16 =	vld [tilespmem:s30+$0xFFFFFFC0]  }
0x451: {  	v17 =	vld [tilespmem:s16+$0x20]  }
0x452: {  	v18 =	vld [tilespmem:s30+$0xFFFFFFB0]  }
0x453: {  	v19 =	vld [tilespmem:s16+$0x10]  }
0x454: {  	v20 =	vld [tilespmem:s30+$0xFFFFFFA0]  }
0x455: {  	v21 =	vld [tilespmem:s16+$0x0]  }
0x456: {  	v22 =	vld [tilespmem:s30+$0xFFFFFF90]  }
0x457: {  	v23 =	vld [tilespmem:s16+$0xFFFFFFF0]  }
0x458: {  	v24 =	vld [tilespmem:s30+$0xFFFFFF80]  }
0x459: {  	s19 =	sadd.s32 $0x100, s19;
	s18 =	sadd.s32 $0x100, s18;
	v25 =	vld [tilespmem:s16+$0xFFFFFF80]  }
0x45a: {  	p0 =	slt.u32 s19, $0x700;
	v26 =	vld [tilespmem:s18+$0xFFFFFFA0]  }
0x45b: {  	v27 =	vld [tilespmem:s16+$0xFFFFFF90]  }
0x45c: {  	v28 =	vld [tilespmem:s16+$0xFFFFFFE0]  }
0x45d: {  	v29 =	vld [tilespmem:s16+$0xFFFFFFA0]  }
0x45e: {  	v30 =	vld [tilespmem:s16+$0xFFFFFFB0]  }
0x45f: {  	v31 =	vld [tilespmem:s16+$0xFFFFFFD0]  }
0x460: {  	v32 =	vld [tilespmem:s16+$0xFFFFFFC0]  }
0x461: {  	v25 =	vld.idx.msk [tilespmem:v25+s15+$0x0], $0xffff  }
0x462: {  	v33 =	vld [tilespmem:s18+$0xFFFFFF80]  }
0x463: {  	v27 =	vld.idx.msk [tilespmem:v27+s15+$0x0], $0xffff  }
0x464: {  	v34 =	vld [tilespmem:s18+$0xFFFFFF90]  }
0x465: {  	v29 =	vld.idx.msk [tilespmem:v29+s15+$0x0], $0xffff  }
0x466: {  	v30 =	vld.idx.msk [tilespmem:v30+s15+$0x0], $0xffff  }
0x467: {  	v25 =	vsub.f32 v25, v33;
	v33 =	vld [tilespmem:s18+$0xFFFFFFB0]  }
0x468: {  	v32 =	vld.idx.msk [tilespmem:v32+s15+$0x0], $0xffff  }
0x469: {  	v25 =	vmul.f32 v25, v25;
	v27 =	vsub.f32 v27, v34;
	v34 =	vld [tilespmem:s18+$0xFFFFFFC0]  }
0x46a: {  	v31 =	vld.idx.msk [tilespmem:v31+s15+$0x0], $0xffff  }
0x46b: {  	v26 =	vsub.f32 v29, v26;
	v24 =	vmul.f32 v25, v24;
	v25 =	vmul.f32 v27, v27;
	v27 =	vld [tilespmem:s18+$0xFFFFFFD0]  }
0x46c: {  	v29 =	vsub.f32 v30, v33;
	v28 =	vld.idx.msk [tilespmem:v28+s15+$0x0], $0xffff  }
0x46d: {  	v11 =	vadd.f32 v24, v11;
	v22 =	vmul.f32 v25, v22;
	v24 =	vmul.f32 v26, v26;
	v25 =	vld [tilespmem:s18+$0xFFFFFFE0]  }
0x46e: {  	v26 =	vsub.f32 v32, v34;
	v23 =	vld.idx.msk [tilespmem:v23+s15+$0x0], $0xffff  }
0x46f: {  	v11 =	vadd.f32 v22, v11;
	v20 =	vmul.f32 v24, v20;
	v22 =	vmul.f32 v29, v29;
	v24 =	vld [tilespmem:s18+$0xFFFFFFF0]  }
0x470: {  	v27 =	vsub.f32 v31, v27;
	v21 =	vld.idx.msk [tilespmem:v21+s15+$0x0], $0xffff  }
0x471: {  	v11 =	vadd.f32 v20, v11;
	v18 =	vmul.f32 v22, v18;
	v20 =	vmul.f32 v26, v26;
	v22 =	vld [tilespmem:s18+$0x0]  }
0x472: {  	v25 =	vsub.f32 v28, v25;
	v19 =	vld.idx.msk [tilespmem:v19+s15+$0x0], $0xffff  }
0x473: {  	v11 =	vadd.f32 v18, v11;
	v16 =	vmul.f32 v20, v16;
	v18 =	vmul.f32 v27, v27;
	v20 =	vld [tilespmem:s18+$0x10]  }
0x474: {  	v23 =	vsub.f32 v23, v24;
	v17 =	vld.idx.msk [tilespmem:v17+s15+$0x0], $0xffff  }
0x475: {  	v11 =	vadd.f32 v16, v11;
	v14 =	vmul.f32 v18, v14;
	v16 =	vmul.f32 v25, v25;
	v18 =	vld [tilespmem:s18+$0x20]  }
0x476: {  	v21 =	vsub.f32 v21, v22;
	v15 =	vld.idx.msk [tilespmem:v15+s15+$0x0], $0xffff  }
0x477: {  	v11 =	vadd.f32 v14, v11;
	v12 =	vmul.f32 v16, v12;
	v14 =	vmul.f32 v23, v23;
	v16 =	vld [tilespmem:s18+$0x30]  }
0x478: {  	v19 =	vsub.f32 v19, v20;
	v13 =	vld.idx.msk [tilespmem:v13+s15+$0x0], $0xffff  }
0x479: {  	v11 =	vadd.f32 v12, v11;
	v10 =	vmul.f32 v14, v10;
	v12 =	vmul.f32 v21, v21;
	v14 =	vld [tilespmem:s18+$0x40]  }
0x47a: {  	v17 =	vsub.f32 v17, v18;
	v9 =	vld.idx.msk [tilespmem:v9+s15+$0x0], $0xffff  }
0x47b: {  	v10 =	vadd.f32 v10, v11;
	v8 =	vmul.f32 v12, v8;
	v11 =	vmul.f32 v19, v19;
	v12 =	vld [tilespmem:s18+$0x50]  }
0x47c: {  	v15 =	vsub.f32 v15, v16;
	v16 =	vld.idx.msk [tilespmem:v7+s15+$0x0], $0xffff  }
0x47d: {  	v7 =	vadd.f32 v8, v10;
	v6 =	vmul.f32 v11, v6;
	v8 =	vmul.f32 v17, v17;
	v10 =	vld [tilespmem:s18+$0x60]  }
.Ltmp10:
0x47e: {  	v13 =	vsub.f32 v13, v14;
	v5 =	vld.idx.msk [tilespmem:v5+s15+$0x0], $0xffff;
	(pc) =	sbr.rel @p0 .LBB2_22-.Ltmp10, $4  }
0x47f: {  	v14 =	vmul.f32 v15, v15;
	v7 =	vadd.f32 v6, v7;
	v11 =	vmul.f32 v8, v4;
	v4 =	vld [tilespmem:s18+$0x70]  }
0x480: {  	v6 =	vld [tilespmem:s30+$0x50];
	v8 =	vsub.f32 v9, v12  }
0x481: {  	v12 =	vmul.f32 v14, v2;
	v13 =	vmul.f32 v13, v13;
	v11 =	vadd.f32 v11, v7;
	v9 =	vld [tilespmem:s30+$0x70]  }
0x482: {  	v7 =	vld [tilespmem:s30+$0x60];
	v10 =	vsub.f32 v16, v10;
	s30 =	sadd.s32 $0x100, s30  }
0x483: {  	[tilespmem:s29], [sflag:$0x5] =	stream.linear.gather [spmem:s12], $0x800, $0x38;
	[tilespmem:$0x1F870] =	vst v63  }
0x484: {  	_ =	swait.ge [sflag:s17], $0x800  }
0x485: {  	[sflag:s17] =	ssyncset.done $0x0  }
0x486: {  	[sflag:s17] =	ssyncadd.s32 $0xFFFFF800  }
0x487: {  	_ =	swait.ge [sflag:s1], $0x800  }
0x488: {  	[sflag:s1] =	ssyncset.done $0x0  }
0x489: {  	[sflag:s1] =	ssyncadd.s32 $0xFFFFF800  }
0x48a: {  	_ =	swait.ge [sflag:s1], $0x800  }
0x48b: {  	[sflag:s1] =	ssyncset.done $0x0  }
0x48c: {  	s30 =	simm.s32 $0x1EC70;
	[sflag:s1] =	ssyncadd.s32 $0xFFFFF800  }
0x48d: {  	v2 =	vld [tilespmem:s30+$0x40]  }
0x48e: {  	v14 =	vld [tilespmem:s30+$0x30]  }
0x48f: {  	v15 =	vld [tilespmem:s30+$0x20]  }
0x490: {  	s16 =	simm.s32 $0x1CC70;
	v16 =	vld [tilespmem:s30+$0x10]  }
0x491: {  	v17 =	vld [tilespmem:s16+$0x70]  }
0x492: {  	v18 =	vld [tilespmem:s30+$0x0]  }
0x493: {  	v19 =	vld [tilespmem:s16+$0x60]  }
0x494: {  	v20 =	vld [tilespmem:s30+$0xFFFFFFF0]  }
0x495: {  	v21 =	vld [tilespmem:s16+$0x50]  }
0x496: {  	v22 =	vld [tilespmem:s30+$0xFFFFFFE0]  }
0x497: {  	v23 =	vld [tilespmem:s16+$0x40]  }
0x498: {  	v24 =	vld [tilespmem:s30+$0xFFFFFFD0]  }
0x499: {  	v25 =	vld [tilespmem:s16+$0x30]  }
0x49a: {  	v26 =	vld [tilespmem:s30+$0xFFFFFFC0]  }
0x49b: {  	v27 =	vld [tilespmem:s16+$0x20]  }
0x49c: {  	v28 =	vld [tilespmem:s30+$0xFFFFFFB0]  }
0x49d: {  	v29 =	vld [tilespmem:s16+$0x10]  }
0x49e: {  	v30 =	vld [tilespmem:s30+$0xFFFFFFA0]  }
0x49f: {  	v31 =	vld [tilespmem:s16+$0x0]  }
0x4a0: {  	v32 =	vld [tilespmem:s30+$0xFFFFFF90]  }
0x4a1: {  	v33 =	vld [tilespmem:s16+$0xFFFFFFF0]  }
0x4a2: {  	v34 =	vld [tilespmem:s30+$0xFFFFFF80]  }
0x4a3: {  	s18 =	simm.s32 $0x1DC70;
	v35 =	vld [tilespmem:s16+$0xFFFFFF80]  }
0x4a4: {  	v36 =	vld [tilespmem:s18+$0xFFFFFFA0]  }
0x4a5: {  	v37 =	vld [tilespmem:s16+$0xFFFFFF90]  }
0x4a6: {  	v38 =	vld [tilespmem:s16+$0xFFFFFFE0]  }
0x4a7: {  	v39 =	vld [tilespmem:s16+$0xFFFFFFA0]  }
0x4a8: {  	v40 =	vld [tilespmem:s16+$0xFFFFFFB0]  }
0x4a9: {  	v41 =	vld [tilespmem:s16+$0xFFFFFFD0]  }
0x4aa: {  	v42 =	vld [tilespmem:s16+$0xFFFFFFC0]  }
0x4ab: {  	v11 =	vadd.f32 v12, v11;
	v8 =	vmul.f32 v8, v8;
	v12 =	vld [tilespmem:s18+$0xFFFFFF80]  }
0x4ac: {  	v3 =	vmul.f32 v13, v3;
	v35 =	vld.idx.msk [tilespmem:v35+s15+$0x0], $0xffff  }
0x4ad: {  	v6 =	vmul.f32 v8, v6;
	v8 =	vmul.f32 v10, v10;
	v10 =	vld [tilespmem:s18+$0xFFFFFF90]  }
0x4ae: {  	v4 =	vsub.f32 v5, v4;
	v3 =	vadd.f32 v3, v11;
	v5 =	vld.idx.msk [tilespmem:v37+s15+$0x0], $0xffff  }
0x4af: {  	v11 =	vld.idx.msk [tilespmem:v39+s15+$0x0], $0xffff  }
0x4b0: {  	v4 =	vmul.f32 v4, v4;
	v3 =	vadd.f32 v6, v3;
	v6 =	vmul.f32 v8, v7;
	v7 =	vld.idx.msk [tilespmem:v40+s15+$0x0], $0xffff  }
0x4b1: {  	v8 =	vsub.f32 v35, v12;
	v12 =	vld [tilespmem:s18+$0xFFFFFFB0]  }
0x4b2: {  	v4 =	vmul.f32 v4, v9;
	v3 =	vadd.f32 v6, v3;
	v9 =	vld [tilespmem:s18+$0xFFFFFFC0]  }
0x4b3: {  	v6 =	vld.idx.msk [tilespmem:v42+s15+$0x0], $0xffff;
	v5 =	vsub.f32 v5, v10;
	v8 =	vmul.f32 v8, v8  }
0x4b4: {  	v3 =	vadd.f32 v4, v3;
	v4 =	vld.idx.msk [tilespmem:v41+s15+$0x0], $0xffff  }
0x4b5: {  	v10 =	vsub.f32 v11, v36;
	v11 =	vld [tilespmem:s18+$0xFFFFFFD0];
	v5 =	vmul.f32 v5, v5;
	v8 =	vmul.f32 v8, v34  }
0x4b6: {  	v7 =	vsub.f32 v7, v12;
	v12 =	vld.idx.msk [tilespmem:v38+s15+$0x0], $0xffff  }
0x4b7: {  	v5 =	vmul.f32 v5, v32;
	v3 =	vadd.f32 v8, v3;
	v8 =	vmul.f32 v10, v10;
	v10 =	vld [tilespmem:s18+$0xFFFFFFE0]  }
0x4b8: {  	v6 =	vsub.f32 v6, v9;
	v9 =	vld.idx.msk [tilespmem:v33+s15+$0x0], $0xffff  }
0x4b9: {  	v7 =	vmul.f32 v7, v7;
	v3 =	vadd.f32 v5, v3;
	v5 =	vmul.f32 v8, v30;
	v8 =	vld [tilespmem:s18+$0xFFFFFFF0]  }
0x4ba: {  	v4 =	vsub.f32 v4, v11;
	v11 =	vld.idx.msk [tilespmem:v31+s15+$0x0], $0xffff  }
0x4bb: {  	v6 =	vmul.f32 v6, v6;
	v3 =	vadd.f32 v5, v3;
	v5 =	vmul.f32 v7, v28;
	v7 =	vld [tilespmem:s18+$0x0]  }
0x4bc: {  	v10 =	vsub.f32 v12, v10;
	v12 =	vld.idx.msk [tilespmem:v29+s15+$0x0], $0xffff  }
0x4bd: {  	v4 =	vmul.f32 v4, v4;
	v3 =	vadd.f32 v5, v3;
	v5 =	vmul.f32 v6, v26;
	v6 =	vld [tilespmem:s18+$0x10]  }
0x4be: {  	v8 =	vsub.f32 v9, v8;
	v9 =	vld.idx.msk [tilespmem:v27+s15+$0x0], $0xffff  }
0x4bf: {  	v4 =	vmul.f32 v4, v24;
	v3 =	vadd.f32 v5, v3;
	v5 =	vmul.f32 v10, v10;
	v10 =	vld [tilespmem:s18+$0x20]  }
0x4c0: {  	v13 =	vld [tilespmem:s18+$0x50];
	v7 =	vsub.f32 v11, v7  }
0x4c1: {  	v11 =	vld.idx.msk [tilespmem:v25+s15+$0x0], $0xffff;
	v3 =	vadd.f32 v4, v3;
	v4 =	vmul.f32 v5, v22;
	v5 =	vmul.f32 v8, v8  }
0x4c2: {  	v8 =	vld [tilespmem:s18+$0x30];
	v6 =	vsub.f32 v12, v6  }
0x4c3: {  	v12 =	vld.idx.msk [tilespmem:v23+s15+$0x0], $0xffff;
	v3 =	vadd.f32 v4, v3;
	v4 =	vmul.f32 v5, v20;
	v5 =	vmul.f32 v7, v7  }
0x4c4: {  	v7 =	vld [tilespmem:s18+$0x40];
	v9 =	vsub.f32 v9, v10  }
0x4c5: {  	v10 =	vld.idx.msk [tilespmem:v21+s15+$0x0], $0xffff;
	v3 =	vadd.f32 v4, v3;
	v4 =	vmul.f32 v5, v18;
	v5 =	vmul.f32 v6, v6  }
0x4c6: {  	v63 =	vld [tilespmem:s18+$0x60];
	v6 =	vmul.f32 v9, v9  }
0x4c7: {  	v62 =	vld.idx.msk [tilespmem:v19+s15+$0x0], $0xffff;
	v8 =	vsub.f32 v11, v8;
	v3 =	vadd.f32 v4, v3;
	v4 =	vmul.f32 v5, v16  }
0x4c8: {  	v5 =	vld.idx.msk [tilespmem:v17+s15+$0x0], $0xffff;
	v9 =	vmul.f32 v6, v15  }
0x4c9: {  	v7 =	vsub.f32 v12, v7;
	v12 =	vmul.f32 v8, v8;
	v3 =	vadd.f32 v4, v3;
	v4 =	vld [tilespmem:s18+$0x70]  }
0x4ca: {  	v6 =	vld [tilespmem:s30+$0x50];
	v8 =	vsub.f32 v10, v13  }
0x4cb: {  	v12 =	vmul.f32 v12, v14;
	v13 =	vmul.f32 v7, v7;
	v7 =	vld [tilespmem:s30+$0x60];
	v11 =	vadd.f32 v9, v3  }
0x4cc: {  	s19 =	simm.s32 $0x0;
	v10 =	vsub.f32 v62, v63;
	v9 =	vld [tilespmem:s30+$0x70];
	s30 =	simm.s32 $0x1ED70  }
.LBB2_24:
0x4cd: {  	v11 =	vadd.f32 v12, v11;
	v12 =	vmul.f32 v13, v2;
	v2 =	vld [tilespmem:s30+$0x40];
	v8 =	vmul.f32 v8, v8  }
0x4ce: {  	v3 =	vld [tilespmem:s30+$0x30];
	v13 =	vsub.f32 v5, v4  }
0x4cf: {  	v10 =	vmul.f32 v10, v10;
	v4 =	vld [tilespmem:s30+$0x20];
	v11 =	vadd.f32 v12, v11;
	v8 =	vmul.f32 v8, v6  }
0x4d0: {  	s16 =	sadd.s32 $0x100, s16;
	v6 =	vld [tilespmem:s30+$0x10]  }
0x4d1: {  	v12 =	vmul.f32 v13, v13;
	v5 =	vld [tilespmem:s16+$0x70];
	v11 =	vadd.f32 v8, v11;
	v10 =	vmul.f32 v10, v7  }
0x4d2: {  	v8 =	vld [tilespmem:s30+$0x0]  }
0x4d3: {  	v12 =	vmul.f32 v12, v9;
	v7 =	vld [tilespmem:s16+$0x60];
	v11 =	vadd.f32 v10, v11  }
0x4d4: {  	v10 =	vld [tilespmem:s30+$0xFFFFFFF0]  }
0x4d5: {  	v9 =	vld [tilespmem:s16+$0x50];
	v11 =	vadd.f32 v12, v11  }
0x4d6: {  	v12 =	vld [tilespmem:s30+$0xFFFFFFE0]  }
0x4d7: {  	v13 =	vld [tilespmem:s16+$0x40]  }
0x4d8: {  	v14 =	vld [tilespmem:s30+$0xFFFFFFD0]  }
0x4d9: {  	v15 =	vld [tilespmem:s16+$0x30]  }
0x4da: {  	v16 =	vld [tilespmem:s30+$0xFFFFFFC0]  }
0x4db: {  	v17 =	vld [tilespmem:s16+$0x20]  }
0x4dc: {  	v18 =	vld [tilespmem:s30+$0xFFFFFFB0]  }
0x4dd: {  	v19 =	vld [tilespmem:s16+$0x10]  }
0x4de: {  	v20 =	vld [tilespmem:s30+$0xFFFFFFA0]  }
0x4df: {  	v21 =	vld [tilespmem:s16+$0x0]  }
0x4e0: {  	v22 =	vld [tilespmem:s30+$0xFFFFFF90]  }
0x4e1: {  	v23 =	vld [tilespmem:s16+$0xFFFFFFF0]  }
0x4e2: {  	v24 =	vld [tilespmem:s30+$0xFFFFFF80]  }
0x4e3: {  	s19 =	sadd.s32 $0x100, s19;
	s18 =	sadd.s32 $0x100, s18;
	v25 =	vld [tilespmem:s16+$0xFFFFFF80]  }
0x4e4: {  	p0 =	slt.u32 s19, $0x700;
	v26 =	vld [tilespmem:s18+$0xFFFFFFA0]  }
0x4e5: {  	v27 =	vld [tilespmem:s16+$0xFFFFFF90]  }
0x4e6: {  	v28 =	vld [tilespmem:s16+$0xFFFFFFE0]  }
0x4e7: {  	v29 =	vld [tilespmem:s16+$0xFFFFFFA0]  }
0x4e8: {  	v30 =	vld [tilespmem:s16+$0xFFFFFFB0]  }
0x4e9: {  	v31 =	vld [tilespmem:s16+$0xFFFFFFD0]  }
0x4ea: {  	v32 =	vld [tilespmem:s16+$0xFFFFFFC0]  }
0x4eb: {  	v25 =	vld.idx.msk [tilespmem:v25+s15+$0x0], $0xffff  }
0x4ec: {  	v33 =	vld [tilespmem:s18+$0xFFFFFF80]  }
0x4ed: {  	v27 =	vld.idx.msk [tilespmem:v27+s15+$0x0], $0xffff  }
0x4ee: {  	v34 =	vld [tilespmem:s18+$0xFFFFFF90]  }
0x4ef: {  	v29 =	vld.idx.msk [tilespmem:v29+s15+$0x0], $0xffff  }
0x4f0: {  	v30 =	vld.idx.msk [tilespmem:v30+s15+$0x0], $0xffff  }
0x4f1: {  	v25 =	vsub.f32 v25, v33;
	v33 =	vld [tilespmem:s18+$0xFFFFFFB0]  }
0x4f2: {  	v32 =	vld.idx.msk [tilespmem:v32+s15+$0x0], $0xffff  }
0x4f3: {  	v25 =	vmul.f32 v25, v25;
	v27 =	vsub.f32 v27, v34;
	v34 =	vld [tilespmem:s18+$0xFFFFFFC0]  }
0x4f4: {  	v31 =	vld.idx.msk [tilespmem:v31+s15+$0x0], $0xffff  }
0x4f5: {  	v26 =	vsub.f32 v29, v26;
	v24 =	vmul.f32 v25, v24;
	v25 =	vmul.f32 v27, v27;
	v27 =	vld [tilespmem:s18+$0xFFFFFFD0]  }
0x4f6: {  	v29 =	vsub.f32 v30, v33;
	v28 =	vld.idx.msk [tilespmem:v28+s15+$0x0], $0xffff  }
0x4f7: {  	v11 =	vadd.f32 v24, v11;
	v22 =	vmul.f32 v25, v22;
	v24 =	vmul.f32 v26, v26;
	v25 =	vld [tilespmem:s18+$0xFFFFFFE0]  }
0x4f8: {  	v26 =	vsub.f32 v32, v34;
	v23 =	vld.idx.msk [tilespmem:v23+s15+$0x0], $0xffff  }
0x4f9: {  	v11 =	vadd.f32 v22, v11;
	v20 =	vmul.f32 v24, v20;
	v22 =	vmul.f32 v29, v29;
	v24 =	vld [tilespmem:s18+$0xFFFFFFF0]  }
0x4fa: {  	v27 =	vsub.f32 v31, v27;
	v21 =	vld.idx.msk [tilespmem:v21+s15+$0x0], $0xffff  }
0x4fb: {  	v11 =	vadd.f32 v20, v11;
	v18 =	vmul.f32 v22, v18;
	v20 =	vmul.f32 v26, v26;
	v22 =	vld [tilespmem:s18+$0x0]  }
0x4fc: {  	v25 =	vsub.f32 v28, v25;
	v19 =	vld.idx.msk [tilespmem:v19+s15+$0x0], $0xffff  }
0x4fd: {  	v11 =	vadd.f32 v18, v11;
	v16 =	vmul.f32 v20, v16;
	v18 =	vmul.f32 v27, v27;
	v20 =	vld [tilespmem:s18+$0x10]  }
0x4fe: {  	v23 =	vsub.f32 v23, v24;
	v17 =	vld.idx.msk [tilespmem:v17+s15+$0x0], $0xffff  }
0x4ff: {  	v11 =	vadd.f32 v16, v11;
	v14 =	vmul.f32 v18, v14;
	v16 =	vmul.f32 v25, v25;
	v18 =	vld [tilespmem:s18+$0x20]  }
0x500: {  	v21 =	vsub.f32 v21, v22;
	v15 =	vld.idx.msk [tilespmem:v15+s15+$0x0], $0xffff  }
0x501: {  	v11 =	vadd.f32 v14, v11;
	v12 =	vmul.f32 v16, v12;
	v14 =	vmul.f32 v23, v23;
	v16 =	vld [tilespmem:s18+$0x30]  }
0x502: {  	v19 =	vsub.f32 v19, v20;
	v13 =	vld.idx.msk [tilespmem:v13+s15+$0x0], $0xffff  }
0x503: {  	v11 =	vadd.f32 v12, v11;
	v10 =	vmul.f32 v14, v10;
	v12 =	vmul.f32 v21, v21;
	v14 =	vld [tilespmem:s18+$0x40]  }
0x504: {  	v17 =	vsub.f32 v17, v18;
	v9 =	vld.idx.msk [tilespmem:v9+s15+$0x0], $0xffff  }
0x505: {  	v10 =	vadd.f32 v10, v11;
	v8 =	vmul.f32 v12, v8;
	v11 =	vmul.f32 v19, v19;
	v12 =	vld [tilespmem:s18+$0x50]  }
0x506: {  	v15 =	vsub.f32 v15, v16;
	v16 =	vld.idx.msk [tilespmem:v7+s15+$0x0], $0xffff  }
0x507: {  	v7 =	vadd.f32 v8, v10;
	v6 =	vmul.f32 v11, v6;
	v8 =	vmul.f32 v17, v17;
	v10 =	vld [tilespmem:s18+$0x60]  }
.Ltmp11:
0x508: {  	v13 =	vsub.f32 v13, v14;
	v5 =	vld.idx.msk [tilespmem:v5+s15+$0x0], $0xffff;
	(pc) =	sbr.rel @p0 .LBB2_24-.Ltmp11, $4  }
0x509: {  	v14 =	vmul.f32 v15, v15;
	v7 =	vadd.f32 v6, v7;
	v11 =	vmul.f32 v8, v4;
	v4 =	vld [tilespmem:s18+$0x70]  }
0x50a: {  	v6 =	vld [tilespmem:s30+$0x50];
	v8 =	vsub.f32 v9, v12  }
0x50b: {  	v12 =	vmul.f32 v14, v3;
	v13 =	vmul.f32 v13, v13;
	v11 =	vadd.f32 v11, v7;
	v9 =	vld [tilespmem:s30+$0x70]  }
0x50c: {  	v7 =	vld [tilespmem:s30+$0x60];
	v10 =	vsub.f32 v16, v10;
	s30 =	sadd.s32 $0x100, s30  }
0x50d: {  	s16 =	rddreg [dreg:$0xe]  }
0x50e: {  	[tilespmem:s15], [sflag:$0x5] =	stream.strided.gather [hbm4b:s16+s13], $0x18700, s14, s13, $0x38;
	[tilespmem:$0x1F870] =	vst v63  }
0x50f: {  	_ =	swait.ge [sflag:s17], $0x18700  }
0x510: {  	[sflag:s17] =	ssyncset.done $0x0  }
0x511: {  	[sflag:s17] =	ssyncadd.s32 $0xFFFE7900  }
0x512: {  	[tilespmem:s23], [sflag:$0x3] =	stream.linear.gather [hbm4b:s31+s3], $0x800, $0x38;
	[tilespmem:$0x1F870] =	vst v63  }
0x513: {  	s18 =	rddreg [dreg:$0x11]  }
0x514: {  	[tilespmem:s20], [sflag:$0x3] =	stream.strided.gather [hbm4b:s18+s13], $0x800, s14, s13, $0x38;
	[tilespmem:$0x1F870] =	vst v63  }
0x515: {  	s0 =	rddreg [dreg:$0x1e]  }
0x516: {  	[tilespmem:s24], [sflag:$0x4] =	stream.linear.gather [hbm4b:s0+s3], $0x800, $0x38;
	[tilespmem:$0x1F870] =	vst v63  }
0x517: {  	s19 =	rddreg [dreg:$0x12]  }
0x518: {  	[tilespmem:s25], [sflag:$0x4] =	stream.strided.gather [hbm4b:s19+s13], $0x800, s14, s13, $0x38;
	[tilespmem:$0x1F870] =	vst v63  }
0x519: {  	_ = 	snop  }
0x51a: {  	[tilespmem:s26], [sflag:$0x5] =	stream.linear.gather [spmem:s21], $0x800, $0x38;
	[tilespmem:$0x1F870] =	vst v63  }
0x51b: {  	_ =	swait.ge [sflag:s17], $0x800  }
0x51c: {  	[sflag:s17] =	ssyncset.done $0x0  }
0x51d: {  	[sflag:s17] =	ssyncadd.s32 $0xFFFFF800  }
0x51e: {  	_ =	swait.ge [sflag:s28], $0x800  }
0x51f: {  	[sflag:s28] =	ssyncset.done $0x0  }
0x520: {  	[sflag:s28] =	ssyncadd.s32 $0xFFFFF800  }
0x521: {  	_ =	swait.ge [sflag:s28], $0x800  }
0x522: {  	[sflag:s28] =	ssyncset.done $0x0  }
0x523: {  	s30 =	simm.s32 $0x1E470;
	[sflag:s28] =	ssyncadd.s32 $0xFFFFF800  }
0x524: {  	v3 =	vld [tilespmem:s30+$0x40]  }
0x525: {  	v14 =	vld [tilespmem:s30+$0x30]  }
0x526: {  	v15 =	vld [tilespmem:s30+$0x20]  }
0x527: {  	s16 =	simm.s32 $0x1C470;
	v16 =	vld [tilespmem:s30+$0x10]  }
0x528: {  	v17 =	vld [tilespmem:s16+$0x70]  }
0x529: {  	v18 =	vld [tilespmem:s30+$0x0]  }
0x52a: {  	v19 =	vld [tilespmem:s16+$0x60]  }
0x52b: {  	v20 =	vld [tilespmem:s30+$0xFFFFFFF0]  }
0x52c: {  	v21 =	vld [tilespmem:s16+$0x50]  }
0x52d: {  	v22 =	vld [tilespmem:s30+$0xFFFFFFE0]  }
0x52e: {  	v23 =	vld [tilespmem:s16+$0x40]  }
0x52f: {  	v24 =	vld [tilespmem:s30+$0xFFFFFFD0]  }
0x530: {  	v25 =	vld [tilespmem:s16+$0x30]  }
0x531: {  	v26 =	vld [tilespmem:s30+$0xFFFFFFC0]  }
0x532: {  	v27 =	vld [tilespmem:s16+$0x20]  }
0x533: {  	v28 =	vld [tilespmem:s30+$0xFFFFFFB0]  }
0x534: {  	v29 =	vld [tilespmem:s16+$0x10]  }
0x535: {  	v30 =	vld [tilespmem:s30+$0xFFFFFFA0]  }
0x536: {  	v31 =	vld [tilespmem:s16+$0x0]  }
0x537: {  	v32 =	vld [tilespmem:s30+$0xFFFFFF90]  }
0x538: {  	v33 =	vld [tilespmem:s16+$0xFFFFFFF0]  }
0x539: {  	v34 =	vld [tilespmem:s30+$0xFFFFFF80]  }
0x53a: {  	s18 =	simm.s32 $0x1D470;
	v35 =	vld [tilespmem:s16+$0xFFFFFF80]  }
0x53b: {  	v36 =	vld [tilespmem:s18+$0xFFFFFFA0]  }
0x53c: {  	v37 =	vld [tilespmem:s16+$0xFFFFFF90]  }
0x53d: {  	v38 =	vld [tilespmem:s16+$0xFFFFFFE0]  }
0x53e: {  	v39 =	vld [tilespmem:s16+$0xFFFFFFA0]  }
0x53f: {  	v40 =	vld [tilespmem:s16+$0xFFFFFFB0]  }
0x540: {  	v41 =	vld [tilespmem:s16+$0xFFFFFFD0]  }
0x541: {  	v42 =	vld [tilespmem:s16+$0xFFFFFFC0]  }
0x542: {  	v11 =	vadd.f32 v12, v11;
	v8 =	vmul.f32 v8, v8;
	v12 =	vld [tilespmem:s18+$0xFFFFFF80]  }
0x543: {  	v2 =	vmul.f32 v13, v2;
	v35 =	vld.idx.msk [tilespmem:v35+s15+$0x0], $0xffff  }
0x544: {  	v6 =	vmul.f32 v8, v6;
	v8 =	vmul.f32 v10, v10;
	v10 =	vld [tilespmem:s18+$0xFFFFFF90]  }
0x545: {  	v4 =	vsub.f32 v5, v4;
	v2 =	vadd.f32 v2, v11;
	v5 =	vld.idx.msk [tilespmem:v37+s15+$0x0], $0xffff  }
0x546: {  	v11 =	vld.idx.msk [tilespmem:v39+s15+$0x0], $0xffff  }
0x547: {  	v4 =	vmul.f32 v4, v4;
	v2 =	vadd.f32 v6, v2;
	v6 =	vmul.f32 v8, v7;
	v7 =	vld.idx.msk [tilespmem:v40+s15+$0x0], $0xffff  }
0x548: {  	v8 =	vsub.f32 v35, v12;
	v12 =	vld [tilespmem:s18+$0xFFFFFFB0]  }
0x549: {  	v4 =	vmul.f32 v4, v9;
	v2 =	vadd.f32 v6, v2;
	v9 =	vld [tilespmem:s18+$0xFFFFFFC0]  }
0x54a: {  	v6 =	vld.idx.msk [tilespmem:v42+s15+$0x0], $0xffff;
	v5 =	vsub.f32 v5, v10;
	v8 =	vmul.f32 v8, v8  }
0x54b: {  	v2 =	vadd.f32 v4, v2;
	v4 =	vld.idx.msk [tilespmem:v41+s15+$0x0], $0xffff  }
0x54c: {  	v10 =	vsub.f32 v11, v36;
	v11 =	vld [tilespmem:s18+$0xFFFFFFD0];
	v5 =	vmul.f32 v5, v5;
	v8 =	vmul.f32 v8, v34  }
0x54d: {  	v7 =	vsub.f32 v7, v12;
	v12 =	vld.idx.msk [tilespmem:v38+s15+$0x0], $0xffff  }
0x54e: {  	v5 =	vmul.f32 v5, v32;
	v2 =	vadd.f32 v8, v2;
	v8 =	vmul.f32 v10, v10;
	v10 =	vld [tilespmem:s18+$0xFFFFFFE0]  }
0x54f: {  	v6 =	vsub.f32 v6, v9;
	v9 =	vld.idx.msk [tilespmem:v33+s15+$0x0], $0xffff  }
0x550: {  	v7 =	vmul.f32 v7, v7;
	v2 =	vadd.f32 v5, v2;
	v5 =	vmul.f32 v8, v30;
	v8 =	vld [tilespmem:s18+$0xFFFFFFF0]  }
0x551: {  	v4 =	vsub.f32 v4, v11;
	v11 =	vld.idx.msk [tilespmem:v31+s15+$0x0], $0xffff  }
0x552: {  	v6 =	vmul.f32 v6, v6;
	v2 =	vadd.f32 v5, v2;
	v5 =	vmul.f32 v7, v28;
	v7 =	vld [tilespmem:s18+$0x0]  }
0x553: {  	v10 =	vsub.f32 v12, v10;
	v12 =	vld.idx.msk [tilespmem:v29+s15+$0x0], $0xffff  }
0x554: {  	v4 =	vmul.f32 v4, v4;
	v2 =	vadd.f32 v5, v2;
	v5 =	vmul.f32 v6, v26;
	v6 =	vld [tilespmem:s18+$0x10]  }
0x555: {  	v8 =	vsub.f32 v9, v8;
	v9 =	vld.idx.msk [tilespmem:v27+s15+$0x0], $0xffff  }
0x556: {  	v4 =	vmul.f32 v4, v24;
	v2 =	vadd.f32 v5, v2;
	v5 =	vmul.f32 v10, v10;
	v10 =	vld [tilespmem:s18+$0x20]  }
0x557: {  	v13 =	vld [tilespmem:s18+$0x50];
	v7 =	vsub.f32 v11, v7  }
0x558: {  	v11 =	vld.idx.msk [tilespmem:v25+s15+$0x0], $0xffff;
	v2 =	vadd.f32 v4, v2;
	v4 =	vmul.f32 v5, v22;
	v5 =	vmul.f32 v8, v8  }
0x559: {  	v8 =	vld [tilespmem:s18+$0x30];
	v6 =	vsub.f32 v12, v6  }
0x55a: {  	v12 =	vld.idx.msk [tilespmem:v23+s15+$0x0], $0xffff;
	v2 =	vadd.f32 v4, v2;
	v4 =	vmul.f32 v5, v20;
	v5 =	vmul.f32 v7, v7  }
0x55b: {  	v7 =	vld [tilespmem:s18+$0x40];
	v9 =	vsub.f32 v9, v10  }
0x55c: {  	v10 =	vld.idx.msk [tilespmem:v21+s15+$0x0], $0xffff;
	v2 =	vadd.f32 v4, v2;
	v4 =	vmul.f32 v5, v18;
	v5 =	vmul.f32 v6, v6  }
0x55d: {  	v63 =	vld [tilespmem:s18+$0x60];
	v6 =	vmul.f32 v9, v9  }
0x55e: {  	v62 =	vld.idx.msk [tilespmem:v19+s15+$0x0], $0xffff;
	v8 =	vsub.f32 v11, v8;
	v2 =	vadd.f32 v4, v2;
	v4 =	vmul.f32 v5, v16  }
0x55f: {  	v5 =	vld.idx.msk [tilespmem:v17+s15+$0x0], $0xffff;
	v9 =	vmul.f32 v6, v15  }
0x560: {  	v7 =	vsub.f32 v12, v7;
	v12 =	vmul.f32 v8, v8;
	v2 =	vadd.f32 v4, v2;
	v4 =	vld [tilespmem:s18+$0x70]  }
0x561: {  	v6 =	vld [tilespmem:s30+$0x50];
	v8 =	vsub.f32 v10, v13  }
0x562: {  	v12 =	vmul.f32 v12, v14;
	v13 =	vmul.f32 v7, v7;
	v7 =	vld [tilespmem:s30+$0x60];
	v11 =	vadd.f32 v9, v2  }
0x563: {  	s19 =	simm.s32 $0x0;
	v10 =	vsub.f32 v62, v63;
	v9 =	vld [tilespmem:s30+$0x70];
	s30 =	simm.s32 $0x1E570  }
.LBB2_26:
0x564: {  	v11 =	vadd.f32 v12, v11;
	v12 =	vmul.f32 v13, v3;
	v3 =	vld [tilespmem:s30+$0x40];
	v8 =	vmul.f32 v8, v8  }
0x565: {  	v2 =	vld [tilespmem:s30+$0x30];
	v13 =	vsub.f32 v5, v4  }
0x566: {  	v10 =	vmul.f32 v10, v10;
	v4 =	vld [tilespmem:s30+$0x20];
	v11 =	vadd.f32 v12, v11;
	v8 =	vmul.f32 v8, v6  }
0x567: {  	s16 =	sadd.s32 $0x100, s16;
	v6 =	vld [tilespmem:s30+$0x10]  }
0x568: {  	v12 =	vmul.f32 v13, v13;
	v5 =	vld [tilespmem:s16+$0x70];
	v11 =	vadd.f32 v8, v11;
	v10 =	vmul.f32 v10, v7  }
0x569: {  	v8 =	vld [tilespmem:s30+$0x0]  }
0x56a: {  	v12 =	vmul.f32 v12, v9;
	v7 =	vld [tilespmem:s16+$0x60];
	v11 =	vadd.f32 v10, v11  }
0x56b: {  	v10 =	vld [tilespmem:s30+$0xFFFFFFF0]  }
0x56c: {  	v9 =	vld [tilespmem:s16+$0x50];
	v11 =	vadd.f32 v12, v11  }
0x56d: {  	v12 =	vld [tilespmem:s30+$0xFFFFFFE0]  }
0x56e: {  	v13 =	vld [tilespmem:s16+$0x40]  }
0x56f: {  	v14 =	vld [tilespmem:s30+$0xFFFFFFD0]  }
0x570: {  	v15 =	vld [tilespmem:s16+$0x30]  }
0x571: {  	v16 =	vld [tilespmem:s30+$0xFFFFFFC0]  }
0x572: {  	v17 =	vld [tilespmem:s16+$0x20]  }
0x573: {  	v18 =	vld [tilespmem:s30+$0xFFFFFFB0]  }
0x574: {  	v19 =	vld [tilespmem:s16+$0x10]  }
0x575: {  	v20 =	vld [tilespmem:s30+$0xFFFFFFA0]  }
0x576: {  	v21 =	vld [tilespmem:s16+$0x0]  }
0x577: {  	v22 =	vld [tilespmem:s30+$0xFFFFFF90]  }
0x578: {  	v23 =	vld [tilespmem:s16+$0xFFFFFFF0]  }
0x579: {  	v24 =	vld [tilespmem:s30+$0xFFFFFF80]  }
0x57a: {  	s19 =	sadd.s32 $0x100, s19;
	s18 =	sadd.s32 $0x100, s18;
	v25 =	vld [tilespmem:s16+$0xFFFFFF80]  }
0x57b: {  	p0 =	slt.u32 s19, $0x700;
	v26 =	vld [tilespmem:s18+$0xFFFFFFA0]  }
0x57c: {  	v27 =	vld [tilespmem:s16+$0xFFFFFF90]  }
0x57d: {  	v28 =	vld [tilespmem:s16+$0xFFFFFFE0]  }
0x57e: {  	v29 =	vld [tilespmem:s16+$0xFFFFFFA0]  }
0x57f: {  	v30 =	vld [tilespmem:s16+$0xFFFFFFB0]  }
0x580: {  	v31 =	vld [tilespmem:s16+$0xFFFFFFD0]  }
0x581: {  	v32 =	vld [tilespmem:s16+$0xFFFFFFC0]  }
0x582: {  	v25 =	vld.idx.msk [tilespmem:v25+s15+$0x0], $0xffff  }
0x583: {  	v33 =	vld [tilespmem:s18+$0xFFFFFF80]  }
0x584: {  	v27 =	vld.idx.msk [tilespmem:v27+s15+$0x0], $0xffff  }
0x585: {  	v34 =	vld [tilespmem:s18+$0xFFFFFF90]  }
0x586: {  	v29 =	vld.idx.msk [tilespmem:v29+s15+$0x0], $0xffff  }
0x587: {  	v30 =	vld.idx.msk [tilespmem:v30+s15+$0x0], $0xffff  }
0x588: {  	v25 =	vsub.f32 v25, v33;
	v33 =	vld [tilespmem:s18+$0xFFFFFFB0]  }
0x589: {  	v32 =	vld.idx.msk [tilespmem:v32+s15+$0x0], $0xffff  }
0x58a: {  	v25 =	vmul.f32 v25, v25;
	v27 =	vsub.f32 v27, v34;
	v34 =	vld [tilespmem:s18+$0xFFFFFFC0]  }
0x58b: {  	v31 =	vld.idx.msk [tilespmem:v31+s15+$0x0], $0xffff  }
0x58c: {  	v26 =	vsub.f32 v29, v26;
	v24 =	vmul.f32 v25, v24;
	v25 =	vmul.f32 v27, v27;
	v27 =	vld [tilespmem:s18+$0xFFFFFFD0]  }
0x58d: {  	v29 =	vsub.f32 v30, v33;
	v28 =	vld.idx.msk [tilespmem:v28+s15+$0x0], $0xffff  }
0x58e: {  	v11 =	vadd.f32 v24, v11;
	v22 =	vmul.f32 v25, v22;
	v24 =	vmul.f32 v26, v26;
	v25 =	vld [tilespmem:s18+$0xFFFFFFE0]  }
0x58f: {  	v26 =	vsub.f32 v32, v34;
	v23 =	vld.idx.msk [tilespmem:v23+s15+$0x0], $0xffff  }
0x590: {  	v11 =	vadd.f32 v22, v11;
	v20 =	vmul.f32 v24, v20;
	v22 =	vmul.f32 v29, v29;
	v24 =	vld [tilespmem:s18+$0xFFFFFFF0]  }
0x591: {  	v27 =	vsub.f32 v31, v27;
	v21 =	vld.idx.msk [tilespmem:v21+s15+$0x0], $0xffff  }
0x592: {  	v11 =	vadd.f32 v20, v11;
	v18 =	vmul.f32 v22, v18;
	v20 =	vmul.f32 v26, v26;
	v22 =	vld [tilespmem:s18+$0x0]  }
0x593: {  	v25 =	vsub.f32 v28, v25;
	v19 =	vld.idx.msk [tilespmem:v19+s15+$0x0], $0xffff  }
0x594: {  	v11 =	vadd.f32 v18, v11;
	v16 =	vmul.f32 v20, v16;
	v18 =	vmul.f32 v27, v27;
	v20 =	vld [tilespmem:s18+$0x10]  }
0x595: {  	v23 =	vsub.f32 v23, v24;
	v17 =	vld.idx.msk [tilespmem:v17+s15+$0x0], $0xffff  }
0x596: {  	v11 =	vadd.f32 v16, v11;
	v14 =	vmul.f32 v18, v14;
	v16 =	vmul.f32 v25, v25;
	v18 =	vld [tilespmem:s18+$0x20]  }
0x597: {  	v21 =	vsub.f32 v21, v22;
	v15 =	vld.idx.msk [tilespmem:v15+s15+$0x0], $0xffff  }
0x598: {  	v11 =	vadd.f32 v14, v11;
	v12 =	vmul.f32 v16, v12;
	v14 =	vmul.f32 v23, v23;
	v16 =	vld [tilespmem:s18+$0x30]  }
0x599: {  	v19 =	vsub.f32 v19, v20;
	v13 =	vld.idx.msk [tilespmem:v13+s15+$0x0], $0xffff  }
0x59a: {  	v11 =	vadd.f32 v12, v11;
	v10 =	vmul.f32 v14, v10;
	v12 =	vmul.f32 v21, v21;
	v14 =	vld [tilespmem:s18+$0x40]  }
0x59b: {  	v17 =	vsub.f32 v17, v18;
	v9 =	vld.idx.msk [tilespmem:v9+s15+$0x0], $0xffff  }
0x59c: {  	v10 =	vadd.f32 v10, v11;
	v8 =	vmul.f32 v12, v8;
	v11 =	vmul.f32 v19, v19;
	v12 =	vld [tilespmem:s18+$0x50]  }
0x59d: {  	v15 =	vsub.f32 v15, v16;
	v16 =	vld.idx.msk [tilespmem:v7+s15+$0x0], $0xffff  }
0x59e: {  	v7 =	vadd.f32 v8, v10;
	v6 =	vmul.f32 v11, v6;
	v8 =	vmul.f32 v17, v17;
	v10 =	vld [tilespmem:s18+$0x60]  }
.Ltmp12:
0x59f: {  	v13 =	vsub.f32 v13, v14;
	v5 =	vld.idx.msk [tilespmem:v5+s15+$0x0], $0xffff;
	(pc) =	sbr.rel @p0 .LBB2_26-.Ltmp12, $4  }
0x5a0: {  	v14 =	vmul.f32 v15, v15;
	v7 =	vadd.f32 v6, v7;
	v11 =	vmul.f32 v8, v4;
	v4 =	vld [tilespmem:s18+$0x70]  }
0x5a1: {  	v6 =	vld [tilespmem:s30+$0x50];
	v8 =	vsub.f32 v9, v12  }
0x5a2: {  	v12 =	vmul.f32 v14, v2;
	v13 =	vmul.f32 v13, v13;
	v11 =	vadd.f32 v11, v7;
	v9 =	vld [tilespmem:s30+$0x70]  }
0x5a3: {  	v7 =	vld [tilespmem:s30+$0x60];
	v10 =	vsub.f32 v16, v10;
	s30 =	sadd.s32 $0x100, s30  }
0x5a4: {  	s0 =	rddreg [dreg:$0x1f]  }
0x5a5: {  	s16 =	rddreg [dreg:$0x13]  }
0x5a6: {  	[tilespmem:s23], [sflag:$0x3] =	stream.linear.gather [hbm4b:s0+s3], $0x800, $0x38;
	[tilespmem:$0x1F870] =	vst v63  }
0x5a7: {  	s19 =	sld [smem:$0x7FB]  }
0x5a8: {  	[tilespmem:s20], [sflag:$0x3] =	stream.strided.gather [hbm4b:s16+s13], $0x800, s14, s13, $0x38;
	[tilespmem:$0x1F870] =	vst v63  }
0x5a9: {  	_ = 	snop  }
0x5aa: {  	[tilespmem:s29], [sflag:$0x5] =	stream.linear.gather [spmem:s19], $0x800, $0x38;
	[tilespmem:$0x1F870] =	vst v63  }
0x5ab: {  	_ =	swait.ge [sflag:s17], $0x800  }
0x5ac: {  	[sflag:s17] =	ssyncset.done $0x0  }
0x5ad: {  	[sflag:s17] =	ssyncadd.s32 $0xFFFFF800  }
0x5ae: {  	_ =	swait.ge [sflag:s1], $0x800  }
0x5af: {  	[sflag:s1] =	ssyncset.done $0x0  }
0x5b0: {  	[sflag:s1] =	ssyncadd.s32 $0xFFFFF800  }
0x5b1: {  	_ =	swait.ge [sflag:s1], $0x800  }
0x5b2: {  	[sflag:s1] =	ssyncset.done $0x0  }
0x5b3: {  	s30 =	simm.s32 $0x1EC70;
	[sflag:s1] =	ssyncadd.s32 $0xFFFFF800  }
0x5b4: {  	v2 =	vld [tilespmem:s30+$0x40]  }
0x5b5: {  	v14 =	vld [tilespmem:s30+$0x30]  }
0x5b6: {  	v15 =	vld [tilespmem:s30+$0x20]  }
0x5b7: {  	s16 =	simm.s32 $0x1CC70;
	v16 =	vld [tilespmem:s30+$0x10]  }
0x5b8: {  	v17 =	vld [tilespmem:s16+$0x70]  }
0x5b9: {  	v18 =	vld [tilespmem:s30+$0x0]  }
0x5ba: {  	v19 =	vld [tilespmem:s16+$0x60]  }
0x5bb: {  	v20 =	vld [tilespmem:s30+$0xFFFFFFF0]  }
0x5bc: {  	v21 =	vld [tilespmem:s16+$0x50]  }
0x5bd: {  	v22 =	vld [tilespmem:s30+$0xFFFFFFE0]  }
0x5be: {  	v23 =	vld [tilespmem:s16+$0x40]  }
0x5bf: {  	v24 =	vld [tilespmem:s30+$0xFFFFFFD0]  }
0x5c0: {  	v25 =	vld [tilespmem:s16+$0x30]  }
0x5c1: {  	v26 =	vld [tilespmem:s30+$0xFFFFFFC0]  }
0x5c2: {  	v27 =	vld [tilespmem:s16+$0x20]  }
0x5c3: {  	v28 =	vld [tilespmem:s30+$0xFFFFFFB0]  }
0x5c4: {  	v29 =	vld [tilespmem:s16+$0x10]  }
0x5c5: {  	v30 =	vld [tilespmem:s30+$0xFFFFFFA0]  }
0x5c6: {  	v31 =	vld [tilespmem:s16+$0x0]  }
0x5c7: {  	v32 =	vld [tilespmem:s30+$0xFFFFFF90]  }
0x5c8: {  	v33 =	vld [tilespmem:s16+$0xFFFFFFF0]  }
0x5c9: {  	v34 =	vld [tilespmem:s30+$0xFFFFFF80]  }
0x5ca: {  	s18 =	simm.s32 $0x1DC70;
	v35 =	vld [tilespmem:s16+$0xFFFFFF80]  }
0x5cb: {  	v36 =	vld [tilespmem:s18+$0xFFFFFFA0]  }
0x5cc: {  	v37 =	vld [tilespmem:s16+$0xFFFFFF90]  }
0x5cd: {  	v38 =	vld [tilespmem:s16+$0xFFFFFFE0]  }
0x5ce: {  	v39 =	vld [tilespmem:s16+$0xFFFFFFA0]  }
0x5cf: {  	v40 =	vld [tilespmem:s16+$0xFFFFFFB0]  }
0x5d0: {  	v41 =	vld [tilespmem:s16+$0xFFFFFFD0]  }
0x5d1: {  	v42 =	vld [tilespmem:s16+$0xFFFFFFC0]  }
0x5d2: {  	v11 =	vadd.f32 v12, v11;
	v8 =	vmul.f32 v8, v8;
	v12 =	vld [tilespmem:s18+$0xFFFFFF80]  }
0x5d3: {  	v3 =	vmul.f32 v13, v3;
	v35 =	vld.idx.msk [tilespmem:v35+s15+$0x0], $0xffff  }
0x5d4: {  	v6 =	vmul.f32 v8, v6;
	v8 =	vmul.f32 v10, v10;
	v10 =	vld [tilespmem:s18+$0xFFFFFF90]  }
0x5d5: {  	v4 =	vsub.f32 v5, v4;
	v3 =	vadd.f32 v3, v11;
	v5 =	vld.idx.msk [tilespmem:v37+s15+$0x0], $0xffff  }
0x5d6: {  	v11 =	vld.idx.msk [tilespmem:v39+s15+$0x0], $0xffff  }
0x5d7: {  	v4 =	vmul.f32 v4, v4;
	v3 =	vadd.f32 v6, v3;
	v6 =	vmul.f32 v8, v7;
	v7 =	vld.idx.msk [tilespmem:v40+s15+$0x0], $0xffff  }
0x5d8: {  	v8 =	vsub.f32 v35, v12;
	v12 =	vld [tilespmem:s18+$0xFFFFFFB0]  }
0x5d9: {  	v4 =	vmul.f32 v4, v9;
	v3 =	vadd.f32 v6, v3;
	v9 =	vld [tilespmem:s18+$0xFFFFFFC0]  }
0x5da: {  	v6 =	vld.idx.msk [tilespmem:v42+s15+$0x0], $0xffff;
	v5 =	vsub.f32 v5, v10;
	v8 =	vmul.f32 v8, v8  }
0x5db: {  	v3 =	vadd.f32 v4, v3;
	v4 =	vld.idx.msk [tilespmem:v41+s15+$0x0], $0xffff  }
0x5dc: {  	v10 =	vsub.f32 v11, v36;
	v11 =	vld [tilespmem:s18+$0xFFFFFFD0];
	v5 =	vmul.f32 v5, v5;
	v8 =	vmul.f32 v8, v34  }
0x5dd: {  	v7 =	vsub.f32 v7, v12;
	v12 =	vld.idx.msk [tilespmem:v38+s15+$0x0], $0xffff  }
0x5de: {  	v5 =	vmul.f32 v5, v32;
	v3 =	vadd.f32 v8, v3;
	v8 =	vmul.f32 v10, v10;
	v10 =	vld [tilespmem:s18+$0xFFFFFFE0]  }
0x5df: {  	v6 =	vsub.f32 v6, v9;
	v9 =	vld.idx.msk [tilespmem:v33+s15+$0x0], $0xffff  }
0x5e0: {  	v7 =	vmul.f32 v7, v7;
	v3 =	vadd.f32 v5, v3;
	v5 =	vmul.f32 v8, v30;
	v8 =	vld [tilespmem:s18+$0xFFFFFFF0]  }
0x5e1: {  	v4 =	vsub.f32 v4, v11;
	v11 =	vld.idx.msk [tilespmem:v31+s15+$0x0], $0xffff  }
0x5e2: {  	v6 =	vmul.f32 v6, v6;
	v3 =	vadd.f32 v5, v3;
	v5 =	vmul.f32 v7, v28;
	v7 =	vld [tilespmem:s18+$0x0]  }
0x5e3: {  	v10 =	vsub.f32 v12, v10;
	v12 =	vld.idx.msk [tilespmem:v29+s15+$0x0], $0xffff  }
0x5e4: {  	v4 =	vmul.f32 v4, v4;
	v3 =	vadd.f32 v5, v3;
	v5 =	vmul.f32 v6, v26;
	v6 =	vld [tilespmem:s18+$0x10]  }
0x5e5: {  	v8 =	vsub.f32 v9, v8;
	v9 =	vld.idx.msk [tilespmem:v27+s15+$0x0], $0xffff  }
0x5e6: {  	v4 =	vmul.f32 v4, v24;
	v3 =	vadd.f32 v5, v3;
	v5 =	vmul.f32 v10, v10;
	v10 =	vld [tilespmem:s18+$0x20]  }
0x5e7: {  	v13 =	vld [tilespmem:s18+$0x50];
	v7 =	vsub.f32 v11, v7  }
0x5e8: {  	v11 =	vld.idx.msk [tilespmem:v25+s15+$0x0], $0xffff;
	v3 =	vadd.f32 v4, v3;
	v4 =	vmul.f32 v5, v22;
	v5 =	vmul.f32 v8, v8  }
0x5e9: {  	v8 =	vld [tilespmem:s18+$0x30];
	v6 =	vsub.f32 v12, v6  }
0x5ea: {  	v12 =	vld.idx.msk [tilespmem:v23+s15+$0x0], $0xffff;
	v3 =	vadd.f32 v4, v3;
	v4 =	vmul.f32 v5, v20;
	v5 =	vmul.f32 v7, v7  }
0x5eb: {  	v7 =	vld [tilespmem:s18+$0x40];
	v9 =	vsub.f32 v9, v10  }
0x5ec: {  	v10 =	vld.idx.msk [tilespmem:v21+s15+$0x0], $0xffff;
	v3 =	vadd.f32 v4, v3;
	v4 =	vmul.f32 v5, v18;
	v5 =	vmul.f32 v6, v6  }
0x5ed: {  	v63 =	vld [tilespmem:s18+$0x60];
	v6 =	vmul.f32 v9, v9  }
0x5ee: {  	v62 =	vld.idx.msk [tilespmem:v19+s15+$0x0], $0xffff;
	v8 =	vsub.f32 v11, v8;
	v3 =	vadd.f32 v4, v3;
	v4 =	vmul.f32 v5, v16  }
0x5ef: {  	v5 =	vld.idx.msk [tilespmem:v17+s15+$0x0], $0xffff;
	v9 =	vmul.f32 v6, v15  }
0x5f0: {  	v7 =	vsub.f32 v12, v7;
	v12 =	vmul.f32 v8, v8;
	v3 =	vadd.f32 v4, v3;
	v4 =	vld [tilespmem:s18+$0x70]  }
0x5f1: {  	v6 =	vld [tilespmem:s30+$0x50];
	v8 =	vsub.f32 v10, v13  }
0x5f2: {  	v12 =	vmul.f32 v12, v14;
	v13 =	vmul.f32 v7, v7;
	v7 =	vld [tilespmem:s30+$0x60];
	v11 =	vadd.f32 v9, v3  }
0x5f3: {  	s19 =	simm.s32 $0x0;
	v10 =	vsub.f32 v62, v63;
	v9 =	vld [tilespmem:s30+$0x70];
	s30 =	simm.s32 $0x1ED70  }
.LBB2_28:
0x5f4: {  	v11 =	vadd.f32 v12, v11;
	v12 =	vmul.f32 v13, v2;
	v2 =	vld [tilespmem:s30+$0x40];
	v8 =	vmul.f32 v8, v8  }
0x5f5: {  	v3 =	vld [tilespmem:s30+$0x30];
	v13 =	vsub.f32 v5, v4  }
0x5f6: {  	v10 =	vmul.f32 v10, v10;
	v4 =	vld [tilespmem:s30+$0x20];
	v11 =	vadd.f32 v12, v11;
	v8 =	vmul.f32 v8, v6  }
0x5f7: {  	s16 =	sadd.s32 $0x100, s16;
	v6 =	vld [tilespmem:s30+$0x10]  }
0x5f8: {  	v12 =	vmul.f32 v13, v13;
	v5 =	vld [tilespmem:s16+$0x70];
	v11 =	vadd.f32 v8, v11;
	v10 =	vmul.f32 v10, v7  }
0x5f9: {  	v8 =	vld [tilespmem:s30+$0x0]  }
0x5fa: {  	v12 =	vmul.f32 v12, v9;
	v7 =	vld [tilespmem:s16+$0x60];
	v11 =	vadd.f32 v10, v11  }
0x5fb: {  	v10 =	vld [tilespmem:s30+$0xFFFFFFF0]  }
0x5fc: {  	v9 =	vld [tilespmem:s16+$0x50];
	v11 =	vadd.f32 v12, v11  }
0x5fd: {  	v12 =	vld [tilespmem:s30+$0xFFFFFFE0]  }
0x5fe: {  	v13 =	vld [tilespmem:s16+$0x40]  }
0x5ff: {  	v14 =	vld [tilespmem:s30+$0xFFFFFFD0]  }
0x600: {  	v15 =	vld [tilespmem:s16+$0x30]  }
0x601: {  	v16 =	vld [tilespmem:s30+$0xFFFFFFC0]  }
0x602: {  	v17 =	vld [tilespmem:s16+$0x20]  }
0x603: {  	v18 =	vld [tilespmem:s30+$0xFFFFFFB0]  }
0x604: {  	v19 =	vld [tilespmem:s16+$0x10]  }
0x605: {  	v20 =	vld [tilespmem:s30+$0xFFFFFFA0]  }
0x606: {  	v21 =	vld [tilespmem:s16+$0x0]  }
0x607: {  	v22 =	vld [tilespmem:s30+$0xFFFFFF90]  }
0x608: {  	v23 =	vld [tilespmem:s16+$0xFFFFFFF0]  }
0x609: {  	v24 =	vld [tilespmem:s30+$0xFFFFFF80]  }
0x60a: {  	s19 =	sadd.s32 $0x100, s19;
	s18 =	sadd.s32 $0x100, s18;
	v25 =	vld [tilespmem:s16+$0xFFFFFF80]  }
0x60b: {  	p0 =	slt.u32 s19, $0x700;
	v26 =	vld [tilespmem:s18+$0xFFFFFFA0]  }
0x60c: {  	v27 =	vld [tilespmem:s16+$0xFFFFFF90]  }
0x60d: {  	v28 =	vld [tilespmem:s16+$0xFFFFFFE0]  }
0x60e: {  	v29 =	vld [tilespmem:s16+$0xFFFFFFA0]  }
0x60f: {  	v30 =	vld [tilespmem:s16+$0xFFFFFFB0]  }
0x610: {  	v31 =	vld [tilespmem:s16+$0xFFFFFFD0]  }
0x611: {  	v32 =	vld [tilespmem:s16+$0xFFFFFFC0]  }
0x612: {  	v25 =	vld.idx.msk [tilespmem:v25+s15+$0x0], $0xffff  }
0x613: {  	v33 =	vld [tilespmem:s18+$0xFFFFFF80]  }
0x614: {  	v27 =	vld.idx.msk [tilespmem:v27+s15+$0x0], $0xffff  }
0x615: {  	v34 =	vld [tilespmem:s18+$0xFFFFFF90]  }
0x616: {  	v29 =	vld.idx.msk [tilespmem:v29+s15+$0x0], $0xffff  }
0x617: {  	v30 =	vld.idx.msk [tilespmem:v30+s15+$0x0], $0xffff  }
0x618: {  	v25 =	vsub.f32 v25, v33;
	v33 =	vld [tilespmem:s18+$0xFFFFFFB0]  }
0x619: {  	v32 =	vld.idx.msk [tilespmem:v32+s15+$0x0], $0xffff  }
0x61a: {  	v25 =	vmul.f32 v25, v25;
	v27 =	vsub.f32 v27, v34;
	v34 =	vld [tilespmem:s18+$0xFFFFFFC0]  }
0x61b: {  	v31 =	vld.idx.msk [tilespmem:v31+s15+$0x0], $0xffff  }
0x61c: {  	v26 =	vsub.f32 v29, v26;
	v24 =	vmul.f32 v25, v24;
	v25 =	vmul.f32 v27, v27;
	v27 =	vld [tilespmem:s18+$0xFFFFFFD0]  }
0x61d: {  	v29 =	vsub.f32 v30, v33;
	v28 =	vld.idx.msk [tilespmem:v28+s15+$0x0], $0xffff  }
0x61e: {  	v11 =	vadd.f32 v24, v11;
	v22 =	vmul.f32 v25, v22;
	v24 =	vmul.f32 v26, v26;
	v25 =	vld [tilespmem:s18+$0xFFFFFFE0]  }
0x61f: {  	v26 =	vsub.f32 v32, v34;
	v23 =	vld.idx.msk [tilespmem:v23+s15+$0x0], $0xffff  }
0x620: {  	v11 =	vadd.f32 v22, v11;
	v20 =	vmul.f32 v24, v20;
	v22 =	vmul.f32 v29, v29;
	v24 =	vld [tilespmem:s18+$0xFFFFFFF0]  }
0x621: {  	v27 =	vsub.f32 v31, v27;
	v21 =	vld.idx.msk [tilespmem:v21+s15+$0x0], $0xffff  }
0x622: {  	v11 =	vadd.f32 v20, v11;
	v18 =	vmul.f32 v22, v18;
	v20 =	vmul.f32 v26, v26;
	v22 =	vld [tilespmem:s18+$0x0]  }
0x623: {  	v25 =	vsub.f32 v28, v25;
	v19 =	vld.idx.msk [tilespmem:v19+s15+$0x0], $0xffff  }
0x624: {  	v11 =	vadd.f32 v18, v11;
	v16 =	vmul.f32 v20, v16;
	v18 =	vmul.f32 v27, v27;
	v20 =	vld [tilespmem:s18+$0x10]  }
0x625: {  	v23 =	vsub.f32 v23, v24;
	v17 =	vld.idx.msk [tilespmem:v17+s15+$0x0], $0xffff  }
0x626: {  	v11 =	vadd.f32 v16, v11;
	v14 =	vmul.f32 v18, v14;
	v16 =	vmul.f32 v25, v25;
	v18 =	vld [tilespmem:s18+$0x20]  }
0x627: {  	v21 =	vsub.f32 v21, v22;
	v15 =	vld.idx.msk [tilespmem:v15+s15+$0x0], $0xffff  }
0x628: {  	v11 =	vadd.f32 v14, v11;
	v12 =	vmul.f32 v16, v12;
	v14 =	vmul.f32 v23, v23;
	v16 =	vld [tilespmem:s18+$0x30]  }
0x629: {  	v19 =	vsub.f32 v19, v20;
	v13 =	vld.idx.msk [tilespmem:v13+s15+$0x0], $0xffff  }
0x62a: {  	v11 =	vadd.f32 v12, v11;
	v10 =	vmul.f32 v14, v10;
	v12 =	vmul.f32 v21, v21;
	v14 =	vld [tilespmem:s18+$0x40]  }
0x62b: {  	v17 =	vsub.f32 v17, v18;
	v9 =	vld.idx.msk [tilespmem:v9+s15+$0x0], $0xffff  }
0x62c: {  	v10 =	vadd.f32 v10, v11;
	v8 =	vmul.f32 v12, v8;
	v11 =	vmul.f32 v19, v19;
	v12 =	vld [tilespmem:s18+$0x50]  }
0x62d: {  	v15 =	vsub.f32 v15, v16;
	v16 =	vld.idx.msk [tilespmem:v7+s15+$0x0], $0xffff  }
0x62e: {  	v7 =	vadd.f32 v8, v10;
	v6 =	vmul.f32 v11, v6;
	v8 =	vmul.f32 v17, v17;
	v10 =	vld [tilespmem:s18+$0x60]  }
.Ltmp13:
0x62f: {  	v13 =	vsub.f32 v13, v14;
	v5 =	vld.idx.msk [tilespmem:v5+s15+$0x0], $0xffff;
	(pc) =	sbr.rel @p0 .LBB2_28-.Ltmp13, $4  }
0x630: {  	v14 =	vmul.f32 v15, v15;
	v7 =	vadd.f32 v6, v7;
	v11 =	vmul.f32 v8, v4;
	v4 =	vld [tilespmem:s18+$0x70]  }
0x631: {  	v6 =	vld [tilespmem:s30+$0x50];
	v8 =	vsub.f32 v9, v12  }
0x632: {  	v12 =	vmul.f32 v14, v3;
	v13 =	vmul.f32 v13, v13;
	v11 =	vadd.f32 v11, v7;
	v9 =	vld [tilespmem:s30+$0x70]  }
0x633: {  	v7 =	vld [tilespmem:s30+$0x60];
	v10 =	vsub.f32 v16, v10;
	s30 =	sadd.s32 $0x100, s30  }
0x634: {  	s0 =	sld [smem:$0x7FC];
	_ =	sdelay $0x1  }
0x635: {  	s16 =	rddreg [dreg:$0x14]  }
0x636: {  	[tilespmem:s24], [sflag:$0x4] =	stream.linear.gather [hbm4b:s0+s3], $0x800, $0x38;
	[tilespmem:$0x1F870] =	vst v63  }
0x637: {  	s19 =	sld [smem:$0x7FD]  }
0x638: {  	[tilespmem:s25], [sflag:$0x4] =	stream.strided.gather [hbm4b:s16+s13], $0x800, s14, s13, $0x38;
	[tilespmem:$0x1F870] =	vst v63  }
0x639: {  	_ = 	snop  }
0x63a: {  	[tilespmem:s26], [sflag:$0x5] =	stream.linear.gather [spmem:s19], $0x800, $0x38;
	[tilespmem:$0x1F870] =	vst v63  }
0x63b: {  	_ =	swait.ge [sflag:s17], $0x800  }
0x63c: {  	[sflag:s17] =	ssyncset.done $0x0  }
0x63d: {  	[sflag:s17] =	ssyncadd.s32 $0xFFFFF800  }
0x63e: {  	_ =	swait.ge [sflag:s28], $0x800  }
0x63f: {  	[sflag:s28] =	ssyncset.done $0x0  }
0x640: {  	[sflag:s28] =	ssyncadd.s32 $0xFFFFF800  }
0x641: {  	_ =	swait.ge [sflag:s28], $0x800  }
0x642: {  	[sflag:s28] =	ssyncset.done $0x0  }
0x643: {  	s30 =	simm.s32 $0x1E470;
	[sflag:s28] =	ssyncadd.s32 $0xFFFFF800  }
0x644: {  	v3 =	vld [tilespmem:s30+$0x40]  }
0x645: {  	v14 =	vld [tilespmem:s30+$0x30]  }
0x646: {  	v15 =	vld [tilespmem:s30+$0x20]  }
0x647: {  	s16 =	simm.s32 $0x1C470;
	v16 =	vld [tilespmem:s30+$0x10]  }
0x648: {  	v17 =	vld [tilespmem:s16+$0x70]  }
0x649: {  	v18 =	vld [tilespmem:s30+$0x0]  }
0x64a: {  	v19 =	vld [tilespmem:s16+$0x60]  }
0x64b: {  	v20 =	vld [tilespmem:s30+$0xFFFFFFF0]  }
0x64c: {  	v21 =	vld [tilespmem:s16+$0x50]  }
0x64d: {  	v22 =	vld [tilespmem:s30+$0xFFFFFFE0]  }
0x64e: {  	v23 =	vld [tilespmem:s16+$0x40]  }
0x64f: {  	v24 =	vld [tilespmem:s30+$0xFFFFFFD0]  }
0x650: {  	v25 =	vld [tilespmem:s16+$0x30]  }
0x651: {  	v26 =	vld [tilespmem:s30+$0xFFFFFFC0]  }
0x652: {  	v27 =	vld [tilespmem:s16+$0x20]  }
0x653: {  	v28 =	vld [tilespmem:s30+$0xFFFFFFB0]  }
0x654: {  	v29 =	vld [tilespmem:s16+$0x10]  }
0x655: {  	v30 =	vld [tilespmem:s30+$0xFFFFFFA0]  }
0x656: {  	v31 =	vld [tilespmem:s16+$0x0]  }
0x657: {  	v32 =	vld [tilespmem:s30+$0xFFFFFF90]  }
0x658: {  	v33 =	vld [tilespmem:s16+$0xFFFFFFF0]  }
0x659: {  	v34 =	vld [tilespmem:s30+$0xFFFFFF80]  }
0x65a: {  	s18 =	simm.s32 $0x1D470;
	v35 =	vld [tilespmem:s16+$0xFFFFFF80]  }
0x65b: {  	v36 =	vld [tilespmem:s18+$0xFFFFFFA0]  }
0x65c: {  	v37 =	vld [tilespmem:s16+$0xFFFFFF90]  }
0x65d: {  	v38 =	vld [tilespmem:s16+$0xFFFFFFE0]  }
0x65e: {  	v39 =	vld [tilespmem:s16+$0xFFFFFFA0]  }
0x65f: {  	v40 =	vld [tilespmem:s16+$0xFFFFFFB0]  }
0x660: {  	v41 =	vld [tilespmem:s16+$0xFFFFFFD0]  }
0x661: {  	v42 =	vld [tilespmem:s16+$0xFFFFFFC0]  }
0x662: {  	v11 =	vadd.f32 v12, v11;
	v8 =	vmul.f32 v8, v8;
	v12 =	vld [tilespmem:s18+$0xFFFFFF80]  }
0x663: {  	v2 =	vmul.f32 v13, v2;
	v35 =	vld.idx.msk [tilespmem:v35+s15+$0x0], $0xffff  }
0x664: {  	v6 =	vmul.f32 v8, v6;
	v8 =	vmul.f32 v10, v10;
	v10 =	vld [tilespmem:s18+$0xFFFFFF90]  }
0x665: {  	v4 =	vsub.f32 v5, v4;
	v2 =	vadd.f32 v2, v11;
	v5 =	vld.idx.msk [tilespmem:v37+s15+$0x0], $0xffff  }
0x666: {  	v11 =	vld.idx.msk [tilespmem:v39+s15+$0x0], $0xffff  }
0x667: {  	v4 =	vmul.f32 v4, v4;
	v2 =	vadd.f32 v6, v2;
	v6 =	vmul.f32 v8, v7;
	v7 =	vld.idx.msk [tilespmem:v40+s15+$0x0], $0xffff  }
0x668: {  	v8 =	vsub.f32 v35, v12;
	v12 =	vld [tilespmem:s18+$0xFFFFFFB0]  }
0x669: {  	v4 =	vmul.f32 v4, v9;
	v2 =	vadd.f32 v6, v2;
	v9 =	vld [tilespmem:s18+$0xFFFFFFC0]  }
0x66a: {  	v6 =	vld.idx.msk [tilespmem:v42+s15+$0x0], $0xffff;
	v5 =	vsub.f32 v5, v10;
	v8 =	vmul.f32 v8, v8  }
0x66b: {  	v2 =	vadd.f32 v4, v2;
	v4 =	vld.idx.msk [tilespmem:v41+s15+$0x0], $0xffff  }
0x66c: {  	v10 =	vsub.f32 v11, v36;
	v11 =	vld [tilespmem:s18+$0xFFFFFFD0];
	v5 =	vmul.f32 v5, v5;
	v8 =	vmul.f32 v8, v34  }
0x66d: {  	v7 =	vsub.f32 v7, v12;
	v12 =	vld.idx.msk [tilespmem:v38+s15+$0x0], $0xffff  }
0x66e: {  	v5 =	vmul.f32 v5, v32;
	v2 =	vadd.f32 v8, v2;
	v8 =	vmul.f32 v10, v10;
	v10 =	vld [tilespmem:s18+$0xFFFFFFE0]  }
0x66f: {  	v6 =	vsub.f32 v6, v9;
	v9 =	vld.idx.msk [tilespmem:v33+s15+$0x0], $0xffff  }
0x670: {  	v7 =	vmul.f32 v7, v7;
	v2 =	vadd.f32 v5, v2;
	v5 =	vmul.f32 v8, v30;
	v8 =	vld [tilespmem:s18+$0xFFFFFFF0]  }
0x671: {  	v4 =	vsub.f32 v4, v11;
	v11 =	vld.idx.msk [tilespmem:v31+s15+$0x0], $0xffff  }
0x672: {  	v6 =	vmul.f32 v6, v6;
	v2 =	vadd.f32 v5, v2;
	v5 =	vmul.f32 v7, v28;
	v7 =	vld [tilespmem:s18+$0x0]  }
0x673: {  	v10 =	vsub.f32 v12, v10;
	v12 =	vld.idx.msk [tilespmem:v29+s15+$0x0], $0xffff  }
0x674: {  	v4 =	vmul.f32 v4, v4;
	v2 =	vadd.f32 v5, v2;
	v5 =	vmul.f32 v6, v26;
	v6 =	vld [tilespmem:s18+$0x10]  }
0x675: {  	v8 =	vsub.f32 v9, v8;
	v9 =	vld.idx.msk [tilespmem:v27+s15+$0x0], $0xffff  }
0x676: {  	v4 =	vmul.f32 v4, v24;
	v2 =	vadd.f32 v5, v2;
	v5 =	vmul.f32 v10, v10;
	v10 =	vld [tilespmem:s18+$0x20]  }
0x677: {  	v13 =	vld [tilespmem:s18+$0x50];
	v7 =	vsub.f32 v11, v7  }
0x678: {  	v11 =	vld.idx.msk [tilespmem:v25+s15+$0x0], $0xffff;
	v2 =	vadd.f32 v4, v2;
	v4 =	vmul.f32 v5, v22;
	v5 =	vmul.f32 v8, v8  }
0x679: {  	v8 =	vld [tilespmem:s18+$0x30];
	v6 =	vsub.f32 v12, v6  }
0x67a: {  	v12 =	vld.idx.msk [tilespmem:v23+s15+$0x0], $0xffff;
	v2 =	vadd.f32 v4, v2;
	v4 =	vmul.f32 v5, v20;
	v5 =	vmul.f32 v7, v7  }
0x67b: {  	v7 =	vld [tilespmem:s18+$0x40];
	v9 =	vsub.f32 v9, v10  }
0x67c: {  	v10 =	vld.idx.msk [tilespmem:v21+s15+$0x0], $0xffff;
	v2 =	vadd.f32 v4, v2;
	v4 =	vmul.f32 v5, v18;
	v5 =	vmul.f32 v6, v6  }
0x67d: {  	v63 =	vld [tilespmem:s18+$0x60];
	v6 =	vmul.f32 v9, v9  }
0x67e: {  	v62 =	vld.idx.msk [tilespmem:v19+s15+$0x0], $0xffff;
	v8 =	vsub.f32 v11, v8;
	v2 =	vadd.f32 v4, v2;
	v4 =	vmul.f32 v5, v16  }
0x67f: {  	v5 =	vld.idx.msk [tilespmem:v17+s15+$0x0], $0xffff;
	v9 =	vmul.f32 v6, v15  }
0x680: {  	v7 =	vsub.f32 v12, v7;
	v12 =	vmul.f32 v8, v8;
	v2 =	vadd.f32 v4, v2;
	v4 =	vld [tilespmem:s18+$0x70]  }
0x681: {  	v6 =	vld [tilespmem:s30+$0x50];
	v8 =	vsub.f32 v10, v13  }
0x682: {  	v12 =	vmul.f32 v12, v14;
	v13 =	vmul.f32 v7, v7;
	v7 =	vld [tilespmem:s30+$0x60];
	v11 =	vadd.f32 v9, v2  }
0x683: {  	s19 =	simm.s32 $0x0;
	v10 =	vsub.f32 v62, v63;
	v9 =	vld [tilespmem:s30+$0x70];
	s30 =	simm.s32 $0x1E570  }
.LBB2_30:
0x684: {  	v11 =	vadd.f32 v12, v11;
	v12 =	vmul.f32 v13, v3;
	v3 =	vld [tilespmem:s30+$0x40];
	v8 =	vmul.f32 v8, v8  }
0x685: {  	v2 =	vld [tilespmem:s30+$0x30];
	v13 =	vsub.f32 v5, v4  }
0x686: {  	v10 =	vmul.f32 v10, v10;
	v4 =	vld [tilespmem:s30+$0x20];
	v11 =	vadd.f32 v12, v11;
	v8 =	vmul.f32 v8, v6  }
0x687: {  	s16 =	sadd.s32 $0x100, s16;
	v6 =	vld [tilespmem:s30+$0x10]  }
0x688: {  	v12 =	vmul.f32 v13, v13;
	v5 =	vld [tilespmem:s16+$0x70];
	v11 =	vadd.f32 v8, v11;
	v10 =	vmul.f32 v10, v7  }
0x689: {  	v8 =	vld [tilespmem:s30+$0x0]  }
0x68a: {  	v12 =	vmul.f32 v12, v9;
	v7 =	vld [tilespmem:s16+$0x60];
	v11 =	vadd.f32 v10, v11  }
0x68b: {  	v10 =	vld [tilespmem:s30+$0xFFFFFFF0]  }
0x68c: {  	v9 =	vld [tilespmem:s16+$0x50];
	v11 =	vadd.f32 v12, v11  }
0x68d: {  	v12 =	vld [tilespmem:s30+$0xFFFFFFE0]  }
0x68e: {  	v13 =	vld [tilespmem:s16+$0x40]  }
0x68f: {  	v14 =	vld [tilespmem:s30+$0xFFFFFFD0]  }
0x690: {  	v15 =	vld [tilespmem:s16+$0x30]  }
0x691: {  	v16 =	vld [tilespmem:s30+$0xFFFFFFC0]  }
0x692: {  	v17 =	vld [tilespmem:s16+$0x20]  }
0x693: {  	v18 =	vld [tilespmem:s30+$0xFFFFFFB0]  }
0x694: {  	v19 =	vld [tilespmem:s16+$0x10]  }
0x695: {  	v20 =	vld [tilespmem:s30+$0xFFFFFFA0]  }
0x696: {  	v21 =	vld [tilespmem:s16+$0x0]  }
0x697: {  	v22 =	vld [tilespmem:s30+$0xFFFFFF90]  }
0x698: {  	v23 =	vld [tilespmem:s16+$0xFFFFFFF0]  }
0x699: {  	v24 =	vld [tilespmem:s30+$0xFFFFFF80]  }
0x69a: {  	s19 =	sadd.s32 $0x100, s19;
	s18 =	sadd.s32 $0x100, s18;
	v25 =	vld [tilespmem:s16+$0xFFFFFF80]  }
0x69b: {  	p0 =	slt.u32 s19, $0x700;
	v26 =	vld [tilespmem:s18+$0xFFFFFFA0]  }
0x69c: {  	v27 =	vld [tilespmem:s16+$0xFFFFFF90]  }
0x69d: {  	v28 =	vld [tilespmem:s16+$0xFFFFFFE0]  }
0x69e: {  	v29 =	vld [tilespmem:s16+$0xFFFFFFA0]  }
0x69f: {  	v30 =	vld [tilespmem:s16+$0xFFFFFFB0]  }
0x6a0: {  	v31 =	vld [tilespmem:s16+$0xFFFFFFD0]  }
0x6a1: {  	v32 =	vld [tilespmem:s16+$0xFFFFFFC0]  }
0x6a2: {  	v25 =	vld.idx.msk [tilespmem:v25+s15+$0x0], $0xffff  }
0x6a3: {  	v33 =	vld [tilespmem:s18+$0xFFFFFF80]  }
0x6a4: {  	v27 =	vld.idx.msk [tilespmem:v27+s15+$0x0], $0xffff  }
0x6a5: {  	v34 =	vld [tilespmem:s18+$0xFFFFFF90]  }
0x6a6: {  	v29 =	vld.idx.msk [tilespmem:v29+s15+$0x0], $0xffff  }
0x6a7: {  	v30 =	vld.idx.msk [tilespmem:v30+s15+$0x0], $0xffff  }
0x6a8: {  	v25 =	vsub.f32 v25, v33;
	v33 =	vld [tilespmem:s18+$0xFFFFFFB0]  }
0x6a9: {  	v32 =	vld.idx.msk [tilespmem:v32+s15+$0x0], $0xffff  }
0x6aa: {  	v25 =	vmul.f32 v25, v25;
	v27 =	vsub.f32 v27, v34;
	v34 =	vld [tilespmem:s18+$0xFFFFFFC0]  }
0x6ab: {  	v31 =	vld.idx.msk [tilespmem:v31+s15+$0x0], $0xffff  }
0x6ac: {  	v26 =	vsub.f32 v29, v26;
	v24 =	vmul.f32 v25, v24;
	v25 =	vmul.f32 v27, v27;
	v27 =	vld [tilespmem:s18+$0xFFFFFFD0]  }
0x6ad: {  	v29 =	vsub.f32 v30, v33;
	v28 =	vld.idx.msk [tilespmem:v28+s15+$0x0], $0xffff  }
0x6ae: {  	v11 =	vadd.f32 v24, v11;
	v22 =	vmul.f32 v25, v22;
	v24 =	vmul.f32 v26, v26;
	v25 =	vld [tilespmem:s18+$0xFFFFFFE0]  }
0x6af: {  	v26 =	vsub.f32 v32, v34;
	v23 =	vld.idx.msk [tilespmem:v23+s15+$0x0], $0xffff  }
0x6b0: {  	v11 =	vadd.f32 v22, v11;
	v20 =	vmul.f32 v24, v20;
	v22 =	vmul.f32 v29, v29;
	v24 =	vld [tilespmem:s18+$0xFFFFFFF0]  }
0x6b1: {  	v27 =	vsub.f32 v31, v27;
	v21 =	vld.idx.msk [tilespmem:v21+s15+$0x0], $0xffff  }
0x6b2: {  	v11 =	vadd.f32 v20, v11;
	v18 =	vmul.f32 v22, v18;
	v20 =	vmul.f32 v26, v26;
	v22 =	vld [tilespmem:s18+$0x0]  }
0x6b3: {  	v25 =	vsub.f32 v28, v25;
	v19 =	vld.idx.msk [tilespmem:v19+s15+$0x0], $0xffff  }
0x6b4: {  	v11 =	vadd.f32 v18, v11;
	v16 =	vmul.f32 v20, v16;
	v18 =	vmul.f32 v27, v27;
	v20 =	vld [tilespmem:s18+$0x10]  }
0x6b5: {  	v23 =	vsub.f32 v23, v24;
	v17 =	vld.idx.msk [tilespmem:v17+s15+$0x0], $0xffff  }
0x6b6: {  	v11 =	vadd.f32 v16, v11;
	v14 =	vmul.f32 v18, v14;
	v16 =	vmul.f32 v25, v25;
	v18 =	vld [tilespmem:s18+$0x20]  }
0x6b7: {  	v21 =	vsub.f32 v21, v22;
	v15 =	vld.idx.msk [tilespmem:v15+s15+$0x0], $0xffff  }
0x6b8: {  	v11 =	vadd.f32 v14, v11;
	v12 =	vmul.f32 v16, v12;
	v14 =	vmul.f32 v23, v23;
	v16 =	vld [tilespmem:s18+$0x30]  }
0x6b9: {  	v19 =	vsub.f32 v19, v20;
	v13 =	vld.idx.msk [tilespmem:v13+s15+$0x0], $0xffff  }
0x6ba: {  	v11 =	vadd.f32 v12, v11;
	v10 =	vmul.f32 v14, v10;
	v12 =	vmul.f32 v21, v21;
	v14 =	vld [tilespmem:s18+$0x40]  }
0x6bb: {  	v17 =	vsub.f32 v17, v18;
	v9 =	vld.idx.msk [tilespmem:v9+s15+$0x0], $0xffff  }
0x6bc: {  	v10 =	vadd.f32 v10, v11;
	v8 =	vmul.f32 v12, v8;
	v11 =	vmul.f32 v19, v19;
	v12 =	vld [tilespmem:s18+$0x50]  }
0x6bd: {  	v15 =	vsub.f32 v15, v16;
	v16 =	vld.idx.msk [tilespmem:v7+s15+$0x0], $0xffff  }
0x6be: {  	v7 =	vadd.f32 v8, v10;
	v6 =	vmul.f32 v11, v6;
	v8 =	vmul.f32 v17, v17;
	v10 =	vld [tilespmem:s18+$0x60]  }
.Ltmp14:
0x6bf: {  	v13 =	vsub.f32 v13, v14;
	v5 =	vld.idx.msk [tilespmem:v5+s15+$0x0], $0xffff;
	(pc) =	sbr.rel @p0 .LBB2_30-.Ltmp14, $4  }
0x6c0: {  	v14 =	vmul.f32 v15, v15;
	v7 =	vadd.f32 v6, v7;
	v11 =	vmul.f32 v8, v4;
	v4 =	vld [tilespmem:s18+$0x70]  }
0x6c1: {  	v6 =	vld [tilespmem:s30+$0x50];
	v8 =	vsub.f32 v9, v12  }
0x6c2: {  	v12 =	vmul.f32 v14, v2;
	v13 =	vmul.f32 v13, v13;
	v11 =	vadd.f32 v11, v7;
	v9 =	vld [tilespmem:s30+$0x70]  }
0x6c3: {  	v7 =	vld [tilespmem:s30+$0x60];
	v10 =	vsub.f32 v16, v10;
	s30 =	sadd.s32 $0x100, s30  }
0x6c4: {  	[tilespmem:s23], [sflag:$0x3] =	stream.linear.gather [hbm4b:s4+s3], $0x800, $0x38;
	[tilespmem:$0x1F870] =	vst v63  }
0x6c5: {  	s16 =	rddreg [dreg:$0x15]  }
0x6c6: {  	[tilespmem:s20], [sflag:$0x3] =	stream.strided.gather [hbm4b:s16+s13], $0x800, s14, s13, $0x38;
	[tilespmem:$0x1F870] =	vst v63  }
0x6c7: {  	_ = 	snop  }
0x6c8: {  	[tilespmem:s29], [sflag:$0x5] =	stream.linear.gather [spmem:s5], $0x800, $0x38;
	[tilespmem:$0x1F870] =	vst v63  }
0x6c9: {  	_ =	swait.ge [sflag:s17], $0x800  }
0x6ca: {  	[sflag:s17] =	ssyncset.done $0x0  }
0x6cb: {  	[sflag:s17] =	ssyncadd.s32 $0xFFFFF800  }
0x6cc: {  	_ =	swait.ge [sflag:s1], $0x800  }
0x6cd: {  	[sflag:s1] =	ssyncset.done $0x0  }
0x6ce: {  	[sflag:s1] =	ssyncadd.s32 $0xFFFFF800  }
0x6cf: {  	_ =	swait.ge [sflag:s1], $0x800  }
0x6d0: {  	[sflag:s1] =	ssyncset.done $0x0  }
0x6d1: {  	s30 =	simm.s32 $0x1EC70;
	[sflag:s1] =	ssyncadd.s32 $0xFFFFF800  }
0x6d2: {  	v2 =	vld [tilespmem:s30+$0x40]  }
0x6d3: {  	v14 =	vld [tilespmem:s30+$0x30]  }
0x6d4: {  	v15 =	vld [tilespmem:s30+$0x20]  }
0x6d5: {  	s16 =	simm.s32 $0x1CC70;
	v16 =	vld [tilespmem:s30+$0x10]  }
0x6d6: {  	v17 =	vld [tilespmem:s16+$0x70]  }
0x6d7: {  	v18 =	vld [tilespmem:s30+$0x0]  }
0x6d8: {  	v19 =	vld [tilespmem:s16+$0x60]  }
0x6d9: {  	v20 =	vld [tilespmem:s30+$0xFFFFFFF0]  }
0x6da: {  	v21 =	vld [tilespmem:s16+$0x50]  }
0x6db: {  	v22 =	vld [tilespmem:s30+$0xFFFFFFE0]  }
0x6dc: {  	v23 =	vld [tilespmem:s16+$0x40]  }
0x6dd: {  	v24 =	vld [tilespmem:s30+$0xFFFFFFD0]  }
0x6de: {  	v25 =	vld [tilespmem:s16+$0x30]  }
0x6df: {  	v26 =	vld [tilespmem:s30+$0xFFFFFFC0]  }
0x6e0: {  	v27 =	vld [tilespmem:s16+$0x20]  }
0x6e1: {  	v28 =	vld [tilespmem:s30+$0xFFFFFFB0]  }
0x6e2: {  	v29 =	vld [tilespmem:s16+$0x10]  }
0x6e3: {  	v30 =	vld [tilespmem:s30+$0xFFFFFFA0]  }
0x6e4: {  	v31 =	vld [tilespmem:s16+$0x0]  }
0x6e5: {  	v32 =	vld [tilespmem:s30+$0xFFFFFF90]  }
0x6e6: {  	v33 =	vld [tilespmem:s16+$0xFFFFFFF0]  }
0x6e7: {  	v34 =	vld [tilespmem:s30+$0xFFFFFF80]  }
0x6e8: {  	s18 =	simm.s32 $0x1DC70;
	v35 =	vld [tilespmem:s16+$0xFFFFFF80]  }
0x6e9: {  	v36 =	vld [tilespmem:s18+$0xFFFFFFA0]  }
0x6ea: {  	v37 =	vld [tilespmem:s16+$0xFFFFFF90]  }
0x6eb: {  	v38 =	vld [tilespmem:s16+$0xFFFFFFE0]  }
0x6ec: {  	v39 =	vld [tilespmem:s16+$0xFFFFFFA0]  }
0x6ed: {  	v40 =	vld [tilespmem:s16+$0xFFFFFFB0]  }
0x6ee: {  	v41 =	vld [tilespmem:s16+$0xFFFFFFD0]  }
0x6ef: {  	v42 =	vld [tilespmem:s16+$0xFFFFFFC0]  }
0x6f0: {  	v11 =	vadd.f32 v12, v11;
	v8 =	vmul.f32 v8, v8;
	v12 =	vld [tilespmem:s18+$0xFFFFFF80]  }
0x6f1: {  	v3 =	vmul.f32 v13, v3;
	v35 =	vld.idx.msk [tilespmem:v35+s15+$0x0], $0xffff  }
0x6f2: {  	v6 =	vmul.f32 v8, v6;
	v8 =	vmul.f32 v10, v10;
	v10 =	vld [tilespmem:s18+$0xFFFFFF90]  }
0x6f3: {  	v4 =	vsub.f32 v5, v4;
	v3 =	vadd.f32 v3, v11;
	v5 =	vld.idx.msk [tilespmem:v37+s15+$0x0], $0xffff  }
0x6f4: {  	v11 =	vld.idx.msk [tilespmem:v39+s15+$0x0], $0xffff  }
0x6f5: {  	v4 =	vmul.f32 v4, v4;
	v3 =	vadd.f32 v6, v3;
	v6 =	vmul.f32 v8, v7;
	v7 =	vld.idx.msk [tilespmem:v40+s15+$0x0], $0xffff  }
0x6f6: {  	v8 =	vsub.f32 v35, v12;
	v12 =	vld [tilespmem:s18+$0xFFFFFFB0]  }
0x6f7: {  	v4 =	vmul.f32 v4, v9;
	v3 =	vadd.f32 v6, v3;
	v9 =	vld [tilespmem:s18+$0xFFFFFFC0]  }
0x6f8: {  	v6 =	vld.idx.msk [tilespmem:v42+s15+$0x0], $0xffff;
	v5 =	vsub.f32 v5, v10;
	v8 =	vmul.f32 v8, v8  }
0x6f9: {  	v3 =	vadd.f32 v4, v3;
	v4 =	vld.idx.msk [tilespmem:v41+s15+$0x0], $0xffff  }
0x6fa: {  	v10 =	vsub.f32 v11, v36;
	v11 =	vld [tilespmem:s18+$0xFFFFFFD0];
	v5 =	vmul.f32 v5, v5;
	v8 =	vmul.f32 v8, v34  }
0x6fb: {  	v7 =	vsub.f32 v7, v12;
	v12 =	vld.idx.msk [tilespmem:v38+s15+$0x0], $0xffff  }
0x6fc: {  	v5 =	vmul.f32 v5, v32;
	v3 =	vadd.f32 v8, v3;
	v8 =	vmul.f32 v10, v10;
	v10 =	vld [tilespmem:s18+$0xFFFFFFE0]  }
0x6fd: {  	v6 =	vsub.f32 v6, v9;
	v9 =	vld.idx.msk [tilespmem:v33+s15+$0x0], $0xffff  }
0x6fe: {  	v7 =	vmul.f32 v7, v7;
	v3 =	vadd.f32 v5, v3;
	v5 =	vmul.f32 v8, v30;
	v8 =	vld [tilespmem:s18+$0xFFFFFFF0]  }
0x6ff: {  	v4 =	vsub.f32 v4, v11;
	v11 =	vld.idx.msk [tilespmem:v31+s15+$0x0], $0xffff  }
0x700: {  	v6 =	vmul.f32 v6, v6;
	v3 =	vadd.f32 v5, v3;
	v5 =	vmul.f32 v7, v28;
	v7 =	vld [tilespmem:s18+$0x0]  }
0x701: {  	v10 =	vsub.f32 v12, v10;
	v12 =	vld.idx.msk [tilespmem:v29+s15+$0x0], $0xffff  }
0x702: {  	v4 =	vmul.f32 v4, v4;
	v3 =	vadd.f32 v5, v3;
	v5 =	vmul.f32 v6, v26;
	v6 =	vld [tilespmem:s18+$0x10]  }
0x703: {  	v8 =	vsub.f32 v9, v8;
	v9 =	vld.idx.msk [tilespmem:v27+s15+$0x0], $0xffff  }
0x704: {  	v4 =	vmul.f32 v4, v24;
	v3 =	vadd.f32 v5, v3;
	v5 =	vmul.f32 v10, v10;
	v10 =	vld [tilespmem:s18+$0x20]  }
0x705: {  	v13 =	vld [tilespmem:s18+$0x50];
	v7 =	vsub.f32 v11, v7  }
0x706: {  	v11 =	vld.idx.msk [tilespmem:v25+s15+$0x0], $0xffff;
	v3 =	vadd.f32 v4, v3;
	v4 =	vmul.f32 v5, v22;
	v5 =	vmul.f32 v8, v8  }
0x707: {  	v8 =	vld [tilespmem:s18+$0x30];
	v6 =	vsub.f32 v12, v6  }
0x708: {  	v12 =	vld.idx.msk [tilespmem:v23+s15+$0x0], $0xffff;
	v3 =	vadd.f32 v4, v3;
	v4 =	vmul.f32 v5, v20;
	v5 =	vmul.f32 v7, v7  }
0x709: {  	v7 =	vld [tilespmem:s18+$0x40];
	v9 =	vsub.f32 v9, v10  }
0x70a: {  	v10 =	vld.idx.msk [tilespmem:v21+s15+$0x0], $0xffff;
	v3 =	vadd.f32 v4, v3;
	v4 =	vmul.f32 v5, v18;
	v5 =	vmul.f32 v6, v6  }
0x70b: {  	v63 =	vld [tilespmem:s18+$0x60];
	v6 =	vmul.f32 v9, v9  }
0x70c: {  	v62 =	vld.idx.msk [tilespmem:v19+s15+$0x0], $0xffff;
	v8 =	vsub.f32 v11, v8;
	v3 =	vadd.f32 v4, v3;
	v4 =	vmul.f32 v5, v16  }
0x70d: {  	v5 =	vld.idx.msk [tilespmem:v17+s15+$0x0], $0xffff;
	v9 =	vmul.f32 v6, v15  }
0x70e: {  	v7 =	vsub.f32 v12, v7;
	v12 =	vmul.f32 v8, v8;
	v3 =	vadd.f32 v4, v3;
	v4 =	vld [tilespmem:s18+$0x70]  }
0x70f: {  	v6 =	vld [tilespmem:s30+$0x50];
	v8 =	vsub.f32 v10, v13  }
0x710: {  	v12 =	vmul.f32 v12, v14;
	v13 =	vmul.f32 v7, v7;
	v7 =	vld [tilespmem:s30+$0x60];
	v11 =	vadd.f32 v9, v3  }
0x711: {  	s19 =	simm.s32 $0x0;
	v10 =	vsub.f32 v62, v63;
	v9 =	vld [tilespmem:s30+$0x70];
	s30 =	simm.s32 $0x1ED70  }
.LBB2_32:
0x712: {  	v11 =	vadd.f32 v12, v11;
	v12 =	vmul.f32 v13, v2;
	v2 =	vld [tilespmem:s30+$0x40];
	v8 =	vmul.f32 v8, v8  }
0x713: {  	v3 =	vld [tilespmem:s30+$0x30];
	v13 =	vsub.f32 v5, v4  }
0x714: {  	v10 =	vmul.f32 v10, v10;
	v4 =	vld [tilespmem:s30+$0x20];
	v11 =	vadd.f32 v12, v11;
	v8 =	vmul.f32 v8, v6  }
0x715: {  	s16 =	sadd.s32 $0x100, s16;
	v6 =	vld [tilespmem:s30+$0x10]  }
0x716: {  	v12 =	vmul.f32 v13, v13;
	v5 =	vld [tilespmem:s16+$0x70];
	v11 =	vadd.f32 v8, v11;
	v10 =	vmul.f32 v10, v7  }
0x717: {  	v8 =	vld [tilespmem:s30+$0x0]  }
0x718: {  	v12 =	vmul.f32 v12, v9;
	v7 =	vld [tilespmem:s16+$0x60];
	v11 =	vadd.f32 v10, v11  }
0x719: {  	v10 =	vld [tilespmem:s30+$0xFFFFFFF0]  }
0x71a: {  	v9 =	vld [tilespmem:s16+$0x50];
	v11 =	vadd.f32 v12, v11  }
0x71b: {  	v12 =	vld [tilespmem:s30+$0xFFFFFFE0]  }
0x71c: {  	v13 =	vld [tilespmem:s16+$0x40]  }
0x71d: {  	v14 =	vld [tilespmem:s30+$0xFFFFFFD0]  }
0x71e: {  	v15 =	vld [tilespmem:s16+$0x30]  }
0x71f: {  	v16 =	vld [tilespmem:s30+$0xFFFFFFC0]  }
0x720: {  	v17 =	vld [tilespmem:s16+$0x20]  }
0x721: {  	v18 =	vld [tilespmem:s30+$0xFFFFFFB0]  }
0x722: {  	v19 =	vld [tilespmem:s16+$0x10]  }
0x723: {  	v20 =	vld [tilespmem:s30+$0xFFFFFFA0]  }
0x724: {  	v21 =	vld [tilespmem:s16+$0x0]  }
0x725: {  	v22 =	vld [tilespmem:s30+$0xFFFFFF90]  }
0x726: {  	v23 =	vld [tilespmem:s16+$0xFFFFFFF0]  }
0x727: {  	v24 =	vld [tilespmem:s30+$0xFFFFFF80]  }
0x728: {  	s19 =	sadd.s32 $0x100, s19;
	s18 =	sadd.s32 $0x100, s18;
	v25 =	vld [tilespmem:s16+$0xFFFFFF80]  }
0x729: {  	p0 =	slt.u32 s19, $0x700;
	v26 =	vld [tilespmem:s18+$0xFFFFFFA0]  }
0x72a: {  	v27 =	vld [tilespmem:s16+$0xFFFFFF90]  }
0x72b: {  	v28 =	vld [tilespmem:s16+$0xFFFFFFE0]  }
0x72c: {  	v29 =	vld [tilespmem:s16+$0xFFFFFFA0]  }
0x72d: {  	v30 =	vld [tilespmem:s16+$0xFFFFFFB0]  }
0x72e: {  	v31 =	vld [tilespmem:s16+$0xFFFFFFD0]  }
0x72f: {  	v32 =	vld [tilespmem:s16+$0xFFFFFFC0]  }
0x730: {  	v25 =	vld.idx.msk [tilespmem:v25+s15+$0x0], $0xffff  }
0x731: {  	v33 =	vld [tilespmem:s18+$0xFFFFFF80]  }
0x732: {  	v27 =	vld.idx.msk [tilespmem:v27+s15+$0x0], $0xffff  }
0x733: {  	v34 =	vld [tilespmem:s18+$0xFFFFFF90]  }
0x734: {  	v29 =	vld.idx.msk [tilespmem:v29+s15+$0x0], $0xffff  }
0x735: {  	v30 =	vld.idx.msk [tilespmem:v30+s15+$0x0], $0xffff  }
0x736: {  	v25 =	vsub.f32 v25, v33;
	v33 =	vld [tilespmem:s18+$0xFFFFFFB0]  }
0x737: {  	v32 =	vld.idx.msk [tilespmem:v32+s15+$0x0], $0xffff  }
0x738: {  	v25 =	vmul.f32 v25, v25;
	v27 =	vsub.f32 v27, v34;
	v34 =	vld [tilespmem:s18+$0xFFFFFFC0]  }
0x739: {  	v31 =	vld.idx.msk [tilespmem:v31+s15+$0x0], $0xffff  }
0x73a: {  	v26 =	vsub.f32 v29, v26;
	v24 =	vmul.f32 v25, v24;
	v25 =	vmul.f32 v27, v27;
	v27 =	vld [tilespmem:s18+$0xFFFFFFD0]  }
0x73b: {  	v29 =	vsub.f32 v30, v33;
	v28 =	vld.idx.msk [tilespmem:v28+s15+$0x0], $0xffff  }
0x73c: {  	v11 =	vadd.f32 v24, v11;
	v22 =	vmul.f32 v25, v22;
	v24 =	vmul.f32 v26, v26;
	v25 =	vld [tilespmem:s18+$0xFFFFFFE0]  }
0x73d: {  	v26 =	vsub.f32 v32, v34;
	v23 =	vld.idx.msk [tilespmem:v23+s15+$0x0], $0xffff  }
0x73e: {  	v11 =	vadd.f32 v22, v11;
	v20 =	vmul.f32 v24, v20;
	v22 =	vmul.f32 v29, v29;
	v24 =	vld [tilespmem:s18+$0xFFFFFFF0]  }
0x73f: {  	v27 =	vsub.f32 v31, v27;
	v21 =	vld.idx.msk [tilespmem:v21+s15+$0x0], $0xffff  }
0x740: {  	v11 =	vadd.f32 v20, v11;
	v18 =	vmul.f32 v22, v18;
	v20 =	vmul.f32 v26, v26;
	v22 =	vld [tilespmem:s18+$0x0]  }
0x741: {  	v25 =	vsub.f32 v28, v25;
	v19 =	vld.idx.msk [tilespmem:v19+s15+$0x0], $0xffff  }
0x742: {  	v11 =	vadd.f32 v18, v11;
	v16 =	vmul.f32 v20, v16;
	v18 =	vmul.f32 v27, v27;
	v20 =	vld [tilespmem:s18+$0x10]  }
0x743: {  	v23 =	vsub.f32 v23, v24;
	v17 =	vld.idx.msk [tilespmem:v17+s15+$0x0], $0xffff  }
0x744: {  	v11 =	vadd.f32 v16, v11;
	v14 =	vmul.f32 v18, v14;
	v16 =	vmul.f32 v25, v25;
	v18 =	vld [tilespmem:s18+$0x20]  }
0x745: {  	v21 =	vsub.f32 v21, v22;
	v15 =	vld.idx.msk [tilespmem:v15+s15+$0x0], $0xffff  }
0x746: {  	v11 =	vadd.f32 v14, v11;
	v12 =	vmul.f32 v16, v12;
	v14 =	vmul.f32 v23, v23;
	v16 =	vld [tilespmem:s18+$0x30]  }
0x747: {  	v19 =	vsub.f32 v19, v20;
	v13 =	vld.idx.msk [tilespmem:v13+s15+$0x0], $0xffff  }
0x748: {  	v11 =	vadd.f32 v12, v11;
	v10 =	vmul.f32 v14, v10;
	v12 =	vmul.f32 v21, v21;
	v14 =	vld [tilespmem:s18+$0x40]  }
0x749: {  	v17 =	vsub.f32 v17, v18;
	v9 =	vld.idx.msk [tilespmem:v9+s15+$0x0], $0xffff  }
0x74a: {  	v10 =	vadd.f32 v10, v11;
	v8 =	vmul.f32 v12, v8;
	v11 =	vmul.f32 v19, v19;
	v12 =	vld [tilespmem:s18+$0x50]  }
0x74b: {  	v15 =	vsub.f32 v15, v16;
	v16 =	vld.idx.msk [tilespmem:v7+s15+$0x0], $0xffff  }
0x74c: {  	v7 =	vadd.f32 v8, v10;
	v6 =	vmul.f32 v11, v6;
	v8 =	vmul.f32 v17, v17;
	v10 =	vld [tilespmem:s18+$0x60]  }
.Ltmp15:
0x74d: {  	v13 =	vsub.f32 v13, v14;
	v5 =	vld.idx.msk [tilespmem:v5+s15+$0x0], $0xffff;
	(pc) =	sbr.rel @p0 .LBB2_32-.Ltmp15, $4  }
0x74e: {  	v14 =	vmul.f32 v15, v15;
	v7 =	vadd.f32 v6, v7;
	v11 =	vmul.f32 v8, v4;
	v4 =	vld [tilespmem:s18+$0x70]  }
0x74f: {  	v6 =	vld [tilespmem:s30+$0x50];
	v8 =	vsub.f32 v9, v12  }
0x750: {  	v12 =	vmul.f32 v14, v3;
	v13 =	vmul.f32 v13, v13;
	v11 =	vadd.f32 v11, v7;
	v9 =	vld [tilespmem:s30+$0x70]  }
0x751: {  	v7 =	vld [tilespmem:s30+$0x60];
	v10 =	vsub.f32 v16, v10;
	s30 =	sadd.s32 $0x100, s30  }
0x752: {  	[tilespmem:s24], [sflag:$0x4] =	stream.linear.gather [hbm4b:s6+s3], $0x800, $0x38;
	[tilespmem:$0x1F870] =	vst v63  }
0x753: {  	s16 =	rddreg [dreg:$0x16]  }
0x754: {  	[tilespmem:s25], [sflag:$0x4] =	stream.strided.gather [hbm4b:s16+s13], $0x800, s14, s13, $0x38;
	[tilespmem:$0x1F870] =	vst v63  }
0x755: {  	_ = 	snop  }
0x756: {  	[tilespmem:s26], [sflag:$0x5] =	stream.linear.gather [spmem:s7], $0x800, $0x38;
	[tilespmem:$0x1F870] =	vst v63  }
0x757: {  	_ =	swait.ge [sflag:s17], $0x800  }
0x758: {  	[sflag:s17] =	ssyncset.done $0x0  }
0x759: {  	[sflag:s17] =	ssyncadd.s32 $0xFFFFF800  }
0x75a: {  	_ =	swait.ge [sflag:s28], $0x800  }
0x75b: {  	[sflag:s28] =	ssyncset.done $0x0  }
0x75c: {  	[sflag:s28] =	ssyncadd.s32 $0xFFFFF800  }
0x75d: {  	_ =	swait.ge [sflag:s28], $0x800  }
0x75e: {  	[sflag:s28] =	ssyncset.done $0x0  }
0x75f: {  	s30 =	simm.s32 $0x1E470;
	[sflag:s28] =	ssyncadd.s32 $0xFFFFF800  }
0x760: {  	v3 =	vld [tilespmem:s30+$0x40]  }
0x761: {  	v14 =	vld [tilespmem:s30+$0x30]  }
0x762: {  	v15 =	vld [tilespmem:s30+$0x20]  }
0x763: {  	s16 =	simm.s32 $0x1C470;
	v16 =	vld [tilespmem:s30+$0x10]  }
0x764: {  	v17 =	vld [tilespmem:s16+$0x70]  }
0x765: {  	v18 =	vld [tilespmem:s30+$0x0]  }
0x766: {  	v19 =	vld [tilespmem:s16+$0x60]  }
0x767: {  	v20 =	vld [tilespmem:s30+$0xFFFFFFF0]  }
0x768: {  	v21 =	vld [tilespmem:s16+$0x50]  }
0x769: {  	v22 =	vld [tilespmem:s30+$0xFFFFFFE0]  }
0x76a: {  	v23 =	vld [tilespmem:s16+$0x40]  }
0x76b: {  	v24 =	vld [tilespmem:s30+$0xFFFFFFD0]  }
0x76c: {  	v25 =	vld [tilespmem:s16+$0x30]  }
0x76d: {  	v26 =	vld [tilespmem:s30+$0xFFFFFFC0]  }
0x76e: {  	v27 =	vld [tilespmem:s16+$0x20]  }
0x76f: {  	v28 =	vld [tilespmem:s30+$0xFFFFFFB0]  }
0x770: {  	v29 =	vld [tilespmem:s16+$0x10]  }
0x771: {  	v30 =	vld [tilespmem:s30+$0xFFFFFFA0]  }
0x772: {  	v31 =	vld [tilespmem:s16+$0x0]  }
0x773: {  	v32 =	vld [tilespmem:s30+$0xFFFFFF90]  }
0x774: {  	v33 =	vld [tilespmem:s16+$0xFFFFFFF0]  }
0x775: {  	v34 =	vld [tilespmem:s30+$0xFFFFFF80]  }
0x776: {  	s18 =	simm.s32 $0x1D470;
	v35 =	vld [tilespmem:s16+$0xFFFFFF80]  }
0x777: {  	v36 =	vld [tilespmem:s18+$0xFFFFFFA0]  }
0x778: {  	v37 =	vld [tilespmem:s16+$0xFFFFFF90]  }
0x779: {  	v38 =	vld [tilespmem:s16+$0xFFFFFFE0]  }
0x77a: {  	v39 =	vld [tilespmem:s16+$0xFFFFFFA0]  }
0x77b: {  	v40 =	vld [tilespmem:s16+$0xFFFFFFB0]  }
0x77c: {  	v41 =	vld [tilespmem:s16+$0xFFFFFFD0]  }
0x77d: {  	v42 =	vld [tilespmem:s16+$0xFFFFFFC0]  }
0x77e: {  	v11 =	vadd.f32 v12, v11;
	v8 =	vmul.f32 v8, v8;
	v12 =	vld [tilespmem:s18+$0xFFFFFF80]  }
0x77f: {  	v2 =	vmul.f32 v13, v2;
	v35 =	vld.idx.msk [tilespmem:v35+s15+$0x0], $0xffff  }
0x780: {  	v6 =	vmul.f32 v8, v6;
	v8 =	vmul.f32 v10, v10;
	v10 =	vld [tilespmem:s18+$0xFFFFFF90]  }
0x781: {  	v4 =	vsub.f32 v5, v4;
	v2 =	vadd.f32 v2, v11;
	v5 =	vld.idx.msk [tilespmem:v37+s15+$0x0], $0xffff  }
0x782: {  	v11 =	vld.idx.msk [tilespmem:v39+s15+$0x0], $0xffff  }
0x783: {  	v4 =	vmul.f32 v4, v4;
	v2 =	vadd.f32 v6, v2;
	v6 =	vmul.f32 v8, v7;
	v7 =	vld.idx.msk [tilespmem:v40+s15+$0x0], $0xffff  }
0x784: {  	v8 =	vsub.f32 v35, v12;
	v12 =	vld [tilespmem:s18+$0xFFFFFFB0]  }
0x785: {  	v4 =	vmul.f32 v4, v9;
	v2 =	vadd.f32 v6, v2;
	v9 =	vld [tilespmem:s18+$0xFFFFFFC0]  }
0x786: {  	v6 =	vld.idx.msk [tilespmem:v42+s15+$0x0], $0xffff;
	v5 =	vsub.f32 v5, v10;
	v8 =	vmul.f32 v8, v8  }
0x787: {  	v2 =	vadd.f32 v4, v2;
	v4 =	vld.idx.msk [tilespmem:v41+s15+$0x0], $0xffff  }
0x788: {  	v10 =	vsub.f32 v11, v36;
	v11 =	vld [tilespmem:s18+$0xFFFFFFD0];
	v5 =	vmul.f32 v5, v5;
	v8 =	vmul.f32 v8, v34  }
0x789: {  	v7 =	vsub.f32 v7, v12;
	v12 =	vld.idx.msk [tilespmem:v38+s15+$0x0], $0xffff  }
0x78a: {  	v5 =	vmul.f32 v5, v32;
	v2 =	vadd.f32 v8, v2;
	v8 =	vmul.f32 v10, v10;
	v10 =	vld [tilespmem:s18+$0xFFFFFFE0]  }
0x78b: {  	v6 =	vsub.f32 v6, v9;
	v9 =	vld.idx.msk [tilespmem:v33+s15+$0x0], $0xffff  }
0x78c: {  	v7 =	vmul.f32 v7, v7;
	v2 =	vadd.f32 v5, v2;
	v5 =	vmul.f32 v8, v30;
	v8 =	vld [tilespmem:s18+$0xFFFFFFF0]  }
0x78d: {  	v4 =	vsub.f32 v4, v11;
	v11 =	vld.idx.msk [tilespmem:v31+s15+$0x0], $0xffff  }
0x78e: {  	v6 =	vmul.f32 v6, v6;
	v2 =	vadd.f32 v5, v2;
	v5 =	vmul.f32 v7, v28;
	v7 =	vld [tilespmem:s18+$0x0]  }
0x78f: {  	v10 =	vsub.f32 v12, v10;
	v12 =	vld.idx.msk [tilespmem:v29+s15+$0x0], $0xffff  }
0x790: {  	v4 =	vmul.f32 v4, v4;
	v2 =	vadd.f32 v5, v2;
	v5 =	vmul.f32 v6, v26;
	v6 =	vld [tilespmem:s18+$0x10]  }
0x791: {  	v8 =	vsub.f32 v9, v8;
	v9 =	vld.idx.msk [tilespmem:v27+s15+$0x0], $0xffff  }
0x792: {  	v4 =	vmul.f32 v4, v24;
	v2 =	vadd.f32 v5, v2;
	v5 =	vmul.f32 v10, v10;
	v10 =	vld [tilespmem:s18+$0x20]  }
0x793: {  	v13 =	vld [tilespmem:s18+$0x50];
	v7 =	vsub.f32 v11, v7  }
0x794: {  	v11 =	vld.idx.msk [tilespmem:v25+s15+$0x0], $0xffff;
	v2 =	vadd.f32 v4, v2;
	v4 =	vmul.f32 v5, v22;
	v5 =	vmul.f32 v8, v8  }
0x795: {  	v8 =	vld [tilespmem:s18+$0x30];
	v6 =	vsub.f32 v12, v6  }
0x796: {  	v12 =	vld.idx.msk [tilespmem:v23+s15+$0x0], $0xffff;
	v2 =	vadd.f32 v4, v2;
	v4 =	vmul.f32 v5, v20;
	v5 =	vmul.f32 v7, v7  }
0x797: {  	v7 =	vld [tilespmem:s18+$0x40];
	v9 =	vsub.f32 v9, v10  }
0x798: {  	v10 =	vld.idx.msk [tilespmem:v21+s15+$0x0], $0xffff;
	v2 =	vadd.f32 v4, v2;
	v4 =	vmul.f32 v5, v18;
	v5 =	vmul.f32 v6, v6  }
0x799: {  	v63 =	vld [tilespmem:s18+$0x60];
	v6 =	vmul.f32 v9, v9  }
0x79a: {  	v62 =	vld.idx.msk [tilespmem:v19+s15+$0x0], $0xffff;
	v8 =	vsub.f32 v11, v8;
	v2 =	vadd.f32 v4, v2;
	v4 =	vmul.f32 v5, v16  }
0x79b: {  	v5 =	vld.idx.msk [tilespmem:v17+s15+$0x0], $0xffff;
	v9 =	vmul.f32 v6, v15  }
0x79c: {  	v7 =	vsub.f32 v12, v7;
	v12 =	vmul.f32 v8, v8;
	v2 =	vadd.f32 v4, v2;
	v4 =	vld [tilespmem:s18+$0x70]  }
0x79d: {  	v6 =	vld [tilespmem:s30+$0x50];
	v8 =	vsub.f32 v10, v13  }
0x79e: {  	v12 =	vmul.f32 v12, v14;
	v13 =	vmul.f32 v7, v7;
	v7 =	vld [tilespmem:s30+$0x60];
	v11 =	vadd.f32 v9, v2  }
0x79f: {  	s19 =	simm.s32 $0x0;
	v10 =	vsub.f32 v62, v63;
	v9 =	vld [tilespmem:s30+$0x70];
	s30 =	simm.s32 $0x1E570  }
.LBB2_34:
0x7a0: {  	v11 =	vadd.f32 v12, v11;
	v12 =	vmul.f32 v13, v3;
	v3 =	vld [tilespmem:s30+$0x40];
	v8 =	vmul.f32 v8, v8  }
0x7a1: {  	v2 =	vld [tilespmem:s30+$0x30];
	v13 =	vsub.f32 v5, v4  }
0x7a2: {  	v10 =	vmul.f32 v10, v10;
	v4 =	vld [tilespmem:s30+$0x20];
	v11 =	vadd.f32 v12, v11;
	v8 =	vmul.f32 v8, v6  }
0x7a3: {  	s16 =	sadd.s32 $0x100, s16;
	v6 =	vld [tilespmem:s30+$0x10]  }
0x7a4: {  	v12 =	vmul.f32 v13, v13;
	v5 =	vld [tilespmem:s16+$0x70];
	v11 =	vadd.f32 v8, v11;
	v10 =	vmul.f32 v10, v7  }
0x7a5: {  	v8 =	vld [tilespmem:s30+$0x0]  }
0x7a6: {  	v12 =	vmul.f32 v12, v9;
	v7 =	vld [tilespmem:s16+$0x60];
	v11 =	vadd.f32 v10, v11  }
0x7a7: {  	v10 =	vld [tilespmem:s30+$0xFFFFFFF0]  }
0x7a8: {  	v9 =	vld [tilespmem:s16+$0x50];
	v11 =	vadd.f32 v12, v11  }
0x7a9: {  	v12 =	vld [tilespmem:s30+$0xFFFFFFE0]  }
0x7aa: {  	v13 =	vld [tilespmem:s16+$0x40]  }
0x7ab: {  	v14 =	vld [tilespmem:s30+$0xFFFFFFD0]  }
0x7ac: {  	v15 =	vld [tilespmem:s16+$0x30]  }
0x7ad: {  	v16 =	vld [tilespmem:s30+$0xFFFFFFC0]  }
0x7ae: {  	v17 =	vld [tilespmem:s16+$0x20]  }
0x7af: {  	v18 =	vld [tilespmem:s30+$0xFFFFFFB0]  }
0x7b0: {  	v19 =	vld [tilespmem:s16+$0x10]  }
0x7b1: {  	v20 =	vld [tilespmem:s30+$0xFFFFFFA0]  }
0x7b2: {  	v21 =	vld [tilespmem:s16+$0x0]  }
0x7b3: {  	v22 =	vld [tilespmem:s30+$0xFFFFFF90]  }
0x7b4: {  	v23 =	vld [tilespmem:s16+$0xFFFFFFF0]  }
0x7b5: {  	v24 =	vld [tilespmem:s30+$0xFFFFFF80]  }
0x7b6: {  	s19 =	sadd.s32 $0x100, s19;
	s18 =	sadd.s32 $0x100, s18;
	v25 =	vld [tilespmem:s16+$0xFFFFFF80]  }
0x7b7: {  	p0 =	slt.u32 s19, $0x700;
	v26 =	vld [tilespmem:s18+$0xFFFFFFA0]  }
0x7b8: {  	v27 =	vld [tilespmem:s16+$0xFFFFFF90]  }
0x7b9: {  	v28 =	vld [tilespmem:s16+$0xFFFFFFE0]  }
0x7ba: {  	v29 =	vld [tilespmem:s16+$0xFFFFFFA0]  }
0x7bb: {  	v30 =	vld [tilespmem:s16+$0xFFFFFFB0]  }
0x7bc: {  	v31 =	vld [tilespmem:s16+$0xFFFFFFD0]  }
0x7bd: {  	v32 =	vld [tilespmem:s16+$0xFFFFFFC0]  }
0x7be: {  	v25 =	vld.idx.msk [tilespmem:v25+s15+$0x0], $0xffff  }
0x7bf: {  	v33 =	vld [tilespmem:s18+$0xFFFFFF80]  }
0x7c0: {  	v27 =	vld.idx.msk [tilespmem:v27+s15+$0x0], $0xffff  }
0x7c1: {  	v34 =	vld [tilespmem:s18+$0xFFFFFF90]  }
0x7c2: {  	v29 =	vld.idx.msk [tilespmem:v29+s15+$0x0], $0xffff  }
0x7c3: {  	v30 =	vld.idx.msk [tilespmem:v30+s15+$0x0], $0xffff  }
0x7c4: {  	v25 =	vsub.f32 v25, v33;
	v33 =	vld [tilespmem:s18+$0xFFFFFFB0]  }
0x7c5: {  	v32 =	vld.idx.msk [tilespmem:v32+s15+$0x0], $0xffff  }
0x7c6: {  	v25 =	vmul.f32 v25, v25;
	v27 =	vsub.f32 v27, v34;
	v34 =	vld [tilespmem:s18+$0xFFFFFFC0]  }
0x7c7: {  	v31 =	vld.idx.msk [tilespmem:v31+s15+$0x0], $0xffff  }
0x7c8: {  	v26 =	vsub.f32 v29, v26;
	v24 =	vmul.f32 v25, v24;
	v25 =	vmul.f32 v27, v27;
	v27 =	vld [tilespmem:s18+$0xFFFFFFD0]  }
0x7c9: {  	v29 =	vsub.f32 v30, v33;
	v28 =	vld.idx.msk [tilespmem:v28+s15+$0x0], $0xffff  }
0x7ca: {  	v11 =	vadd.f32 v24, v11;
	v22 =	vmul.f32 v25, v22;
	v24 =	vmul.f32 v26, v26;
	v25 =	vld [tilespmem:s18+$0xFFFFFFE0]  }
0x7cb: {  	v26 =	vsub.f32 v32, v34;
	v23 =	vld.idx.msk [tilespmem:v23+s15+$0x0], $0xffff  }
0x7cc: {  	v11 =	vadd.f32 v22, v11;
	v20 =	vmul.f32 v24, v20;
	v22 =	vmul.f32 v29, v29;
	v24 =	vld [tilespmem:s18+$0xFFFFFFF0]  }
0x7cd: {  	v27 =	vsub.f32 v31, v27;
	v21 =	vld.idx.msk [tilespmem:v21+s15+$0x0], $0xffff  }
0x7ce: {  	v11 =	vadd.f32 v20, v11;
	v18 =	vmul.f32 v22, v18;
	v20 =	vmul.f32 v26, v26;
	v22 =	vld [tilespmem:s18+$0x0]  }
0x7cf: {  	v25 =	vsub.f32 v28, v25;
	v19 =	vld.idx.msk [tilespmem:v19+s15+$0x0], $0xffff  }
0x7d0: {  	v11 =	vadd.f32 v18, v11;
	v16 =	vmul.f32 v20, v16;
	v18 =	vmul.f32 v27, v27;
	v20 =	vld [tilespmem:s18+$0x10]  }
0x7d1: {  	v23 =	vsub.f32 v23, v24;
	v17 =	vld.idx.msk [tilespmem:v17+s15+$0x0], $0xffff  }
0x7d2: {  	v11 =	vadd.f32 v16, v11;
	v14 =	vmul.f32 v18, v14;
	v16 =	vmul.f32 v25, v25;
	v18 =	vld [tilespmem:s18+$0x20]  }
0x7d3: {  	v21 =	vsub.f32 v21, v22;
	v15 =	vld.idx.msk [tilespmem:v15+s15+$0x0], $0xffff  }
0x7d4: {  	v11 =	vadd.f32 v14, v11;
	v12 =	vmul.f32 v16, v12;
	v14 =	vmul.f32 v23, v23;
	v16 =	vld [tilespmem:s18+$0x30]  }
0x7d5: {  	v19 =	vsub.f32 v19, v20;
	v13 =	vld.idx.msk [tilespmem:v13+s15+$0x0], $0xffff  }
0x7d6: {  	v11 =	vadd.f32 v12, v11;
	v10 =	vmul.f32 v14, v10;
	v12 =	vmul.f32 v21, v21;
	v14 =	vld [tilespmem:s18+$0x40]  }
0x7d7: {  	v17 =	vsub.f32 v17, v18;
	v9 =	vld.idx.msk [tilespmem:v9+s15+$0x0], $0xffff  }
0x7d8: {  	v10 =	vadd.f32 v10, v11;
	v8 =	vmul.f32 v12, v8;
	v11 =	vmul.f32 v19, v19;
	v12 =	vld [tilespmem:s18+$0x50]  }
0x7d9: {  	v15 =	vsub.f32 v15, v16;
	v16 =	vld.idx.msk [tilespmem:v7+s15+$0x0], $0xffff  }
0x7da: {  	v7 =	vadd.f32 v8, v10;
	v6 =	vmul.f32 v11, v6;
	v8 =	vmul.f32 v17, v17;
	v10 =	vld [tilespmem:s18+$0x60]  }
.Ltmp16:
0x7db: {  	v13 =	vsub.f32 v13, v14;
	v5 =	vld.idx.msk [tilespmem:v5+s15+$0x0], $0xffff;
	(pc) =	sbr.rel @p0 .LBB2_34-.Ltmp16, $4  }
0x7dc: {  	v14 =	vmul.f32 v15, v15;
	v7 =	vadd.f32 v6, v7;
	v11 =	vmul.f32 v8, v4;
	v4 =	vld [tilespmem:s18+$0x70]  }
0x7dd: {  	v6 =	vld [tilespmem:s30+$0x50];
	v8 =	vsub.f32 v9, v12  }
0x7de: {  	v12 =	vmul.f32 v14, v2;
	v13 =	vmul.f32 v13, v13;
	v11 =	vadd.f32 v11, v7;
	v9 =	vld [tilespmem:s30+$0x70]  }
0x7df: {  	v7 =	vld [tilespmem:s30+$0x60];
	v10 =	vsub.f32 v16, v10;
	s30 =	sadd.s32 $0x100, s30  }
0x7e0: {  	[tilespmem:s23], [sflag:$0x3] =	stream.linear.gather [hbm4b:s8+s3], $0x800, $0x38;
	[tilespmem:$0x1F870] =	vst v63  }
0x7e1: {  	s16 =	rddreg [dreg:$0x17]  }
0x7e2: {  	[tilespmem:s20], [sflag:$0x3] =	stream.strided.gather [hbm4b:s16+s13], $0x800, s14, s13, $0x38;
	[tilespmem:$0x1F870] =	vst v63  }
0x7e3: {  	_ = 	snop  }
0x7e4: {  	[tilespmem:s29], [sflag:$0x5] =	stream.linear.gather [spmem:s9], $0x800, $0x38;
	[tilespmem:$0x1F870] =	vst v63  }
0x7e5: {  	_ =	swait.ge [sflag:s17], $0x800  }
0x7e6: {  	[sflag:s17] =	ssyncset.done $0x0  }
0x7e7: {  	[sflag:s17] =	ssyncadd.s32 $0xFFFFF800  }
0x7e8: {  	_ =	swait.ge [sflag:s1], $0x800  }
0x7e9: {  	[sflag:s1] =	ssyncset.done $0x0  }
0x7ea: {  	[sflag:s1] =	ssyncadd.s32 $0xFFFFF800  }
0x7eb: {  	_ =	swait.ge [sflag:s1], $0x800  }
0x7ec: {  	[sflag:s1] =	ssyncset.done $0x0  }
0x7ed: {  	s30 =	simm.s32 $0x1EC70;
	[sflag:s1] =	ssyncadd.s32 $0xFFFFF800  }
0x7ee: {  	v2 =	vld [tilespmem:s30+$0x40]  }
0x7ef: {  	v14 =	vld [tilespmem:s30+$0x30]  }
0x7f0: {  	v15 =	vld [tilespmem:s30+$0x20]  }
0x7f1: {  	s16 =	simm.s32 $0x1CC70;
	v16 =	vld [tilespmem:s30+$0x10]  }
0x7f2: {  	v17 =	vld [tilespmem:s16+$0x70]  }
0x7f3: {  	v18 =	vld [tilespmem:s30+$0x0]  }
0x7f4: {  	v19 =	vld [tilespmem:s16+$0x60]  }
0x7f5: {  	v20 =	vld [tilespmem:s30+$0xFFFFFFF0]  }
0x7f6: {  	v21 =	vld [tilespmem:s16+$0x50]  }
0x7f7: {  	v22 =	vld [tilespmem:s30+$0xFFFFFFE0]  }
0x7f8: {  	v23 =	vld [tilespmem:s16+$0x40]  }
0x7f9: {  	v24 =	vld [tilespmem:s30+$0xFFFFFFD0]  }
0x7fa: {  	v25 =	vld [tilespmem:s16+$0x30]  }
0x7fb: {  	v26 =	vld [tilespmem:s30+$0xFFFFFFC0]  }
0x7fc: {  	v27 =	vld [tilespmem:s16+$0x20]  }
0x7fd: {  	v28 =	vld [tilespmem:s30+$0xFFFFFFB0]  }
0x7fe: {  	v29 =	vld [tilespmem:s16+$0x10]  }
0x7ff: {  	v30 =	vld [tilespmem:s30+$0xFFFFFFA0]  }
0x800: {  	v31 =	vld [tilespmem:s16+$0x0]  }
0x801: {  	v32 =	vld [tilespmem:s30+$0xFFFFFF90]  }
0x802: {  	v33 =	vld [tilespmem:s16+$0xFFFFFFF0]  }
0x803: {  	v34 =	vld [tilespmem:s30+$0xFFFFFF80]  }
0x804: {  	s18 =	simm.s32 $0x1DC70;
	v35 =	vld [tilespmem:s16+$0xFFFFFF80]  }
0x805: {  	v36 =	vld [tilespmem:s18+$0xFFFFFFA0]  }
0x806: {  	v37 =	vld [tilespmem:s16+$0xFFFFFF90]  }
0x807: {  	v38 =	vld [tilespmem:s16+$0xFFFFFFE0]  }
0x808: {  	v39 =	vld [tilespmem:s16+$0xFFFFFFA0]  }
0x809: {  	v40 =	vld [tilespmem:s16+$0xFFFFFFB0]  }
0x80a: {  	v41 =	vld [tilespmem:s16+$0xFFFFFFD0]  }
0x80b: {  	v42 =	vld [tilespmem:s16+$0xFFFFFFC0]  }
0x80c: {  	v11 =	vadd.f32 v12, v11;
	v8 =	vmul.f32 v8, v8;
	v12 =	vld [tilespmem:s18+$0xFFFFFF80]  }
0x80d: {  	v3 =	vmul.f32 v13, v3;
	v35 =	vld.idx.msk [tilespmem:v35+s15+$0x0], $0xffff  }
0x80e: {  	v6 =	vmul.f32 v8, v6;
	v8 =	vmul.f32 v10, v10;
	v10 =	vld [tilespmem:s18+$0xFFFFFF90]  }
0x80f: {  	v4 =	vsub.f32 v5, v4;
	v3 =	vadd.f32 v3, v11;
	v5 =	vld.idx.msk [tilespmem:v37+s15+$0x0], $0xffff  }
0x810: {  	v11 =	vld.idx.msk [tilespmem:v39+s15+$0x0], $0xffff  }
0x811: {  	v4 =	vmul.f32 v4, v4;
	v3 =	vadd.f32 v6, v3;
	v6 =	vmul.f32 v8, v7;
	v7 =	vld.idx.msk [tilespmem:v40+s15+$0x0], $0xffff  }
0x812: {  	v8 =	vsub.f32 v35, v12;
	v12 =	vld [tilespmem:s18+$0xFFFFFFB0]  }
0x813: {  	v4 =	vmul.f32 v4, v9;
	v3 =	vadd.f32 v6, v3;
	v9 =	vld [tilespmem:s18+$0xFFFFFFC0]  }
0x814: {  	v6 =	vld.idx.msk [tilespmem:v42+s15+$0x0], $0xffff;
	v5 =	vsub.f32 v5, v10;
	v8 =	vmul.f32 v8, v8  }
0x815: {  	v3 =	vadd.f32 v4, v3;
	v4 =	vld.idx.msk [tilespmem:v41+s15+$0x0], $0xffff  }
0x816: {  	v10 =	vsub.f32 v11, v36;
	v11 =	vld [tilespmem:s18+$0xFFFFFFD0];
	v5 =	vmul.f32 v5, v5;
	v8 =	vmul.f32 v8, v34  }
0x817: {  	v7 =	vsub.f32 v7, v12;
	v12 =	vld.idx.msk [tilespmem:v38+s15+$0x0], $0xffff  }
0x818: {  	v5 =	vmul.f32 v5, v32;
	v3 =	vadd.f32 v8, v3;
	v8 =	vmul.f32 v10, v10;
	v10 =	vld [tilespmem:s18+$0xFFFFFFE0]  }
0x819: {  	v6 =	vsub.f32 v6, v9;
	v9 =	vld.idx.msk [tilespmem:v33+s15+$0x0], $0xffff  }
0x81a: {  	v7 =	vmul.f32 v7, v7;
	v3 =	vadd.f32 v5, v3;
	v5 =	vmul.f32 v8, v30;
	v8 =	vld [tilespmem:s18+$0xFFFFFFF0]  }
0x81b: {  	v4 =	vsub.f32 v4, v11;
	v11 =	vld.idx.msk [tilespmem:v31+s15+$0x0], $0xffff  }
0x81c: {  	v6 =	vmul.f32 v6, v6;
	v3 =	vadd.f32 v5, v3;
	v5 =	vmul.f32 v7, v28;
	v7 =	vld [tilespmem:s18+$0x0]  }
0x81d: {  	v10 =	vsub.f32 v12, v10;
	v12 =	vld.idx.msk [tilespmem:v29+s15+$0x0], $0xffff  }
0x81e: {  	v4 =	vmul.f32 v4, v4;
	v3 =	vadd.f32 v5, v3;
	v5 =	vmul.f32 v6, v26;
	v6 =	vld [tilespmem:s18+$0x10]  }
0x81f: {  	v8 =	vsub.f32 v9, v8;
	v9 =	vld.idx.msk [tilespmem:v27+s15+$0x0], $0xffff  }
0x820: {  	v4 =	vmul.f32 v4, v24;
	v3 =	vadd.f32 v5, v3;
	v5 =	vmul.f32 v10, v10;
	v10 =	vld [tilespmem:s18+$0x20]  }
0x821: {  	v13 =	vld [tilespmem:s18+$0x50];
	v7 =	vsub.f32 v11, v7  }
0x822: {  	v11 =	vld.idx.msk [tilespmem:v25+s15+$0x0], $0xffff;
	v3 =	vadd.f32 v4, v3;
	v4 =	vmul.f32 v5, v22;
	v5 =	vmul.f32 v8, v8  }
0x823: {  	v8 =	vld [tilespmem:s18+$0x30];
	v6 =	vsub.f32 v12, v6  }
0x824: {  	v12 =	vld.idx.msk [tilespmem:v23+s15+$0x0], $0xffff;
	v3 =	vadd.f32 v4, v3;
	v4 =	vmul.f32 v5, v20;
	v5 =	vmul.f32 v7, v7  }
0x825: {  	v7 =	vld [tilespmem:s18+$0x40];
	v9 =	vsub.f32 v9, v10  }
0x826: {  	v10 =	vld.idx.msk [tilespmem:v21+s15+$0x0], $0xffff;
	v3 =	vadd.f32 v4, v3;
	v4 =	vmul.f32 v5, v18;
	v5 =	vmul.f32 v6, v6  }
0x827: {  	v63 =	vld [tilespmem:s18+$0x60];
	v6 =	vmul.f32 v9, v9  }
0x828: {  	v62 =	vld.idx.msk [tilespmem:v19+s15+$0x0], $0xffff;
	v8 =	vsub.f32 v11, v8;
	v3 =	vadd.f32 v4, v3;
	v4 =	vmul.f32 v5, v16  }
0x829: {  	v5 =	vld.idx.msk [tilespmem:v17+s15+$0x0], $0xffff;
	v9 =	vmul.f32 v6, v15  }
0x82a: {  	v7 =	vsub.f32 v12, v7;
	v12 =	vmul.f32 v8, v8;
	v3 =	vadd.f32 v4, v3;
	v4 =	vld [tilespmem:s18+$0x70]  }
0x82b: {  	v6 =	vld [tilespmem:s30+$0x50];
	v8 =	vsub.f32 v10, v13  }
0x82c: {  	v12 =	vmul.f32 v12, v14;
	v13 =	vmul.f32 v7, v7;
	v7 =	vld [tilespmem:s30+$0x60];
	v11 =	vadd.f32 v9, v3  }
0x82d: {  	s19 =	simm.s32 $0x0;
	v10 =	vsub.f32 v62, v63;
	v9 =	vld [tilespmem:s30+$0x70];
	s30 =	simm.s32 $0x1ED70  }
.LBB2_36:
0x82e: {  	v11 =	vadd.f32 v12, v11;
	v12 =	vmul.f32 v13, v2;
	v2 =	vld [tilespmem:s30+$0x40];
	v8 =	vmul.f32 v8, v8  }
0x82f: {  	v3 =	vld [tilespmem:s30+$0x30];
	v13 =	vsub.f32 v5, v4  }
0x830: {  	v10 =	vmul.f32 v10, v10;
	v4 =	vld [tilespmem:s30+$0x20];
	v11 =	vadd.f32 v12, v11;
	v8 =	vmul.f32 v8, v6  }
0x831: {  	s16 =	sadd.s32 $0x100, s16;
	v6 =	vld [tilespmem:s30+$0x10]  }
0x832: {  	v12 =	vmul.f32 v13, v13;
	v5 =	vld [tilespmem:s16+$0x70];
	v11 =	vadd.f32 v8, v11;
	v10 =	vmul.f32 v10, v7  }
0x833: {  	v8 =	vld [tilespmem:s30+$0x0]  }
0x834: {  	v12 =	vmul.f32 v12, v9;
	v7 =	vld [tilespmem:s16+$0x60];
	v11 =	vadd.f32 v10, v11  }
0x835: {  	v10 =	vld [tilespmem:s30+$0xFFFFFFF0]  }
0x836: {  	v9 =	vld [tilespmem:s16+$0x50];
	v11 =	vadd.f32 v12, v11  }
0x837: {  	v12 =	vld [tilespmem:s30+$0xFFFFFFE0]  }
0x838: {  	v13 =	vld [tilespmem:s16+$0x40]  }
0x839: {  	v14 =	vld [tilespmem:s30+$0xFFFFFFD0]  }
0x83a: {  	v15 =	vld [tilespmem:s16+$0x30]  }
0x83b: {  	v16 =	vld [tilespmem:s30+$0xFFFFFFC0]  }
0x83c: {  	v17 =	vld [tilespmem:s16+$0x20]  }
0x83d: {  	v18 =	vld [tilespmem:s30+$0xFFFFFFB0]  }
0x83e: {  	v19 =	vld [tilespmem:s16+$0x10]  }
0x83f: {  	v20 =	vld [tilespmem:s30+$0xFFFFFFA0]  }
0x840: {  	v21 =	vld [tilespmem:s16+$0x0]  }
0x841: {  	v22 =	vld [tilespmem:s30+$0xFFFFFF90]  }
0x842: {  	v23 =	vld [tilespmem:s16+$0xFFFFFFF0]  }
0x843: {  	v24 =	vld [tilespmem:s30+$0xFFFFFF80]  }
0x844: {  	s19 =	sadd.s32 $0x100, s19;
	s18 =	sadd.s32 $0x100, s18;
	v25 =	vld [tilespmem:s16+$0xFFFFFF80]  }
0x845: {  	p0 =	slt.u32 s19, $0x700;
	v26 =	vld [tilespmem:s18+$0xFFFFFFA0]  }
0x846: {  	v27 =	vld [tilespmem:s16+$0xFFFFFF90]  }
0x847: {  	v28 =	vld [tilespmem:s16+$0xFFFFFFE0]  }
0x848: {  	v29 =	vld [tilespmem:s16+$0xFFFFFFA0]  }
0x849: {  	v30 =	vld [tilespmem:s16+$0xFFFFFFB0]  }
0x84a: {  	v31 =	vld [tilespmem:s16+$0xFFFFFFD0]  }
0x84b: {  	v32 =	vld [tilespmem:s16+$0xFFFFFFC0]  }
0x84c: {  	v25 =	vld.idx.msk [tilespmem:v25+s15+$0x0], $0xffff  }
0x84d: {  	v33 =	vld [tilespmem:s18+$0xFFFFFF80]  }
0x84e: {  	v27 =	vld.idx.msk [tilespmem:v27+s15+$0x0], $0xffff  }
0x84f: {  	v34 =	vld [tilespmem:s18+$0xFFFFFF90]  }
0x850: {  	v29 =	vld.idx.msk [tilespmem:v29+s15+$0x0], $0xffff  }
0x851: {  	v30 =	vld.idx.msk [tilespmem:v30+s15+$0x0], $0xffff  }
0x852: {  	v25 =	vsub.f32 v25, v33;
	v33 =	vld [tilespmem:s18+$0xFFFFFFB0]  }
0x853: {  	v32 =	vld.idx.msk [tilespmem:v32+s15+$0x0], $0xffff  }
0x854: {  	v25 =	vmul.f32 v25, v25;
	v27 =	vsub.f32 v27, v34;
	v34 =	vld [tilespmem:s18+$0xFFFFFFC0]  }
0x855: {  	v31 =	vld.idx.msk [tilespmem:v31+s15+$0x0], $0xffff  }
0x856: {  	v26 =	vsub.f32 v29, v26;
	v24 =	vmul.f32 v25, v24;
	v25 =	vmul.f32 v27, v27;
	v27 =	vld [tilespmem:s18+$0xFFFFFFD0]  }
0x857: {  	v29 =	vsub.f32 v30, v33;
	v28 =	vld.idx.msk [tilespmem:v28+s15+$0x0], $0xffff  }
0x858: {  	v11 =	vadd.f32 v24, v11;
	v22 =	vmul.f32 v25, v22;
	v24 =	vmul.f32 v26, v26;
	v25 =	vld [tilespmem:s18+$0xFFFFFFE0]  }
0x859: {  	v26 =	vsub.f32 v32, v34;
	v23 =	vld.idx.msk [tilespmem:v23+s15+$0x0], $0xffff  }
0x85a: {  	v11 =	vadd.f32 v22, v11;
	v20 =	vmul.f32 v24, v20;
	v22 =	vmul.f32 v29, v29;
	v24 =	vld [tilespmem:s18+$0xFFFFFFF0]  }
0x85b: {  	v27 =	vsub.f32 v31, v27;
	v21 =	vld.idx.msk [tilespmem:v21+s15+$0x0], $0xffff  }
0x85c: {  	v11 =	vadd.f32 v20, v11;
	v18 =	vmul.f32 v22, v18;
	v20 =	vmul.f32 v26, v26;
	v22 =	vld [tilespmem:s18+$0x0]  }
0x85d: {  	v25 =	vsub.f32 v28, v25;
	v19 =	vld.idx.msk [tilespmem:v19+s15+$0x0], $0xffff  }
0x85e: {  	v11 =	vadd.f32 v18, v11;
	v16 =	vmul.f32 v20, v16;
	v18 =	vmul.f32 v27, v27;
	v20 =	vld [tilespmem:s18+$0x10]  }
0x85f: {  	v23 =	vsub.f32 v23, v24;
	v17 =	vld.idx.msk [tilespmem:v17+s15+$0x0], $0xffff  }
0x860: {  	v11 =	vadd.f32 v16, v11;
	v14 =	vmul.f32 v18, v14;
	v16 =	vmul.f32 v25, v25;
	v18 =	vld [tilespmem:s18+$0x20]  }
0x861: {  	v21 =	vsub.f32 v21, v22;
	v15 =	vld.idx.msk [tilespmem:v15+s15+$0x0], $0xffff  }
0x862: {  	v11 =	vadd.f32 v14, v11;
	v12 =	vmul.f32 v16, v12;
	v14 =	vmul.f32 v23, v23;
	v16 =	vld [tilespmem:s18+$0x30]  }
0x863: {  	v19 =	vsub.f32 v19, v20;
	v13 =	vld.idx.msk [tilespmem:v13+s15+$0x0], $0xffff  }
0x864: {  	v11 =	vadd.f32 v12, v11;
	v10 =	vmul.f32 v14, v10;
	v12 =	vmul.f32 v21, v21;
	v14 =	vld [tilespmem:s18+$0x40]  }
0x865: {  	v17 =	vsub.f32 v17, v18;
	v9 =	vld.idx.msk [tilespmem:v9+s15+$0x0], $0xffff  }
0x866: {  	v10 =	vadd.f32 v10, v11;
	v8 =	vmul.f32 v12, v8;
	v11 =	vmul.f32 v19, v19;
	v12 =	vld [tilespmem:s18+$0x50]  }
0x867: {  	v15 =	vsub.f32 v15, v16;
	v16 =	vld.idx.msk [tilespmem:v7+s15+$0x0], $0xffff  }
0x868: {  	v7 =	vadd.f32 v8, v10;
	v6 =	vmul.f32 v11, v6;
	v8 =	vmul.f32 v17, v17;
	v10 =	vld [tilespmem:s18+$0x60]  }
.Ltmp17:
0x869: {  	v13 =	vsub.f32 v13, v14;
	v5 =	vld.idx.msk [tilespmem:v5+s15+$0x0], $0xffff;
	(pc) =	sbr.rel @p0 .LBB2_36-.Ltmp17, $4  }
0x86a: {  	v14 =	vmul.f32 v15, v15;
	v7 =	vadd.f32 v6, v7;
	v11 =	vmul.f32 v8, v4;
	v4 =	vld [tilespmem:s18+$0x70]  }
0x86b: {  	v6 =	vld [tilespmem:s30+$0x50];
	v8 =	vsub.f32 v9, v12  }
0x86c: {  	v12 =	vmul.f32 v14, v3;
	v13 =	vmul.f32 v13, v13;
	v11 =	vadd.f32 v11, v7;
	v9 =	vld [tilespmem:s30+$0x70]  }
0x86d: {  	v7 =	vld [tilespmem:s30+$0x60];
	v10 =	vsub.f32 v16, v10;
	s30 =	sadd.s32 $0x100, s30  }
0x86e: {  	[tilespmem:s24], [sflag:$0x4] =	stream.linear.gather [hbm4b:s10+s3], $0x800, $0x38;
	[tilespmem:$0x1F870] =	vst v63  }
0x86f: {  	s0 =	rddreg [dreg:$0x18]  }
0x870: {  	[tilespmem:s25], [sflag:$0x4] =	stream.strided.gather [hbm4b:s0+s13], $0x800, s14, s13, $0x38;
	[tilespmem:$0x1F870] =	vst v63  }
0x871: {  	_ = 	snop  }
0x872: {  	[tilespmem:s26], [sflag:$0x5] =	stream.linear.gather [spmem:s11], $0x800, $0x38;
	[tilespmem:$0x1F870] =	vst v63  }
0x873: {  	_ =	swait.ge [sflag:s17], $0x800  }
0x874: {  	[sflag:s17] =	ssyncset.done $0x0  }
0x875: {  	[sflag:s17] =	ssyncadd.s32 $0xFFFFF800  }
0x876: {  	_ =	swait.ge [sflag:s28], $0x800  }
0x877: {  	[sflag:s28] =	ssyncset.done $0x0  }
0x878: {  	[sflag:s28] =	ssyncadd.s32 $0xFFFFF800  }
0x879: {  	_ =	swait.ge [sflag:s28], $0x800  }
0x87a: {  	[sflag:s28] =	ssyncset.done $0x0  }
0x87b: {  	s30 =	simm.s32 $0x1E470;
	[sflag:s28] =	ssyncadd.s32 $0xFFFFF800  }
0x87c: {  	v3 =	vld [tilespmem:s30+$0x40]  }
0x87d: {  	v14 =	vld [tilespmem:s30+$0x30]  }
0x87e: {  	v15 =	vld [tilespmem:s30+$0x20]  }
0x87f: {  	s16 =	simm.s32 $0x1C470;
	v16 =	vld [tilespmem:s30+$0x10]  }
0x880: {  	v17 =	vld [tilespmem:s16+$0x70]  }
0x881: {  	v18 =	vld [tilespmem:s30+$0x0]  }
0x882: {  	v19 =	vld [tilespmem:s16+$0x60]  }
0x883: {  	v20 =	vld [tilespmem:s30+$0xFFFFFFF0]  }
0x884: {  	v21 =	vld [tilespmem:s16+$0x50]  }
0x885: {  	v22 =	vld [tilespmem:s30+$0xFFFFFFE0]  }
0x886: {  	v23 =	vld [tilespmem:s16+$0x40]  }
0x887: {  	v24 =	vld [tilespmem:s30+$0xFFFFFFD0]  }
0x888: {  	v25 =	vld [tilespmem:s16+$0x30]  }
0x889: {  	v26 =	vld [tilespmem:s30+$0xFFFFFFC0]  }
0x88a: {  	v27 =	vld [tilespmem:s16+$0x20]  }
0x88b: {  	v28 =	vld [tilespmem:s30+$0xFFFFFFB0]  }
0x88c: {  	v29 =	vld [tilespmem:s16+$0x10]  }
0x88d: {  	v30 =	vld [tilespmem:s30+$0xFFFFFFA0]  }
0x88e: {  	v31 =	vld [tilespmem:s16+$0x0]  }
0x88f: {  	v32 =	vld [tilespmem:s30+$0xFFFFFF90]  }
0x890: {  	v33 =	vld [tilespmem:s16+$0xFFFFFFF0]  }
0x891: {  	v34 =	vld [tilespmem:s30+$0xFFFFFF80]  }
0x892: {  	s18 =	simm.s32 $0x1D470;
	v35 =	vld [tilespmem:s16+$0xFFFFFF80]  }
0x893: {  	v36 =	vld [tilespmem:s18+$0xFFFFFFA0]  }
0x894: {  	v37 =	vld [tilespmem:s16+$0xFFFFFF90]  }
0x895: {  	v38 =	vld [tilespmem:s16+$0xFFFFFFE0]  }
0x896: {  	v39 =	vld [tilespmem:s16+$0xFFFFFFA0]  }
0x897: {  	v40 =	vld [tilespmem:s16+$0xFFFFFFB0]  }
0x898: {  	v41 =	vld [tilespmem:s16+$0xFFFFFFD0]  }
0x899: {  	v42 =	vld [tilespmem:s16+$0xFFFFFFC0]  }
0x89a: {  	v11 =	vadd.f32 v12, v11;
	v8 =	vmul.f32 v8, v8;
	v12 =	vld [tilespmem:s18+$0xFFFFFF80]  }
0x89b: {  	v2 =	vmul.f32 v13, v2;
	v35 =	vld.idx.msk [tilespmem:v35+s15+$0x0], $0xffff  }
0x89c: {  	v6 =	vmul.f32 v8, v6;
	v8 =	vmul.f32 v10, v10;
	v10 =	vld [tilespmem:s18+$0xFFFFFF90]  }
0x89d: {  	v4 =	vsub.f32 v5, v4;
	v2 =	vadd.f32 v2, v11;
	v5 =	vld.idx.msk [tilespmem:v37+s15+$0x0], $0xffff  }
0x89e: {  	v11 =	vld.idx.msk [tilespmem:v39+s15+$0x0], $0xffff  }
0x89f: {  	v4 =	vmul.f32 v4, v4;
	v2 =	vadd.f32 v6, v2;
	v6 =	vmul.f32 v8, v7;
	v7 =	vld.idx.msk [tilespmem:v40+s15+$0x0], $0xffff  }
0x8a0: {  	v8 =	vsub.f32 v35, v12;
	v12 =	vld [tilespmem:s18+$0xFFFFFFB0]  }
0x8a1: {  	v4 =	vmul.f32 v4, v9;
	v2 =	vadd.f32 v6, v2;
	v9 =	vld [tilespmem:s18+$0xFFFFFFC0]  }
0x8a2: {  	v6 =	vld.idx.msk [tilespmem:v42+s15+$0x0], $0xffff;
	v5 =	vsub.f32 v5, v10;
	v8 =	vmul.f32 v8, v8  }
0x8a3: {  	v2 =	vadd.f32 v4, v2;
	v4 =	vld.idx.msk [tilespmem:v41+s15+$0x0], $0xffff  }
0x8a4: {  	v10 =	vsub.f32 v11, v36;
	v11 =	vld [tilespmem:s18+$0xFFFFFFD0];
	v5 =	vmul.f32 v5, v5;
	v8 =	vmul.f32 v8, v34  }
0x8a5: {  	v7 =	vsub.f32 v7, v12;
	v12 =	vld.idx.msk [tilespmem:v38+s15+$0x0], $0xffff  }
0x8a6: {  	v5 =	vmul.f32 v5, v32;
	v2 =	vadd.f32 v8, v2;
	v8 =	vmul.f32 v10, v10;
	v10 =	vld [tilespmem:s18+$0xFFFFFFE0]  }
0x8a7: {  	v6 =	vsub.f32 v6, v9;
	v9 =	vld.idx.msk [tilespmem:v33+s15+$0x0], $0xffff  }
0x8a8: {  	v7 =	vmul.f32 v7, v7;
	v2 =	vadd.f32 v5, v2;
	v5 =	vmul.f32 v8, v30;
	v8 =	vld [tilespmem:s18+$0xFFFFFFF0]  }
0x8a9: {  	v4 =	vsub.f32 v4, v11;
	v11 =	vld.idx.msk [tilespmem:v31+s15+$0x0], $0xffff  }
0x8aa: {  	v6 =	vmul.f32 v6, v6;
	v2 =	vadd.f32 v5, v2;
	v5 =	vmul.f32 v7, v28;
	v7 =	vld [tilespmem:s18+$0x0]  }
0x8ab: {  	v10 =	vsub.f32 v12, v10;
	v12 =	vld.idx.msk [tilespmem:v29+s15+$0x0], $0xffff  }
0x8ac: {  	v4 =	vmul.f32 v4, v4;
	v2 =	vadd.f32 v5, v2;
	v5 =	vmul.f32 v6, v26;
	v6 =	vld [tilespmem:s18+$0x10]  }
0x8ad: {  	v8 =	vsub.f32 v9, v8;
	v9 =	vld.idx.msk [tilespmem:v27+s15+$0x0], $0xffff  }
0x8ae: {  	v4 =	vmul.f32 v4, v24;
	v2 =	vadd.f32 v5, v2;
	v5 =	vmul.f32 v10, v10;
	v10 =	vld [tilespmem:s18+$0x20]  }
0x8af: {  	v13 =	vld [tilespmem:s18+$0x50];
	v7 =	vsub.f32 v11, v7  }
0x8b0: {  	v11 =	vld.idx.msk [tilespmem:v25+s15+$0x0], $0xffff;
	v2 =	vadd.f32 v4, v2;
	v4 =	vmul.f32 v5, v22;
	v5 =	vmul.f32 v8, v8  }
0x8b1: {  	v8 =	vld [tilespmem:s18+$0x30];
	v6 =	vsub.f32 v12, v6  }
0x8b2: {  	v12 =	vld.idx.msk [tilespmem:v23+s15+$0x0], $0xffff;
	v2 =	vadd.f32 v4, v2;
	v4 =	vmul.f32 v5, v20;
	v5 =	vmul.f32 v7, v7  }
0x8b3: {  	v7 =	vld [tilespmem:s18+$0x40];
	v9 =	vsub.f32 v9, v10  }
0x8b4: {  	v10 =	vld.idx.msk [tilespmem:v21+s15+$0x0], $0xffff;
	v2 =	vadd.f32 v4, v2;
	v4 =	vmul.f32 v5, v18;
	v5 =	vmul.f32 v6, v6  }
0x8b5: {  	v63 =	vld [tilespmem:s18+$0x60];
	v6 =	vmul.f32 v9, v9  }
0x8b6: {  	v62 =	vld.idx.msk [tilespmem:v19+s15+$0x0], $0xffff;
	v8 =	vsub.f32 v11, v8;
	v2 =	vadd.f32 v4, v2;
	v4 =	vmul.f32 v5, v16  }
0x8b7: {  	v5 =	vld.idx.msk [tilespmem:v17+s15+$0x0], $0xffff;
	v9 =	vmul.f32 v6, v15  }
0x8b8: {  	v7 =	vsub.f32 v12, v7;
	v12 =	vmul.f32 v8, v8;
	v2 =	vadd.f32 v4, v2;
	v4 =	vld [tilespmem:s18+$0x70]  }
0x8b9: {  	v6 =	vld [tilespmem:s30+$0x50];
	v8 =	vsub.f32 v10, v13  }
0x8ba: {  	v12 =	vmul.f32 v12, v14;
	v13 =	vmul.f32 v7, v7;
	v7 =	vld [tilespmem:s30+$0x60];
	v11 =	vadd.f32 v9, v2  }
0x8bb: {  	s19 =	simm.s32 $0x0;
	v10 =	vsub.f32 v62, v63;
	v9 =	vld [tilespmem:s30+$0x70];
	s30 =	simm.s32 $0x1E570  }
.LBB2_38:
0x8bc: {  	v11 =	vadd.f32 v12, v11;
	v12 =	vmul.f32 v13, v3;
	v3 =	vld [tilespmem:s30+$0x40];
	v8 =	vmul.f32 v8, v8  }
0x8bd: {  	v2 =	vld [tilespmem:s30+$0x30];
	v13 =	vsub.f32 v5, v4  }
0x8be: {  	v10 =	vmul.f32 v10, v10;
	v4 =	vld [tilespmem:s30+$0x20];
	v11 =	vadd.f32 v12, v11;
	v8 =	vmul.f32 v8, v6  }
0x8bf: {  	s16 =	sadd.s32 $0x100, s16;
	v6 =	vld [tilespmem:s30+$0x10]  }
0x8c0: {  	v12 =	vmul.f32 v13, v13;
	v5 =	vld [tilespmem:s16+$0x70];
	v11 =	vadd.f32 v8, v11;
	v10 =	vmul.f32 v10, v7  }
0x8c1: {  	v8 =	vld [tilespmem:s30+$0x0]  }
0x8c2: {  	v12 =	vmul.f32 v12, v9;
	v7 =	vld [tilespmem:s16+$0x60];
	v11 =	vadd.f32 v10, v11  }
0x8c3: {  	v10 =	vld [tilespmem:s30+$0xFFFFFFF0]  }
0x8c4: {  	v9 =	vld [tilespmem:s16+$0x50];
	v11 =	vadd.f32 v12, v11  }
0x8c5: {  	v12 =	vld [tilespmem:s30+$0xFFFFFFE0]  }
0x8c6: {  	v13 =	vld [tilespmem:s16+$0x40]  }
0x8c7: {  	v14 =	vld [tilespmem:s30+$0xFFFFFFD0]  }
0x8c8: {  	v15 =	vld [tilespmem:s16+$0x30]  }
0x8c9: {  	v16 =	vld [tilespmem:s30+$0xFFFFFFC0]  }
0x8ca: {  	v17 =	vld [tilespmem:s16+$0x20]  }
0x8cb: {  	v18 =	vld [tilespmem:s30+$0xFFFFFFB0]  }
0x8cc: {  	v19 =	vld [tilespmem:s16+$0x10]  }
0x8cd: {  	v20 =	vld [tilespmem:s30+$0xFFFFFFA0]  }
0x8ce: {  	v21 =	vld [tilespmem:s16+$0x0]  }
0x8cf: {  	v22 =	vld [tilespmem:s30+$0xFFFFFF90]  }
0x8d0: {  	v23 =	vld [tilespmem:s16+$0xFFFFFFF0]  }
0x8d1: {  	v24 =	vld [tilespmem:s30+$0xFFFFFF80]  }
0x8d2: {  	s19 =	sadd.s32 $0x100, s19;
	s18 =	sadd.s32 $0x100, s18;
	v25 =	vld [tilespmem:s16+$0xFFFFFF80]  }
0x8d3: {  	p0 =	slt.u32 s19, $0x700;
	v26 =	vld [tilespmem:s18+$0xFFFFFFA0]  }
0x8d4: {  	v27 =	vld [tilespmem:s16+$0xFFFFFF90]  }
0x8d5: {  	v28 =	vld [tilespmem:s16+$0xFFFFFFE0]  }
0x8d6: {  	v29 =	vld [tilespmem:s16+$0xFFFFFFA0]  }
0x8d7: {  	v30 =	vld [tilespmem:s16+$0xFFFFFFB0]  }
0x8d8: {  	v31 =	vld [tilespmem:s16+$0xFFFFFFD0]  }
0x8d9: {  	v32 =	vld [tilespmem:s16+$0xFFFFFFC0]  }
0x8da: {  	v25 =	vld.idx.msk [tilespmem:v25+s15+$0x0], $0xffff  }
0x8db: {  	v33 =	vld [tilespmem:s18+$0xFFFFFF80]  }
0x8dc: {  	v27 =	vld.idx.msk [tilespmem:v27+s15+$0x0], $0xffff  }
0x8dd: {  	v34 =	vld [tilespmem:s18+$0xFFFFFF90]  }
0x8de: {  	v29 =	vld.idx.msk [tilespmem:v29+s15+$0x0], $0xffff  }
0x8df: {  	v30 =	vld.idx.msk [tilespmem:v30+s15+$0x0], $0xffff  }
0x8e0: {  	v25 =	vsub.f32 v25, v33;
	v33 =	vld [tilespmem:s18+$0xFFFFFFB0]  }
0x8e1: {  	v32 =	vld.idx.msk [tilespmem:v32+s15+$0x0], $0xffff  }
0x8e2: {  	v25 =	vmul.f32 v25, v25;
	v27 =	vsub.f32 v27, v34;
	v34 =	vld [tilespmem:s18+$0xFFFFFFC0]  }
0x8e3: {  	v31 =	vld.idx.msk [tilespmem:v31+s15+$0x0], $0xffff  }
0x8e4: {  	v26 =	vsub.f32 v29, v26;
	v24 =	vmul.f32 v25, v24;
	v25 =	vmul.f32 v27, v27;
	v27 =	vld [tilespmem:s18+$0xFFFFFFD0]  }
0x8e5: {  	v29 =	vsub.f32 v30, v33;
	v28 =	vld.idx.msk [tilespmem:v28+s15+$0x0], $0xffff  }
0x8e6: {  	v11 =	vadd.f32 v24, v11;
	v22 =	vmul.f32 v25, v22;
	v24 =	vmul.f32 v26, v26;
	v25 =	vld [tilespmem:s18+$0xFFFFFFE0]  }
0x8e7: {  	v26 =	vsub.f32 v32, v34;
	v23 =	vld.idx.msk [tilespmem:v23+s15+$0x0], $0xffff  }
0x8e8: {  	v11 =	vadd.f32 v22, v11;
	v20 =	vmul.f32 v24, v20;
	v22 =	vmul.f32 v29, v29;
	v24 =	vld [tilespmem:s18+$0xFFFFFFF0]  }
0x8e9: {  	v27 =	vsub.f32 v31, v27;
	v21 =	vld.idx.msk [tilespmem:v21+s15+$0x0], $0xffff  }
0x8ea: {  	v11 =	vadd.f32 v20, v11;
	v18 =	vmul.f32 v22, v18;
	v20 =	vmul.f32 v26, v26;
	v22 =	vld [tilespmem:s18+$0x0]  }
0x8eb: {  	v25 =	vsub.f32 v28, v25;
	v19 =	vld.idx.msk [tilespmem:v19+s15+$0x0], $0xffff  }
0x8ec: {  	v11 =	vadd.f32 v18, v11;
	v16 =	vmul.f32 v20, v16;
	v18 =	vmul.f32 v27, v27;
	v20 =	vld [tilespmem:s18+$0x10]  }
0x8ed: {  	v23 =	vsub.f32 v23, v24;
	v17 =	vld.idx.msk [tilespmem:v17+s15+$0x0], $0xffff  }
0x8ee: {  	v11 =	vadd.f32 v16, v11;
	v14 =	vmul.f32 v18, v14;
	v16 =	vmul.f32 v25, v25;
	v18 =	vld [tilespmem:s18+$0x20]  }
0x8ef: {  	v21 =	vsub.f32 v21, v22;
	v15 =	vld.idx.msk [tilespmem:v15+s15+$0x0], $0xffff  }
0x8f0: {  	v11 =	vadd.f32 v14, v11;
	v12 =	vmul.f32 v16, v12;
	v14 =	vmul.f32 v23, v23;
	v16 =	vld [tilespmem:s18+$0x30]  }
0x8f1: {  	v19 =	vsub.f32 v19, v20;
	v13 =	vld.idx.msk [tilespmem:v13+s15+$0x0], $0xffff  }
0x8f2: {  	v11 =	vadd.f32 v12, v11;
	v10 =	vmul.f32 v14, v10;
	v12 =	vmul.f32 v21, v21;
	v14 =	vld [tilespmem:s18+$0x40]  }
0x8f3: {  	v17 =	vsub.f32 v17, v18;
	v9 =	vld.idx.msk [tilespmem:v9+s15+$0x0], $0xffff  }
0x8f4: {  	v10 =	vadd.f32 v10, v11;
	v8 =	vmul.f32 v12, v8;
	v11 =	vmul.f32 v19, v19;
	v12 =	vld [tilespmem:s18+$0x50]  }
0x8f5: {  	v15 =	vsub.f32 v15, v16;
	v16 =	vld.idx.msk [tilespmem:v7+s15+$0x0], $0xffff  }
0x8f6: {  	v7 =	vadd.f32 v8, v10;
	v6 =	vmul.f32 v11, v6;
	v8 =	vmul.f32 v17, v17;
	v10 =	vld [tilespmem:s18+$0x60]  }
.Ltmp18:
0x8f7: {  	v13 =	vsub.f32 v13, v14;
	v5 =	vld.idx.msk [tilespmem:v5+s15+$0x0], $0xffff;
	(pc) =	sbr.rel @p0 .LBB2_38-.Ltmp18, $4  }
0x8f8: {  	v14 =	vmul.f32 v15, v15;
	v7 =	vadd.f32 v6, v7;
	v11 =	vmul.f32 v8, v4;
	v4 =	vld [tilespmem:s18+$0x70]  }
0x8f9: {  	v6 =	vld [tilespmem:s30+$0x50];
	v8 =	vsub.f32 v9, v12  }
0x8fa: {  	v12 =	vmul.f32 v14, v2;
	v13 =	vmul.f32 v13, v13;
	v11 =	vadd.f32 v11, v7;
	v9 =	vld [tilespmem:s30+$0x70]  }
0x8fb: {  	v7 =	vld [tilespmem:s30+$0x60];
	v10 =	vsub.f32 v16, v10;
	s30 =	sadd.s32 $0x100, s30  }
0x8fc: {  	[tilespmem:s29], [sflag:$0x5] =	stream.linear.gather [spmem:s12], $0x800, $0x38;
	[tilespmem:$0x1F870] =	vst v63  }
0x8fd: {  	_ =	swait.ge [sflag:s17], $0x800  }
0x8fe: {  	[sflag:s17] =	ssyncset.done $0x0  }
0x8ff: {  	[sflag:s17] =	ssyncadd.s32 $0xFFFFF800  }
0x900: {  	_ =	swait.ge [sflag:s1], $0x800  }
0x901: {  	[sflag:s1] =	ssyncset.done $0x0  }
0x902: {  	[sflag:s1] =	ssyncadd.s32 $0xFFFFF800  }
0x903: {  	_ =	swait.ge [sflag:s1], $0x800  }
0x904: {  	[sflag:s1] =	ssyncset.done $0x0  }
0x905: {  	s30 =	simm.s32 $0x1EC70;
	[sflag:s1] =	ssyncadd.s32 $0xFFFFF800  }
0x906: {  	v2 =	vld [tilespmem:s30+$0x40]  }
0x907: {  	v14 =	vld [tilespmem:s30+$0x30]  }
0x908: {  	v15 =	vld [tilespmem:s30+$0x20]  }
0x909: {  	s16 =	simm.s32 $0x1CC70;
	v16 =	vld [tilespmem:s30+$0x10]  }
0x90a: {  	v17 =	vld [tilespmem:s16+$0x70]  }
0x90b: {  	v18 =	vld [tilespmem:s30+$0x0]  }
0x90c: {  	v19 =	vld [tilespmem:s16+$0x60]  }
0x90d: {  	v20 =	vld [tilespmem:s30+$0xFFFFFFF0]  }
0x90e: {  	v21 =	vld [tilespmem:s16+$0x50]  }
0x90f: {  	v22 =	vld [tilespmem:s30+$0xFFFFFFE0]  }
0x910: {  	v23 =	vld [tilespmem:s16+$0x40]  }
0x911: {  	v24 =	vld [tilespmem:s30+$0xFFFFFFD0]  }
0x912: {  	v25 =	vld [tilespmem:s16+$0x30]  }
0x913: {  	v26 =	vld [tilespmem:s30+$0xFFFFFFC0]  }
0x914: {  	v27 =	vld [tilespmem:s16+$0x20]  }
0x915: {  	v28 =	vld [tilespmem:s30+$0xFFFFFFB0]  }
0x916: {  	v29 =	vld [tilespmem:s16+$0x10]  }
0x917: {  	v30 =	vld [tilespmem:s30+$0xFFFFFFA0]  }
0x918: {  	v31 =	vld [tilespmem:s16+$0x0]  }
0x919: {  	v32 =	vld [tilespmem:s30+$0xFFFFFF90]  }
0x91a: {  	v33 =	vld [tilespmem:s16+$0xFFFFFFF0]  }
0x91b: {  	v34 =	vld [tilespmem:s30+$0xFFFFFF80]  }
0x91c: {  	s18 =	simm.s32 $0x1DC70;
	v35 =	vld [tilespmem:s16+$0xFFFFFF80]  }
0x91d: {  	v36 =	vld [tilespmem:s18+$0xFFFFFFA0]  }
0x91e: {  	v37 =	vld [tilespmem:s16+$0xFFFFFF90]  }
0x91f: {  	v38 =	vld [tilespmem:s16+$0xFFFFFFE0]  }
0x920: {  	v39 =	vld [tilespmem:s16+$0xFFFFFFA0]  }
0x921: {  	v40 =	vld [tilespmem:s16+$0xFFFFFFB0]  }
0x922: {  	v41 =	vld [tilespmem:s16+$0xFFFFFFD0]  }
0x923: {  	v42 =	vld [tilespmem:s16+$0xFFFFFFC0]  }
0x924: {  	v11 =	vadd.f32 v12, v11;
	v8 =	vmul.f32 v8, v8;
	v12 =	vld [tilespmem:s18+$0xFFFFFF80]  }
0x925: {  	v3 =	vmul.f32 v13, v3;
	v35 =	vld.idx.msk [tilespmem:v35+s15+$0x0], $0xffff  }
0x926: {  	v6 =	vmul.f32 v8, v6;
	v8 =	vmul.f32 v10, v10;
	v10 =	vld [tilespmem:s18+$0xFFFFFF90]  }
0x927: {  	v4 =	vsub.f32 v5, v4;
	v3 =	vadd.f32 v3, v11;
	v5 =	vld.idx.msk [tilespmem:v37+s15+$0x0], $0xffff  }
0x928: {  	v11 =	vld.idx.msk [tilespmem:v39+s15+$0x0], $0xffff  }
0x929: {  	v4 =	vmul.f32 v4, v4;
	v3 =	vadd.f32 v6, v3;
	v6 =	vmul.f32 v8, v7;
	v7 =	vld.idx.msk [tilespmem:v40+s15+$0x0], $0xffff  }
0x92a: {  	v8 =	vsub.f32 v35, v12;
	v12 =	vld [tilespmem:s18+$0xFFFFFFB0]  }
0x92b: {  	v4 =	vmul.f32 v4, v9;
	v3 =	vadd.f32 v6, v3;
	v9 =	vld [tilespmem:s18+$0xFFFFFFC0]  }
0x92c: {  	v6 =	vld.idx.msk [tilespmem:v42+s15+$0x0], $0xffff;
	v5 =	vsub.f32 v5, v10;
	v8 =	vmul.f32 v8, v8  }
0x92d: {  	v3 =	vadd.f32 v4, v3;
	v4 =	vld.idx.msk [tilespmem:v41+s15+$0x0], $0xffff  }
0x92e: {  	v10 =	vsub.f32 v11, v36;
	v11 =	vld [tilespmem:s18+$0xFFFFFFD0];
	v5 =	vmul.f32 v5, v5;
	v8 =	vmul.f32 v8, v34  }
0x92f: {  	v7 =	vsub.f32 v7, v12;
	v12 =	vld.idx.msk [tilespmem:v38+s15+$0x0], $0xffff  }
0x930: {  	v5 =	vmul.f32 v5, v32;
	v3 =	vadd.f32 v8, v3;
	v8 =	vmul.f32 v10, v10;
	v10 =	vld [tilespmem:s18+$0xFFFFFFE0]  }
0x931: {  	v6 =	vsub.f32 v6, v9;
	v9 =	vld.idx.msk [tilespmem:v33+s15+$0x0], $0xffff  }
0x932: {  	v7 =	vmul.f32 v7, v7;
	v3 =	vadd.f32 v5, v3;
	v5 =	vmul.f32 v8, v30;
	v8 =	vld [tilespmem:s18+$0xFFFFFFF0]  }
0x933: {  	v4 =	vsub.f32 v4, v11;
	v11 =	vld.idx.msk [tilespmem:v31+s15+$0x0], $0xffff  }
0x934: {  	v6 =	vmul.f32 v6, v6;
	v3 =	vadd.f32 v5, v3;
	v5 =	vmul.f32 v7, v28;
	v7 =	vld [tilespmem:s18+$0x0]  }
0x935: {  	v10 =	vsub.f32 v12, v10;
	v12 =	vld.idx.msk [tilespmem:v29+s15+$0x0], $0xffff  }
0x936: {  	v4 =	vmul.f32 v4, v4;
	v3 =	vadd.f32 v5, v3;
	v5 =	vmul.f32 v6, v26;
	v6 =	vld [tilespmem:s18+$0x10]  }
0x937: {  	v8 =	vsub.f32 v9, v8;
	v9 =	vld.idx.msk [tilespmem:v27+s15+$0x0], $0xffff  }
0x938: {  	v4 =	vmul.f32 v4, v24;
	v3 =	vadd.f32 v5, v3;
	v5 =	vmul.f32 v10, v10;
	v10 =	vld [tilespmem:s18+$0x20]  }
0x939: {  	v13 =	vld [tilespmem:s18+$0x50];
	v7 =	vsub.f32 v11, v7  }
0x93a: {  	v11 =	vld.idx.msk [tilespmem:v25+s15+$0x0], $0xffff;
	v3 =	vadd.f32 v4, v3;
	v4 =	vmul.f32 v5, v22;
	v5 =	vmul.f32 v8, v8  }
0x93b: {  	v8 =	vld [tilespmem:s18+$0x30];
	v6 =	vsub.f32 v12, v6  }
0x93c: {  	v12 =	vld.idx.msk [tilespmem:v23+s15+$0x0], $0xffff;
	v3 =	vadd.f32 v4, v3;
	v4 =	vmul.f32 v5, v20;
	v5 =	vmul.f32 v7, v7  }
0x93d: {  	v7 =	vld [tilespmem:s18+$0x40];
	v9 =	vsub.f32 v9, v10  }
0x93e: {  	v10 =	vld.idx.msk [tilespmem:v21+s15+$0x0], $0xffff;
	v3 =	vadd.f32 v4, v3;
	v4 =	vmul.f32 v5, v18;
	v5 =	vmul.f32 v6, v6  }
0x93f: {  	v63 =	vld [tilespmem:s18+$0x60];
	v6 =	vmul.f32 v9, v9  }
0x940: {  	v62 =	vld.idx.msk [tilespmem:v19+s15+$0x0], $0xffff;
	v8 =	vsub.f32 v11, v8;
	v3 =	vadd.f32 v4, v3;
	v4 =	vmul.f32 v5, v16  }
0x941: {  	v5 =	vld.idx.msk [tilespmem:v17+s15+$0x0], $0xffff;
	v9 =	vmul.f32 v6, v15  }
0x942: {  	v7 =	vsub.f32 v12, v7;
	v12 =	vmul.f32 v8, v8;
	v3 =	vadd.f32 v4, v3;
	v4 =	vld [tilespmem:s18+$0x70]  }
0x943: {  	v6 =	vld [tilespmem:s30+$0x50];
	v8 =	vsub.f32 v10, v13  }
0x944: {  	v11 =	vadd.f32 v9, v3;
	v9 =	vld [tilespmem:s30+$0x70];
	v3 =	vmul.f32 v12, v14;
	v12 =	vmul.f32 v7, v7  }
0x945: {  	s19 =	simm.s32 $0x0;
	v10 =	vsub.f32 v62, v63;
	v7 =	vld [tilespmem:s30+$0x60];
	s30 =	simm.s32 $0x1ED70  }
.LBB2_40:
0x946: {  	v11 =	vadd.f32 v3, v11;
	v12 =	vmul.f32 v12, v2;
	v2 =	vld [tilespmem:s30+$0x40];
	v8 =	vmul.f32 v8, v8  }
0x947: {  	v3 =	vld [tilespmem:s30+$0x30];
	v13 =	vsub.f32 v5, v4  }
0x948: {  	v10 =	vmul.f32 v10, v10;
	v4 =	vld [tilespmem:s30+$0x20];
	v11 =	vadd.f32 v12, v11;
	v8 =	vmul.f32 v8, v6  }
0x949: {  	s16 =	sadd.s32 $0x100, s16;
	v6 =	vld [tilespmem:s30+$0x10]  }
0x94a: {  	v12 =	vmul.f32 v13, v13;
	v5 =	vld [tilespmem:s16+$0x70];
	v11 =	vadd.f32 v8, v11;
	v10 =	vmul.f32 v10, v7  }
0x94b: {  	v8 =	vld [tilespmem:s30+$0x0]  }
0x94c: {  	v12 =	vmul.f32 v12, v9;
	v7 =	vld [tilespmem:s16+$0x60];
	v11 =	vadd.f32 v10, v11  }
0x94d: {  	v10 =	vld [tilespmem:s30+$0xFFFFFFF0]  }
0x94e: {  	v9 =	vld [tilespmem:s16+$0x50];
	v11 =	vadd.f32 v12, v11  }
0x94f: {  	v12 =	vld [tilespmem:s30+$0xFFFFFFE0]  }
0x950: {  	v13 =	vld [tilespmem:s16+$0x40]  }
0x951: {  	v14 =	vld [tilespmem:s30+$0xFFFFFFD0]  }
0x952: {  	v15 =	vld [tilespmem:s16+$0x30]  }
0x953: {  	v16 =	vld [tilespmem:s30+$0xFFFFFFC0]  }
0x954: {  	v17 =	vld [tilespmem:s16+$0x20]  }
0x955: {  	v18 =	vld [tilespmem:s30+$0xFFFFFFB0]  }
0x956: {  	v19 =	vld [tilespmem:s16+$0x10]  }
0x957: {  	v20 =	vld [tilespmem:s30+$0xFFFFFFA0]  }
0x958: {  	v21 =	vld [tilespmem:s16+$0x0]  }
0x959: {  	v22 =	vld [tilespmem:s30+$0xFFFFFF90]  }
0x95a: {  	v23 =	vld [tilespmem:s16+$0xFFFFFFF0]  }
0x95b: {  	v24 =	vld [tilespmem:s30+$0xFFFFFF80]  }
0x95c: {  	s19 =	sadd.s32 $0x100, s19;
	s18 =	sadd.s32 $0x100, s18;
	v25 =	vld [tilespmem:s16+$0xFFFFFF80]  }
0x95d: {  	p0 =	slt.u32 s19, $0x700;
	v26 =	vld [tilespmem:s18+$0xFFFFFFA0]  }
0x95e: {  	v27 =	vld [tilespmem:s16+$0xFFFFFF90]  }
0x95f: {  	v28 =	vld [tilespmem:s16+$0xFFFFFFE0]  }
0x960: {  	v29 =	vld [tilespmem:s16+$0xFFFFFFA0]  }
0x961: {  	v30 =	vld [tilespmem:s16+$0xFFFFFFB0]  }
0x962: {  	v31 =	vld [tilespmem:s16+$0xFFFFFFD0]  }
0x963: {  	v32 =	vld [tilespmem:s16+$0xFFFFFFC0]  }
0x964: {  	v25 =	vld.idx.msk [tilespmem:v25+s15+$0x0], $0xffff  }
0x965: {  	v33 =	vld [tilespmem:s18+$0xFFFFFF80]  }
0x966: {  	v27 =	vld.idx.msk [tilespmem:v27+s15+$0x0], $0xffff  }
0x967: {  	v34 =	vld [tilespmem:s18+$0xFFFFFF90]  }
0x968: {  	v29 =	vld.idx.msk [tilespmem:v29+s15+$0x0], $0xffff  }
0x969: {  	v30 =	vld.idx.msk [tilespmem:v30+s15+$0x0], $0xffff  }
0x96a: {  	v25 =	vsub.f32 v25, v33;
	v33 =	vld [tilespmem:s18+$0xFFFFFFB0]  }
0x96b: {  	v32 =	vld.idx.msk [tilespmem:v32+s15+$0x0], $0xffff  }
0x96c: {  	v25 =	vmul.f32 v25, v25;
	v27 =	vsub.f32 v27, v34;
	v34 =	vld [tilespmem:s18+$0xFFFFFFC0]  }
0x96d: {  	v31 =	vld.idx.msk [tilespmem:v31+s15+$0x0], $0xffff  }
0x96e: {  	v26 =	vsub.f32 v29, v26;
	v24 =	vmul.f32 v25, v24;
	v25 =	vmul.f32 v27, v27;
	v27 =	vld [tilespmem:s18+$0xFFFFFFD0]  }
0x96f: {  	v29 =	vsub.f32 v30, v33;
	v28 =	vld.idx.msk [tilespmem:v28+s15+$0x0], $0xffff  }
0x970: {  	v11 =	vadd.f32 v24, v11;
	v22 =	vmul.f32 v25, v22;
	v24 =	vmul.f32 v26, v26;
	v25 =	vld [tilespmem:s18+$0xFFFFFFE0]  }
0x971: {  	v26 =	vsub.f32 v32, v34;
	v23 =	vld.idx.msk [tilespmem:v23+s15+$0x0], $0xffff  }
0x972: {  	v11 =	vadd.f32 v22, v11;
	v20 =	vmul.f32 v24, v20;
	v22 =	vmul.f32 v29, v29;
	v24 =	vld [tilespmem:s18+$0xFFFFFFF0]  }
0x973: {  	v27 =	vsub.f32 v31, v27;
	v21 =	vld.idx.msk [tilespmem:v21+s15+$0x0], $0xffff  }
0x974: {  	v11 =	vadd.f32 v20, v11;
	v18 =	vmul.f32 v22, v18;
	v20 =	vmul.f32 v26, v26;
	v22 =	vld [tilespmem:s18+$0x0]  }
0x975: {  	v25 =	vsub.f32 v28, v25;
	v19 =	vld.idx.msk [tilespmem:v19+s15+$0x0], $0xffff  }
0x976: {  	v11 =	vadd.f32 v18, v11;
	v16 =	vmul.f32 v20, v16;
	v18 =	vmul.f32 v27, v27;
	v20 =	vld [tilespmem:s18+$0x10]  }
0x977: {  	v23 =	vsub.f32 v23, v24;
	v17 =	vld.idx.msk [tilespmem:v17+s15+$0x0], $0xffff  }
0x978: {  	v11 =	vadd.f32 v16, v11;
	v14 =	vmul.f32 v18, v14;
	v16 =	vmul.f32 v25, v25;
	v18 =	vld [tilespmem:s18+$0x20]  }
0x979: {  	v21 =	vsub.f32 v21, v22;
	v15 =	vld.idx.msk [tilespmem:v15+s15+$0x0], $0xffff  }
0x97a: {  	v11 =	vadd.f32 v14, v11;
	v12 =	vmul.f32 v16, v12;
	v14 =	vmul.f32 v23, v23;
	v16 =	vld [tilespmem:s18+$0x30]  }
0x97b: {  	v19 =	vsub.f32 v19, v20;
	v13 =	vld.idx.msk [tilespmem:v13+s15+$0x0], $0xffff  }
0x97c: {  	v11 =	vadd.f32 v12, v11;
	v10 =	vmul.f32 v14, v10;
	v12 =	vmul.f32 v21, v21;
	v14 =	vld [tilespmem:s18+$0x40]  }
0x97d: {  	v17 =	vsub.f32 v17, v18;
	v9 =	vld.idx.msk [tilespmem:v9+s15+$0x0], $0xffff  }
0x97e: {  	v10 =	vadd.f32 v10, v11;
	v8 =	vmul.f32 v12, v8;
	v11 =	vmul.f32 v19, v19;
	v12 =	vld [tilespmem:s18+$0x50]  }
0x97f: {  	v15 =	vsub.f32 v15, v16;
	v16 =	vld.idx.msk [tilespmem:v7+s15+$0x0], $0xffff  }
0x980: {  	v7 =	vadd.f32 v8, v10;
	v6 =	vmul.f32 v11, v6;
	v8 =	vmul.f32 v17, v17;
	v10 =	vld [tilespmem:s18+$0x60]  }
.Ltmp19:
0x981: {  	v13 =	vsub.f32 v13, v14;
	v5 =	vld.idx.msk [tilespmem:v5+s15+$0x0], $0xffff;
	(pc) =	sbr.rel @p0 .LBB2_40-.Ltmp19, $4  }
0x982: {  	v14 =	vmul.f32 v15, v15;
	v7 =	vadd.f32 v6, v7;
	v11 =	vmul.f32 v8, v4;
	v4 =	vld [tilespmem:s18+$0x70]  }
0x983: {  	v6 =	vld [tilespmem:s30+$0x50];
	v8 =	vsub.f32 v9, v12  }
0x984: {  	v3 =	vmul.f32 v14, v3;
	v12 =	vmul.f32 v13, v13;
	v11 =	vadd.f32 v11, v7;
	v9 =	vld [tilespmem:s30+$0x70]  }
0x985: {  	v7 =	vld [tilespmem:s30+$0x60];
	v10 =	vsub.f32 v16, v10;
	s30 =	sadd.s32 $0x100, s30  }
0x986: {  	v3 =	vadd.f32 v3, v11;
	v2 =	vmul.f32 v12, v2;
	v8 =	vmul.f32 v8, v8  }
0x987: {  	v4 =	vsub.f32 v5, v4  }
0x988: {  	v63 =	vmul.f32 v10, v10;
	v2 =	vadd.f32 v2, v3;
	v3 =	vmul.f32 v8, v6;
	_ =	sdelay $0x1  }
0x989: {  	v4 =	vmul.f32 v4, v4;
	v2 =	vadd.f32 v3, v2;
	v3 =	vmul.f32 v63, v7;
	_ =	sdelay $0x1  }
0x98a: {  	v2 =	vadd.f32 v3, v2;
	v3 =	vmul.f32 v4, v9;
	_ =	sdelay $0x1  }
0x98b: {  	v2 =	vadd.f32 v3, v2;
	_ =	sdelay $0x1  }
0x98c: {  	s0 =	rddreg [dreg:$0x19];
	s16 =	simm.s32 $0x1F7F0;
	[tilespmem:$0x1F7F0] =	vst v2  }
0x98d: {  	[hbm4b:s0+s3] =	stream.linear.scatter [tilespmem:s16], [sflag:$0x5], $0x80, $0x38;
	[tilespmem:$0x1F870] =	vst v63  }
0x98e: {  	_ =	swait.ge [sflag:s17], $0x80  }
0x98f: {  	s22 =	sadd.s32 $0x1, s22;
	s30 =	rddreg [dreg:$0x1d]  }
0x990: {  	p0 =	sne.s32 s22, s30  }
.Ltmp20:
0x991: {  	_ = 	snop;
	(pc) =	sbr.rel @p0 .LBB2_1-.Ltmp20, $3  }
0x992: {  	_ =	sdelay $0x1  }
0x993: {  	[sflag:s17] =	ssyncset.done $0x0  }
0x994: {  	[sflag:s17] =	ssyncadd.s32 $0xFFFFFF80  }
0x995: {  	_ =	sfence.sel $0x180000  }
0x996: {  	[bflag:$0x0] =	sbarrier.arrive $0xFFFF  }
0x997: {  	_ =	strace $0x90000047  }
0x998: {  	s0 =	stileid.u32;
	[bflag:$0x2] =	sbarrier.arrive $0xFFFF  }
0x999: {  	p0 =	sne.s32 s0, $0x0;
	s0 =	rddreg [dreg:$0x6]  }
0x99a: {  	s0 =	sadd.s32 @!p0 $0x100000, s0  }
0x99b: {  	[sflag:s0] =	ssyncadd.tile.s32 @!p0 $0x1;
	_ =	shalt  }
.Lfunc_end2:
_tile_overlayer_lowered:
.L_overlay_start_2:
0x99c: {  	(tag) =	ssettag $0x2  }
0x99d: {  	s0 =	rddreg [dreg:$0x0];
	s2 =	stileid.u32  }
0x99e: {  	s1 =	rddreg [dreg:$0x1];
	p0 =	sne.s32 s2, $0x0  }
0x99f: {  	s3 =	rddreg [dreg:$0x2];
	[bflag:$0x3] =	sbarrier.arrive $0xFFFF;
	s2 =	simm.s32 @!p0 $0x1C05  }
0x9a0: {  	[timem:s3], [sflag:s2] =	dma.local @!p0 [hbm:s0], s1  }
0x9a1: {  	s0 =	simm.s32 @!p0 $0x5  }
0x9a2: {  	_ =	swait.ge @!p0 [sflag:s0], s1  }
0x9a3: {  	s1 =	ssub.s32 @!p0 $0x0, s1;
	[sflag:s0] =	ssyncset.done @!p0 $0x0  }
0x9a4: {  	[sflag:s0] =	ssyncadd.s32 @!p0 s1  }
0x9a5: {  	[bflag:$0x3] =	sbarrier.arrive $0xFFFF  }
0x9a6: {  	_ =	shalt  }

</sc_bundles>
